<compile_context>
chip_gen: v7x
topology: tpu7x:2x2x1
jax: 0.10.2.dev20260603
libtpu: 0.0.44.dev20260713+nightly
codegen_flags: <defaults>
</compile_context>

<pallas_src>
import functools

import jax
import jax.numpy as jnp
from jax import lax
from jax.experimental import pallas as pl
from jax.experimental.pallas import tpu as pltpu
from jax.experimental.pallas import tpu_sc as plsc

N = 10000
E = 320000
D = 128
H = 128
L = 32

NC = 2
NS = 16
NW = NC * NS
CH = 128
NCHUNK = 2560
E_PAD = NCHUNK * CH
MSG_CH = NCHUNK // NW
DEG_CH = NCHUNK // NS
HCH = DEG_CH // 2
QCH = DEG_CH // 4
NPT = N // NS



def _ew_body(x_ref, w_ref, b_ref, o_ref):
    y = lax.dot_general(w_ref[...].reshape(1, D), x_ref[...],
                        (((1,), (1,)), ((), ())),
                        preferred_element_type=jnp.float32)
    o_ref[...] = jnp.maximum(y + b_ref[0, 0], 0.0)


def _ew_matvec(edge_emb, W_edge, b_edge):
    BE = 12800
    return pl.pallas_call(
        _ew_body,
        grid=(E // BE,),
        in_specs=[
            pl.BlockSpec((BE, D), lambda i: (i, 0)),
            pl.BlockSpec((D, 1), lambda i: (0, 0)),
            pl.BlockSpec((1, 1), lambda i: (0, 0)),
        ],
        out_specs=pl.BlockSpec((1, BE), lambda i: (0, i)),
        out_shape=jax.ShapeDtypeStruct((1, E), jnp.float32),
    )(edge_emb, W_edge, b_edge.reshape(1, 1))


def _xw_body(role_ref, q_ref, w_ref, o_ref, o0_ref, o1_ref):
    w1 = w_ref[0:D, :]
    w2 = w_ref[D:2 * D, :]
    qc = jnp.dot(q_ref[...], w2, preferred_element_type=jnp.float32)
    xw = jnp.dot(role_ref[...], w1,
                 preferred_element_type=jnp.float32) + qc
    o_ref[...] = xw
    o0_ref[...] = xw[:, :H // 2]
    o1_ref[...] = xw[:, H // 2:]


def _xw_proj(role, q, W_gcn):
    BN = 2000
    return pl.pallas_call(
        _xw_body,
        grid=(N // BN,),
        in_specs=[
            pl.BlockSpec((BN, D), lambda i: (i, 0)),
            pl.BlockSpec((1, D), lambda i: (0, 0)),
            pl.BlockSpec((2 * D, H), lambda i: (0, 0)),
        ],
        out_specs=[
            pl.BlockSpec((BN, H), lambda i: (i, 0)),
            pl.BlockSpec((BN, H // 2), lambda i: (i, 0)),
            pl.BlockSpec((BN, H // 2), lambda i: (i, 0)),
        ],
        out_shape=[
            jax.ShapeDtypeStruct((N, H), jnp.float32),
            jax.ShapeDtypeStruct((N, H // 2), jnp.float32),
            jax.ShapeDtypeStruct((N, H // 2), jnp.float32),
        ],
    )(role, q, W_gcn)


def _tail_body(parts_ref, dinv_ref, xw_ref, bg_ref, le_ref, wl_ref, bl_ref,
               g_ref, sel_ref, lp_ref):
    i = pl.program_id(0)
    ly = jnp.dot(le_ref[...], wl_ref[...],
                 preferred_element_type=jnp.float32) + bl_ref[...]
    lnrm = jnp.sqrt(jnp.sum(ly * ly, axis=1, keepdims=True))
    llm_n = ly / jnp.maximum(lnrm, 1e-12)
    dinv = dinv_ref[...]
    acc = jnp.concatenate([parts_ref[0], parts_ref[1]], axis=1)
    gcn = dinv * acc + (dinv * dinv) * xw_ref[...] + bg_ref[...]
    nrm = jnp.sqrt(jnp.sum(gcn * gcn, axis=1, keepdims=True))
    rqe = gcn / jnp.maximum(nrm, 1e-12)
    z = lax.dot_general(rqe, llm_n, (((1,), (1,)), ((), ())),
                        preferred_element_type=jnp.float32)
    m = jnp.max(z, axis=1, keepdims=True)
    e = jnp.exp(z - m)
    p = e / jnp.sum(e, axis=1, keepdims=True)
    t = jnp.log(p + 1e-30) + g_ref[...]
    iota = lax.broadcasted_iota(jnp.int32, t.shape, 1)
    tmax = jnp.max(t, axis=1, keepdims=True)
    sel = jnp.min(jnp.where(t == tmax, iota, L), axis=1)
    sel_ref[...] = sel[:, None]
    picked = jnp.sum(jnp.where(iota == sel[:, None], p, 0.0), axis=1)
    part = jnp.sum(jnp.log(picked + 1e-5))

    @pl.when(i == 0)
    def _():
        lp_ref[...] = jnp.zeros_like(lp_ref)

    lp_ref[...] += part.reshape(1, 1)


def _tail(parts, dinv, xw, b_gcn, llm_emb, W_llm, b_llm, gumbel):
    BN = 2000
    return pl.pallas_call(
        _tail_body,
        grid=(N // BN,),
        in_specs=[
            pl.BlockSpec((NC, BN, H // 2), lambda i: (0, i, 0)),
            pl.BlockSpec((BN, 1), lambda i: (i, 0)),
            pl.BlockSpec((BN, H), lambda i: (i, 0)),
            pl.BlockSpec((1, H), lambda i: (0, 0)),
            pl.BlockSpec((L, D), lambda i: (0, 0)),
            pl.BlockSpec((D, H), lambda i: (0, 0)),
            pl.BlockSpec((1, H), lambda i: (0, 0)),
            pl.BlockSpec((BN, L), lambda i: (i, 0)),
        ],
        out_specs=[
            pl.BlockSpec((BN, 1), lambda i: (i, 0)),
            pl.BlockSpec((1, 1), lambda i: (0, 0)),
        ],
        out_shape=[
            jax.ShapeDtypeStruct((N, 1), jnp.int32),
            jax.ShapeDtypeStruct((1, 1), jnp.float32),
        ],
    )(parts, dinv.reshape(N, 1), xw, b_gcn.reshape(1, H), llm_emb, W_llm,
      b_llm.reshape(1, H), gumbel)



def _sc_body(row_hbm, col_hbm, ew_hbm, xw0_hbm, xw1_hbm, parts_hbm,
             dinv_hbm, acc_sh, deg_sh, xw_sh, colb, ewb, rowb, dinv_v,
             rows_buf, sem_deg, sem_g, sem_s):
    cid = lax.axis_index("c")
    sid = lax.axis_index("s")

    f16z = jnp.zeros((16,), jnp.float32)

    def rb_fill(g, _):
        rows_buf[0, g // 4, pl.ds((g % 4) * 16, 16)] = f16z
        return 0
    lax.fori_loop(0, 512, rb_fill, 0)

    for j in range(10):
        pltpu.sync_copy(rows_buf.at[0, j],
                        deg_sh.at[pl.ds(sid * 640 + j * 64, 64)])

    @pl.when(sid < 15)
    def _():
        for j in range(5):
            pltpu.sync_copy(rows_buf.at[0],
                            acc_sh.at[pl.ds(sid * 640 + j * 128, 128)])

    @pl.when(sid == 15)
    def _():
        for j in range(3):
            pltpu.sync_copy(rows_buf.at[0],
                            acc_sh.at[pl.ds(9600 + j * 128, 128)])
        pltpu.sync_copy(rows_buf.at[0, pl.ds(0, 16)],
                        acc_sh.at[pl.ds(9984, 16)])

    def stage(src):
        @pl.when(sid < 15)
        def _():
            pltpu.sync_copy(src.at[pl.ds(sid * 640, 640)],
                            xw_sh.at[pl.ds(sid * 640, 640)])

        @pl.when(sid == 15)
        def _():
            pltpu.sync_copy(src.at[pl.ds(9600, 400)],
                            xw_sh.at[pl.ds(9600, 400)])

    @pl.when(cid == 0)
    def _():
        stage(xw0_hbm)

    @pl.when(cid == 1)
    def _():
        stage(xw1_hbm)

    plsc.subcore_barrier()

    def deg_fire(k, _):
        pltpu.async_copy(ewb.at[k], deg_sh.at[colb.at[k]], sem_deg,
                         add=True)
        return 0

    def deg_drain(k, _):
        pltpu.make_async_copy(ewb.at[0], deg_sh.at[colb.at[0]],
                              sem_deg).wait()
        return 0

    for p in range(4):
        base = sid * DEG_CH + p * QCH
        pltpu.sync_copy(col_hbm.at[pl.ds(base, QCH)], colb)
        pltpu.sync_copy(ew_hbm.at[pl.ds(base, QCH)], ewb)
        lax.fori_loop(0, QCH, deg_fire, 0)
        lax.fori_loop(0, QCH, deg_drain, 0)

    plsc.subcore_barrier()

    pltpu.sync_copy(deg_sh.at[pl.ds(0, N)], dinv_v)

    magic = jnp.full((16,), 0x5F3759DF, jnp.int32)

    def dinv_step(g, _):
        x = dinv_v[pl.ds(g * 16, 16)] + 1.0
        i = magic - lax.shift_right_logical(
            lax.bitcast_convert_type(x, jnp.int32), 1)
        y = lax.bitcast_convert_type(i, jnp.float32)
        hx = x * (-0.5)
        for _ in range(3):
            y = y * (hx * y * y + 1.5)
        dinv_v[pl.ds(g * 16, 16)] = y
        return 0
    lax.fori_loop(0, N // 16, dinv_step, 0)

    z16 = jnp.zeros((16,), jnp.int32)

    def s_pre_all():
        @plsc.parallel_loop(0, QCH * 8, step=1, unroll=4)
        def _(i):
            k = i // 8
            g = i % 8
            r16 = rowb[k, pl.ds(g * 16, 16)]
            e16 = ewb[k, pl.ds(g * 16, 16)]
            ewb[k, pl.ds(g * 16, 16)] = (
                plsc.load_gather(dinv_v, [r16]) * e16)

    def msg_chunk(k, _):
        b = lax.rem(k, 3)
        pltpu.make_async_copy(xw_sh.at[rowb.at[k]], rows_buf.at[b],
                              sem_g).wait()

        @pl.when(k >= 1)
        def _():
            pltpu.make_async_copy(rows_buf.at[lax.rem(k + 2, 3)],
                                  acc_sh.at[colb.at[k - 1]],
                                  sem_s).wait()

        @pl.when(k < QCH - 2)
        def _():
            pltpu.async_copy(xw_sh.at[rowb.at[k + 2]],
                             rows_buf.at[lax.rem(k + 2, 3)], sem_g)

        kf = z16 + k

        @plsc.parallel_loop(0, CH, step=1, unroll=4)
        def _(r):
            sv = plsc.load_gather(ewb, [kf, z16 + r])
            for j in range(4):
                rows_buf[b, r, pl.ds(j * 16, 16)] = (
                    rows_buf[b, r, pl.ds(j * 16, 16)] * sv)

        pltpu.async_copy(rows_buf.at[b], acc_sh.at[colb.at[k]], sem_s,
                         add=True)
        return 0

    for p in range(4):
        base = sid * DEG_CH + p * QCH
        pltpu.sync_copy(row_hbm.at[pl.ds(base, QCH)], rowb)
        pltpu.sync_copy(col_hbm.at[pl.ds(base, QCH)], colb)
        pltpu.sync_copy(ew_hbm.at[pl.ds(base, QCH)], ewb)
        s_pre_all()
        for d in range(2):
            pltpu.async_copy(xw_sh.at[rowb.at[d]], rows_buf.at[d], sem_g)
        lax.fori_loop(0, QCH, msg_chunk, 0)
        pltpu.make_async_copy(rows_buf.at[lax.rem(QCH - 1, 3)],
                              acc_sh.at[colb.at[QCH - 1]], sem_s).wait()

    plsc.subcore_barrier()

    @pl.when(sid < 15)
    def _():
        pltpu.sync_copy(acc_sh.at[pl.ds(sid * 640, 640)],
                        parts_hbm.at[cid, pl.ds(sid * 640, 640)])

    @pl.when(sid == 15)
    def _():
        pltpu.sync_copy(acc_sh.at[pl.ds(9600, 400)],
                        parts_hbm.at[cid, pl.ds(9600, 400)])

    @pl.when(jnp.logical_and(cid == 0, sid < 10))
    def _():
        pltpu.sync_copy(dinv_v.at[pl.ds(sid * 1000, 1000)],
                        dinv_hbm.at[pl.ds(sid * 1000, 1000)])


def _sc_gcn(row2d, col2d, ew2d, xw0, xw1):
    mesh = plsc.VectorSubcoreMesh(core_axis_name="c", subcore_axis_name="s",
                                  num_cores=NC, num_subcores=NS)
    f = pl.kernel(
        _sc_body,
        out_type=(
            jax.ShapeDtypeStruct((NC, N, H // 2), jnp.float32),
            jax.ShapeDtypeStruct((N,), jnp.float32),
        ),
        mesh=mesh,
        scratch_types=[
            pltpu.VMEM_SHARED((N, H // 2), jnp.float32),
            pltpu.VMEM_SHARED((10240,), jnp.float32),
            pltpu.VMEM_SHARED((N, H // 2), jnp.float32),
            pltpu.VMEM((QCH, CH), jnp.int32),
            pltpu.VMEM((QCH, CH), jnp.float32),
            pltpu.VMEM((QCH, CH), jnp.int32),
            pltpu.VMEM((N,), jnp.float32),
            pltpu.VMEM((3, CH, H // 2), jnp.float32),
            pltpu.SemaphoreType.DMA,
            pltpu.SemaphoreType.DMA,
            pltpu.SemaphoreType.DMA,
        ],
        compiler_params=pltpu.CompilerParams(needs_layout_passes=False,
                                             use_tc_tiling_on_sc=False),
    )
    return f(row2d, col2d, ew2d, xw0, xw1)



def kernel(query_embedding, selected_role_embedding, selected_edge_index,
           selected_edge_embedding, llm_embedding, W_llm, b_llm, W_edge,
           b_edge, W_gcn, b_gcn):
    row = selected_edge_index[0]
    col = selected_edge_index[1]

    ew_row = _ew_matvec(selected_edge_embedding, W_edge, b_edge)
    ew = ew_row.reshape(E, 1)
    ew2dfull = ew_row.reshape(E // CH, CH)
    xw, xw0, xw1 = _xw_proj(selected_role_embedding, query_embedding, W_gcn)

    pad = E_PAD - E
    zi = jnp.zeros((pad,), jnp.int32)
    row2d = jnp.concatenate([row, zi]).reshape(NCHUNK, CH)
    col2d = jnp.concatenate([col, zi]).reshape(NCHUNK, CH)
    ew2d = jnp.concatenate(
        [ew2dfull, jnp.zeros((NCHUNK - E // CH, CH), jnp.float32)])

    parts, dinv = _sc_gcn(row2d, col2d, ew2d, xw0, xw1)

    gumbel = jax.random.gumbel(jax.random.key(42), (N, L), jnp.float32)
    sel2d, logp = _tail(parts, dinv, xw, b_gcn, llm_embedding, W_llm,
                        b_llm, gumbel)

    return (sel2d.reshape(N), logp.reshape(1), selected_edge_index, ew)

# --- scband reference (transcript-rebuilt; emitter-appended) ---
"""Pipeline reference for scband-llmselector-91070486545013 (READ-ONLY COPY).

The authoritative reference and input builder live on the scoring server;
editing this copy changes nothing except your own understanding.
"""

import jax, jax.numpy as jnp
import numpy as np

N = 10000
E = 320000
D = 128
H = 128
L = 32


def _linear_init(k, fin, fout):
    k1, k2 = jax.random.split(k)
    bound = 1.0 / np.sqrt(fin)
    W = jax.random.uniform(k1, (fin, fout), minval=-bound, maxval=bound, dtype=jnp.float32)
    b = jax.random.uniform(k2, (fout,), minval=-bound, maxval=bound, dtype=jnp.float32)
    return W, b


def setup_inputs(seed: int = 0) -> dict:
    key = jax.random.key(seed)
    ks = jax.random.split(key, 10)
    inp = {}
    inp["query_embedding"] = jax.random.normal(ks[0], (1, D), dtype=jnp.float32)
    inp["selected_role_embedding"] = jax.random.normal(ks[1], (N, D), dtype=jnp.float32)
    inp["selected_edge_index"] = jax.random.randint(ks[2], (2, E), 0, N, dtype=jnp.int32)
    inp["selected_edge_embedding"] = jax.random.normal(ks[3], (E, D), dtype=jnp.float32)
    inp["llm_embedding"] = jax.random.normal(ks[4], (L, D), dtype=jnp.float32)
    W_llm, b_llm = _linear_init(ks[5], D, H)
    W_edge, b_edge = _linear_init(ks[6], D, 1)
    W_gcn = jax.random.normal(ks[7], (2 * D, H), dtype=jnp.float32) * np.sqrt(2.0 / (2 * D + H))
    b_gcn = jnp.zeros((H,), dtype=jnp.float32)
    inp.update({"W_llm": W_llm, "b_llm": b_llm, "W_edge": W_edge, "b_edge": b_edge, "W_gcn": W_gcn, "b_gcn": b_gcn})
    return inp


def _l2norm(x):
    return x / jnp.maximum(jnp.linalg.norm(x, ord=2, axis=-1, keepdims=True), 1e-12)


def _gcn_conv(x, edge_index, edge_weight, W, b, num_nodes):
    # PyG GCNConv: add self loops (weight 1.0), symmetric gcn_norm, x @ W, scatter-add to dst, + bias
    row = edge_index[0]
    col = edge_index[1]
    loop = jnp.arange(num_nodes, dtype=row.dtype)
    row2 = jnp.concatenate([row, loop])
    col2 = jnp.concatenate([col, loop])
    ew2 = jnp.concatenate([edge_weight, jnp.ones((num_nodes,), dtype=edge_weight.dtype)])
    deg = jax.ops.segment_sum(ew2, col2, num_segments=num_nodes)
    dinv = jnp.where(deg > 0, deg ** -0.5, 0.0)
    norm = dinv[row2] * ew2 * dinv[col2]
    xw = x @ W
    msgs = xw[row2] * norm[:, None]
    out = jax.ops.segment_sum(msgs, col2, num_segments=num_nodes)
    return out + b


def reference(query_embedding, selected_role_embedding, selected_edge_index, selected_edge_embedding, llm_embedding, W_llm, b_llm, W_edge, b_edge, W_gcn, b_gcn):
    num_selected_roles = selected_role_embedding.shape[0]
    llm = llm_embedding @ W_llm + b_llm
    llm = _l2norm(llm)
    q = jnp.broadcast_to(query_embedding, (num_selected_roles, query_embedding.shape[-1]))
    rq = jnp.concatenate([selected_role_embedding, q], axis=-1)
    ew = jax.nn.relu(selected_edge_embedding @ W_edge + b_edge)  # [E, 1]
    ew_flat = ew.reshape(-1)
    rqe = _gcn_conv(rq, selected_edge_index, ew_flat, W_gcn, b_gcn, num_selected_roles)
    rqe = _l2norm(rqe)
    scores = jax.nn.softmax(rqe @ llm.T, axis=-1)
    key_sample = jax.random.key(42)
    selected_llm_index = jax.random.categorical(key_sample, jnp.log(scores + 1e-30), axis=-1)
    picked = scores[jnp.arange(num_selected_roles), selected_llm_index]
    log_probs = jnp.log(picked + 1e-05).sum()[None]
    return (selected_llm_index, log_probs, selected_edge_index, ew)

if __name__ == "__main__":
    import jax
    _d = setup_inputs()
    print(jax.jit(kernel)(*tuple(_d.values())))

</pallas_src>

<mosaic_0001>
#map = affine_map<(d0, d1) -> (0, 0)>
#map1 = affine_map<(d0, d1) -> (0, 0, 0)>
#map2 = affine_map<(d0, d1) -> (0)>
module attributes {stable_mosaic.version = 14 : i64} {
  func.func @_sc_body(%arg0: i32, %arg1: i32, %arg2: memref<2560x128xi32, #tpu.memory_space<hbm>>, %arg3: memref<2560x128xi32, #tpu.memory_space<hbm>>, %arg4: memref<2560x128xf32, #tpu.memory_space<hbm>>, %arg5: memref<10000x64xf32, #tpu.memory_space<hbm>>, %arg6: memref<10000x64xf32, #tpu.memory_space<hbm>>, %arg7: memref<2x10000x64xf32, #tpu.memory_space<hbm>>, %arg8: memref<10000xf32, #tpu.memory_space<hbm>>, %arg9: memref<10000x64xf32, #tpu.memory_space<vmem_shared>>, %arg10: memref<10240xf32, #tpu.memory_space<vmem_shared>>, %arg11: memref<10000x64xf32, #tpu.memory_space<vmem_shared>>, %arg12: memref<40x128xi32, #tpu.memory_space<vmem>>, %arg13: memref<40x128xf32, #tpu.memory_space<vmem>>, %arg14: memref<40x128xi32, #tpu.memory_space<vmem>>, %arg15: memref<10000xf32, #tpu.memory_space<vmem>>, %arg16: memref<3x128x64xf32, #tpu.memory_space<vmem>>, %arg17: memref<!tpu.dma_semaphore, #tpu.memory_space<semaphore_mem>>, %arg18: memref<!tpu.dma_semaphore, #tpu.memory_space<semaphore_mem>>, %arg19: memref<!tpu.dma_semaphore, #tpu.memory_space<semaphore_mem>>) attributes {dimension_semantics = [#tpu.dimension_semantics<core_parallel>, #tpu.dimension_semantics<subcore_parallel>], iteration_bounds = array<i64: 2, 16>, scalar_prefetch = 0 : i64, scratch_operands = 11 : i64, tpu.core_type = #tpu.core_type<sc_vector_subcore>, window_params = [{transform_indices = #map}, {transform_indices = #map}, {transform_indices = #map}, {transform_indices = #map}, {transform_indices = #map}, {transform_indices = #map1}, {transform_indices = #map2}]} {
    %broadcast_in_dim3A = arith.constant 0.000000e+00 : f32
    %broadcast_in_dim3A_0 = vector.broadcast %broadcast_in_dim3A : f32 to vector<16xf32>
    %scan3A = arith.constant 0 : i32
    %scan3A_1 = arith.constant 0 : i32
    %scan3A_2 = arith.constant 512 : i32
    %scan3A_3 = arith.addi %scan3A_1, %scan3A_2 : i32
    %scan3A_4 = arith.constant 1 : i32
    %scan3A_5 = scf.for %scan3A_386 = %scan3A_1 to %scan3A_3 step %scan3A_4 iter_args(%scan3A_387 = %scan3A) -> (i32)  : i32 {
      %jit3A = arith.constant 4 : i32
      %div3A = arith.divsi %scan3A_386, %jit3A : i32
      %sign3A = arith.constant 0 : i32
      %sign3A_388 = arith.cmpi sgt, %scan3A_386, %sign3A : i32
      %sign3A_389 = arith.extui %sign3A_388 : i1 to i32
      %sign3A_390 = arith.constant 0 : i32
      %sign3A_391 = arith.cmpi slt, %scan3A_386, %sign3A_390 : i32
      %sign3A_392 = arith.extui %sign3A_391 : i1 to i32
      %sign3A_393 = arith.subi %sign3A_389, %sign3A_392 : i32
      %sign3A_394 = arith.constant 0 : i32
      %sign3A_395 = arith.cmpi sgt, %jit3A, %sign3A_394 : i32
      %sign3A_396 = arith.extui %sign3A_395 : i1 to i32
      %sign3A_397 = arith.constant 0 : i32
      %sign3A_398 = arith.cmpi slt, %jit3A, %sign3A_397 : i32
      %sign3A_399 = arith.extui %sign3A_398 : i1 to i32
      %sign3A_400 = arith.subi %sign3A_396, %sign3A_399 : i32
      %ne3A = arith.cmpi ne, %sign3A_393, %sign3A_400 : i32
      %rem3A_401 = arith.remsi %scan3A_386, %jit3A : i32
      %ne3A_402 = arith.constant 0 : i32
      %ne3A_403 = arith.cmpi ne, %rem3A_401, %ne3A_402 : i32
      %and3A_404 = arith.andi %ne3A, %ne3A_403 : i1
      %sub3A = arith.constant 1 : i32
      %sub3A_405 = arith.subi %div3A, %sub3A : i32
      %select_n3A = arith.select %and3A_404, %sub3A_405, %div3A : i32
      %jit3A_406 = arith.constant 4 : i32
      %eq3A_407 = arith.constant 0 : i32
      %eq3A_408 = arith.cmpi eq, %jit3A_406, %eq3A_407 : i32
      %jit3A_409 = arith.constant 1 : i32
      %select_n3A_410 = arith.select %eq3A_408, %jit3A_409, %jit3A_406 : i32
      %rem3A_411 = arith.remsi %scan3A_386, %select_n3A_410 : i32
      %ne3A_412 = arith.constant 0 : i32
      %ne3A_413 = arith.cmpi ne, %rem3A_411, %ne3A_412 : i32
      %lt3A_414 = arith.constant 0 : i32
      %lt3A_415 = arith.cmpi slt, %rem3A_411, %lt3A_414 : i32
      %lt3A_416 = arith.constant 0 : i32
      %lt3A_417 = arith.cmpi slt, %select_n3A_410, %lt3A_416 : i32
      %ne3A_418 = arith.xori %lt3A_415, %lt3A_417 : i1
      %and3A_419 = arith.andi %ne3A_418, %ne3A_413 : i1
      %add3A_420 = arith.addi %rem3A_411, %select_n3A_410 : i32
      %select_n3A_421 = arith.select %and3A_419, %add3A_420, %rem3A_411 : i32
      %mul3A_422 = arith.constant 16 : i32
      %mul3A_423 = arith.muli %select_n3A_421, %mul3A_422 : i32
      %swap3A = arith.constant 0 : i32
      %swap3A_424 = arith.index_cast %swap3A : i32 to index
      %swap3A_425 = arith.index_cast %select_n3A : i32 to index
      %swap3A_426 = arith.index_cast %mul3A_423 : i32 to index
      %swap3A_427 = tpu.vector_load %arg16[%swap3A_424, %swap3A_425, %swap3A_426] {strides = array<i32>} : memref<3x128x64xf32, #tpu.memory_space<vmem>>, vector<16xf32>,
      tpu.vector_store %arg16[%swap3A_424, %swap3A_425, %swap3A_426], %broadcast_in_dim3A_0 {strides = array<i32>} : memref<3x128x64xf32, #tpu.memory_space<vmem>>, vector<16xf32>,
      %scan3A_428 = arith.constant 0 : i32
      scf.yield %scan3A_428 : i32
    }
    %scan3A_6 = arith.constant 512 : i32
    %mul3A = arith.constant 640 : i32
    %mul3A_7 = arith.muli %arg1, %mul3A : i32
    %add3A = arith.constant 0 : i32
    %add3A_8 = arith.addi %mul3A_7, %add3A : i32
    %run_scoped3A = arith.constant 0 : i32
    %run_scoped3A_9 = arith.constant 0 : i32
    "tpu.region"() ({
      %run_scoped3A_386 = tpu.sem_alloc : memref<!tpu.dma_semaphore, #tpu.memory_space<semaphore_mem>>
      %dma_start3A_387 = arith.constant 0 : i32
      %dma_start3A_388 = tpu.memref_slice %arg16[%run_scoped3A, %run_scoped3A_9, %dma_start3A_387] : memref<3x128x64xf32, #tpu.memory_space<vmem>> -> memref<1x1x64xf32, #tpu.memory_space<vmem>>
      %dma_start3A_389 = tpu.memref_squeeze %dma_start3A_388 : memref<1x1x64xf32, #tpu.memory_space<vmem>> -> memref<64xf32, #tpu.memory_space<vmem>>
      %dma_start3A_390 = tpu.memref_slice %arg10[%add3A_8] : memref<10240xf32, #tpu.memory_space<vmem_shared>> -> memref<64xf32, #tpu.memory_space<vmem_shared>>
      %dma_start3A_391 = tpu.memref_slice %arg10[%add3A_8] : memref<10240xf32, #tpu.memory_space<vmem_shared>> -> memref<64xf32, #tpu.memory_space<vmem_shared>>
      %dma_start3A_392 = arith.constant 0 : i32
      %dma_start3A_393 = tpu.memref_slice %arg16[%run_scoped3A, %run_scoped3A_9, %dma_start3A_392] : memref<3x128x64xf32, #tpu.memory_space<vmem>> -> memref<1x1x64xf32, #tpu.memory_space<vmem>>
      %dma_start3A_394 = tpu.memref_squeeze %dma_start3A_393 : memref<1x1x64xf32, #tpu.memory_space<vmem>> -> memref<64xf32, #tpu.memory_space<vmem>>
      tpu.enqueue_dma source(%dma_start3A_394 : memref<64xf32, #tpu.memory_space<vmem>>) target(%dma_start3A_391 : memref<64xf32, #tpu.memory_space<vmem_shared>>) target_semaphore(%run_scoped3A_386 : memref<!tpu.dma_semaphore, #tpu.memory_space<semaphore_mem>>)
      %dma_wait3A_395 = arith.constant 0 : i32
      %dma_wait3A_396 = tpu.memref_slice %arg16[%run_scoped3A, %run_scoped3A_9, %dma_wait3A_395] : memref<3x128x64xf32, #tpu.memory_space<vmem>> -> memref<1x1x64xf32, #tpu.memory_space<vmem>>
      %dma_wait3A_397 = tpu.memref_squeeze %dma_wait3A_396 : memref<1x1x64xf32, #tpu.memory_space<vmem>> -> memref<64xf32, #tpu.memory_space<vmem>>
      %dma_wait3A_398 = tpu.memref_slice %arg10[%add3A_8] : memref<10240xf32, #tpu.memory_space<vmem_shared>> -> memref<64xf32, #tpu.memory_space<vmem_shared>>
      %dma_wait3A_399 = tpu.memref_slice %arg10[%add3A_8] : memref<10240xf32, #tpu.memory_space<vmem_shared>> -> memref<64xf32, #tpu.memory_space<vmem_shared>>
      %dma_wait3A_400 = arith.constant 0 : i32
      %dma_wait3A_401 = tpu.memref_slice %arg16[%run_scoped3A, %run_scoped3A_9, %dma_wait3A_400] : memref<3x128x64xf32, #tpu.memory_space<vmem>> -> memref<1x1x64xf32, #tpu.memory_space<vmem>>
      %dma_wait3A_402 = tpu.memref_squeeze %dma_wait3A_401 : memref<1x1x64xf32, #tpu.memory_space<vmem>> -> memref<64xf32, #tpu.memory_space<vmem>>
      tpu.wait_dma2 semaphore(%run_scoped3A_386 : memref<!tpu.dma_semaphore, #tpu.memory_space<semaphore_mem>>) src(%dma_wait3A_402 : memref<64xf32, #tpu.memory_space<vmem>>) dst(%dma_wait3A_399 : memref<64xf32, #tpu.memory_space<vmem_shared>>)
      tpu.yield
    }) : () -> ()
    %mul3A_10 = arith.constant 640 : i32
    %mul3A_11 = arith.muli %arg1, %mul3A_10 : i32
    %add3A_12 = arith.constant 64 : i32
    %add3A_13 = arith.addi %mul3A_11, %add3A_12 : i32
    %run_scoped3A_14 = arith.constant 0 : i32
    %run_scoped3A_15 = arith.constant 1 : i32
    "tpu.region"() ({
      %run_scoped3A_386 = tpu.sem_alloc : memref<!tpu.dma_semaphore, #tpu.memory_space<semaphore_mem>>
      %dma_start3A_387 = arith.constant 0 : i32
      %dma_start3A_388 = tpu.memref_slice %arg16[%run_scoped3A_14, %run_scoped3A_15, %dma_start3A_387] : memref<3x128x64xf32, #tpu.memory_space<vmem>> -> memref<1x1x64xf32, #tpu.memory_space<vmem>>
      %dma_start3A_389 = tpu.memref_squeeze %dma_start3A_388 : memref<1x1x64xf32, #tpu.memory_space<vmem>> -> memref<64xf32, #tpu.memory_space<vmem>>
      %dma_start3A_390 = tpu.memref_slice %arg10[%add3A_13] : memref<10240xf32, #tpu.memory_space<vmem_shared>> -> memref<64xf32, #tpu.memory_space<vmem_shared>>
      %dma_start3A_391 = tpu.memref_slice %arg10[%add3A_13] : memref<10240xf32, #tpu.memory_space<vmem_shared>> -> memref<64xf32, #tpu.memory_space<vmem_shared>>
      %dma_start3A_392 = arith.constant 0 : i32
      %dma_start3A_393 = tpu.memref_slice %arg16[%run_scoped3A_14, %run_scoped3A_15, %dma_start3A_392] : memref<3x128x64xf32, #tpu.memory_space<vmem>> -> memref<1x1x64xf32, #tpu.memory_space<vmem>>
      %dma_start3A_394 = tpu.memref_squeeze %dma_start3A_393 : memref<1x1x64xf32, #tpu.memory_space<vmem>> -> memref<64xf32, #tpu.memory_space<vmem>>
      tpu.enqueue_dma source(%dma_start3A_394 : memref<64xf32, #tpu.memory_space<vmem>>) target(%dma_start3A_391 : memref<64xf32, #tpu.memory_space<vmem_shared>>) target_semaphore(%run_scoped3A_386 : memref<!tpu.dma_semaphore, #tpu.memory_space<semaphore_mem>>)
      %dma_wait3A_395 = arith.constant 0 : i32
      %dma_wait3A_396 = tpu.memref_slice %arg16[%run_scoped3A_14, %run_scoped3A_15, %dma_wait3A_395] : memref<3x128x64xf32, #tpu.memory_space<vmem>> -> memref<1x1x64xf32, #tpu.memory_space<vmem>>
      %dma_wait3A_397 = tpu.memref_squeeze %dma_wait3A_396 : memref<1x1x64xf32, #tpu.memory_space<vmem>> -> memref<64xf32, #tpu.memory_space<vmem>>
      %dma_wait3A_398 = tpu.memref_slice %arg10[%add3A_13] : memref<10240xf32, #tpu.memory_space<vmem_shared>> -> memref<64xf32, #tpu.memory_space<vmem_shared>>
      %dma_wait3A_399 = tpu.memref_slice %arg10[%add3A_13] : memref<10240xf32, #tpu.memory_space<vmem_shared>> -> memref<64xf32, #tpu.memory_space<vmem_shared>>
      %dma_wait3A_400 = arith.constant 0 : i32
      %dma_wait3A_401 = tpu.memref_slice %arg16[%run_scoped3A_14, %run_scoped3A_15, %dma_wait3A_400] : memref<3x128x64xf32, #tpu.memory_space<vmem>> -> memref<1x1x64xf32, #tpu.memory_space<vmem>>
      %dma_wait3A_402 = tpu.memref_squeeze %dma_wait3A_401 : memref<1x1x64xf32, #tpu.memory_space<vmem>> -> memref<64xf32, #tpu.memory_space<vmem>>
      tpu.wait_dma2 semaphore(%run_scoped3A_386 : memref<!tpu.dma_semaphore, #tpu.memory_space<semaphore_mem>>) src(%dma_wait3A_402 : memref<64xf32, #tpu.memory_space<vmem>>) dst(%dma_wait3A_399 : memref<64xf32, #tpu.memory_space<vmem_shared>>)
      tpu.yield
    }) : () -> ()
    %mul3A_16 = arith.constant 640 : i32
    %mul3A_17 = arith.muli %arg1, %mul3A_16 : i32
    %add3A_18 = arith.constant 128 : i32
    %add3A_19 = arith.addi %mul3A_17, %add3A_18 : i32
    %run_scoped3A_20 = arith.constant 0 : i32
    %run_scoped3A_21 = arith.constant 2 : i32
    "tpu.region"() ({
      %run_scoped3A_386 = tpu.sem_alloc : memref<!tpu.dma_semaphore, #tpu.memory_space<semaphore_mem>>
      %dma_start3A_387 = arith.constant 0 : i32
      %dma_start3A_388 = tpu.memref_slice %arg16[%run_scoped3A_20, %run_scoped3A_21, %dma_start3A_387] : memref<3x128x64xf32, #tpu.memory_space<vmem>> -> memref<1x1x64xf32, #tpu.memory_space<vmem>>
      %dma_start3A_389 = tpu.memref_squeeze %dma_start3A_388 : memref<1x1x64xf32, #tpu.memory_space<vmem>> -> memref<64xf32, #tpu.memory_space<vmem>>
      %dma_start3A_390 = tpu.memref_slice %arg10[%add3A_19] : memref<10240xf32, #tpu.memory_space<vmem_shared>> -> memref<64xf32, #tpu.memory_space<vmem_shared>>
      %dma_start3A_391 = tpu.memref_slice %arg10[%add3A_19] : memref<10240xf32, #tpu.memory_space<vmem_shared>> -> memref<64xf32, #tpu.memory_space<vmem_shared>>
      %dma_start3A_392 = arith.constant 0 : i32
      %dma_start3A_393 = tpu.memref_slice %arg16[%run_scoped3A_20, %run_scoped3A_21, %dma_start3A_392] : memref<3x128x64xf32, #tpu.memory_space<vmem>> -> memref<1x1x64xf32, #tpu.memory_space<vmem>>
      %dma_start3A_394 = tpu.memref_squeeze %dma_start3A_393 : memref<1x1x64xf32, #tpu.memory_space<vmem>> -> memref<64xf32, #tpu.memory_space<vmem>>
      tpu.enqueue_dma source(%dma_start3A_394 : memref<64xf32, #tpu.memory_space<vmem>>) target(%dma_start3A_391 : memref<64xf32, #tpu.memory_space<vmem_shared>>) target_semaphore(%run_scoped3A_386 : memref<!tpu.dma_semaphore, #tpu.memory_space<semaphore_mem>>)
      %dma_wait3A_395 = arith.constant 0 : i32
      %dma_wait3A_396 = tpu.memref_slice %arg16[%run_scoped3A_20, %run_scoped3A_21, %dma_wait3A_395] : memref<3x128x64xf32, #tpu.memory_space<vmem>> -> memref<1x1x64xf32, #tpu.memory_space<vmem>>
      %dma_wait3A_397 = tpu.memref_squeeze %dma_wait3A_396 : memref<1x1x64xf32, #tpu.memory_space<vmem>> -> memref<64xf32, #tpu.memory_space<vmem>>
      %dma_wait3A_398 = tpu.memref_slice %arg10[%add3A_19] : memref<10240xf32, #tpu.memory_space<vmem_shared>> -> memref<64xf32, #tpu.memory_space<vmem_shared>>
      %dma_wait3A_399 = tpu.memref_slice %arg10[%add3A_19] : memref<10240xf32, #tpu.memory_space<vmem_shared>> -> memref<64xf32, #tpu.memory_space<vmem_shared>>
      %dma_wait3A_400 = arith.constant 0 : i32
      %dma_wait3A_401 = tpu.memref_slice %arg16[%run_scoped3A_20, %run_scoped3A_21, %dma_wait3A_400] : memref<3x128x64xf32, #tpu.memory_space<vmem>> -> memref<1x1x64xf32, #tpu.memory_space<vmem>>
      %dma_wait3A_402 = tpu.memref_squeeze %dma_wait3A_401 : memref<1x1x64xf32, #tpu.memory_space<vmem>> -> memref<64xf32, #tpu.memory_space<vmem>>
      tpu.wait_dma2 semaphore(%run_scoped3A_386 : memref<!tpu.dma_semaphore, #tpu.memory_space<semaphore_mem>>) src(%dma_wait3A_402 : memref<64xf32, #tpu.memory_space<vmem>>) dst(%dma_wait3A_399 : memref<64xf32, #tpu.memory_space<vmem_shared>>)
      tpu.yield
    }) : () -> ()
    %mul3A_22 = arith.constant 640 : i32
    %mul3A_23 = arith.muli %arg1, %mul3A_22 : i32
    %add3A_24 = arith.constant 192 : i32
    %add3A_25 = arith.addi %mul3A_23, %add3A_24 : i32
    %run_scoped3A_26 = arith.constant 0 : i32
    %run_scoped3A_27 = arith.constant 3 : i32
    "tpu.region"() ({
      %run_scoped3A_386 = tpu.sem_alloc : memref<!tpu.dma_semaphore, #tpu.memory_space<semaphore_mem>>
      %dma_start3A_387 = arith.constant 0 : i32
      %dma_start3A_388 = tpu.memref_slice %arg16[%run_scoped3A_26, %run_scoped3A_27, %dma_start3A_387] : memref<3x128x64xf32, #tpu.memory_space<vmem>> -> memref<1x1x64xf32, #tpu.memory_space<vmem>>
      %dma_start3A_389 = tpu.memref_squeeze %dma_start3A_388 : memref<1x1x64xf32, #tpu.memory_space<vmem>> -> memref<64xf32, #tpu.memory_space<vmem>>
      %dma_start3A_390 = tpu.memref_slice %arg10[%add3A_25] : memref<10240xf32, #tpu.memory_space<vmem_shared>> -> memref<64xf32, #tpu.memory_space<vmem_shared>>
      %dma_start3A_391 = tpu.memref_slice %arg10[%add3A_25] : memref<10240xf32, #tpu.memory_space<vmem_shared>> -> memref<64xf32, #tpu.memory_space<vmem_shared>>
      %dma_start3A_392 = arith.constant 0 : i32
      %dma_start3A_393 = tpu.memref_slice %arg16[%run_scoped3A_26, %run_scoped3A_27, %dma_start3A_392] : memref<3x128x64xf32, #tpu.memory_space<vmem>> -> memref<1x1x64xf32, #tpu.memory_space<vmem>>
      %dma_start3A_394 = tpu.memref_squeeze %dma_start3A_393 : memref<1x1x64xf32, #tpu.memory_space<vmem>> -> memref<64xf32, #tpu.memory_space<vmem>>
      tpu.enqueue_dma source(%dma_start3A_394 : memref<64xf32, #tpu.memory_space<vmem>>) target(%dma_start3A_391 : memref<64xf32, #tpu.memory_space<vmem_shared>>) target_semaphore(%run_scoped3A_386 : memref<!tpu.dma_semaphore, #tpu.memory_space<semaphore_mem>>)
      %dma_wait3A_395 = arith.constant 0 : i32
      %dma_wait3A_396 = tpu.memref_slice %arg16[%run_scoped3A_26, %run_scoped3A_27, %dma_wait3A_395] : memref<3x128x64xf32, #tpu.memory_space<vmem>> -> memref<1x1x64xf32, #tpu.memory_space<vmem>>
      %dma_wait3A_397 = tpu.memref_squeeze %dma_wait3A_396 : memref<1x1x64xf32, #tpu.memory_space<vmem>> -> memref<64xf32, #tpu.memory_space<vmem>>
      %dma_wait3A_398 = tpu.memref_slice %arg10[%add3A_25] : memref<10240xf32, #tpu.memory_space<vmem_shared>> -> memref<64xf32, #tpu.memory_space<vmem_shared>>
      %dma_wait3A_399 = tpu.memref_slice %arg10[%add3A_25] : memref<10240xf32, #tpu.memory_space<vmem_shared>> -> memref<64xf32, #tpu.memory_space<vmem_shared>>
      %dma_wait3A_400 = arith.constant 0 : i32
      %dma_wait3A_401 = tpu.memref_slice %arg16[%run_scoped3A_26, %run_scoped3A_27, %dma_wait3A_400] : memref<3x128x64xf32, #tpu.memory_space<vmem>> -> memref<1x1x64xf32, #tpu.memory_space<vmem>>
      %dma_wait3A_402 = tpu.memref_squeeze %dma_wait3A_401 : memref<1x1x64xf32, #tpu.memory_space<vmem>> -> memref<64xf32, #tpu.memory_space<vmem>>
      tpu.wait_dma2 semaphore(%run_scoped3A_386 : memref<!tpu.dma_semaphore, #tpu.memory_space<semaphore_mem>>) src(%dma_wait3A_402 : memref<64xf32, #tpu.memory_space<vmem>>) dst(%dma_wait3A_399 : memref<64xf32, #tpu.memory_space<vmem_shared>>)
      tpu.yield
    }) : () -> ()
    %mul3A_28 = arith.constant 640 : i32
    %mul3A_29 = arith.muli %arg1, %mul3A_28 : i32
    %add3A_30 = arith.constant 256 : i32
    %add3A_31 = arith.addi %mul3A_29, %add3A_30 : i32
    %run_scoped3A_32 = arith.constant 0 : i32
    %run_scoped3A_33 = arith.constant 4 : i32
    "tpu.region"() ({
      %run_scoped3A_386 = tpu.sem_alloc : memref<!tpu.dma_semaphore, #tpu.memory_space<semaphore_mem>>
      %dma_start3A_387 = arith.constant 0 : i32
      %dma_start3A_388 = tpu.memref_slice %arg16[%run_scoped3A_32, %run_scoped3A_33, %dma_start3A_387] : memref<3x128x64xf32, #tpu.memory_space<vmem>> -> memref<1x1x64xf32, #tpu.memory_space<vmem>>
      %dma_start3A_389 = tpu.memref_squeeze %dma_start3A_388 : memref<1x1x64xf32, #tpu.memory_space<vmem>> -> memref<64xf32, #tpu.memory_space<vmem>>
      %dma_start3A_390 = tpu.memref_slice %arg10[%add3A_31] : memref<10240xf32, #tpu.memory_space<vmem_shared>> -> memref<64xf32, #tpu.memory_space<vmem_shared>>
      %dma_start3A_391 = tpu.memref_slice %arg10[%add3A_31] : memref<10240xf32, #tpu.memory_space<vmem_shared>> -> memref<64xf32, #tpu.memory_space<vmem_shared>>
      %dma_start3A_392 = arith.constant 0 : i32
      %dma_start3A_393 = tpu.memref_slice %arg16[%run_scoped3A_32, %run_scoped3A_33, %dma_start3A_392] : memref<3x128x64xf32, #tpu.memory_space<vmem>> -> memref<1x1x64xf32, #tpu.memory_space<vmem>>
      %dma_start3A_394 = tpu.memref_squeeze %dma_start3A_393 : memref<1x1x64xf32, #tpu.memory_space<vmem>> -> memref<64xf32, #tpu.memory_space<vmem>>
      tpu.enqueue_dma source(%dma_start3A_394 : memref<64xf32, #tpu.memory_space<vmem>>) target(%dma_start3A_391 : memref<64xf32, #tpu.memory_space<vmem_shared>>) target_semaphore(%run_scoped3A_386 : memref<!tpu.dma_semaphore, #tpu.memory_space<semaphore_mem>>)
      %dma_wait3A_395 = arith.constant 0 : i32
      %dma_wait3A_396 = tpu.memref_slice %arg16[%run_scoped3A_32, %run_scoped3A_33, %dma_wait3A_395] : memref<3x128x64xf32, #tpu.memory_space<vmem>> -> memref<1x1x64xf32, #tpu.memory_space<vmem>>
      %dma_wait3A_397 = tpu.memref_squeeze %dma_wait3A_396 : memref<1x1x64xf32, #tpu.memory_space<vmem>> -> memref<64xf32, #tpu.memory_space<vmem>>
      %dma_wait3A_398 = tpu.memref_slice %arg10[%add3A_31] : memref<10240xf32, #tpu.memory_space<vmem_shared>> -> memref<64xf32, #tpu.memory_space<vmem_shared>>
      %dma_wait3A_399 = tpu.memref_slice %arg10[%add3A_31] : memref<10240xf32, #tpu.memory_space<vmem_shared>> -> memref<64xf32, #tpu.memory_space<vmem_shared>>
      %dma_wait3A_400 = arith.constant 0 : i32
      %dma_wait3A_401 = tpu.memref_slice %arg16[%run_scoped3A_32, %run_scoped3A_33, %dma_wait3A_400] : memref<3x128x64xf32, #tpu.memory_space<vmem>> -> memref<1x1x64xf32, #tpu.memory_space<vmem>>
      %dma_wait3A_402 = tpu.memref_squeeze %dma_wait3A_401 : memref<1x1x64xf32, #tpu.memory_space<vmem>> -> memref<64xf32, #tpu.memory_space<vmem>>
      tpu.wait_dma2 semaphore(%run_scoped3A_386 : memref<!tpu.dma_semaphore, #tpu.memory_space<semaphore_mem>>) src(%dma_wait3A_402 : memref<64xf32, #tpu.memory_space<vmem>>) dst(%dma_wait3A_399 : memref<64xf32, #tpu.memory_space<vmem_shared>>)
      tpu.yield
    }) : () -> ()
    %mul3A_34 = arith.constant 640 : i32
    %mul3A_35 = arith.muli %arg1, %mul3A_34 : i32
    %add3A_36 = arith.constant 320 : i32
    %add3A_37 = arith.addi %mul3A_35, %add3A_36 : i32
    %run_scoped3A_38 = arith.constant 0 : i32
    %run_scoped3A_39 = arith.constant 5 : i32
    "tpu.region"() ({
      %run_scoped3A_386 = tpu.sem_alloc : memref<!tpu.dma_semaphore, #tpu.memory_space<semaphore_mem>>
      %dma_start3A_387 = arith.constant 0 : i32
      %dma_start3A_388 = tpu.memref_slice %arg16[%run_scoped3A_38, %run_scoped3A_39, %dma_start3A_387] : memref<3x128x64xf32, #tpu.memory_space<vmem>> -> memref<1x1x64xf32, #tpu.memory_space<vmem>>
      %dma_start3A_389 = tpu.memref_squeeze %dma_start3A_388 : memref<1x1x64xf32, #tpu.memory_space<vmem>> -> memref<64xf32, #tpu.memory_space<vmem>>
      %dma_start3A_390 = tpu.memref_slice %arg10[%add3A_37] : memref<10240xf32, #tpu.memory_space<vmem_shared>> -> memref<64xf32, #tpu.memory_space<vmem_shared>>
      %dma_start3A_391 = tpu.memref_slice %arg10[%add3A_37] : memref<10240xf32, #tpu.memory_space<vmem_shared>> -> memref<64xf32, #tpu.memory_space<vmem_shared>>
      %dma_start3A_392 = arith.constant 0 : i32
      %dma_start3A_393 = tpu.memref_slice %arg16[%run_scoped3A_38, %run_scoped3A_39, %dma_start3A_392] : memref<3x128x64xf32, #tpu.memory_space<vmem>> -> memref<1x1x64xf32, #tpu.memory_space<vmem>>
      %dma_start3A_394 = tpu.memref_squeeze %dma_start3A_393 : memref<1x1x64xf32, #tpu.memory_space<vmem>> -> memref<64xf32, #tpu.memory_space<vmem>>
      tpu.enqueue_dma source(%dma_start3A_394 : memref<64xf32, #tpu.memory_space<vmem>>) target(%dma_start3A_391 : memref<64xf32, #tpu.memory_space<vmem_shared>>) target_semaphore(%run_scoped3A_386 : memref<!tpu.dma_semaphore, #tpu.memory_space<semaphore_mem>>)
      %dma_wait3A_395 = arith.constant 0 : i32
      %dma_wait3A_396 = tpu.memref_slice %arg16[%run_scoped3A_38, %run_scoped3A_39, %dma_wait3A_395] : memref<3x128x64xf32, #tpu.memory_space<vmem>> -> memref<1x1x64xf32, #tpu.memory_space<vmem>>
      %dma_wait3A_397 = tpu.memref_squeeze %dma_wait3A_396 : memref<1x1x64xf32, #tpu.memory_space<vmem>> -> memref<64xf32, #tpu.memory_space<vmem>>
      %dma_wait3A_398 = tpu.memref_slice %arg10[%add3A_37] : memref<10240xf32, #tpu.memory_space<vmem_shared>> -> memref<64xf32, #tpu.memory_space<vmem_shared>>
      %dma_wait3A_399 = tpu.memref_slice %arg10[%add3A_37] : memref<10240xf32, #tpu.memory_space<vmem_shared>> -> memref<64xf32, #tpu.memory_space<vmem_shared>>
      %dma_wait3A_400 = arith.constant 0 : i32
      %dma_wait3A_401 = tpu.memref_slice %arg16[%run_scoped3A_38, %run_scoped3A_39, %dma_wait3A_400] : memref<3x128x64xf32, #tpu.memory_space<vmem>> -> memref<1x1x64xf32, #tpu.memory_space<vmem>>
      %dma_wait3A_402 = tpu.memref_squeeze %dma_wait3A_401 : memref<1x1x64xf32, #tpu.memory_space<vmem>> -> memref<64xf32, #tpu.memory_space<vmem>>
      tpu.wait_dma2 semaphore(%run_scoped3A_386 : memref<!tpu.dma_semaphore, #tpu.memory_space<semaphore_mem>>) src(%dma_wait3A_402 : memref<64xf32, #tpu.memory_space<vmem>>) dst(%dma_wait3A_399 : memref<64xf32, #tpu.memory_space<vmem_shared>>)
      tpu.yield
    }) : () -> ()
    %mul3A_40 = arith.constant 640 : i32
    %mul3A_41 = arith.muli %arg1, %mul3A_40 : i32
    %add3A_42 = arith.constant 384 : i32
    %add3A_43 = arith.addi %mul3A_41, %add3A_42 : i32
    %run_scoped3A_44 = arith.constant 0 : i32
    %run_scoped3A_45 = arith.constant 6 : i32
    "tpu.region"() ({
      %run_scoped3A_386 = tpu.sem_alloc : memref<!tpu.dma_semaphore, #tpu.memory_space<semaphore_mem>>
      %dma_start3A_387 = arith.constant 0 : i32
      %dma_start3A_388 = tpu.memref_slice %arg16[%run_scoped3A_44, %run_scoped3A_45, %dma_start3A_387] : memref<3x128x64xf32, #tpu.memory_space<vmem>> -> memref<1x1x64xf32, #tpu.memory_space<vmem>>
      %dma_start3A_389 = tpu.memref_squeeze %dma_start3A_388 : memref<1x1x64xf32, #tpu.memory_space<vmem>> -> memref<64xf32, #tpu.memory_space<vmem>>
      %dma_start3A_390 = tpu.memref_slice %arg10[%add3A_43] : memref<10240xf32, #tpu.memory_space<vmem_shared>> -> memref<64xf32, #tpu.memory_space<vmem_shared>>
      %dma_start3A_391 = tpu.memref_slice %arg10[%add3A_43] : memref<10240xf32, #tpu.memory_space<vmem_shared>> -> memref<64xf32, #tpu.memory_space<vmem_shared>>
      %dma_start3A_392 = arith.constant 0 : i32
      %dma_start3A_393 = tpu.memref_slice %arg16[%run_scoped3A_44, %run_scoped3A_45, %dma_start3A_392] : memref<3x128x64xf32, #tpu.memory_space<vmem>> -> memref<1x1x64xf32, #tpu.memory_space<vmem>>
      %dma_start3A_394 = tpu.memref_squeeze %dma_start3A_393 : memref<1x1x64xf32, #tpu.memory_space<vmem>> -> memref<64xf32, #tpu.memory_space<vmem>>
      tpu.enqueue_dma source(%dma_start3A_394 : memref<64xf32, #tpu.memory_space<vmem>>) target(%dma_start3A_391 : memref<64xf32, #tpu.memory_space<vmem_shared>>) target_semaphore(%run_scoped3A_386 : memref<!tpu.dma_semaphore, #tpu.memory_space<semaphore_mem>>)
      %dma_wait3A_395 = arith.constant 0 : i32
      %dma_wait3A_396 = tpu.memref_slice %arg16[%run_scoped3A_44, %run_scoped3A_45, %dma_wait3A_395] : memref<3x128x64xf32, #tpu.memory_space<vmem>> -> memref<1x1x64xf32, #tpu.memory_space<vmem>>
      %dma_wait3A_397 = tpu.memref_squeeze %dma_wait3A_396 : memref<1x1x64xf32, #tpu.memory_space<vmem>> -> memref<64xf32, #tpu.memory_space<vmem>>
      %dma_wait3A_398 = tpu.memref_slice %arg10[%add3A_43] : memref<10240xf32, #tpu.memory_space<vmem_shared>> -> memref<64xf32, #tpu.memory_space<vmem_shared>>
      %dma_wait3A_399 = tpu.memref_slice %arg10[%add3A_43] : memref<10240xf32, #tpu.memory_space<vmem_shared>> -> memref<64xf32, #tpu.memory_space<vmem_shared>>
      %dma_wait3A_400 = arith.constant 0 : i32
      %dma_wait3A_401 = tpu.memref_slice %arg16[%run_scoped3A_44, %run_scoped3A_45, %dma_wait3A_400] : memref<3x128x64xf32, #tpu.memory_space<vmem>> -> memref<1x1x64xf32, #tpu.memory_space<vmem>>
      %dma_wait3A_402 = tpu.memref_squeeze %dma_wait3A_401 : memref<1x1x64xf32, #tpu.memory_space<vmem>> -> memref<64xf32, #tpu.memory_space<vmem>>
      tpu.wait_dma2 semaphore(%run_scoped3A_386 : memref<!tpu.dma_semaphore, #tpu.memory_space<semaphore_mem>>) src(%dma_wait3A_402 : memref<64xf32, #tpu.memory_space<vmem>>) dst(%dma_wait3A_399 : memref<64xf32, #tpu.memory_space<vmem_shared>>)
      tpu.yield
    }) : () -> ()
    %mul3A_46 = arith.constant 640 : i32
    %mul3A_47 = arith.muli %arg1, %mul3A_46 : i32
    %add3A_48 = arith.constant 448 : i32
    %add3A_49 = arith.addi %mul3A_47, %add3A_48 : i32
    %run_scoped3A_50 = arith.constant 0 : i32
    %run_scoped3A_51 = arith.constant 7 : i32
    "tpu.region"() ({
      %run_scoped3A_386 = tpu.sem_alloc : memref<!tpu.dma_semaphore, #tpu.memory_space<semaphore_mem>>
      %dma_start3A_387 = arith.constant 0 : i32
      %dma_start3A_388 = tpu.memref_slice %arg16[%run_scoped3A_50, %run_scoped3A_51, %dma_start3A_387] : memref<3x128x64xf32, #tpu.memory_space<vmem>> -> memref<1x1x64xf32, #tpu.memory_space<vmem>>
      %dma_start3A_389 = tpu.memref_squeeze %dma_start3A_388 : memref<1x1x64xf32, #tpu.memory_space<vmem>> -> memref<64xf32, #tpu.memory_space<vmem>>
      %dma_start3A_390 = tpu.memref_slice %arg10[%add3A_49] : memref<10240xf32, #tpu.memory_space<vmem_shared>> -> memref<64xf32, #tpu.memory_space<vmem_shared>>
      %dma_start3A_391 = tpu.memref_slice %arg10[%add3A_49] : memref<10240xf32, #tpu.memory_space<vmem_shared>> -> memref<64xf32, #tpu.memory_space<vmem_shared>>
      %dma_start3A_392 = arith.constant 0 : i32
      %dma_start3A_393 = tpu.memref_slice %arg16[%run_scoped3A_50, %run_scoped3A_51, %dma_start3A_392] : memref<3x128x64xf32, #tpu.memory_space<vmem>> -> memref<1x1x64xf32, #tpu.memory_space<vmem>>
      %dma_start3A_394 = tpu.memref_squeeze %dma_start3A_393 : memref<1x1x64xf32, #tpu.memory_space<vmem>> -> memref<64xf32, #tpu.memory_space<vmem>>
      tpu.enqueue_dma source(%dma_start3A_394 : memref<64xf32, #tpu.memory_space<vmem>>) target(%dma_start3A_391 : memref<64xf32, #tpu.memory_space<vmem_shared>>) target_semaphore(%run_scoped3A_386 : memref<!tpu.dma_semaphore, #tpu.memory_space<semaphore_mem>>)
      %dma_wait3A_395 = arith.constant 0 : i32
      %dma_wait3A_396 = tpu.memref_slice %arg16[%run_scoped3A_50, %run_scoped3A_51, %dma_wait3A_395] : memref<3x128x64xf32, #tpu.memory_space<vmem>> -> memref<1x1x64xf32, #tpu.memory_space<vmem>>
      %dma_wait3A_397 = tpu.memref_squeeze %dma_wait3A_396 : memref<1x1x64xf32, #tpu.memory_space<vmem>> -> memref<64xf32, #tpu.memory_space<vmem>>
      %dma_wait3A_398 = tpu.memref_slice %arg10[%add3A_49] : memref<10240xf32, #tpu.memory_space<vmem_shared>> -> memref<64xf32, #tpu.memory_space<vmem_shared>>
      %dma_wait3A_399 = tpu.memref_slice %arg10[%add3A_49] : memref<10240xf32, #tpu.memory_space<vmem_shared>> -> memref<64xf32, #tpu.memory_space<vmem_shared>>
      %dma_wait3A_400 = arith.constant 0 : i32
      %dma_wait3A_401 = tpu.memref_slice %arg16[%run_scoped3A_50, %run_scoped3A_51, %dma_wait3A_400] : memref<3x128x64xf32, #tpu.memory_space<vmem>> -> memref<1x1x64xf32, #tpu.memory_space<vmem>>
      %dma_wait3A_402 = tpu.memref_squeeze %dma_wait3A_401 : memref<1x1x64xf32, #tpu.memory_space<vmem>> -> memref<64xf32, #tpu.memory_space<vmem>>
      tpu.wait_dma2 semaphore(%run_scoped3A_386 : memref<!tpu.dma_semaphore, #tpu.memory_space<semaphore_mem>>) src(%dma_wait3A_402 : memref<64xf32, #tpu.memory_space<vmem>>) dst(%dma_wait3A_399 : memref<64xf32, #tpu.memory_space<vmem_shared>>)
      tpu.yield
    }) : () -> ()
    %mul3A_52 = arith.constant 640 : i32
    %mul3A_53 = arith.muli %arg1, %mul3A_52 : i32
    %add3A_54 = arith.constant 512 : i32
    %add3A_55 = arith.addi %mul3A_53, %add3A_54 : i32
    %run_scoped3A_56 = arith.constant 0 : i32
    %run_scoped3A_57 = arith.constant 8 : i32
    "tpu.region"() ({
      %run_scoped3A_386 = tpu.sem_alloc : memref<!tpu.dma_semaphore, #tpu.memory_space<semaphore_mem>>
      %dma_start3A_387 = arith.constant 0 : i32
      %dma_start3A_388 = tpu.memref_slice %arg16[%run_scoped3A_56, %run_scoped3A_57, %dma_start3A_387] : memref<3x128x64xf32, #tpu.memory_space<vmem>> -> memref<1x1x64xf32, #tpu.memory_space<vmem>>
      %dma_start3A_389 = tpu.memref_squeeze %dma_start3A_388 : memref<1x1x64xf32, #tpu.memory_space<vmem>> -> memref<64xf32, #tpu.memory_space<vmem>>
      %dma_start3A_390 = tpu.memref_slice %arg10[%add3A_55] : memref<10240xf32, #tpu.memory_space<vmem_shared>> -> memref<64xf32, #tpu.memory_space<vmem_shared>>
      %dma_start3A_391 = tpu.memref_slice %arg10[%add3A_55] : memref<10240xf32, #tpu.memory_space<vmem_shared>> -> memref<64xf32, #tpu.memory_space<vmem_shared>>
      %dma_start3A_392 = arith.constant 0 : i32
      %dma_start3A_393 = tpu.memref_slice %arg16[%run_scoped3A_56, %run_scoped3A_57, %dma_start3A_392] : memref<3x128x64xf32, #tpu.memory_space<vmem>> -> memref<1x1x64xf32, #tpu.memory_space<vmem>>
      %dma_start3A_394 = tpu.memref_squeeze %dma_start3A_393 : memref<1x1x64xf32, #tpu.memory_space<vmem>> -> memref<64xf32, #tpu.memory_space<vmem>>
      tpu.enqueue_dma source(%dma_start3A_394 : memref<64xf32, #tpu.memory_space<vmem>>) target(%dma_start3A_391 : memref<64xf32, #tpu.memory_space<vmem_shared>>) target_semaphore(%run_scoped3A_386 : memref<!tpu.dma_semaphore, #tpu.memory_space<semaphore_mem>>)
      %dma_wait3A_395 = arith.constant 0 : i32
      %dma_wait3A_396 = tpu.memref_slice %arg16[%run_scoped3A_56, %run_scoped3A_57, %dma_wait3A_395] : memref<3x128x64xf32, #tpu.memory_space<vmem>> -> memref<1x1x64xf32, #tpu.memory_space<vmem>>
      %dma_wait3A_397 = tpu.memref_squeeze %dma_wait3A_396 : memref<1x1x64xf32, #tpu.memory_space<vmem>> -> memref<64xf32, #tpu.memory_space<vmem>>
      %dma_wait3A_398 = tpu.memref_slice %arg10[%add3A_55] : memref<10240xf32, #tpu.memory_space<vmem_shared>> -> memref<64xf32, #tpu.memory_space<vmem_shared>>
      %dma_wait3A_399 = tpu.memref_slice %arg10[%add3A_55] : memref<10240xf32, #tpu.memory_space<vmem_shared>> -> memref<64xf32, #tpu.memory_space<vmem_shared>>
      %dma_wait3A_400 = arith.constant 0 : i32
      %dma_wait3A_401 = tpu.memref_slice %arg16[%run_scoped3A_56, %run_scoped3A_57, %dma_wait3A_400] : memref<3x128x64xf32, #tpu.memory_space<vmem>> -> memref<1x1x64xf32, #tpu.memory_space<vmem>>
      %dma_wait3A_402 = tpu.memref_squeeze %dma_wait3A_401 : memref<1x1x64xf32, #tpu.memory_space<vmem>> -> memref<64xf32, #tpu.memory_space<vmem>>
      tpu.wait_dma2 semaphore(%run_scoped3A_386 : memref<!tpu.dma_semaphore, #tpu.memory_space<semaphore_mem>>) src(%dma_wait3A_402 : memref<64xf32, #tpu.memory_space<vmem>>) dst(%dma_wait3A_399 : memref<64xf32, #tpu.memory_space<vmem_shared>>)
      tpu.yield
    }) : () -> ()
    %mul3A_58 = arith.constant 640 : i32
    %mul3A_59 = arith.muli %arg1, %mul3A_58 : i32
    %add3A_60 = arith.constant 576 : i32
    %add3A_61 = arith.addi %mul3A_59, %add3A_60 : i32
    %run_scoped3A_62 = arith.constant 0 : i32
    %run_scoped3A_63 = arith.constant 9 : i32
    "tpu.region"() ({
      %run_scoped3A_386 = tpu.sem_alloc : memref<!tpu.dma_semaphore, #tpu.memory_space<semaphore_mem>>
      %dma_start3A_387 = arith.constant 0 : i32
      %dma_start3A_388 = tpu.memref_slice %arg16[%run_scoped3A_62, %run_scoped3A_63, %dma_start3A_387] : memref<3x128x64xf32, #tpu.memory_space<vmem>> -> memref<1x1x64xf32, #tpu.memory_space<vmem>>
      %dma_start3A_389 = tpu.memref_squeeze %dma_start3A_388 : memref<1x1x64xf32, #tpu.memory_space<vmem>> -> memref<64xf32, #tpu.memory_space<vmem>>
      %dma_start3A_390 = tpu.memref_slice %arg10[%add3A_61] : memref<10240xf32, #tpu.memory_space<vmem_shared>> -> memref<64xf32, #tpu.memory_space<vmem_shared>>
      %dma_start3A_391 = tpu.memref_slice %arg10[%add3A_61] : memref<10240xf32, #tpu.memory_space<vmem_shared>> -> memref<64xf32, #tpu.memory_space<vmem_shared>>
      %dma_start3A_392 = arith.constant 0 : i32
      %dma_start3A_393 = tpu.memref_slice %arg16[%run_scoped3A_62, %run_scoped3A_63, %dma_start3A_392] : memref<3x128x64xf32, #tpu.memory_space<vmem>> -> memref<1x1x64xf32, #tpu.memory_space<vmem>>
      %dma_start3A_394 = tpu.memref_squeeze %dma_start3A_393 : memref<1x1x64xf32, #tpu.memory_space<vmem>> -> memref<64xf32, #tpu.memory_space<vmem>>
      tpu.enqueue_dma source(%dma_start3A_394 : memref<64xf32, #tpu.memory_space<vmem>>) target(%dma_start3A_391 : memref<64xf32, #tpu.memory_space<vmem_shared>>) target_semaphore(%run_scoped3A_386 : memref<!tpu.dma_semaphore, #tpu.memory_space<semaphore_mem>>)
      %dma_wait3A_395 = arith.constant 0 : i32
      %dma_wait3A_396 = tpu.memref_slice %arg16[%run_scoped3A_62, %run_scoped3A_63, %dma_wait3A_395] : memref<3x128x64xf32, #tpu.memory_space<vmem>> -> memref<1x1x64xf32, #tpu.memory_space<vmem>>
      %dma_wait3A_397 = tpu.memref_squeeze %dma_wait3A_396 : memref<1x1x64xf32, #tpu.memory_space<vmem>> -> memref<64xf32, #tpu.memory_space<vmem>>
      %dma_wait3A_398 = tpu.memref_slice %arg10[%add3A_61] : memref<10240xf32, #tpu.memory_space<vmem_shared>> -> memref<64xf32, #tpu.memory_space<vmem_shared>>
      %dma_wait3A_399 = tpu.memref_slice %arg10[%add3A_61] : memref<10240xf32, #tpu.memory_space<vmem_shared>> -> memref<64xf32, #tpu.memory_space<vmem_shared>>
      %dma_wait3A_400 = arith.constant 0 : i32
      %dma_wait3A_401 = tpu.memref_slice %arg16[%run_scoped3A_62, %run_scoped3A_63, %dma_wait3A_400] : memref<3x128x64xf32, #tpu.memory_space<vmem>> -> memref<1x1x64xf32, #tpu.memory_space<vmem>>
      %dma_wait3A_402 = tpu.memref_squeeze %dma_wait3A_401 : memref<1x1x64xf32, #tpu.memory_space<vmem>> -> memref<64xf32, #tpu.memory_space<vmem>>
      tpu.wait_dma2 semaphore(%run_scoped3A_386 : memref<!tpu.dma_semaphore, #tpu.memory_space<semaphore_mem>>) src(%dma_wait3A_402 : memref<64xf32, #tpu.memory_space<vmem>>) dst(%dma_wait3A_399 : memref<64xf32, #tpu.memory_space<vmem_shared>>)
      tpu.yield
    }) : () -> ()
    %lt3A = arith.constant 15 : i32
    %lt3A_64 = arith.cmpi slt, %arg1, %lt3A : i32
    %convert_element_type3A = arith.extui %lt3A_64 : i1 to i32
    %cond3A = arith.constant 0 : i32
    %cond3A_65 = arith.cmpi ne, %convert_element_type3A, %cond3A : i32
    scf.if %cond3A_65 {
      %mul3A_386 = arith.constant 640 : i32
      %mul3A_387 = arith.muli %arg1, %mul3A_386 : i32
      %add3A_388 = arith.constant 0 : i32
      %add3A_389 = arith.addi %mul3A_387, %add3A_388 : i32
      %run_scoped3A_390 = arith.constant 0 : i32
      "tpu.region"() ({
        %run_scoped3A_411 = tpu.sem_alloc : memref<!tpu.dma_semaphore, #tpu.memory_space<semaphore_mem>>
        %dma_start3A_412 = arith.constant 0 : i32
        %dma_start3A_413 = arith.constant 0 : i32
        %dma_start3A_414 = tpu.memref_slice %arg16[%run_scoped3A_390, %dma_start3A_412, %dma_start3A_413] : memref<3x128x64xf32, #tpu.memory_space<vmem>> -> memref<1x128x64xf32, #tpu.memory_space<vmem>>
        %dma_start3A_415 = tpu.memref_squeeze %dma_start3A_414 : memref<1x128x64xf32, #tpu.memory_space<vmem>> -> memref<128x64xf32, #tpu.memory_space<vmem>>
        %dma_start3A_416 = arith.constant 0 : i32
        %dma_start3A_417 = tpu.memref_slice %arg9[%add3A_389, %dma_start3A_416] : memref<10000x64xf32, #tpu.memory_space<vmem_shared>> -> memref<128x64xf32, #tpu.memory_space<vmem_shared>>
        %dma_start3A_418 = arith.constant 0 : i32
        %dma_start3A_419 = tpu.memref_slice %arg9[%add3A_389, %dma_start3A_418] : memref<10000x64xf32, #tpu.memory_space<vmem_shared>> -> memref<128x64xf32, #tpu.memory_space<vmem_shared>>
        %dma_start3A_420 = arith.constant 0 : i32
        %dma_start3A_421 = arith.constant 0 : i32
        %dma_start3A_422 = tpu.memref_slice %arg16[%run_scoped3A_390, %dma_start3A_420, %dma_start3A_421] : memref<3x128x64xf32, #tpu.memory_space<vmem>> -> memref<1x128x64xf32, #tpu.memory_space<vmem>>
        %dma_start3A_423 = tpu.memref_squeeze %dma_start3A_422 : memref<1x128x64xf32, #tpu.memory_space<vmem>> -> memref<128x64xf32, #tpu.memory_space<vmem>>
        tpu.enqueue_dma source(%dma_start3A_423 : memref<128x64xf32, #tpu.memory_space<vmem>>) target(%dma_start3A_419 : memref<128x64xf32, #tpu.memory_space<vmem_shared>>) target_semaphore(%run_scoped3A_411 : memref<!tpu.dma_semaphore, #tpu.memory_space<semaphore_mem>>)
        %dma_wait3A_424 = arith.constant 0 : i32
        %dma_wait3A_425 = arith.constant 0 : i32
        %dma_wait3A_426 = tpu.memref_slice %arg16[%run_scoped3A_390, %dma_wait3A_424, %dma_wait3A_425] : memref<3x128x64xf32, #tpu.memory_space<vmem>> -> memref<1x128x64xf32, #tpu.memory_space<vmem>>
        %dma_wait3A_427 = tpu.memref_squeeze %dma_wait3A_426 : memref<1x128x64xf32, #tpu.memory_space<vmem>> -> memref<128x64xf32, #tpu.memory_space<vmem>>
        %dma_wait3A_428 = arith.constant 0 : i32
        %dma_wait3A_429 = tpu.memref_slice %arg9[%add3A_389, %dma_wait3A_428] : memref<10000x64xf32, #tpu.memory_space<vmem_shared>> -> memref<128x64xf32, #tpu.memory_space<vmem_shared>>
        %dma_wait3A_430 = arith.constant 0 : i32
        %dma_wait3A_431 = tpu.memref_slice %arg9[%add3A_389, %dma_wait3A_430] : memref<10000x64xf32, #tpu.memory_space<vmem_shared>> -> memref<128x64xf32, #tpu.memory_space<vmem_shared>>
        %dma_wait3A_432 = arith.constant 0 : i32
        %dma_wait3A_433 = arith.constant 0 : i32
        %dma_wait3A_434 = tpu.memref_slice %arg16[%run_scoped3A_390, %dma_wait3A_432, %dma_wait3A_433] : memref<3x128x64xf32, #tpu.memory_space<vmem>> -> memref<1x128x64xf32, #tpu.memory_space<vmem>>
        %dma_wait3A_435 = tpu.memref_squeeze %dma_wait3A_434 : memref<1x128x64xf32, #tpu.memory_space<vmem>> -> memref<128x64xf32, #tpu.memory_space<vmem>>
        tpu.wait_dma2 semaphore(%run_scoped3A_411 : memref<!tpu.dma_semaphore, #tpu.memory_space<semaphore_mem>>) src(%dma_wait3A_435 : memref<128x64xf32, #tpu.memory_space<vmem>>) dst(%dma_wait3A_431 : memref<128x64xf32, #tpu.memory_space<vmem_shared>>)
        tpu.yield
      }) : () -> ()
      %mul3A_391 = arith.constant 640 : i32
      %mul3A_392 = arith.muli %arg1, %mul3A_391 : i32
      %add3A_393 = arith.constant 128 : i32
      %add3A_394 = arith.addi %mul3A_392, %add3A_393 : i32
      %run_scoped3A_395 = arith.constant 0 : i32
      "tpu.region"() ({
        %run_scoped3A_411 = tpu.sem_alloc : memref<!tpu.dma_semaphore, #tpu.memory_space<semaphore_mem>>
        %dma_start3A_412 = arith.constant 0 : i32
        %dma_start3A_413 = arith.constant 0 : i32
        %dma_start3A_414 = tpu.memref_slice %arg16[%run_scoped3A_395, %dma_start3A_412, %dma_start3A_413] : memref<3x128x64xf32, #tpu.memory_space<vmem>> -> memref<1x128x64xf32, #tpu.memory_space<vmem>>
        %dma_start3A_415 = tpu.memref_squeeze %dma_start3A_414 : memref<1x128x64xf32, #tpu.memory_space<vmem>> -> memref<128x64xf32, #tpu.memory_space<vmem>>
        %dma_start3A_416 = arith.constant 0 : i32
        %dma_start3A_417 = tpu.memref_slice %arg9[%add3A_394, %dma_start3A_416] : memref<10000x64xf32, #tpu.memory_space<vmem_shared>> -> memref<128x64xf32, #tpu.memory_space<vmem_shared>>
        %dma_start3A_418 = arith.constant 0 : i32
        %dma_start3A_419 = tpu.memref_slice %arg9[%add3A_394, %dma_start3A_418] : memref<10000x64xf32, #tpu.memory_space<vmem_shared>> -> memref<128x64xf32, #tpu.memory_space<vmem_shared>>
        %dma_start3A_420 = arith.constant 0 : i32
        %dma_start3A_421 = arith.constant 0 : i32
        %dma_start3A_422 = tpu.memref_slice %arg16[%run_scoped3A_395, %dma_start3A_420, %dma_start3A_421] : memref<3x128x64xf32, #tpu.memory_space<vmem>> -> memref<1x128x64xf32, #tpu.memory_space<vmem>>
        %dma_start3A_423 = tpu.memref_squeeze %dma_start3A_422 : memref<1x128x64xf32, #tpu.memory_space<vmem>> -> memref<128x64xf32, #tpu.memory_space<vmem>>
        tpu.enqueue_dma source(%dma_start3A_423 : memref<128x64xf32, #tpu.memory_space<vmem>>) target(%dma_start3A_419 : memref<128x64xf32, #tpu.memory_space<vmem_shared>>) target_semaphore(%run_scoped3A_411 : memref<!tpu.dma_semaphore, #tpu.memory_space<semaphore_mem>>)
        %dma_wait3A_424 = arith.constant 0 : i32
        %dma_wait3A_425 = arith.constant 0 : i32
        %dma_wait3A_426 = tpu.memref_slice %arg16[%run_scoped3A_395, %dma_wait3A_424, %dma_wait3A_425] : memref<3x128x64xf32, #tpu.memory_space<vmem>> -> memref<1x128x64xf32, #tpu.memory_space<vmem>>
        %dma_wait3A_427 = tpu.memref_squeeze %dma_wait3A_426 : memref<1x128x64xf32, #tpu.memory_space<vmem>> -> memref<128x64xf32, #tpu.memory_space<vmem>>
        %dma_wait3A_428 = arith.constant 0 : i32
        %dma_wait3A_429 = tpu.memref_slice %arg9[%add3A_394, %dma_wait3A_428] : memref<10000x64xf32, #tpu.memory_space<vmem_shared>> -> memref<128x64xf32, #tpu.memory_space<vmem_shared>>
        %dma_wait3A_430 = arith.constant 0 : i32
        %dma_wait3A_431 = tpu.memref_slice %arg9[%add3A_394, %dma_wait3A_430] : memref<10000x64xf32, #tpu.memory_space<vmem_shared>> -> memref<128x64xf32, #tpu.memory_space<vmem_shared>>
        %dma_wait3A_432 = arith.constant 0 : i32
        %dma_wait3A_433 = arith.constant 0 : i32
        %dma_wait3A_434 = tpu.memref_slice %arg16[%run_scoped3A_395, %dma_wait3A_432, %dma_wait3A_433] : memref<3x128x64xf32, #tpu.memory_space<vmem>> -> memref<1x128x64xf32, #tpu.memory_space<vmem>>
        %dma_wait3A_435 = tpu.memref_squeeze %dma_wait3A_434 : memref<1x128x64xf32, #tpu.memory_space<vmem>> -> memref<128x64xf32, #tpu.memory_space<vmem>>
        tpu.wait_dma2 semaphore(%run_scoped3A_411 : memref<!tpu.dma_semaphore, #tpu.memory_space<semaphore_mem>>) src(%dma_wait3A_435 : memref<128x64xf32, #tpu.memory_space<vmem>>) dst(%dma_wait3A_431 : memref<128x64xf32, #tpu.memory_space<vmem_shared>>)
        tpu.yield
      }) : () -> ()
      %mul3A_396 = arith.constant 640 : i32
      %mul3A_397 = arith.muli %arg1, %mul3A_396 : i32
      %add3A_398 = arith.constant 256 : i32
      %add3A_399 = arith.addi %mul3A_397, %add3A_398 : i32
      %run_scoped3A_400 = arith.constant 0 : i32
      "tpu.region"() ({
        %run_scoped3A_411 = tpu.sem_alloc : memref<!tpu.dma_semaphore, #tpu.memory_space<semaphore_mem>>
        %dma_start3A_412 = arith.constant 0 : i32
        %dma_start3A_413 = arith.constant 0 : i32
        %dma_start3A_414 = tpu.memref_slice %arg16[%run_scoped3A_400, %dma_start3A_412, %dma_start3A_413] : memref<3x128x64xf32, #tpu.memory_space<vmem>> -> memref<1x128x64xf32, #tpu.memory_space<vmem>>
        %dma_start3A_415 = tpu.memref_squeeze %dma_start3A_414 : memref<1x128x64xf32, #tpu.memory_space<vmem>> -> memref<128x64xf32, #tpu.memory_space<vmem>>
        %dma_start3A_416 = arith.constant 0 : i32
        %dma_start3A_417 = tpu.memref_slice %arg9[%add3A_399, %dma_start3A_416] : memref<10000x64xf32, #tpu.memory_space<vmem_shared>> -> memref<128x64xf32, #tpu.memory_space<vmem_shared>>
        %dma_start3A_418 = arith.constant 0 : i32
        %dma_start3A_419 = tpu.memref_slice %arg9[%add3A_399, %dma_start3A_418] : memref<10000x64xf32, #tpu.memory_space<vmem_shared>> -> memref<128x64xf32, #tpu.memory_space<vmem_shared>>
        %dma_start3A_420 = arith.constant 0 : i32
        %dma_start3A_421 = arith.constant 0 : i32
        %dma_start3A_422 = tpu.memref_slice %arg16[%run_scoped3A_400, %dma_start3A_420, %dma_start3A_421] : memref<3x128x64xf32, #tpu.memory_space<vmem>> -> memref<1x128x64xf32, #tpu.memory_space<vmem>>
        %dma_start3A_423 = tpu.memref_squeeze %dma_start3A_422 : memref<1x128x64xf32, #tpu.memory_space<vmem>> -> memref<128x64xf32, #tpu.memory_space<vmem>>
        tpu.enqueue_dma source(%dma_start3A_423 : memref<128x64xf32, #tpu.memory_space<vmem>>) target(%dma_start3A_419 : memref<128x64xf32, #tpu.memory_space<vmem_shared>>) target_semaphore(%run_scoped3A_411 : memref<!tpu.dma_semaphore, #tpu.memory_space<semaphore_mem>>)
        %dma_wait3A_424 = arith.constant 0 : i32
        %dma_wait3A_425 = arith.constant 0 : i32
        %dma_wait3A_426 = tpu.memref_slice %arg16[%run_scoped3A_400, %dma_wait3A_424, %dma_wait3A_425] : memref<3x128x64xf32, #tpu.memory_space<vmem>> -> memref<1x128x64xf32, #tpu.memory_space<vmem>>
        %dma_wait3A_427 = tpu.memref_squeeze %dma_wait3A_426 : memref<1x128x64xf32, #tpu.memory_space<vmem>> -> memref<128x64xf32, #tpu.memory_space<vmem>>
        %dma_wait3A_428 = arith.constant 0 : i32
        %dma_wait3A_429 = tpu.memref_slice %arg9[%add3A_399, %dma_wait3A_428] : memref<10000x64xf32, #tpu.memory_space<vmem_shared>> -> memref<128x64xf32, #tpu.memory_space<vmem_shared>>
        %dma_wait3A_430 = arith.constant 0 : i32
        %dma_wait3A_431 = tpu.memref_slice %arg9[%add3A_399, %dma_wait3A_430] : memref<10000x64xf32, #tpu.memory_space<vmem_shared>> -> memref<128x64xf32, #tpu.memory_space<vmem_shared>>
        %dma_wait3A_432 = arith.constant 0 : i32
        %dma_wait3A_433 = arith.constant 0 : i32
        %dma_wait3A_434 = tpu.memref_slice %arg16[%run_scoped3A_400, %dma_wait3A_432, %dma_wait3A_433] : memref<3x128x64xf32, #tpu.memory_space<vmem>> -> memref<1x128x64xf32, #tpu.memory_space<vmem>>
        %dma_wait3A_435 = tpu.memref_squeeze %dma_wait3A_434 : memref<1x128x64xf32, #tpu.memory_space<vmem>> -> memref<128x64xf32, #tpu.memory_space<vmem>>
        tpu.wait_dma2 semaphore(%run_scoped3A_411 : memref<!tpu.dma_semaphore, #tpu.memory_space<semaphore_mem>>) src(%dma_wait3A_435 : memref<128x64xf32, #tpu.memory_space<vmem>>) dst(%dma_wait3A_431 : memref<128x64xf32, #tpu.memory_space<vmem_shared>>)
        tpu.yield
      }) : () -> ()
      %mul3A_401 = arith.constant 640 : i32
      %mul3A_402 = arith.muli %arg1, %mul3A_401 : i32
      %add3A_403 = arith.constant 384 : i32
      %add3A_404 = arith.addi %mul3A_402, %add3A_403 : i32
      %run_scoped3A_405 = arith.constant 0 : i32
      "tpu.region"() ({
        %run_scoped3A_411 = tpu.sem_alloc : memref<!tpu.dma_semaphore, #tpu.memory_space<semaphore_mem>>
        %dma_start3A_412 = arith.constant 0 : i32
        %dma_start3A_413 = arith.constant 0 : i32
        %dma_start3A_414 = tpu.memref_slice %arg16[%run_scoped3A_405, %dma_start3A_412, %dma_start3A_413] : memref<3x128x64xf32, #tpu.memory_space<vmem>> -> memref<1x128x64xf32, #tpu.memory_space<vmem>>
        %dma_start3A_415 = tpu.memref_squeeze %dma_start3A_414 : memref<1x128x64xf32, #tpu.memory_space<vmem>> -> memref<128x64xf32, #tpu.memory_space<vmem>>
        %dma_start3A_416 = arith.constant 0 : i32
        %dma_start3A_417 = tpu.memref_slice %arg9[%add3A_404, %dma_start3A_416] : memref<10000x64xf32, #tpu.memory_space<vmem_shared>> -> memref<128x64xf32, #tpu.memory_space<vmem_shared>>
        %dma_start3A_418 = arith.constant 0 : i32
        %dma_start3A_419 = tpu.memref_slice %arg9[%add3A_404, %dma_start3A_418] : memref<10000x64xf32, #tpu.memory_space<vmem_shared>> -> memref<128x64xf32, #tpu.memory_space<vmem_shared>>
        %dma_start3A_420 = arith.constant 0 : i32
        %dma_start3A_421 = arith.constant 0 : i32
        %dma_start3A_422 = tpu.memref_slice %arg16[%run_scoped3A_405, %dma_start3A_420, %dma_start3A_421] : memref<3x128x64xf32, #tpu.memory_space<vmem>> -> memref<1x128x64xf32, #tpu.memory_space<vmem>>
        %dma_start3A_423 = tpu.memref_squeeze %dma_start3A_422 : memref<1x128x64xf32, #tpu.memory_space<vmem>> -> memref<128x64xf32, #tpu.memory_space<vmem>>
        tpu.enqueue_dma source(%dma_start3A_423 : memref<128x64xf32, #tpu.memory_space<vmem>>) target(%dma_start3A_419 : memref<128x64xf32, #tpu.memory_space<vmem_shared>>) target_semaphore(%run_scoped3A_411 : memref<!tpu.dma_semaphore, #tpu.memory_space<semaphore_mem>>)
        %dma_wait3A_424 = arith.constant 0 : i32
        %dma_wait3A_425 = arith.constant 0 : i32
        %dma_wait3A_426 = tpu.memref_slice %arg16[%run_scoped3A_405, %dma_wait3A_424, %dma_wait3A_425] : memref<3x128x64xf32, #tpu.memory_space<vmem>> -> memref<1x128x64xf32, #tpu.memory_space<vmem>>
        %dma_wait3A_427 = tpu.memref_squeeze %dma_wait3A_426 : memref<1x128x64xf32, #tpu.memory_space<vmem>> -> memref<128x64xf32, #tpu.memory_space<vmem>>
        %dma_wait3A_428 = arith.constant 0 : i32
        %dma_wait3A_429 = tpu.memref_slice %arg9[%add3A_404, %dma_wait3A_428] : memref<10000x64xf32, #tpu.memory_space<vmem_shared>> -> memref<128x64xf32, #tpu.memory_space<vmem_shared>>
        %dma_wait3A_430 = arith.constant 0 : i32
        %dma_wait3A_431 = tpu.memref_slice %arg9[%add3A_404, %dma_wait3A_430] : memref<10000x64xf32, #tpu.memory_space<vmem_shared>> -> memref<128x64xf32, #tpu.memory_space<vmem_shared>>
        %dma_wait3A_432 = arith.constant 0 : i32
        %dma_wait3A_433 = arith.constant 0 : i32
        %dma_wait3A_434 = tpu.memref_slice %arg16[%run_scoped3A_405, %dma_wait3A_432, %dma_wait3A_433] : memref<3x128x64xf32, #tpu.memory_space<vmem>> -> memref<1x128x64xf32, #tpu.memory_space<vmem>>
        %dma_wait3A_435 = tpu.memref_squeeze %dma_wait3A_434 : memref<1x128x64xf32, #tpu.memory_space<vmem>> -> memref<128x64xf32, #tpu.memory_space<vmem>>
        tpu.wait_dma2 semaphore(%run_scoped3A_411 : memref<!tpu.dma_semaphore, #tpu.memory_space<semaphore_mem>>) src(%dma_wait3A_435 : memref<128x64xf32, #tpu.memory_space<vmem>>) dst(%dma_wait3A_431 : memref<128x64xf32, #tpu.memory_space<vmem_shared>>)
        tpu.yield
      }) : () -> ()
      %mul3A_406 = arith.constant 640 : i32
      %mul3A_407 = arith.muli %arg1, %mul3A_406 : i32
      %add3A_408 = arith.constant 512 : i32
      %add3A_409 = arith.addi %mul3A_407, %add3A_408 : i32
      %run_scoped3A_410 = arith.constant 0 : i32
      "tpu.region"() ({
        %run_scoped3A_411 = tpu.sem_alloc : memref<!tpu.dma_semaphore, #tpu.memory_space<semaphore_mem>>
        %dma_start3A_412 = arith.constant 0 : i32
        %dma_start3A_413 = arith.constant 0 : i32
        %dma_start3A_414 = tpu.memref_slice %arg16[%run_scoped3A_410, %dma_start3A_412, %dma_start3A_413] : memref<3x128x64xf32, #tpu.memory_space<vmem>> -> memref<1x128x64xf32, #tpu.memory_space<vmem>>
        %dma_start3A_415 = tpu.memref_squeeze %dma_start3A_414 : memref<1x128x64xf32, #tpu.memory_space<vmem>> -> memref<128x64xf32, #tpu.memory_space<vmem>>
        %dma_start3A_416 = arith.constant 0 : i32
        %dma_start3A_417 = tpu.memref_slice %arg9[%add3A_409, %dma_start3A_416] : memref<10000x64xf32, #tpu.memory_space<vmem_shared>> -> memref<128x64xf32, #tpu.memory_space<vmem_shared>>
        %dma_start3A_418 = arith.constant 0 : i32
        %dma_start3A_419 = tpu.memref_slice %arg9[%add3A_409, %dma_start3A_418] : memref<10000x64xf32, #tpu.memory_space<vmem_shared>> -> memref<128x64xf32, #tpu.memory_space<vmem_shared>>
        %dma_start3A_420 = arith.constant 0 : i32
        %dma_start3A_421 = arith.constant 0 : i32
        %dma_start3A_422 = tpu.memref_slice %arg16[%run_scoped3A_410, %dma_start3A_420, %dma_start3A_421] : memref<3x128x64xf32, #tpu.memory_space<vmem>> -> memref<1x128x64xf32, #tpu.memory_space<vmem>>
        %dma_start3A_423 = tpu.memref_squeeze %dma_start3A_422 : memref<1x128x64xf32, #tpu.memory_space<vmem>> -> memref<128x64xf32, #tpu.memory_space<vmem>>
        tpu.enqueue_dma source(%dma_start3A_423 : memref<128x64xf32, #tpu.memory_space<vmem>>) target(%dma_start3A_419 : memref<128x64xf32, #tpu.memory_space<vmem_shared>>) target_semaphore(%run_scoped3A_411 : memref<!tpu.dma_semaphore, #tpu.memory_space<semaphore_mem>>)
        %dma_wait3A_424 = arith.constant 0 : i32
        %dma_wait3A_425 = arith.constant 0 : i32
        %dma_wait3A_426 = tpu.memref_slice %arg16[%run_scoped3A_410, %dma_wait3A_424, %dma_wait3A_425] : memref<3x128x64xf32, #tpu.memory_space<vmem>> -> memref<1x128x64xf32, #tpu.memory_space<vmem>>
        %dma_wait3A_427 = tpu.memref_squeeze %dma_wait3A_426 : memref<1x128x64xf32, #tpu.memory_space<vmem>> -> memref<128x64xf32, #tpu.memory_space<vmem>>
        %dma_wait3A_428 = arith.constant 0 : i32
        %dma_wait3A_429 = tpu.memref_slice %arg9[%add3A_409, %dma_wait3A_428] : memref<10000x64xf32, #tpu.memory_space<vmem_shared>> -> memref<128x64xf32, #tpu.memory_space<vmem_shared>>
        %dma_wait3A_430 = arith.constant 0 : i32
        %dma_wait3A_431 = tpu.memref_slice %arg9[%add3A_409, %dma_wait3A_430] : memref<10000x64xf32, #tpu.memory_space<vmem_shared>> -> memref<128x64xf32, #tpu.memory_space<vmem_shared>>
        %dma_wait3A_432 = arith.constant 0 : i32
        %dma_wait3A_433 = arith.constant 0 : i32
        %dma_wait3A_434 = tpu.memref_slice %arg16[%run_scoped3A_410, %dma_wait3A_432, %dma_wait3A_433] : memref<3x128x64xf32, #tpu.memory_space<vmem>> -> memref<1x128x64xf32, #tpu.memory_space<vmem>>
        %dma_wait3A_435 = tpu.memref_squeeze %dma_wait3A_434 : memref<1x128x64xf32, #tpu.memory_space<vmem>> -> memref<128x64xf32, #tpu.memory_space<vmem>>
        tpu.wait_dma2 semaphore(%run_scoped3A_411 : memref<!tpu.dma_semaphore, #tpu.memory_space<semaphore_mem>>) src(%dma_wait3A_435 : memref<128x64xf32, #tpu.memory_space<vmem>>) dst(%dma_wait3A_431 : memref<128x64xf32, #tpu.memory_space<vmem_shared>>)
        tpu.yield
      }) : () -> ()
    } else {
    }
    %eq3A = arith.constant 15 : i32
    %eq3A_66 = arith.cmpi eq, %arg1, %eq3A : i32
    %convert_element_type3A_67 = arith.extui %eq3A_66 : i1 to i32
    %cond3A_68 = arith.constant 0 : i32
    %cond3A_69 = arith.cmpi ne, %convert_element_type3A_67, %cond3A_68 : i32
    scf.if %cond3A_69 {
      %run_scoped3A_386 = arith.constant 0 : i32
      "tpu.region"() ({
        %run_scoped3A_390 = tpu.sem_alloc : memref<!tpu.dma_semaphore, #tpu.memory_space<semaphore_mem>>
        %dma_start3A_391 = arith.constant 0 : i32
        %dma_start3A_392 = arith.constant 0 : i32
        %dma_start3A_393 = tpu.memref_slice %arg16[%run_scoped3A_386, %dma_start3A_391, %dma_start3A_392] : memref<3x128x64xf32, #tpu.memory_space<vmem>> -> memref<1x128x64xf32, #tpu.memory_space<vmem>>
        %dma_start3A_394 = tpu.memref_squeeze %dma_start3A_393 : memref<1x128x64xf32, #tpu.memory_space<vmem>> -> memref<128x64xf32, #tpu.memory_space<vmem>>
        %dma_start3A_395 = arith.constant 9600 : i32
        %dma_start3A_396 = arith.constant 0 : i32
        %dma_start3A_397 = tpu.memref_slice %arg9[%dma_start3A_395, %dma_start3A_396] : memref<10000x64xf32, #tpu.memory_space<vmem_shared>> -> memref<128x64xf32, #tpu.memory_space<vmem_shared>>
        %dma_start3A_398 = arith.constant 9600 : i32
        %dma_start3A_399 = arith.constant 0 : i32
        %dma_start3A_400 = tpu.memref_slice %arg9[%dma_start3A_398, %dma_start3A_399] : memref<10000x64xf32, #tpu.memory_space<vmem_shared>> -> memref<128x64xf32, #tpu.memory_space<vmem_shared>>
        %dma_start3A_401 = arith.constant 0 : i32
        %dma_start3A_402 = arith.constant 0 : i32
        %dma_start3A_403 = tpu.memref_slice %arg16[%run_scoped3A_386, %dma_start3A_401, %dma_start3A_402] : memref<3x128x64xf32, #tpu.memory_space<vmem>> -> memref<1x128x64xf32, #tpu.memory_space<vmem>>
        %dma_start3A_404 = tpu.memref_squeeze %dma_start3A_403 : memref<1x128x64xf32, #tpu.memory_space<vmem>> -> memref<128x64xf32, #tpu.memory_space<vmem>>
        tpu.enqueue_dma source(%dma_start3A_404 : memref<128x64xf32, #tpu.memory_space<vmem>>) target(%dma_start3A_400 : memref<128x64xf32, #tpu.memory_space<vmem_shared>>) target_semaphore(%run_scoped3A_390 : memref<!tpu.dma_semaphore, #tpu.memory_space<semaphore_mem>>)
        %dma_wait3A_405 = arith.constant 0 : i32
        %dma_wait3A_406 = arith.constant 0 : i32
        %dma_wait3A_407 = tpu.memref_slice %arg16[%run_scoped3A_386, %dma_wait3A_405, %dma_wait3A_406] : memref<3x128x64xf32, #tpu.memory_space<vmem>> -> memref<1x128x64xf32, #tpu.memory_space<vmem>>
        %dma_wait3A_408 = tpu.memref_squeeze %dma_wait3A_407 : memref<1x128x64xf32, #tpu.memory_space<vmem>> -> memref<128x64xf32, #tpu.memory_space<vmem>>
        %dma_wait3A_409 = arith.constant 9600 : i32
        %dma_wait3A_410 = arith.constant 0 : i32
        %dma_wait3A_411 = tpu.memref_slice %arg9[%dma_wait3A_409, %dma_wait3A_410] : memref<10000x64xf32, #tpu.memory_space<vmem_shared>> -> memref<128x64xf32, #tpu.memory_space<vmem_shared>>
        %dma_wait3A_412 = arith.constant 9600 : i32
        %dma_wait3A_413 = arith.constant 0 : i32
        %dma_wait3A_414 = tpu.memref_slice %arg9[%dma_wait3A_412, %dma_wait3A_413] : memref<10000x64xf32, #tpu.memory_space<vmem_shared>> -> memref<128x64xf32, #tpu.memory_space<vmem_shared>>
        %dma_wait3A_415 = arith.constant 0 : i32
        %dma_wait3A_416 = arith.constant 0 : i32
        %dma_wait3A_417 = tpu.memref_slice %arg16[%run_scoped3A_386, %dma_wait3A_415, %dma_wait3A_416] : memref<3x128x64xf32, #tpu.memory_space<vmem>> -> memref<1x128x64xf32, #tpu.memory_space<vmem>>
        %dma_wait3A_418 = tpu.memref_squeeze %dma_wait3A_417 : memref<1x128x64xf32, #tpu.memory_space<vmem>> -> memref<128x64xf32, #tpu.memory_space<vmem>>
        tpu.wait_dma2 semaphore(%run_scoped3A_390 : memref<!tpu.dma_semaphore, #tpu.memory_space<semaphore_mem>>) src(%dma_wait3A_418 : memref<128x64xf32, #tpu.memory_space<vmem>>) dst(%dma_wait3A_414 : memref<128x64xf32, #tpu.memory_space<vmem_shared>>)
        tpu.yield
      }) : () -> ()
      %run_scoped3A_387 = arith.constant 0 : i32
      "tpu.region"() ({
        %run_scoped3A_390 = tpu.sem_alloc : memref<!tpu.dma_semaphore, #tpu.memory_space<semaphore_mem>>
        %dma_start3A_391 = arith.constant 0 : i32
        %dma_start3A_392 = arith.constant 0 : i32
        %dma_start3A_393 = tpu.memref_slice %arg16[%run_scoped3A_387, %dma_start3A_391, %dma_start3A_392] : memref<3x128x64xf32, #tpu.memory_space<vmem>> -> memref<1x128x64xf32, #tpu.memory_space<vmem>>
        %dma_start3A_394 = tpu.memref_squeeze %dma_start3A_393 : memref<1x128x64xf32, #tpu.memory_space<vmem>> -> memref<128x64xf32, #tpu.memory_space<vmem>>
        %dma_start3A_395 = arith.constant 9728 : i32
        %dma_start3A_396 = arith.constant 0 : i32
        %dma_start3A_397 = tpu.memref_slice %arg9[%dma_start3A_395, %dma_start3A_396] : memref<10000x64xf32, #tpu.memory_space<vmem_shared>> -> memref<128x64xf32, #tpu.memory_space<vmem_shared>>
        %dma_start3A_398 = arith.constant 9728 : i32
        %dma_start3A_399 = arith.constant 0 : i32
        %dma_start3A_400 = tpu.memref_slice %arg9[%dma_start3A_398, %dma_start3A_399] : memref<10000x64xf32, #tpu.memory_space<vmem_shared>> -> memref<128x64xf32, #tpu.memory_space<vmem_shared>>
        %dma_start3A_401 = arith.constant 0 : i32
        %dma_start3A_402 = arith.constant 0 : i32
        %dma_start3A_403 = tpu.memref_slice %arg16[%run_scoped3A_387, %dma_start3A_401, %dma_start3A_402] : memref<3x128x64xf32, #tpu.memory_space<vmem>> -> memref<1x128x64xf32, #tpu.memory_space<vmem>>
        %dma_start3A_404 = tpu.memref_squeeze %dma_start3A_403 : memref<1x128x64xf32, #tpu.memory_space<vmem>> -> memref<128x64xf32, #tpu.memory_space<vmem>>
        tpu.enqueue_dma source(%dma_start3A_404 : memref<128x64xf32, #tpu.memory_space<vmem>>) target(%dma_start3A_400 : memref<128x64xf32, #tpu.memory_space<vmem_shared>>) target_semaphore(%run_scoped3A_390 : memref<!tpu.dma_semaphore, #tpu.memory_space<semaphore_mem>>)
        %dma_wait3A_405 = arith.constant 0 : i32
        %dma_wait3A_406 = arith.constant 0 : i32
        %dma_wait3A_407 = tpu.memref_slice %arg16[%run_scoped3A_387, %dma_wait3A_405, %dma_wait3A_406] : memref<3x128x64xf32, #tpu.memory_space<vmem>> -> memref<1x128x64xf32, #tpu.memory_space<vmem>>
        %dma_wait3A_408 = tpu.memref_squeeze %dma_wait3A_407 : memref<1x128x64xf32, #tpu.memory_space<vmem>> -> memref<128x64xf32, #tpu.memory_space<vmem>>
        %dma_wait3A_409 = arith.constant 9728 : i32
        %dma_wait3A_410 = arith.constant 0 : i32
        %dma_wait3A_411 = tpu.memref_slice %arg9[%dma_wait3A_409, %dma_wait3A_410] : memref<10000x64xf32, #tpu.memory_space<vmem_shared>> -> memref<128x64xf32, #tpu.memory_space<vmem_shared>>
        %dma_wait3A_412 = arith.constant 9728 : i32
        %dma_wait3A_413 = arith.constant 0 : i32
        %dma_wait3A_414 = tpu.memref_slice %arg9[%dma_wait3A_412, %dma_wait3A_413] : memref<10000x64xf32, #tpu.memory_space<vmem_shared>> -> memref<128x64xf32, #tpu.memory_space<vmem_shared>>
        %dma_wait3A_415 = arith.constant 0 : i32
        %dma_wait3A_416 = arith.constant 0 : i32
        %dma_wait3A_417 = tpu.memref_slice %arg16[%run_scoped3A_387, %dma_wait3A_415, %dma_wait3A_416] : memref<3x128x64xf32, #tpu.memory_space<vmem>> -> memref<1x128x64xf32, #tpu.memory_space<vmem>>
        %dma_wait3A_418 = tpu.memref_squeeze %dma_wait3A_417 : memref<1x128x64xf32, #tpu.memory_space<vmem>> -> memref<128x64xf32, #tpu.memory_space<vmem>>
        tpu.wait_dma2 semaphore(%run_scoped3A_390 : memref<!tpu.dma_semaphore, #tpu.memory_space<semaphore_mem>>) src(%dma_wait3A_418 : memref<128x64xf32, #tpu.memory_space<vmem>>) dst(%dma_wait3A_414 : memref<128x64xf32, #tpu.memory_space<vmem_shared>>)
        tpu.yield
      }) : () -> ()
      %run_scoped3A_388 = arith.constant 0 : i32
      "tpu.region"() ({
        %run_scoped3A_390 = tpu.sem_alloc : memref<!tpu.dma_semaphore, #tpu.memory_space<semaphore_mem>>
        %dma_start3A_391 = arith.constant 0 : i32
        %dma_start3A_392 = arith.constant 0 : i32
        %dma_start3A_393 = tpu.memref_slice %arg16[%run_scoped3A_388, %dma_start3A_391, %dma_start3A_392] : memref<3x128x64xf32, #tpu.memory_space<vmem>> -> memref<1x128x64xf32, #tpu.memory_space<vmem>>
        %dma_start3A_394 = tpu.memref_squeeze %dma_start3A_393 : memref<1x128x64xf32, #tpu.memory_space<vmem>> -> memref<128x64xf32, #tpu.memory_space<vmem>>
        %dma_start3A_395 = arith.constant 9856 : i32
        %dma_start3A_396 = arith.constant 0 : i32
        %dma_start3A_397 = tpu.memref_slice %arg9[%dma_start3A_395, %dma_start3A_396] : memref<10000x64xf32, #tpu.memory_space<vmem_shared>> -> memref<128x64xf32, #tpu.memory_space<vmem_shared>>
        %dma_start3A_398 = arith.constant 9856 : i32
        %dma_start3A_399 = arith.constant 0 : i32
        %dma_start3A_400 = tpu.memref_slice %arg9[%dma_start3A_398, %dma_start3A_399] : memref<10000x64xf32, #tpu.memory_space<vmem_shared>> -> memref<128x64xf32, #tpu.memory_space<vmem_shared>>
        %dma_start3A_401 = arith.constant 0 : i32
        %dma_start3A_402 = arith.constant 0 : i32
        %dma_start3A_403 = tpu.memref_slice %arg16[%run_scoped3A_388, %dma_start3A_401, %dma_start3A_402] : memref<3x128x64xf32, #tpu.memory_space<vmem>> -> memref<1x128x64xf32, #tpu.memory_space<vmem>>
        %dma_start3A_404 = tpu.memref_squeeze %dma_start3A_403 : memref<1x128x64xf32, #tpu.memory_space<vmem>> -> memref<128x64xf32, #tpu.memory_space<vmem>>
        tpu.enqueue_dma source(%dma_start3A_404 : memref<128x64xf32, #tpu.memory_space<vmem>>) target(%dma_start3A_400 : memref<128x64xf32, #tpu.memory_space<vmem_shared>>) target_semaphore(%run_scoped3A_390 : memref<!tpu.dma_semaphore, #tpu.memory_space<semaphore_mem>>)
        %dma_wait3A_405 = arith.constant 0 : i32
        %dma_wait3A_406 = arith.constant 0 : i32
        %dma_wait3A_407 = tpu.memref_slice %arg16[%run_scoped3A_388, %dma_wait3A_405, %dma_wait3A_406] : memref<3x128x64xf32, #tpu.memory_space<vmem>> -> memref<1x128x64xf32, #tpu.memory_space<vmem>>
        %dma_wait3A_408 = tpu.memref_squeeze %dma_wait3A_407 : memref<1x128x64xf32, #tpu.memory_space<vmem>> -> memref<128x64xf32, #tpu.memory_space<vmem>>
        %dma_wait3A_409 = arith.constant 9856 : i32
        %dma_wait3A_410 = arith.constant 0 : i32
        %dma_wait3A_411 = tpu.memref_slice %arg9[%dma_wait3A_409, %dma_wait3A_410] : memref<10000x64xf32, #tpu.memory_space<vmem_shared>> -> memref<128x64xf32, #tpu.memory_space<vmem_shared>>
        %dma_wait3A_412 = arith.constant 9856 : i32
        %dma_wait3A_413 = arith.constant 0 : i32
        %dma_wait3A_414 = tpu.memref_slice %arg9[%dma_wait3A_412, %dma_wait3A_413] : memref<10000x64xf32, #tpu.memory_space<vmem_shared>> -> memref<128x64xf32, #tpu.memory_space<vmem_shared>>
        %dma_wait3A_415 = arith.constant 0 : i32
        %dma_wait3A_416 = arith.constant 0 : i32
        %dma_wait3A_417 = tpu.memref_slice %arg16[%run_scoped3A_388, %dma_wait3A_415, %dma_wait3A_416] : memref<3x128x64xf32, #tpu.memory_space<vmem>> -> memref<1x128x64xf32, #tpu.memory_space<vmem>>
        %dma_wait3A_418 = tpu.memref_squeeze %dma_wait3A_417 : memref<1x128x64xf32, #tpu.memory_space<vmem>> -> memref<128x64xf32, #tpu.memory_space<vmem>>
        tpu.wait_dma2 semaphore(%run_scoped3A_390 : memref<!tpu.dma_semaphore, #tpu.memory_space<semaphore_mem>>) src(%dma_wait3A_418 : memref<128x64xf32, #tpu.memory_space<vmem>>) dst(%dma_wait3A_414 : memref<128x64xf32, #tpu.memory_space<vmem_shared>>)
        tpu.yield
      }) : () -> ()
      %run_scoped3A_389 = arith.constant 0 : i32
      "tpu.region"() ({
        %run_scoped3A_390 = tpu.sem_alloc : memref<!tpu.dma_semaphore, #tpu.memory_space<semaphore_mem>>
        %dma_start3A_391 = arith.constant 0 : i32
        %dma_start3A_392 = arith.constant 0 : i32
        %dma_start3A_393 = tpu.memref_slice %arg16[%run_scoped3A_389, %dma_start3A_391, %dma_start3A_392] : memref<3x128x64xf32, #tpu.memory_space<vmem>> -> memref<1x16x64xf32, #tpu.memory_space<vmem>>
        %dma_start3A_394 = tpu.memref_squeeze %dma_start3A_393 : memref<1x16x64xf32, #tpu.memory_space<vmem>> -> memref<16x64xf32, #tpu.memory_space<vmem>>
        %dma_start3A_395 = arith.constant 9984 : i32
        %dma_start3A_396 = arith.constant 0 : i32
        %dma_start3A_397 = tpu.memref_slice %arg9[%dma_start3A_395, %dma_start3A_396] : memref<10000x64xf32, #tpu.memory_space<vmem_shared>> -> memref<16x64xf32, #tpu.memory_space<vmem_shared>>
        %dma_start3A_398 = arith.constant 9984 : i32
        %dma_start3A_399 = arith.constant 0 : i32
        %dma_start3A_400 = tpu.memref_slice %arg9[%dma_start3A_398, %dma_start3A_399] : memref<10000x64xf32, #tpu.memory_space<vmem_shared>> -> memref<16x64xf32, #tpu.memory_space<vmem_shared>>
        %dma_start3A_401 = arith.constant 0 : i32
        %dma_start3A_402 = arith.constant 0 : i32
        %dma_start3A_403 = tpu.memref_slice %arg16[%run_scoped3A_389, %dma_start3A_401, %dma_start3A_402] : memref<3x128x64xf32, #tpu.memory_space<vmem>> -> memref<1x16x64xf32, #tpu.memory_space<vmem>>
        %dma_start3A_404 = tpu.memref_squeeze %dma_start3A_403 : memref<1x16x64xf32, #tpu.memory_space<vmem>> -> memref<16x64xf32, #tpu.memory_space<vmem>>
        tpu.enqueue_dma source(%dma_start3A_404 : memref<16x64xf32, #tpu.memory_space<vmem>>) target(%dma_start3A_400 : memref<16x64xf32, #tpu.memory_space<vmem_shared>>) target_semaphore(%run_scoped3A_390 : memref<!tpu.dma_semaphore, #tpu.memory_space<semaphore_mem>>)
        %dma_wait3A_405 = arith.constant 0 : i32
        %dma_wait3A_406 = arith.constant 0 : i32
        %dma_wait3A_407 = tpu.memref_slice %arg16[%run_scoped3A_389, %dma_wait3A_405, %dma_wait3A_406] : memref<3x128x64xf32, #tpu.memory_space<vmem>> -> memref<1x16x64xf32, #tpu.memory_space<vmem>>
        %dma_wait3A_408 = tpu.memref_squeeze %dma_wait3A_407 : memref<1x16x64xf32, #tpu.memory_space<vmem>> -> memref<16x64xf32, #tpu.memory_space<vmem>>
        %dma_wait3A_409 = arith.constant 9984 : i32
        %dma_wait3A_410 = arith.constant 0 : i32
        %dma_wait3A_411 = tpu.memref_slice %arg9[%dma_wait3A_409, %dma_wait3A_410] : memref<10000x64xf32, #tpu.memory_space<vmem_shared>> -> memref<16x64xf32, #tpu.memory_space<vmem_shared>>
        %dma_wait3A_412 = arith.constant 9984 : i32
        %dma_wait3A_413 = arith.constant 0 : i32
        %dma_wait3A_414 = tpu.memref_slice %arg9[%dma_wait3A_412, %dma_wait3A_413] : memref<10000x64xf32, #tpu.memory_space<vmem_shared>> -> memref<16x64xf32, #tpu.memory_space<vmem_shared>>
        %dma_wait3A_415 = arith.constant 0 : i32
        %dma_wait3A_416 = arith.constant 0 : i32
        %dma_wait3A_417 = tpu.memref_slice %arg16[%run_scoped3A_389, %dma_wait3A_415, %dma_wait3A_416] : memref<3x128x64xf32, #tpu.memory_space<vmem>> -> memref<1x16x64xf32, #tpu.memory_space<vmem>>
        %dma_wait3A_418 = tpu.memref_squeeze %dma_wait3A_417 : memref<1x16x64xf32, #tpu.memory_space<vmem>> -> memref<16x64xf32, #tpu.memory_space<vmem>>
        tpu.wait_dma2 semaphore(%run_scoped3A_390 : memref<!tpu.dma_semaphore, #tpu.memory_space<semaphore_mem>>) src(%dma_wait3A_418 : memref<16x64xf32, #tpu.memory_space<vmem>>) dst(%dma_wait3A_414 : memref<16x64xf32, #tpu.memory_space<vmem_shared>>)
        tpu.yield
      }) : () -> ()
    } else {
    }
    %eq3A_70 = arith.constant 0 : i32
    %eq3A_71 = arith.cmpi eq, %arg0, %eq3A_70 : i32
    %convert_element_type3A_72 = arith.extui %eq3A_71 : i1 to i32
    %cond3A_73 = arith.constant 0 : i32
    %cond3A_74 = arith.cmpi ne, %convert_element_type3A_72, %cond3A_73 : i32
    scf.if %cond3A_74 {
      %lt3A_386 = arith.constant 15 : i32
      %lt3A_387 = arith.cmpi slt, %arg1, %lt3A_386 : i32
      %convert_element_type3A_388 = arith.extui %lt3A_387 : i1 to i32
      %cond3A_389 = arith.constant 0 : i32
      %cond3A_390 = arith.cmpi ne, %convert_element_type3A_388, %cond3A_389 : i32
      scf.if %cond3A_390 {
        %mul3A_396 = arith.constant 640 : i32
        %mul3A_397 = arith.muli %arg1, %mul3A_396 : i32
        %mul3A_398 = arith.constant 640 : i32
        %mul3A_399 = arith.muli %arg1, %mul3A_398 : i32
        "tpu.region"() ({
          %run_scoped3A_400 = tpu.sem_alloc : memref<!tpu.dma_semaphore, #tpu.memory_space<semaphore_mem>>
          %dma_start3A_401 = arith.constant 0 : i32
          %dma_start3A_402 = tpu.memref_slice %arg11[%mul3A_399, %dma_start3A_401] : memref<10000x64xf32, #tpu.memory_space<vmem_shared>> -> memref<640x64xf32, #tpu.memory_space<vmem_shared>>
          %dma_start3A_403 = arith.constant 0 : i32
          %dma_start3A_404 = tpu.memref_slice %arg5[%mul3A_397, %dma_start3A_403] : memref<10000x64xf32, #tpu.memory_space<hbm>> -> memref<640x64xf32, #tpu.memory_space<hbm>>
          tpu.enqueue_dma source(%dma_start3A_404 : memref<640x64xf32, #tpu.memory_space<hbm>>) target(%dma_start3A_402 : memref<640x64xf32, #tpu.memory_space<vmem_shared>>) target_semaphore(%run_scoped3A_400 : memref<!tpu.dma_semaphore, #tpu.memory_space<semaphore_mem>>)
          %dma_wait3A_405 = arith.constant 0 : i32
          %dma_wait3A_406 = tpu.memref_slice %arg11[%mul3A_399, %dma_wait3A_405] : memref<10000x64xf32, #tpu.memory_space<vmem_shared>> -> memref<640x64xf32, #tpu.memory_space<vmem_shared>>
          %dma_wait3A_407 = arith.constant 0 : i32
          %dma_wait3A_408 = tpu.memref_slice %arg5[%mul3A_397, %dma_wait3A_407] : memref<10000x64xf32, #tpu.memory_space<hbm>> -> memref<640x64xf32, #tpu.memory_space<hbm>>
          tpu.wait_dma2 semaphore(%run_scoped3A_400 : memref<!tpu.dma_semaphore, #tpu.memory_space<semaphore_mem>>) src(%dma_wait3A_408 : memref<640x64xf32, #tpu.memory_space<hbm>>) dst(%dma_wait3A_406 : memref<640x64xf32, #tpu.memory_space<vmem_shared>>)
          tpu.yield
        }) : () -> ()
      } else {
      }
      %eq3A_391 = arith.constant 15 : i32
      %eq3A_392 = arith.cmpi eq, %arg1, %eq3A_391 : i32
      %convert_element_type3A_393 = arith.extui %eq3A_392 : i1 to i32
      %cond3A_394 = arith.constant 0 : i32
      %cond3A_395 = arith.cmpi ne, %convert_element_type3A_393, %cond3A_394 : i32
      scf.if %cond3A_395 {
        "tpu.region"() ({
          %run_scoped3A_396 = tpu.sem_alloc : memref<!tpu.dma_semaphore, #tpu.memory_space<semaphore_mem>>
          %dma_start3A_397 = arith.constant 9600 : i32
          %dma_start3A_398 = arith.constant 0 : i32
          %dma_start3A_399 = tpu.memref_slice %arg11[%dma_start3A_397, %dma_start3A_398] : memref<10000x64xf32, #tpu.memory_space<vmem_shared>> -> memref<400x64xf32, #tpu.memory_space<vmem_shared>>
          %dma_start3A_400 = arith.constant 9600 : i32
          %dma_start3A_401 = arith.constant 0 : i32
          %dma_start3A_402 = tpu.memref_slice %arg5[%dma_start3A_400, %dma_start3A_401] : memref<10000x64xf32, #tpu.memory_space<hbm>> -> memref<400x64xf32, #tpu.memory_space<hbm>>
          tpu.enqueue_dma source(%dma_start3A_402 : memref<400x64xf32, #tpu.memory_space<hbm>>) target(%dma_start3A_399 : memref<400x64xf32, #tpu.memory_space<vmem_shared>>) target_semaphore(%run_scoped3A_396 : memref<!tpu.dma_semaphore, #tpu.memory_space<semaphore_mem>>)
          %dma_wait3A_403 = arith.constant 9600 : i32
          %dma_wait3A_404 = arith.constant 0 : i32
          %dma_wait3A_405 = tpu.memref_slice %arg11[%dma_wait3A_403, %dma_wait3A_404] : memref<10000x64xf32, #tpu.memory_space<vmem_shared>> -> memref<400x64xf32, #tpu.memory_space<vmem_shared>>
          %dma_wait3A_406 = arith.constant 9600 : i32
          %dma_wait3A_407 = arith.constant 0 : i32
          %dma_wait3A_408 = tpu.memref_slice %arg5[%dma_wait3A_406, %dma_wait3A_407] : memref<10000x64xf32, #tpu.memory_space<hbm>> -> memref<400x64xf32, #tpu.memory_space<hbm>>
          tpu.wait_dma2 semaphore(%run_scoped3A_396 : memref<!tpu.dma_semaphore, #tpu.memory_space<semaphore_mem>>) src(%dma_wait3A_408 : memref<400x64xf32, #tpu.memory_space<hbm>>) dst(%dma_wait3A_405 : memref<400x64xf32, #tpu.memory_space<vmem_shared>>)
          tpu.yield
        }) : () -> ()
      } else {
      }
    } else {
    }
    %eq3A_75 = arith.constant 1 : i32
    %eq3A_76 = arith.cmpi eq, %arg0, %eq3A_75 : i32
    %convert_element_type3A_77 = arith.extui %eq3A_76 : i1 to i32
    %cond3A_78 = arith.constant 0 : i32
    %cond3A_79 = arith.cmpi ne, %convert_element_type3A_77, %cond3A_78 : i32
    scf.if %cond3A_79 {
      %lt3A_386 = arith.constant 15 : i32
      %lt3A_387 = arith.cmpi slt, %arg1, %lt3A_386 : i32
      %convert_element_type3A_388 = arith.extui %lt3A_387 : i1 to i32
      %cond3A_389 = arith.constant 0 : i32
      %cond3A_390 = arith.cmpi ne, %convert_element_type3A_388, %cond3A_389 : i32
      scf.if %cond3A_390 {
        %mul3A_396 = arith.constant 640 : i32
        %mul3A_397 = arith.muli %arg1, %mul3A_396 : i32
        %mul3A_398 = arith.constant 640 : i32
        %mul3A_399 = arith.muli %arg1, %mul3A_398 : i32
        "tpu.region"() ({
          %run_scoped3A_400 = tpu.sem_alloc : memref<!tpu.dma_semaphore, #tpu.memory_space<semaphore_mem>>
          %dma_start3A_401 = arith.constant 0 : i32
          %dma_start3A_402 = tpu.memref_slice %arg11[%mul3A_399, %dma_start3A_401] : memref<10000x64xf32, #tpu.memory_space<vmem_shared>> -> memref<640x64xf32, #tpu.memory_space<vmem_shared>>
          %dma_start3A_403 = arith.constant 0 : i32
          %dma_start3A_404 = tpu.memref_slice %arg6[%mul3A_397, %dma_start3A_403] : memref<10000x64xf32, #tpu.memory_space<hbm>> -> memref<640x64xf32, #tpu.memory_space<hbm>>
          tpu.enqueue_dma source(%dma_start3A_404 : memref<640x64xf32, #tpu.memory_space<hbm>>) target(%dma_start3A_402 : memref<640x64xf32, #tpu.memory_space<vmem_shared>>) target_semaphore(%run_scoped3A_400 : memref<!tpu.dma_semaphore, #tpu.memory_space<semaphore_mem>>)
          %dma_wait3A_405 = arith.constant 0 : i32
          %dma_wait3A_406 = tpu.memref_slice %arg11[%mul3A_399, %dma_wait3A_405] : memref<10000x64xf32, #tpu.memory_space<vmem_shared>> -> memref<640x64xf32, #tpu.memory_space<vmem_shared>>
          %dma_wait3A_407 = arith.constant 0 : i32
          %dma_wait3A_408 = tpu.memref_slice %arg6[%mul3A_397, %dma_wait3A_407] : memref<10000x64xf32, #tpu.memory_space<hbm>> -> memref<640x64xf32, #tpu.memory_space<hbm>>
          tpu.wait_dma2 semaphore(%run_scoped3A_400 : memref<!tpu.dma_semaphore, #tpu.memory_space<semaphore_mem>>) src(%dma_wait3A_408 : memref<640x64xf32, #tpu.memory_space<hbm>>) dst(%dma_wait3A_406 : memref<640x64xf32, #tpu.memory_space<vmem_shared>>)
          tpu.yield
        }) : () -> ()
      } else {
      }
      %eq3A_391 = arith.constant 15 : i32
      %eq3A_392 = arith.cmpi eq, %arg1, %eq3A_391 : i32
      %convert_element_type3A_393 = arith.extui %eq3A_392 : i1 to i32
      %cond3A_394 = arith.constant 0 : i32
      %cond3A_395 = arith.cmpi ne, %convert_element_type3A_393, %cond3A_394 : i32
      scf.if %cond3A_395 {
        "tpu.region"() ({
          %run_scoped3A_396 = tpu.sem_alloc : memref<!tpu.dma_semaphore, #tpu.memory_space<semaphore_mem>>
          %dma_start3A_397 = arith.constant 9600 : i32
          %dma_start3A_398 = arith.constant 0 : i32
          %dma_start3A_399 = tpu.memref_slice %arg11[%dma_start3A_397, %dma_start3A_398] : memref<10000x64xf32, #tpu.memory_space<vmem_shared>> -> memref<400x64xf32, #tpu.memory_space<vmem_shared>>
          %dma_start3A_400 = arith.constant 9600 : i32
          %dma_start3A_401 = arith.constant 0 : i32
          %dma_start3A_402 = tpu.memref_slice %arg6[%dma_start3A_400, %dma_start3A_401] : memref<10000x64xf32, #tpu.memory_space<hbm>> -> memref<400x64xf32, #tpu.memory_space<hbm>>
          tpu.enqueue_dma source(%dma_start3A_402 : memref<400x64xf32, #tpu.memory_space<hbm>>) target(%dma_start3A_399 : memref<400x64xf32, #tpu.memory_space<vmem_shared>>) target_semaphore(%run_scoped3A_396 : memref<!tpu.dma_semaphore, #tpu.memory_space<semaphore_mem>>)
          %dma_wait3A_403 = arith.constant 9600 : i32
          %dma_wait3A_404 = arith.constant 0 : i32
          %dma_wait3A_405 = tpu.memref_slice %arg11[%dma_wait3A_403, %dma_wait3A_404] : memref<10000x64xf32, #tpu.memory_space<vmem_shared>> -> memref<400x64xf32, #tpu.memory_space<vmem_shared>>
          %dma_wait3A_406 = arith.constant 9600 : i32
          %dma_wait3A_407 = arith.constant 0 : i32
          %dma_wait3A_408 = tpu.memref_slice %arg6[%dma_wait3A_406, %dma_wait3A_407] : memref<10000x64xf32, #tpu.memory_space<hbm>> -> memref<400x64xf32, #tpu.memory_space<hbm>>
          tpu.wait_dma2 semaphore(%run_scoped3A_396 : memref<!tpu.dma_semaphore, #tpu.memory_space<semaphore_mem>>) src(%dma_wait3A_408 : memref<400x64xf32, #tpu.memory_space<hbm>>) dst(%dma_wait3A_405 : memref<400x64xf32, #tpu.memory_space<vmem_shared>>)
          tpu.yield
        }) : () -> ()
      } else {
      }
    } else {
    }
    %barrier3A = arith.constant 0 : index
    tpu.barrier barrier_id(%barrier3A)
    %mul3A_80 = arith.constant 160 : i32
    %mul3A_81 = arith.muli %arg1, %mul3A_80 : i32
    %add3A_82 = arith.constant 0 : i32
    %add3A_83 = arith.addi %mul3A_81, %add3A_82 : i32
    "tpu.region"() ({
      %run_scoped3A_386 = tpu.sem_alloc : memref<!tpu.dma_semaphore, #tpu.memory_space<semaphore_mem>>
      %dma_start3A_387 = arith.constant 0 : i32
      %dma_start3A_388 = tpu.memref_slice %arg3[%add3A_83, %dma_start3A_387] : memref<2560x128xi32, #tpu.memory_space<hbm>> -> memref<40x128xi32, #tpu.memory_space<hbm>>
      %dma_start3A_389 = arith.constant 0 : i32
      %dma_start3A_390 = tpu.memref_slice %arg3[%add3A_83, %dma_start3A_389] : memref<2560x128xi32, #tpu.memory_space<hbm>> -> memref<40x128xi32, #tpu.memory_space<hbm>>
      tpu.enqueue_dma source(%dma_start3A_390 : memref<40x128xi32, #tpu.memory_space<hbm>>) target(%arg12 : memref<40x128xi32, #tpu.memory_space<vmem>>) target_semaphore(%run_scoped3A_386 : memref<!tpu.dma_semaphore, #tpu.memory_space<semaphore_mem>>)
      %dma_wait3A_391 = arith.constant 0 : i32
      %dma_wait3A_392 = tpu.memref_slice %arg3[%add3A_83, %dma_wait3A_391] : memref<2560x128xi32, #tpu.memory_space<hbm>> -> memref<40x128xi32, #tpu.memory_space<hbm>>
      %dma_wait3A_393 = arith.constant 0 : i32
      %dma_wait3A_394 = tpu.memref_slice %arg3[%add3A_83, %dma_wait3A_393] : memref<2560x128xi32, #tpu.memory_space<hbm>> -> memref<40x128xi32, #tpu.memory_space<hbm>>
      tpu.wait_dma2 semaphore(%run_scoped3A_386 : memref<!tpu.dma_semaphore, #tpu.memory_space<semaphore_mem>>) src(%dma_wait3A_394 : memref<40x128xi32, #tpu.memory_space<hbm>>) dst(%arg12 : memref<40x128xi32, #tpu.memory_space<vmem>>)
      tpu.yield
    }) : () -> ()
    "tpu.region"() ({
      %run_scoped3A_386 = tpu.sem_alloc : memref<!tpu.dma_semaphore, #tpu.memory_space<semaphore_mem>>
      %dma_start3A_387 = arith.constant 0 : i32
      %dma_start3A_388 = tpu.memref_slice %arg4[%add3A_83, %dma_start3A_387] : memref<2560x128xf32, #tpu.memory_space<hbm>> -> memref<40x128xf32, #tpu.memory_space<hbm>>
      %dma_start3A_389 = arith.constant 0 : i32
      %dma_start3A_390 = tpu.memref_slice %arg4[%add3A_83, %dma_start3A_389] : memref<2560x128xf32, #tpu.memory_space<hbm>> -> memref<40x128xf32, #tpu.memory_space<hbm>>
      tpu.enqueue_dma source(%dma_start3A_390 : memref<40x128xf32, #tpu.memory_space<hbm>>) target(%arg13 : memref<40x128xf32, #tpu.memory_space<vmem>>) target_semaphore(%run_scoped3A_386 : memref<!tpu.dma_semaphore, #tpu.memory_space<semaphore_mem>>)
      %dma_wait3A_391 = arith.constant 0 : i32
      %dma_wait3A_392 = tpu.memref_slice %arg4[%add3A_83, %dma_wait3A_391] : memref<2560x128xf32, #tpu.memory_space<hbm>> -> memref<40x128xf32, #tpu.memory_space<hbm>>
      %dma_wait3A_393 = arith.constant 0 : i32
      %dma_wait3A_394 = tpu.memref_slice %arg4[%add3A_83, %dma_wait3A_393] : memref<2560x128xf32, #tpu.memory_space<hbm>> -> memref<40x128xf32, #tpu.memory_space<hbm>>
      tpu.wait_dma2 semaphore(%run_scoped3A_386 : memref<!tpu.dma_semaphore, #tpu.memory_space<semaphore_mem>>) src(%dma_wait3A_394 : memref<40x128xf32, #tpu.memory_space<hbm>>) dst(%arg13 : memref<40x128xf32, #tpu.memory_space<vmem>>)
      tpu.yield
    }) : () -> ()
    %scan3A_84 = arith.constant 0 : i32
    %scan3A_85 = arith.constant 0 : i32
    %scan3A_86 = arith.constant 40 : i32
    %scan3A_87 = arith.addi %scan3A_85, %scan3A_86 : i32
    %scan3A_88 = arith.constant 1 : i32
    %scan3A_89 = scf.for %scan3A_386 = %scan3A_85 to %scan3A_87 step %scan3A_88 iter_args(%scan3A_387 = %scan3A_84) -> (i32)  : i32 {
      %dma_start3A_388 = arith.constant 0 : i32
      %dma_start3A_389 = tpu.memref_slice %arg13[%scan3A_386, %dma_start3A_388] : memref<40x128xf32, #tpu.memory_space<vmem>> -> memref<1x128xf32, #tpu.memory_space<vmem>>
      %dma_start3A_390 = tpu.memref_squeeze %dma_start3A_389 : memref<1x128xf32, #tpu.memory_space<vmem>> -> memref<128xf32, #tpu.memory_space<vmem>>
      %dma_start3A_391 = arith.constant 0 : i32
      %dma_start3A_392 = tpu.memref_slice %arg12[%scan3A_386, %dma_start3A_391] : memref<40x128xi32, #tpu.memory_space<vmem>> -> memref<1x128xi32, #tpu.memory_space<vmem>>
      %dma_start3A_393 = tpu.memref_squeeze %dma_start3A_392 : memref<1x128xi32, #tpu.memory_space<vmem>> -> memref<128xi32, #tpu.memory_space<vmem>>
      %dma_start3A_394 = arith.constant 0 : i32
      %dma_start3A_395 = tpu.memref_slice %arg10[%dma_start3A_394] : memref<10240xf32, #tpu.memory_space<vmem_shared>> -> memref<10240xf32, #tpu.memory_space<vmem_shared>>
      tpu.enqueue_indirect_dma source(%dma_start3A_390 : memref<128xf32, #tpu.memory_space<vmem>>) target(%dma_start3A_395 : memref<10240xf32, #tpu.memory_space<vmem_shared>>) offsets(%dma_start3A_393 : memref<128xi32, #tpu.memory_space<vmem>>) semaphore(%arg17 : memref<!tpu.dma_semaphore, #tpu.memory_space<semaphore_mem>>) {add = true}
      %scan3A_396 = arith.constant 0 : i32
      scf.yield %scan3A_396 : i32
    }
    %scan3A_90 = arith.constant 40 : i32
    %scan3A_91 = arith.constant 0 : i32
    %scan3A_92 = arith.constant 0 : i32
    %scan3A_93 = arith.constant 40 : i32
    %scan3A_94 = arith.addi %scan3A_92, %scan3A_93 : i32
    %scan3A_95 = arith.constant 1 : i32
    %scan3A_96 = scf.for %scan3A_386 = %scan3A_92 to %scan3A_94 step %scan3A_95 iter_args(%scan3A_387 = %scan3A_91) -> (i32)  : i32 {
      %dma_wait3A_388 = arith.constant 0 : i32
      %dma_wait3A_389 = arith.constant 0 : i32
      %dma_wait3A_390 = arith.constant 0 : i32
      %dma_wait3A_391 = tpu.memref_slice %arg13[%dma_wait3A_388, %dma_wait3A_390] : memref<40x128xf32, #tpu.memory_space<vmem>> -> memref<1x128xf32, #tpu.memory_space<vmem>>
      %dma_wait3A_392 = tpu.memref_squeeze %dma_wait3A_391 : memref<1x128xf32, #tpu.memory_space<vmem>> -> memref<128xf32, #tpu.memory_space<vmem>>
      %dma_wait3A_393 = arith.constant 0 : i32
      %dma_wait3A_394 = tpu.memref_slice %arg12[%dma_wait3A_389, %dma_wait3A_393] : memref<40x128xi32, #tpu.memory_space<vmem>> -> memref<1x128xi32, #tpu.memory_space<vmem>>
      %dma_wait3A_395 = tpu.memref_squeeze %dma_wait3A_394 : memref<1x128xi32, #tpu.memory_space<vmem>> -> memref<128xi32, #tpu.memory_space<vmem>>
      %dma_wait3A_396 = arith.constant 0 : i32
      %dma_wait3A_397 = tpu.memref_slice %arg10[%dma_wait3A_396] : memref<10240xf32, #tpu.memory_space<vmem_shared>> -> memref<10240xf32, #tpu.memory_space<vmem_shared>>
      tpu.wait_indirect_dma semaphore(%arg17 : memref<!tpu.dma_semaphore, #tpu.memory_space<semaphore_mem>>) src(%dma_wait3A_392 : memref<128xf32, #tpu.memory_space<vmem>>) dst(%dma_wait3A_397 : memref<10240xf32, #tpu.memory_space<vmem_shared>>)
      %scan3A_398 = arith.constant 0 : i32
      scf.yield %scan3A_398 : i32
    }
    %scan3A_97 = arith.constant 40 : i32
    %mul3A_98 = arith.constant 160 : i32
    %mul3A_99 = arith.muli %arg1, %mul3A_98 : i32
    %add3A_100 = arith.constant 40 : i32
    %add3A_101 = arith.addi %mul3A_99, %add3A_100 : i32
    "tpu.region"() ({
      %run_scoped3A_386 = tpu.sem_alloc : memref<!tpu.dma_semaphore, #tpu.memory_space<semaphore_mem>>
      %dma_start3A_387 = arith.constant 0 : i32
      %dma_start3A_388 = tpu.memref_slice %arg3[%add3A_101, %dma_start3A_387] : memref<2560x128xi32, #tpu.memory_space<hbm>> -> memref<40x128xi32, #tpu.memory_space<hbm>>
      %dma_start3A_389 = arith.constant 0 : i32
      %dma_start3A_390 = tpu.memref_slice %arg3[%add3A_101, %dma_start3A_389] : memref<2560x128xi32, #tpu.memory_space<hbm>> -> memref<40x128xi32, #tpu.memory_space<hbm>>
      tpu.enqueue_dma source(%dma_start3A_390 : memref<40x128xi32, #tpu.memory_space<hbm>>) target(%arg12 : memref<40x128xi32, #tpu.memory_space<vmem>>) target_semaphore(%run_scoped3A_386 : memref<!tpu.dma_semaphore, #tpu.memory_space<semaphore_mem>>)
      %dma_wait3A_391 = arith.constant 0 : i32
      %dma_wait3A_392 = tpu.memref_slice %arg3[%add3A_101, %dma_wait3A_391] : memref<2560x128xi32, #tpu.memory_space<hbm>> -> memref<40x128xi32, #tpu.memory_space<hbm>>
      %dma_wait3A_393 = arith.constant 0 : i32
      %dma_wait3A_394 = tpu.memref_slice %arg3[%add3A_101, %dma_wait3A_393] : memref<2560x128xi32, #tpu.memory_space<hbm>> -> memref<40x128xi32, #tpu.memory_space<hbm>>
      tpu.wait_dma2 semaphore(%run_scoped3A_386 : memref<!tpu.dma_semaphore, #tpu.memory_space<semaphore_mem>>) src(%dma_wait3A_394 : memref<40x128xi32, #tpu.memory_space<hbm>>) dst(%arg12 : memref<40x128xi32, #tpu.memory_space<vmem>>)
      tpu.yield
    }) : () -> ()
    "tpu.region"() ({
      %run_scoped3A_386 = tpu.sem_alloc : memref<!tpu.dma_semaphore, #tpu.memory_space<semaphore_mem>>
      %dma_start3A_387 = arith.constant 0 : i32
      %dma_start3A_388 = tpu.memref_slice %arg4[%add3A_101, %dma_start3A_387] : memref<2560x128xf32, #tpu.memory_space<hbm>> -> memref<40x128xf32, #tpu.memory_space<hbm>>
      %dma_start3A_389 = arith.constant 0 : i32
      %dma_start3A_390 = tpu.memref_slice %arg4[%add3A_101, %dma_start3A_389] : memref<2560x128xf32, #tpu.memory_space<hbm>> -> memref<40x128xf32, #tpu.memory_space<hbm>>
      tpu.enqueue_dma source(%dma_start3A_390 : memref<40x128xf32, #tpu.memory_space<hbm>>) target(%arg13 : memref<40x128xf32, #tpu.memory_space<vmem>>) target_semaphore(%run_scoped3A_386 : memref<!tpu.dma_semaphore, #tpu.memory_space<semaphore_mem>>)
      %dma_wait3A_391 = arith.constant 0 : i32
      %dma_wait3A_392 = tpu.memref_slice %arg4[%add3A_101, %dma_wait3A_391] : memref<2560x128xf32, #tpu.memory_space<hbm>> -> memref<40x128xf32, #tpu.memory_space<hbm>>
      %dma_wait3A_393 = arith.constant 0 : i32
      %dma_wait3A_394 = tpu.memref_slice %arg4[%add3A_101, %dma_wait3A_393] : memref<2560x128xf32, #tpu.memory_space<hbm>> -> memref<40x128xf32, #tpu.memory_space<hbm>>
      tpu.wait_dma2 semaphore(%run_scoped3A_386 : memref<!tpu.dma_semaphore, #tpu.memory_space<semaphore_mem>>) src(%dma_wait3A_394 : memref<40x128xf32, #tpu.memory_space<hbm>>) dst(%arg13 : memref<40x128xf32, #tpu.memory_space<vmem>>)
      tpu.yield
    }) : () -> ()
    %scan3A_102 = arith.constant 0 : i32
    %scan3A_103 = arith.constant 0 : i32
    %scan3A_104 = arith.constant 40 : i32
    %scan3A_105 = arith.addi %scan3A_103, %scan3A_104 : i32
    %scan3A_106 = arith.constant 1 : i32
    %scan3A_107 = scf.for %scan3A_386 = %scan3A_103 to %scan3A_105 step %scan3A_106 iter_args(%scan3A_387 = %scan3A_102) -> (i32)  : i32 {
      %dma_start3A_388 = arith.constant 0 : i32
      %dma_start3A_389 = tpu.memref_slice %arg13[%scan3A_386, %dma_start3A_388] : memref<40x128xf32, #tpu.memory_space<vmem>> -> memref<1x128xf32, #tpu.memory_space<vmem>>
      %dma_start3A_390 = tpu.memref_squeeze %dma_start3A_389 : memref<1x128xf32, #tpu.memory_space<vmem>> -> memref<128xf32, #tpu.memory_space<vmem>>
      %dma_start3A_391 = arith.constant 0 : i32
      %dma_start3A_392 = tpu.memref_slice %arg12[%scan3A_386, %dma_start3A_391] : memref<40x128xi32, #tpu.memory_space<vmem>> -> memref<1x128xi32, #tpu.memory_space<vmem>>
      %dma_start3A_393 = tpu.memref_squeeze %dma_start3A_392 : memref<1x128xi32, #tpu.memory_space<vmem>> -> memref<128xi32, #tpu.memory_space<vmem>>
      %dma_start3A_394 = arith.constant 0 : i32
      %dma_start3A_395 = tpu.memref_slice %arg10[%dma_start3A_394] : memref<10240xf32, #tpu.memory_space<vmem_shared>> -> memref<10240xf32, #tpu.memory_space<vmem_shared>>
      tpu.enqueue_indirect_dma source(%dma_start3A_390 : memref<128xf32, #tpu.memory_space<vmem>>) target(%dma_start3A_395 : memref<10240xf32, #tpu.memory_space<vmem_shared>>) offsets(%dma_start3A_393 : memref<128xi32, #tpu.memory_space<vmem>>) semaphore(%arg17 : memref<!tpu.dma_semaphore, #tpu.memory_space<semaphore_mem>>) {add = true}
      %scan3A_396 = arith.constant 0 : i32
      scf.yield %scan3A_396 : i32
    }
    %scan3A_108 = arith.constant 40 : i32
    %scan3A_109 = arith.constant 0 : i32
    %scan3A_110 = arith.constant 0 : i32
    %scan3A_111 = arith.constant 40 : i32
    %scan3A_112 = arith.addi %scan3A_110, %scan3A_111 : i32
    %scan3A_113 = arith.constant 1 : i32
    %scan3A_114 = scf.for %scan3A_386 = %scan3A_110 to %scan3A_112 step %scan3A_113 iter_args(%scan3A_387 = %scan3A_109) -> (i32)  : i32 {
      %dma_wait3A_388 = arith.constant 0 : i32
      %dma_wait3A_389 = arith.constant 0 : i32
      %dma_wait3A_390 = arith.constant 0 : i32
      %dma_wait3A_391 = tpu.memref_slice %arg13[%dma_wait3A_388, %dma_wait3A_390] : memref<40x128xf32, #tpu.memory_space<vmem>> -> memref<1x128xf32, #tpu.memory_space<vmem>>
      %dma_wait3A_392 = tpu.memref_squeeze %dma_wait3A_391 : memref<1x128xf32, #tpu.memory_space<vmem>> -> memref<128xf32, #tpu.memory_space<vmem>>
      %dma_wait3A_393 = arith.constant 0 : i32
      %dma_wait3A_394 = tpu.memref_slice %arg12[%dma_wait3A_389, %dma_wait3A_393] : memref<40x128xi32, #tpu.memory_space<vmem>> -> memref<1x128xi32, #tpu.memory_space<vmem>>
      %dma_wait3A_395 = tpu.memref_squeeze %dma_wait3A_394 : memref<1x128xi32, #tpu.memory_space<vmem>> -> memref<128xi32, #tpu.memory_space<vmem>>
      %dma_wait3A_396 = arith.constant 0 : i32
      %dma_wait3A_397 = tpu.memref_slice %arg10[%dma_wait3A_396] : memref<10240xf32, #tpu.memory_space<vmem_shared>> -> memref<10240xf32, #tpu.memory_space<vmem_shared>>
      tpu.wait_indirect_dma semaphore(%arg17 : memref<!tpu.dma_semaphore, #tpu.memory_space<semaphore_mem>>) src(%dma_wait3A_392 : memref<128xf32, #tpu.memory_space<vmem>>) dst(%dma_wait3A_397 : memref<10240xf32, #tpu.memory_space<vmem_shared>>)
      %scan3A_398 = arith.constant 0 : i32
      scf.yield %scan3A_398 : i32
    }
    %scan3A_115 = arith.constant 40 : i32
    %mul3A_116 = arith.constant 160 : i32
    %mul3A_117 = arith.muli %arg1, %mul3A_116 : i32
    %add3A_118 = arith.constant 80 : i32
    %add3A_119 = arith.addi %mul3A_117, %add3A_118 : i32
    "tpu.region"() ({
      %run_scoped3A_386 = tpu.sem_alloc : memref<!tpu.dma_semaphore, #tpu.memory_space<semaphore_mem>>
      %dma_start3A_387 = arith.constant 0 : i32
      %dma_start3A_388 = tpu.memref_slice %arg3[%add3A_119, %dma_start3A_387] : memref<2560x128xi32, #tpu.memory_space<hbm>> -> memref<40x128xi32, #tpu.memory_space<hbm>>
      %dma_start3A_389 = arith.constant 0 : i32
      %dma_start3A_390 = tpu.memref_slice %arg3[%add3A_119, %dma_start3A_389] : memref<2560x128xi32, #tpu.memory_space<hbm>> -> memref<40x128xi32, #tpu.memory_space<hbm>>
      tpu.enqueue_dma source(%dma_start3A_390 : memref<40x128xi32, #tpu.memory_space<hbm>>) target(%arg12 : memref<40x128xi32, #tpu.memory_space<vmem>>) target_semaphore(%run_scoped3A_386 : memref<!tpu.dma_semaphore, #tpu.memory_space<semaphore_mem>>)
      %dma_wait3A_391 = arith.constant 0 : i32
      %dma_wait3A_392 = tpu.memref_slice %arg3[%add3A_119, %dma_wait3A_391] : memref<2560x128xi32, #tpu.memory_space<hbm>> -> memref<40x128xi32, #tpu.memory_space<hbm>>
      %dma_wait3A_393 = arith.constant 0 : i32
      %dma_wait3A_394 = tpu.memref_slice %arg3[%add3A_119, %dma_wait3A_393] : memref<2560x128xi32, #tpu.memory_space<hbm>> -> memref<40x128xi32, #tpu.memory_space<hbm>>
      tpu.wait_dma2 semaphore(%run_scoped3A_386 : memref<!tpu.dma_semaphore, #tpu.memory_space<semaphore_mem>>) src(%dma_wait3A_394 : memref<40x128xi32, #tpu.memory_space<hbm>>) dst(%arg12 : memref<40x128xi32, #tpu.memory_space<vmem>>)
      tpu.yield
    }) : () -> ()
    "tpu.region"() ({
      %run_scoped3A_386 = tpu.sem_alloc : memref<!tpu.dma_semaphore, #tpu.memory_space<semaphore_mem>>
      %dma_start3A_387 = arith.constant 0 : i32
      %dma_start3A_388 = tpu.memref_slice %arg4[%add3A_119, %dma_start3A_387] : memref<2560x128xf32, #tpu.memory_space<hbm>> -> memref<40x128xf32, #tpu.memory_space<hbm>>
      %dma_start3A_389 = arith.constant 0 : i32
      %dma_start3A_390 = tpu.memref_slice %arg4[%add3A_119, %dma_start3A_389] : memref<2560x128xf32, #tpu.memory_space<hbm>> -> memref<40x128xf32, #tpu.memory_space<hbm>>
      tpu.enqueue_dma source(%dma_start3A_390 : memref<40x128xf32, #tpu.memory_space<hbm>>) target(%arg13 : memref<40x128xf32, #tpu.memory_space<vmem>>) target_semaphore(%run_scoped3A_386 : memref<!tpu.dma_semaphore, #tpu.memory_space<semaphore_mem>>)
      %dma_wait3A_391 = arith.constant 0 : i32
      %dma_wait3A_392 = tpu.memref_slice %arg4[%add3A_119, %dma_wait3A_391] : memref<2560x128xf32, #tpu.memory_space<hbm>> -> memref<40x128xf32, #tpu.memory_space<hbm>>
      %dma_wait3A_393 = arith.constant 0 : i32
      %dma_wait3A_394 = tpu.memref_slice %arg4[%add3A_119, %dma_wait3A_393] : memref<2560x128xf32, #tpu.memory_space<hbm>> -> memref<40x128xf32, #tpu.memory_space<hbm>>
      tpu.wait_dma2 semaphore(%run_scoped3A_386 : memref<!tpu.dma_semaphore, #tpu.memory_space<semaphore_mem>>) src(%dma_wait3A_394 : memref<40x128xf32, #tpu.memory_space<hbm>>) dst(%arg13 : memref<40x128xf32, #tpu.memory_space<vmem>>)
      tpu.yield
    }) : () -> ()
    %scan3A_120 = arith.constant 0 : i32
    %scan3A_121 = arith.constant 0 : i32
    %scan3A_122 = arith.constant 40 : i32
    %scan3A_123 = arith.addi %scan3A_121, %scan3A_122 : i32
    %scan3A_124 = arith.constant 1 : i32
    %scan3A_125 = scf.for %scan3A_386 = %scan3A_121 to %scan3A_123 step %scan3A_124 iter_args(%scan3A_387 = %scan3A_120) -> (i32)  : i32 {
      %dma_start3A_388 = arith.constant 0 : i32
      %dma_start3A_389 = tpu.memref_slice %arg13[%scan3A_386, %dma_start3A_388] : memref<40x128xf32, #tpu.memory_space<vmem>> -> memref<1x128xf32, #tpu.memory_space<vmem>>
      %dma_start3A_390 = tpu.memref_squeeze %dma_start3A_389 : memref<1x128xf32, #tpu.memory_space<vmem>> -> memref<128xf32, #tpu.memory_space<vmem>>
      %dma_start3A_391 = arith.constant 0 : i32
      %dma_start3A_392 = tpu.memref_slice %arg12[%scan3A_386, %dma_start3A_391] : memref<40x128xi32, #tpu.memory_space<vmem>> -> memref<1x128xi32, #tpu.memory_space<vmem>>
      %dma_start3A_393 = tpu.memref_squeeze %dma_start3A_392 : memref<1x128xi32, #tpu.memory_space<vmem>> -> memref<128xi32, #tpu.memory_space<vmem>>
      %dma_start3A_394 = arith.constant 0 : i32
      %dma_start3A_395 = tpu.memref_slice %arg10[%dma_start3A_394] : memref<10240xf32, #tpu.memory_space<vmem_shared>> -> memref<10240xf32, #tpu.memory_space<vmem_shared>>
      tpu.enqueue_indirect_dma source(%dma_start3A_390 : memref<128xf32, #tpu.memory_space<vmem>>) target(%dma_start3A_395 : memref<10240xf32, #tpu.memory_space<vmem_shared>>) offsets(%dma_start3A_393 : memref<128xi32, #tpu.memory_space<vmem>>) semaphore(%arg17 : memref<!tpu.dma_semaphore, #tpu.memory_space<semaphore_mem>>) {add = true}
      %scan3A_396 = arith.constant 0 : i32
      scf.yield %scan3A_396 : i32
    }
    %scan3A_126 = arith.constant 40 : i32
    %scan3A_127 = arith.constant 0 : i32
    %scan3A_128 = arith.constant 0 : i32
    %scan3A_129 = arith.constant 40 : i32
    %scan3A_130 = arith.addi %scan3A_128, %scan3A_129 : i32
    %scan3A_131 = arith.constant 1 : i32
    %scan3A_132 = scf.for %scan3A_386 = %scan3A_128 to %scan3A_130 step %scan3A_131 iter_args(%scan3A_387 = %scan3A_127) -> (i32)  : i32 {
      %dma_wait3A_388 = arith.constant 0 : i32
      %dma_wait3A_389 = arith.constant 0 : i32
      %dma_wait3A_390 = arith.constant 0 : i32
      %dma_wait3A_391 = tpu.memref_slice %arg13[%dma_wait3A_388, %dma_wait3A_390] : memref<40x128xf32, #tpu.memory_space<vmem>> -> memref<1x128xf32, #tpu.memory_space<vmem>>
      %dma_wait3A_392 = tpu.memref_squeeze %dma_wait3A_391 : memref<1x128xf32, #tpu.memory_space<vmem>> -> memref<128xf32, #tpu.memory_space<vmem>>
      %dma_wait3A_393 = arith.constant 0 : i32
      %dma_wait3A_394 = tpu.memref_slice %arg12[%dma_wait3A_389, %dma_wait3A_393] : memref<40x128xi32, #tpu.memory_space<vmem>> -> memref<1x128xi32, #tpu.memory_space<vmem>>
      %dma_wait3A_395 = tpu.memref_squeeze %dma_wait3A_394 : memref<1x128xi32, #tpu.memory_space<vmem>> -> memref<128xi32, #tpu.memory_space<vmem>>
      %dma_wait3A_396 = arith.constant 0 : i32
      %dma_wait3A_397 = tpu.memref_slice %arg10[%dma_wait3A_396] : memref<10240xf32, #tpu.memory_space<vmem_shared>> -> memref<10240xf32, #tpu.memory_space<vmem_shared>>
      tpu.wait_indirect_dma semaphore(%arg17 : memref<!tpu.dma_semaphore, #tpu.memory_space<semaphore_mem>>) src(%dma_wait3A_392 : memref<128xf32, #tpu.memory_space<vmem>>) dst(%dma_wait3A_397 : memref<10240xf32, #tpu.memory_space<vmem_shared>>)
      %scan3A_398 = arith.constant 0 : i32
      scf.yield %scan3A_398 : i32
    }
    %scan3A_133 = arith.constant 40 : i32
    %mul3A_134 = arith.constant 160 : i32
    %mul3A_135 = arith.muli %arg1, %mul3A_134 : i32
    %add3A_136 = arith.constant 120 : i32
    %add3A_137 = arith.addi %mul3A_135, %add3A_136 : i32
    "tpu.region"() ({
      %run_scoped3A_386 = tpu.sem_alloc : memref<!tpu.dma_semaphore, #tpu.memory_space<semaphore_mem>>
      %dma_start3A_387 = arith.constant 0 : i32
      %dma_start3A_388 = tpu.memref_slice %arg3[%add3A_137, %dma_start3A_387] : memref<2560x128xi32, #tpu.memory_space<hbm>> -> memref<40x128xi32, #tpu.memory_space<hbm>>
      %dma_start3A_389 = arith.constant 0 : i32
      %dma_start3A_390 = tpu.memref_slice %arg3[%add3A_137, %dma_start3A_389] : memref<2560x128xi32, #tpu.memory_space<hbm>> -> memref<40x128xi32, #tpu.memory_space<hbm>>
      tpu.enqueue_dma source(%dma_start3A_390 : memref<40x128xi32, #tpu.memory_space<hbm>>) target(%arg12 : memref<40x128xi32, #tpu.memory_space<vmem>>) target_semaphore(%run_scoped3A_386 : memref<!tpu.dma_semaphore, #tpu.memory_space<semaphore_mem>>)
      %dma_wait3A_391 = arith.constant 0 : i32
      %dma_wait3A_392 = tpu.memref_slice %arg3[%add3A_137, %dma_wait3A_391] : memref<2560x128xi32, #tpu.memory_space<hbm>> -> memref<40x128xi32, #tpu.memory_space<hbm>>
      %dma_wait3A_393 = arith.constant 0 : i32
      %dma_wait3A_394 = tpu.memref_slice %arg3[%add3A_137, %dma_wait3A_393] : memref<2560x128xi32, #tpu.memory_space<hbm>> -> memref<40x128xi32, #tpu.memory_space<hbm>>
      tpu.wait_dma2 semaphore(%run_scoped3A_386 : memref<!tpu.dma_semaphore, #tpu.memory_space<semaphore_mem>>) src(%dma_wait3A_394 : memref<40x128xi32, #tpu.memory_space<hbm>>) dst(%arg12 : memref<40x128xi32, #tpu.memory_space<vmem>>)
      tpu.yield
    }) : () -> ()
    "tpu.region"() ({
      %run_scoped3A_386 = tpu.sem_alloc : memref<!tpu.dma_semaphore, #tpu.memory_space<semaphore_mem>>
      %dma_start3A_387 = arith.constant 0 : i32
      %dma_start3A_388 = tpu.memref_slice %arg4[%add3A_137, %dma_start3A_387] : memref<2560x128xf32, #tpu.memory_space<hbm>> -> memref<40x128xf32, #tpu.memory_space<hbm>>
      %dma_start3A_389 = arith.constant 0 : i32
      %dma_start3A_390 = tpu.memref_slice %arg4[%add3A_137, %dma_start3A_389] : memref<2560x128xf32, #tpu.memory_space<hbm>> -> memref<40x128xf32, #tpu.memory_space<hbm>>
      tpu.enqueue_dma source(%dma_start3A_390 : memref<40x128xf32, #tpu.memory_space<hbm>>) target(%arg13 : memref<40x128xf32, #tpu.memory_space<vmem>>) target_semaphore(%run_scoped3A_386 : memref<!tpu.dma_semaphore, #tpu.memory_space<semaphore_mem>>)
      %dma_wait3A_391 = arith.constant 0 : i32
      %dma_wait3A_392 = tpu.memref_slice %arg4[%add3A_137, %dma_wait3A_391] : memref<2560x128xf32, #tpu.memory_space<hbm>> -> memref<40x128xf32, #tpu.memory_space<hbm>>
      %dma_wait3A_393 = arith.constant 0 : i32
      %dma_wait3A_394 = tpu.memref_slice %arg4[%add3A_137, %dma_wait3A_393] : memref<2560x128xf32, #tpu.memory_space<hbm>> -> memref<40x128xf32, #tpu.memory_space<hbm>>
      tpu.wait_dma2 semaphore(%run_scoped3A_386 : memref<!tpu.dma_semaphore, #tpu.memory_space<semaphore_mem>>) src(%dma_wait3A_394 : memref<40x128xf32, #tpu.memory_space<hbm>>) dst(%arg13 : memref<40x128xf32, #tpu.memory_space<vmem>>)
      tpu.yield
    }) : () -> ()
    %scan3A_138 = arith.constant 0 : i32
    %scan3A_139 = arith.constant 0 : i32
    %scan3A_140 = arith.constant 40 : i32
    %scan3A_141 = arith.addi %scan3A_139, %scan3A_140 : i32
    %scan3A_142 = arith.constant 1 : i32
    %scan3A_143 = scf.for %scan3A_386 = %scan3A_139 to %scan3A_141 step %scan3A_142 iter_args(%scan3A_387 = %scan3A_138) -> (i32)  : i32 {
      %dma_start3A_388 = arith.constant 0 : i32
      %dma_start3A_389 = tpu.memref_slice %arg13[%scan3A_386, %dma_start3A_388] : memref<40x128xf32, #tpu.memory_space<vmem>> -> memref<1x128xf32, #tpu.memory_space<vmem>>
      %dma_start3A_390 = tpu.memref_squeeze %dma_start3A_389 : memref<1x128xf32, #tpu.memory_space<vmem>> -> memref<128xf32, #tpu.memory_space<vmem>>
      %dma_start3A_391 = arith.constant 0 : i32
      %dma_start3A_392 = tpu.memref_slice %arg12[%scan3A_386, %dma_start3A_391] : memref<40x128xi32, #tpu.memory_space<vmem>> -> memref<1x128xi32, #tpu.memory_space<vmem>>
      %dma_start3A_393 = tpu.memref_squeeze %dma_start3A_392 : memref<1x128xi32, #tpu.memory_space<vmem>> -> memref<128xi32, #tpu.memory_space<vmem>>
      %dma_start3A_394 = arith.constant 0 : i32
      %dma_start3A_395 = tpu.memref_slice %arg10[%dma_start3A_394] : memref<10240xf32, #tpu.memory_space<vmem_shared>> -> memref<10240xf32, #tpu.memory_space<vmem_shared>>
      tpu.enqueue_indirect_dma source(%dma_start3A_390 : memref<128xf32, #tpu.memory_space<vmem>>) target(%dma_start3A_395 : memref<10240xf32, #tpu.memory_space<vmem_shared>>) offsets(%dma_start3A_393 : memref<128xi32, #tpu.memory_space<vmem>>) semaphore(%arg17 : memref<!tpu.dma_semaphore, #tpu.memory_space<semaphore_mem>>) {add = true}
      %scan3A_396 = arith.constant 0 : i32
      scf.yield %scan3A_396 : i32
    }
    %scan3A_144 = arith.constant 40 : i32
    %scan3A_145 = arith.constant 0 : i32
    %scan3A_146 = arith.constant 0 : i32
    %scan3A_147 = arith.constant 40 : i32
    %scan3A_148 = arith.addi %scan3A_146, %scan3A_147 : i32
    %scan3A_149 = arith.constant 1 : i32
    %scan3A_150 = scf.for %scan3A_386 = %scan3A_146 to %scan3A_148 step %scan3A_149 iter_args(%scan3A_387 = %scan3A_145) -> (i32)  : i32 {
      %dma_wait3A_388 = arith.constant 0 : i32
      %dma_wait3A_389 = arith.constant 0 : i32
      %dma_wait3A_390 = arith.constant 0 : i32
      %dma_wait3A_391 = tpu.memref_slice %arg13[%dma_wait3A_388, %dma_wait3A_390] : memref<40x128xf32, #tpu.memory_space<vmem>> -> memref<1x128xf32, #tpu.memory_space<vmem>>
      %dma_wait3A_392 = tpu.memref_squeeze %dma_wait3A_391 : memref<1x128xf32, #tpu.memory_space<vmem>> -> memref<128xf32, #tpu.memory_space<vmem>>
      %dma_wait3A_393 = arith.constant 0 : i32
      %dma_wait3A_394 = tpu.memref_slice %arg12[%dma_wait3A_389, %dma_wait3A_393] : memref<40x128xi32, #tpu.memory_space<vmem>> -> memref<1x128xi32, #tpu.memory_space<vmem>>
      %dma_wait3A_395 = tpu.memref_squeeze %dma_wait3A_394 : memref<1x128xi32, #tpu.memory_space<vmem>> -> memref<128xi32, #tpu.memory_space<vmem>>
      %dma_wait3A_396 = arith.constant 0 : i32
      %dma_wait3A_397 = tpu.memref_slice %arg10[%dma_wait3A_396] : memref<10240xf32, #tpu.memory_space<vmem_shared>> -> memref<10240xf32, #tpu.memory_space<vmem_shared>>
      tpu.wait_indirect_dma semaphore(%arg17 : memref<!tpu.dma_semaphore, #tpu.memory_space<semaphore_mem>>) src(%dma_wait3A_392 : memref<128xf32, #tpu.memory_space<vmem>>) dst(%dma_wait3A_397 : memref<10240xf32, #tpu.memory_space<vmem_shared>>)
      %scan3A_398 = arith.constant 0 : i32
      scf.yield %scan3A_398 : i32
    }
    %scan3A_151 = arith.constant 40 : i32
    %barrier3A_152 = arith.constant 0 : index
    tpu.barrier barrier_id(%barrier3A_152)
    "tpu.region"() ({
      %run_scoped3A_386 = tpu.sem_alloc : memref<!tpu.dma_semaphore, #tpu.memory_space<semaphore_mem>>
      %dma_start3A_387 = arith.constant 0 : i32
      %dma_start3A_388 = tpu.memref_slice %arg10[%dma_start3A_387] : memref<10240xf32, #tpu.memory_space<vmem_shared>> -> memref<10000xf32, #tpu.memory_space<vmem_shared>>
      %dma_start3A_389 = arith.constant 0 : i32
      %dma_start3A_390 = tpu.memref_slice %arg10[%dma_start3A_389] : memref<10240xf32, #tpu.memory_space<vmem_shared>> -> memref<10000xf32, #tpu.memory_space<vmem_shared>>
      tpu.enqueue_dma source(%dma_start3A_390 : memref<10000xf32, #tpu.memory_space<vmem_shared>>) target(%arg15 : memref<10000xf32, #tpu.memory_space<vmem>>) target_semaphore(%run_scoped3A_386 : memref<!tpu.dma_semaphore, #tpu.memory_space<semaphore_mem>>)
      %dma_wait3A_391 = arith.constant 0 : i32
      %dma_wait3A_392 = tpu.memref_slice %arg10[%dma_wait3A_391] : memref<10240xf32, #tpu.memory_space<vmem_shared>> -> memref<10000xf32, #tpu.memory_space<vmem_shared>>
      %dma_wait3A_393 = arith.constant 0 : i32
      %dma_wait3A_394 = tpu.memref_slice %arg10[%dma_wait3A_393] : memref<10240xf32, #tpu.memory_space<vmem_shared>> -> memref<10000xf32, #tpu.memory_space<vmem_shared>>
      tpu.wait_dma2 semaphore(%run_scoped3A_386 : memref<!tpu.dma_semaphore, #tpu.memory_space<semaphore_mem>>) src(%dma_wait3A_394 : memref<10000xf32, #tpu.memory_space<vmem_shared>>) dst(%arg15 : memref<10000xf32, #tpu.memory_space<vmem>>)
      tpu.yield
    }) : () -> ()
    %broadcast_in_dim3A_153 = arith.constant 1597463007 : i32
    %broadcast_in_dim3A_154 = vector.broadcast %broadcast_in_dim3A_153 : i32 to vector<16xi32>
    %scan3A_155 = arith.constant 0 : i32
    %scan3A_156 = arith.constant 0 : i32
    %scan3A_157 = arith.constant 625 : i32
    %scan3A_158 = arith.addi %scan3A_156, %scan3A_157 : i32
    %scan3A_159 = arith.constant 1 : i32
    %scan3A_160 = scf.for %scan3A_386 = %scan3A_156 to %scan3A_158 step %scan3A_159 iter_args(%scan3A_387 = %scan3A_155) -> (i32)  : i32 {
      %mul3A_388 = arith.constant 16 : i32
      %mul3A_389 = arith.muli %scan3A_386, %mul3A_388 : i32
      %get3A = arith.index_cast %mul3A_389 : i32 to index
      %get3A_390 = tpu.vector_load %arg15[%get3A] {strides = array<i32>} : memref<10000xf32, #tpu.memory_space<vmem>>, vector<16xf32>,
      %add3A_391 = arith.constant 1.000000e+00 : f32
      %add3A_392 = vector.broadcast %add3A_391 : f32 to vector<16xf32>
      %add3A_393 = arith.addf %get3A_390, %add3A_392 : vector<16xf32>
      %bitcast_convert_type3A = tpu.bitcast %add3A_393 : vector<16xf32> -> vector<16xi32>
      %shift_right_logical3A = arith.constant 1 : i32
      %shift_right_logical3A_394 = vector.broadcast %shift_right_logical3A : i32 to vector<16xi32>
      %shift_right_logical3A_395 = arith.shrui %bitcast_convert_type3A, %shift_right_logical3A_394 : vector<16xi32>
      %sub3A = arith.subi %broadcast_in_dim3A_154, %shift_right_logical3A_395 : vector<16xi32>
      %bitcast_convert_type3A_396 = tpu.bitcast %sub3A : vector<16xi32> -> vector<16xf32>
      %mul3A_397 = arith.constant -5.000000e-01 : f32
      %mul3A_398 = vector.broadcast %mul3A_397 : f32 to vector<16xf32>
      %mul3A_399 = arith.mulf %add3A_393, %mul3A_398 : vector<16xf32>
      %mul3A_400 = arith.mulf %mul3A_399, %bitcast_convert_type3A_396 : vector<16xf32>
      %mul3A_401 = arith.mulf %mul3A_400, %bitcast_convert_type3A_396 : vector<16xf32>
      %add3A_402 = arith.constant 1.500000e+00 : f32
      %add3A_403 = vector.broadcast %add3A_402 : f32 to vector<16xf32>
      %add3A_404 = arith.addf %mul3A_401, %add3A_403 : vector<16xf32>
      %mul3A_405 = arith.mulf %bitcast_convert_type3A_396, %add3A_404 : vector<16xf32>
      %mul3A_406 = arith.mulf %mul3A_399, %mul3A_405 : vector<16xf32>
      %mul3A_407 = arith.mulf %mul3A_406, %mul3A_405 : vector<16xf32>
      %add3A_408 = arith.constant 1.500000e+00 : f32
      %add3A_409 = vector.broadcast %add3A_408 : f32 to vector<16xf32>
      %add3A_410 = arith.addf %mul3A_407, %add3A_409 : vector<16xf32>
      %mul3A_411 = arith.mulf %mul3A_405, %add3A_410 : vector<16xf32>
      %mul3A_412 = arith.mulf %mul3A_399, %mul3A_411 : vector<16xf32>
      %mul3A_413 = arith.mulf %mul3A_412, %mul3A_411 : vector<16xf32>
      %add3A_414 = arith.constant 1.500000e+00 : f32
      %add3A_415 = vector.broadcast %add3A_414 : f32 to vector<16xf32>
      %add3A_416 = arith.addf %mul3A_413, %add3A_415 : vector<16xf32>
      %mul3A_417 = arith.mulf %mul3A_411, %add3A_416 : vector<16xf32>
      %mul3A_418 = arith.constant 16 : i32
      %mul3A_419 = arith.muli %scan3A_386, %mul3A_418 : i32
      %swap3A = arith.index_cast %mul3A_419 : i32 to index
      %swap3A_420 = tpu.vector_load %arg15[%swap3A] {strides = array<i32>} : memref<10000xf32, #tpu.memory_space<vmem>>, vector<16xf32>,
      tpu.vector_store %arg15[%swap3A], %mul3A_417 {strides = array<i32>} : memref<10000xf32, #tpu.memory_space<vmem>>, vector<16xf32>,
      %scan3A_421 = arith.constant 0 : i32
      scf.yield %scan3A_421 : i32
    }
    %scan3A_161 = arith.constant 625 : i32
    %broadcast_in_dim3A_162 = arith.constant 0 : i32
    %broadcast_in_dim3A_163 = vector.broadcast %broadcast_in_dim3A_162 : i32 to vector<16xi32>
    %mul3A_164 = arith.constant 160 : i32
    %mul3A_165 = arith.muli %arg1, %mul3A_164 : i32
    %add3A_166 = arith.constant 0 : i32
    %add3A_167 = arith.addi %mul3A_165, %add3A_166 : i32
    "tpu.region"() ({
      %run_scoped3A_386 = tpu.sem_alloc : memref<!tpu.dma_semaphore, #tpu.memory_space<semaphore_mem>>
      %dma_start3A_387 = arith.constant 0 : i32
      %dma_start3A_388 = tpu.memref_slice %arg2[%add3A_167, %dma_start3A_387] : memref<2560x128xi32, #tpu.memory_space<hbm>> -> memref<40x128xi32, #tpu.memory_space<hbm>>
      %dma_start3A_389 = arith.constant 0 : i32
      %dma_start3A_390 = tpu.memref_slice %arg2[%add3A_167, %dma_start3A_389] : memref<2560x128xi32, #tpu.memory_space<hbm>> -> memref<40x128xi32, #tpu.memory_space<hbm>>
      tpu.enqueue_dma source(%dma_start3A_390 : memref<40x128xi32, #tpu.memory_space<hbm>>) target(%arg14 : memref<40x128xi32, #tpu.memory_space<vmem>>) target_semaphore(%run_scoped3A_386 : memref<!tpu.dma_semaphore, #tpu.memory_space<semaphore_mem>>)
      %dma_wait3A_391 = arith.constant 0 : i32
      %dma_wait3A_392 = tpu.memref_slice %arg2[%add3A_167, %dma_wait3A_391] : memref<2560x128xi32, #tpu.memory_space<hbm>> -> memref<40x128xi32, #tpu.memory_space<hbm>>
      %dma_wait3A_393 = arith.constant 0 : i32
      %dma_wait3A_394 = tpu.memref_slice %arg2[%add3A_167, %dma_wait3A_393] : memref<2560x128xi32, #tpu.memory_space<hbm>> -> memref<40x128xi32, #tpu.memory_space<hbm>>
      tpu.wait_dma2 semaphore(%run_scoped3A_386 : memref<!tpu.dma_semaphore, #tpu.memory_space<semaphore_mem>>) src(%dma_wait3A_394 : memref<40x128xi32, #tpu.memory_space<hbm>>) dst(%arg14 : memref<40x128xi32, #tpu.memory_space<vmem>>)
      tpu.yield
    }) : () -> ()
    "tpu.region"() ({
      %run_scoped3A_386 = tpu.sem_alloc : memref<!tpu.dma_semaphore, #tpu.memory_space<semaphore_mem>>
      %dma_start3A_387 = arith.constant 0 : i32
      %dma_start3A_388 = tpu.memref_slice %arg3[%add3A_167, %dma_start3A_387] : memref<2560x128xi32, #tpu.memory_space<hbm>> -> memref<40x128xi32, #tpu.memory_space<hbm>>
      %dma_start3A_389 = arith.constant 0 : i32
      %dma_start3A_390 = tpu.memref_slice %arg3[%add3A_167, %dma_start3A_389] : memref<2560x128xi32, #tpu.memory_space<hbm>> -> memref<40x128xi32, #tpu.memory_space<hbm>>
      tpu.enqueue_dma source(%dma_start3A_390 : memref<40x128xi32, #tpu.memory_space<hbm>>) target(%arg12 : memref<40x128xi32, #tpu.memory_space<vmem>>) target_semaphore(%run_scoped3A_386 : memref<!tpu.dma_semaphore, #tpu.memory_space<semaphore_mem>>)
      %dma_wait3A_391 = arith.constant 0 : i32
      %dma_wait3A_392 = tpu.memref_slice %arg3[%add3A_167, %dma_wait3A_391] : memref<2560x128xi32, #tpu.memory_space<hbm>> -> memref<40x128xi32, #tpu.memory_space<hbm>>
      %dma_wait3A_393 = arith.constant 0 : i32
      %dma_wait3A_394 = tpu.memref_slice %arg3[%add3A_167, %dma_wait3A_393] : memref<2560x128xi32, #tpu.memory_space<hbm>> -> memref<40x128xi32, #tpu.memory_space<hbm>>
      tpu.wait_dma2 semaphore(%run_scoped3A_386 : memref<!tpu.dma_semaphore, #tpu.memory_space<semaphore_mem>>) src(%dma_wait3A_394 : memref<40x128xi32, #tpu.memory_space<hbm>>) dst(%arg12 : memref<40x128xi32, #tpu.memory_space<vmem>>)
      tpu.yield
    }) : () -> ()
    "tpu.region"() ({
      %run_scoped3A_386 = tpu.sem_alloc : memref<!tpu.dma_semaphore, #tpu.memory_space<semaphore_mem>>
      %dma_start3A_387 = arith.constant 0 : i32
      %dma_start3A_388 = tpu.memref_slice %arg4[%add3A_167, %dma_start3A_387] : memref<2560x128xf32, #tpu.memory_space<hbm>> -> memref<40x128xf32, #tpu.memory_space<hbm>>
      %dma_start3A_389 = arith.constant 0 : i32
      %dma_start3A_390 = tpu.memref_slice %arg4[%add3A_167, %dma_start3A_389] : memref<2560x128xf32, #tpu.memory_space<hbm>> -> memref<40x128xf32, #tpu.memory_space<hbm>>
      tpu.enqueue_dma source(%dma_start3A_390 : memref<40x128xf32, #tpu.memory_space<hbm>>) target(%arg13 : memref<40x128xf32, #tpu.memory_space<vmem>>) target_semaphore(%run_scoped3A_386 : memref<!tpu.dma_semaphore, #tpu.memory_space<semaphore_mem>>)
      %dma_wait3A_391 = arith.constant 0 : i32
      %dma_wait3A_392 = tpu.memref_slice %arg4[%add3A_167, %dma_wait3A_391] : memref<2560x128xf32, #tpu.memory_space<hbm>> -> memref<40x128xf32, #tpu.memory_space<hbm>>
      %dma_wait3A_393 = arith.constant 0 : i32
      %dma_wait3A_394 = tpu.memref_slice %arg4[%add3A_167, %dma_wait3A_393] : memref<2560x128xf32, #tpu.memory_space<hbm>> -> memref<40x128xf32, #tpu.memory_space<hbm>>
      tpu.wait_dma2 semaphore(%run_scoped3A_386 : memref<!tpu.dma_semaphore, #tpu.memory_space<semaphore_mem>>) src(%dma_wait3A_394 : memref<40x128xf32, #tpu.memory_space<hbm>>) dst(%arg13 : memref<40x128xf32, #tpu.memory_space<vmem>>)
      tpu.yield
    }) : () -> ()
    %parallel_loop3A = arith.constant 0 : i32
    %parallel_loop3A_168 = arith.constant 320 : i32
    %parallel_loop3A_169 = arith.constant 1 : i32
    scf.for %parallel_loop3A_386 = %parallel_loop3A to %parallel_loop3A_168 step %parallel_loop3A_169  : i32 {
      %parallel_loop3A_387 = arith.constant 8 : i32
      %parallel_loop3A_388 = arith.divsi %parallel_loop3A_386, %parallel_loop3A_387 : i32
      %parallel_loop3A_389 = arith.constant 0 : i32
      %parallel_loop3A_390 = arith.cmpi sgt, %parallel_loop3A_386, %parallel_loop3A_389 : i32
      %parallel_loop3A_391 = arith.extui %parallel_loop3A_390 : i1 to i32
      %parallel_loop3A_392 = arith.constant 0 : i32
      %parallel_loop3A_393 = arith.cmpi slt, %parallel_loop3A_386, %parallel_loop3A_392 : i32
      %parallel_loop3A_394 = arith.extui %parallel_loop3A_393 : i1 to i32
      %parallel_loop3A_395 = arith.subi %parallel_loop3A_391, %parallel_loop3A_394 : i32
      %parallel_loop3A_396 = arith.constant 0 : i32
      %parallel_loop3A_397 = arith.cmpi sgt, %parallel_loop3A_387, %parallel_loop3A_396 : i32
      %parallel_loop3A_398 = arith.extui %parallel_loop3A_397 : i1 to i32
      %parallel_loop3A_399 = arith.constant 0 : i32
      %parallel_loop3A_400 = arith.cmpi slt, %parallel_loop3A_387, %parallel_loop3A_399 : i32
      %parallel_loop3A_401 = arith.extui %parallel_loop3A_400 : i1 to i32
      %parallel_loop3A_402 = arith.subi %parallel_loop3A_398, %parallel_loop3A_401 : i32
      %parallel_loop3A_403 = arith.cmpi ne, %parallel_loop3A_395, %parallel_loop3A_402 : i32
      %parallel_loop3A_404 = arith.remsi %parallel_loop3A_386, %parallel_loop3A_387 : i32
      %parallel_loop3A_405 = arith.constant 0 : i32
      %parallel_loop3A_406 = arith.cmpi ne, %parallel_loop3A_404, %parallel_loop3A_405 : i32
      %parallel_loop3A_407 = arith.andi %parallel_loop3A_403, %parallel_loop3A_406 : i1
      %parallel_loop3A_408 = arith.constant 1 : i32
      %parallel_loop3A_409 = arith.subi %parallel_loop3A_388, %parallel_loop3A_408 : i32
      %parallel_loop3A_410 = arith.select %parallel_loop3A_407, %parallel_loop3A_409, %parallel_loop3A_388 : i32
      %parallel_loop3A_411 = arith.constant 8 : i32
      %parallel_loop3A_412 = arith.constant 0 : i32
      %parallel_loop3A_413 = arith.cmpi eq, %parallel_loop3A_411, %parallel_loop3A_412 : i32
      %parallel_loop3A_414 = arith.constant 1 : i32
      %parallel_loop3A_415 = arith.select %parallel_loop3A_413, %parallel_loop3A_414, %parallel_loop3A_411 : i32
      %parallel_loop3A_416 = arith.remsi %parallel_loop3A_386, %parallel_loop3A_415 : i32
      %parallel_loop3A_417 = arith.constant 0 : i32
      %parallel_loop3A_418 = arith.cmpi ne, %parallel_loop3A_416, %parallel_loop3A_417 : i32
      %parallel_loop3A_419 = arith.constant 0 : i32
      %parallel_loop3A_420 = arith.cmpi slt, %parallel_loop3A_416, %parallel_loop3A_419 : i32
      %parallel_loop3A_421 = arith.constant 0 : i32
      %parallel_loop3A_422 = arith.cmpi slt, %parallel_loop3A_415, %parallel_loop3A_421 : i32
      %parallel_loop3A_423 = arith.xori %parallel_loop3A_420, %parallel_loop3A_422 : i1
      %parallel_loop3A_424 = arith.andi %parallel_loop3A_423, %parallel_loop3A_418 : i1
      %parallel_loop3A_425 = arith.addi %parallel_loop3A_416, %parallel_loop3A_415 : i32
      %parallel_loop3A_426 = arith.select %parallel_loop3A_424, %parallel_loop3A_425, %parallel_loop3A_416 : i32
      %parallel_loop3A_427 = arith.constant 16 : i32
      %parallel_loop3A_428 = arith.muli %parallel_loop3A_426, %parallel_loop3A_427 : i32
      %parallel_loop3A_429 = arith.index_cast %parallel_loop3A_410 : i32 to index
      %parallel_loop3A_430 = arith.index_cast %parallel_loop3A_428 : i32 to index
      %parallel_loop3A_431 = tpu.vector_load %arg14[%parallel_loop3A_429, %parallel_loop3A_430] {strides = array<i32>} : memref<40x128xi32, #tpu.memory_space<vmem>>, vector<16xi32>,
      %parallel_loop3A_432 = arith.constant 16 : i32
      %parallel_loop3A_433 = arith.muli %parallel_loop3A_426, %parallel_loop3A_432 : i32
      %parallel_loop3A_434 = arith.index_cast %parallel_loop3A_410 : i32 to index
      %parallel_loop3A_435 = arith.index_cast %parallel_loop3A_433 : i32 to index
      %parallel_loop3A_436 = tpu.vector_load %arg13[%parallel_loop3A_434, %parallel_loop3A_435] {strides = array<i32>} : memref<40x128xf32, #tpu.memory_space<vmem>>, vector<16xf32>,
      %parallel_loop3A_437 = tpu.vector_load_idx %arg15[%parallel_loop3A_431] : memref<10000xf32, #tpu.memory_space<vmem>>[vector<16xi32>], vector<16xf32>,
      %parallel_loop3A_438 = arith.mulf %parallel_loop3A_437, %parallel_loop3A_436 : vector<16xf32>
      %parallel_loop3A_439 = arith.constant 16 : i32
      %parallel_loop3A_440 = arith.muli %parallel_loop3A_426, %parallel_loop3A_439 : i32
      %parallel_loop3A_441 = arith.index_cast %parallel_loop3A_410 : i32 to index
      %parallel_loop3A_442 = arith.index_cast %parallel_loop3A_440 : i32 to index
      %parallel_loop3A_443 = tpu.vector_load %arg13[%parallel_loop3A_441, %parallel_loop3A_442] {strides = array<i32>} : memref<40x128xf32, #tpu.memory_space<vmem>>, vector<16xf32>,
      tpu.vector_store %arg13[%parallel_loop3A_441, %parallel_loop3A_442], %parallel_loop3A_438 {strides = array<i32>} : memref<40x128xf32, #tpu.memory_space<vmem>>, vector<16xf32>,
    } {sc.loop_unroll_factor = 4 : i64, sc.parallel_access}
    %dma_start3A = arith.constant 0 : i32
    %dma_start3A_170 = arith.constant 0 : i32
    %dma_start3A_171 = arith.constant 0 : i32
    %dma_start3A_172 = arith.constant 0 : i32
    %dma_start3A_173 = tpu.memref_slice %arg16[%dma_start3A_170, %dma_start3A_171, %dma_start3A_172] : memref<3x128x64xf32, #tpu.memory_space<vmem>> -> memref<1x128x64xf32, #tpu.memory_space<vmem>>
    %dma_start3A_174 = tpu.memref_squeeze %dma_start3A_173 : memref<1x128x64xf32, #tpu.memory_space<vmem>> -> memref<128x64xf32, #tpu.memory_space<vmem>>
    %dma_start3A_175 = arith.constant 0 : i32
    %dma_start3A_176 = tpu.memref_slice %arg14[%dma_start3A, %dma_start3A_175] : memref<40x128xi32, #tpu.memory_space<vmem>> -> memref<1x128xi32, #tpu.memory_space<vmem>>
    %dma_start3A_177 = tpu.memref_squeeze %dma_start3A_176 : memref<1x128xi32, #tpu.memory_space<vmem>> -> memref<128xi32, #tpu.memory_space<vmem>>
    %dma_start3A_178 = arith.constant 0 : i32
    %dma_start3A_179 = arith.constant 0 : i32
    %dma_start3A_180 = tpu.memref_slice %arg11[%dma_start3A_178, %dma_start3A_179] : memref<10000x64xf32, #tpu.memory_space<vmem_shared>> -> memref<10000x64xf32, #tpu.memory_space<vmem_shared>>
    tpu.enqueue_indirect_dma source(%dma_start3A_180 : memref<10000x64xf32, #tpu.memory_space<vmem_shared>>) target(%dma_start3A_174 : memref<128x64xf32, #tpu.memory_space<vmem>>) offsets(%dma_start3A_177 : memref<128xi32, #tpu.memory_space<vmem>>) semaphore(%arg18 : memref<!tpu.dma_semaphore, #tpu.memory_space<semaphore_mem>>)
    %dma_start3A_181 = arith.constant 1 : i32
    %dma_start3A_182 = arith.constant 1 : i32
    %dma_start3A_183 = arith.constant 0 : i32
    %dma_start3A_184 = arith.constant 0 : i32
    %dma_start3A_185 = tpu.memref_slice %arg16[%dma_start3A_182, %dma_start3A_183, %dma_start3A_184] : memref<3x128x64xf32, #tpu.memory_space<vmem>> -> memref<1x128x64xf32, #tpu.memory_space<vmem>>
    %dma_start3A_186 = tpu.memref_squeeze %dma_start3A_185 : memref<1x128x64xf32, #tpu.memory_space<vmem>> -> memref<128x64xf32, #tpu.memory_space<vmem>>
    %dma_start3A_187 = arith.constant 0 : i32
    %dma_start3A_188 = tpu.memref_slice %arg14[%dma_start3A_181, %dma_start3A_187] : memref<40x128xi32, #tpu.memory_space<vmem>> -> memref<1x128xi32, #tpu.memory_space<vmem>>
    %dma_start3A_189 = tpu.memref_squeeze %dma_start3A_188 : memref<1x128xi32, #tpu.memory_space<vmem>> -> memref<128xi32, #tpu.memory_space<vmem>>
    %dma_start3A_190 = arith.constant 0 : i32
    %dma_start3A_191 = arith.constant 0 : i32
    %dma_start3A_192 = tpu.memref_slice %arg11[%dma_start3A_190, %dma_start3A_191] : memref<10000x64xf32, #tpu.memory_space<vmem_shared>> -> memref<10000x64xf32, #tpu.memory_space<vmem_shared>>
    tpu.enqueue_indirect_dma source(%dma_start3A_192 : memref<10000x64xf32, #tpu.memory_space<vmem_shared>>) target(%dma_start3A_186 : memref<128x64xf32, #tpu.memory_space<vmem>>) offsets(%dma_start3A_189 : memref<128xi32, #tpu.memory_space<vmem>>) semaphore(%arg18 : memref<!tpu.dma_semaphore, #tpu.memory_space<semaphore_mem>>)
    %scan3A_193 = arith.constant 0 : i32
    %scan3A_194 = arith.constant 0 : i32
    %scan3A_195 = arith.constant 40 : i32
    %scan3A_196 = arith.addi %scan3A_194, %scan3A_195 : i32
    %scan3A_197 = arith.constant 1 : i32
    %scan3A_198 = scf.for %scan3A_386 = %scan3A_194 to %scan3A_196 step %scan3A_197 iter_args(%scan3A_387 = %scan3A_193) -> (i32)  : i32 {
      %rem3A_388 = arith.constant 3 : i32
      %rem3A_389 = arith.remsi %scan3A_386, %rem3A_388 : i32
      %dma_wait3A_390 = arith.constant 0 : i32
      %dma_wait3A_391 = arith.constant 0 : i32
      %dma_wait3A_392 = tpu.memref_slice %arg16[%rem3A_389, %dma_wait3A_390, %dma_wait3A_391] : memref<3x128x64xf32, #tpu.memory_space<vmem>> -> memref<1x128x64xf32, #tpu.memory_space<vmem>>
      %dma_wait3A_393 = tpu.memref_squeeze %dma_wait3A_392 : memref<1x128x64xf32, #tpu.memory_space<vmem>> -> memref<128x64xf32, #tpu.memory_space<vmem>>
      %dma_wait3A_394 = arith.constant 0 : i32
      %dma_wait3A_395 = tpu.memref_slice %arg14[%scan3A_386, %dma_wait3A_394] : memref<40x128xi32, #tpu.memory_space<vmem>> -> memref<1x128xi32, #tpu.memory_space<vmem>>
      %dma_wait3A_396 = tpu.memref_squeeze %dma_wait3A_395 : memref<1x128xi32, #tpu.memory_space<vmem>> -> memref<128xi32, #tpu.memory_space<vmem>>
      %dma_wait3A_397 = arith.constant 0 : i32
      %dma_wait3A_398 = arith.constant 0 : i32
      %dma_wait3A_399 = tpu.memref_slice %arg11[%dma_wait3A_397, %dma_wait3A_398] : memref<10000x64xf32, #tpu.memory_space<vmem_shared>> -> memref<10000x64xf32, #tpu.memory_space<vmem_shared>>
      tpu.wait_indirect_dma semaphore(%arg18 : memref<!tpu.dma_semaphore, #tpu.memory_space<semaphore_mem>>) src(%dma_wait3A_399 : memref<10000x64xf32, #tpu.memory_space<vmem_shared>>) dst(%dma_wait3A_393 : memref<128x64xf32, #tpu.memory_space<vmem>>)
      %ge3A = arith.constant 1 : i32
      %ge3A_400 = arith.cmpi sge, %scan3A_386, %ge3A : i32
      %convert_element_type3A_401 = arith.extui %ge3A_400 : i1 to i32
      %cond3A_402 = arith.constant 0 : i32
      %cond3A_403 = arith.cmpi ne, %convert_element_type3A_401, %cond3A_402 : i32
      scf.if %cond3A_403 {
        %add3A_425 = arith.constant 2 : i32
        %add3A_426 = arith.addi %scan3A_386, %add3A_425 : i32
        %rem3A_427 = arith.constant 3 : i32
        %rem3A_428 = arith.remsi %add3A_426, %rem3A_427 : i32
        %sub3A = arith.constant 1 : i32
        %sub3A_429 = arith.subi %scan3A_386, %sub3A : i32
        %dma_wait3A_430 = arith.constant 0 : i32
        %dma_wait3A_431 = arith.constant 0 : i32
        %dma_wait3A_432 = tpu.memref_slice %arg16[%rem3A_428, %dma_wait3A_430, %dma_wait3A_431] : memref<3x128x64xf32, #tpu.memory_space<vmem>> -> memref<1x128x64xf32, #tpu.memory_space<vmem>>
        %dma_wait3A_433 = tpu.memref_squeeze %dma_wait3A_432 : memref<1x128x64xf32, #tpu.memory_space<vmem>> -> memref<128x64xf32, #tpu.memory_space<vmem>>
        %dma_wait3A_434 = arith.constant 0 : i32
        %dma_wait3A_435 = tpu.memref_slice %arg12[%sub3A_429, %dma_wait3A_434] : memref<40x128xi32, #tpu.memory_space<vmem>> -> memref<1x128xi32, #tpu.memory_space<vmem>>
        %dma_wait3A_436 = tpu.memref_squeeze %dma_wait3A_435 : memref<1x128xi32, #tpu.memory_space<vmem>> -> memref<128xi32, #tpu.memory_space<vmem>>
        %dma_wait3A_437 = arith.constant 0 : i32
        %dma_wait3A_438 = arith.constant 0 : i32
        %dma_wait3A_439 = tpu.memref_slice %arg9[%dma_wait3A_437, %dma_wait3A_438] : memref<10000x64xf32, #tpu.memory_space<vmem_shared>> -> memref<10000x64xf32, #tpu.memory_space<vmem_shared>>
        tpu.wait_indirect_dma semaphore(%arg19 : memref<!tpu.dma_semaphore, #tpu.memory_space<semaphore_mem>>) src(%dma_wait3A_433 : memref<128x64xf32, #tpu.memory_space<vmem>>) dst(%dma_wait3A_439 : memref<10000x64xf32, #tpu.memory_space<vmem_shared>>)
      } else {
      }
      %lt3A_404 = arith.constant 38 : i32
      %lt3A_405 = arith.cmpi slt, %scan3A_386, %lt3A_404 : i32
      %convert_element_type3A_406 = arith.extui %lt3A_405 : i1 to i32
      %cond3A_407 = arith.constant 0 : i32
      %cond3A_408 = arith.cmpi ne, %convert_element_type3A_406, %cond3A_407 : i32
      scf.if %cond3A_408 {
        %add3A_425 = arith.constant 2 : i32
        %add3A_426 = arith.addi %scan3A_386, %add3A_425 : i32
        %add3A_427 = arith.constant 2 : i32
        %add3A_428 = arith.addi %scan3A_386, %add3A_427 : i32
        %rem3A_429 = arith.constant 3 : i32
        %rem3A_430 = arith.remsi %add3A_428, %rem3A_429 : i32
        %dma_start3A_431 = arith.constant 0 : i32
        %dma_start3A_432 = arith.constant 0 : i32
        %dma_start3A_433 = tpu.memref_slice %arg16[%rem3A_430, %dma_start3A_431, %dma_start3A_432] : memref<3x128x64xf32, #tpu.memory_space<vmem>> -> memref<1x128x64xf32, #tpu.memory_space<vmem>>
        %dma_start3A_434 = tpu.memref_squeeze %dma_start3A_433 : memref<1x128x64xf32, #tpu.memory_space<vmem>> -> memref<128x64xf32, #tpu.memory_space<vmem>>
        %dma_start3A_435 = arith.constant 0 : i32
        %dma_start3A_436 = tpu.memref_slice %arg14[%add3A_426, %dma_start3A_435] : memref<40x128xi32, #tpu.memory_space<vmem>> -> memref<1x128xi32, #tpu.memory_space<vmem>>
        %dma_start3A_437 = tpu.memref_squeeze %dma_start3A_436 : memref<1x128xi32, #tpu.memory_space<vmem>> -> memref<128xi32, #tpu.memory_space<vmem>>
        %dma_start3A_438 = arith.constant 0 : i32
        %dma_start3A_439 = arith.constant 0 : i32
        %dma_start3A_440 = tpu.memref_slice %arg11[%dma_start3A_438, %dma_start3A_439] : memref<10000x64xf32, #tpu.memory_space<vmem_shared>> -> memref<10000x64xf32, #tpu.memory_space<vmem_shared>>
        tpu.enqueue_indirect_dma source(%dma_start3A_440 : memref<10000x64xf32, #tpu.memory_space<vmem_shared>>) target(%dma_start3A_434 : memref<128x64xf32, #tpu.memory_space<vmem>>) offsets(%dma_start3A_437 : memref<128xi32, #tpu.memory_space<vmem>>) semaphore(%arg18 : memref<!tpu.dma_semaphore, #tpu.memory_space<semaphore_mem>>)
      } else {
      }
      %add3A_409 = vector.broadcast %scan3A_386 : i32 to vector<16xi32>
      %add3A_410 = arith.addi %broadcast_in_dim3A_163, %add3A_409 : vector<16xi32>
      %parallel_loop3A_411 = arith.constant 0 : i32
      %parallel_loop3A_412 = arith.constant 128 : i32
      %parallel_loop3A_413 = arith.constant 1 : i32
      scf.for %parallel_loop3A_425 = %parallel_loop3A_411 to %parallel_loop3A_412 step %parallel_loop3A_413  : i32 {
        %parallel_loop3A_426 = vector.broadcast %parallel_loop3A_425 : i32 to vector<16xi32>
        %parallel_loop3A_427 = arith.addi %broadcast_in_dim3A_163, %parallel_loop3A_426 : vector<16xi32>
        %parallel_loop3A_428 = tpu.vector_load_idx %arg13[%add3A_410, %parallel_loop3A_427] : memref<40x128xf32, #tpu.memory_space<vmem>>[vector<16xi32>, vector<16xi32>], vector<16xf32>,
        %parallel_loop3A_429 = arith.index_cast %rem3A_389 : i32 to index
        %parallel_loop3A_430 = arith.index_cast %parallel_loop3A_425 : i32 to index
        %parallel_loop3A_431 = arith.constant 0 : index
        %parallel_loop3A_432 = tpu.vector_load %arg16[%parallel_loop3A_429, %parallel_loop3A_430, %parallel_loop3A_431] {strides = array<i32>} : memref<3x128x64xf32, #tpu.memory_space<vmem>>, vector<16xf32>,
        %parallel_loop3A_433 = arith.mulf %parallel_loop3A_432, %parallel_loop3A_428 : vector<16xf32>
        %parallel_loop3A_434 = arith.index_cast %rem3A_389 : i32 to index
        %parallel_loop3A_435 = arith.index_cast %parallel_loop3A_425 : i32 to index
        %parallel_loop3A_436 = arith.constant 0 : index
        %parallel_loop3A_437 = tpu.vector_load %arg16[%parallel_loop3A_434, %parallel_loop3A_435, %parallel_loop3A_436] {strides = array<i32>} : memref<3x128x64xf32, #tpu.memory_space<vmem>>, vector<16xf32>,
        tpu.vector_store %arg16[%parallel_loop3A_434, %parallel_loop3A_435, %parallel_loop3A_436], %parallel_loop3A_433 {strides = array<i32>} : memref<3x128x64xf32, #tpu.memory_space<vmem>>, vector<16xf32>,
        %parallel_loop3A_438 = arith.index_cast %rem3A_389 : i32 to index
        %parallel_loop3A_439 = arith.index_cast %parallel_loop3A_425 : i32 to index
        %parallel_loop3A_440 = arith.constant 16 : index
        %parallel_loop3A_441 = tpu.vector_load %arg16[%parallel_loop3A_438, %parallel_loop3A_439, %parallel_loop3A_440] {strides = array<i32>} : memref<3x128x64xf32, #tpu.memory_space<vmem>>, vector<16xf32>,
        %parallel_loop3A_442 = arith.mulf %parallel_loop3A_441, %parallel_loop3A_428 : vector<16xf32>
        %parallel_loop3A_443 = arith.index_cast %rem3A_389 : i32 to index
        %parallel_loop3A_444 = arith.index_cast %parallel_loop3A_425 : i32 to index
        %parallel_loop3A_445 = arith.constant 16 : index
        %parallel_loop3A_446 = tpu.vector_load %arg16[%parallel_loop3A_443, %parallel_loop3A_444, %parallel_loop3A_445] {strides = array<i32>} : memref<3x128x64xf32, #tpu.memory_space<vmem>>, vector<16xf32>,
        tpu.vector_store %arg16[%parallel_loop3A_443, %parallel_loop3A_444, %parallel_loop3A_445], %parallel_loop3A_442 {strides = array<i32>} : memref<3x128x64xf32, #tpu.memory_space<vmem>>, vector<16xf32>,
        %parallel_loop3A_447 = arith.index_cast %rem3A_389 : i32 to index
        %parallel_loop3A_448 = arith.index_cast %parallel_loop3A_425 : i32 to index
        %parallel_loop3A_449 = arith.constant 32 : index
        %parallel_loop3A_450 = tpu.vector_load %arg16[%parallel_loop3A_447, %parallel_loop3A_448, %parallel_loop3A_449] {strides = array<i32>} : memref<3x128x64xf32, #tpu.memory_space<vmem>>, vector<16xf32>,
        %parallel_loop3A_451 = arith.mulf %parallel_loop3A_450, %parallel_loop3A_428 : vector<16xf32>
        %parallel_loop3A_452 = arith.index_cast %rem3A_389 : i32 to index
        %parallel_loop3A_453 = arith.index_cast %parallel_loop3A_425 : i32 to index
        %parallel_loop3A_454 = arith.constant 32 : index
        %parallel_loop3A_455 = tpu.vector_load %arg16[%parallel_loop3A_452, %parallel_loop3A_453, %parallel_loop3A_454] {strides = array<i32>} : memref<3x128x64xf32, #tpu.memory_space<vmem>>, vector<16xf32>,
        tpu.vector_store %arg16[%parallel_loop3A_452, %parallel_loop3A_453, %parallel_loop3A_454], %parallel_loop3A_451 {strides = array<i32>} : memref<3x128x64xf32, #tpu.memory_space<vmem>>, vector<16xf32>,
        %parallel_loop3A_456 = arith.index_cast %rem3A_389 : i32 to index
        %parallel_loop3A_457 = arith.index_cast %parallel_loop3A_425 : i32 to index
        %parallel_loop3A_458 = arith.constant 48 : index
        %parallel_loop3A_459 = tpu.vector_load %arg16[%parallel_loop3A_456, %parallel_loop3A_457, %parallel_loop3A_458] {strides = array<i32>} : memref<3x128x64xf32, #tpu.memory_space<vmem>>, vector<16xf32>,
        %parallel_loop3A_460 = arith.mulf %parallel_loop3A_459, %parallel_loop3A_428 : vector<16xf32>
        %parallel_loop3A_461 = arith.index_cast %rem3A_389 : i32 to index
        %parallel_loop3A_462 = arith.index_cast %parallel_loop3A_425 : i32 to index
        %parallel_loop3A_463 = arith.constant 48 : index
        %parallel_loop3A_464 = tpu.vector_load %arg16[%parallel_loop3A_461, %parallel_loop3A_462, %parallel_loop3A_463] {strides = array<i32>} : memref<3x128x64xf32, #tpu.memory_space<vmem>>, vector<16xf32>,
        tpu.vector_store %arg16[%parallel_loop3A_461, %parallel_loop3A_462, %parallel_loop3A_463], %parallel_loop3A_460 {strides = array<i32>} : memref<3x128x64xf32, #tpu.memory_space<vmem>>, vector<16xf32>,
      } {sc.loop_unroll_factor = 4 : i64, sc.parallel_access}
      %dma_start3A_414 = arith.constant 0 : i32
      %dma_start3A_415 = arith.constant 0 : i32
      %dma_start3A_416 = tpu.memref_slice %arg16[%rem3A_389, %dma_start3A_414, %dma_start3A_415] : memref<3x128x64xf32, #tpu.memory_space<vmem>> -> memref<1x128x64xf32, #tpu.memory_space<vmem>>
      %dma_start3A_417 = tpu.memref_squeeze %dma_start3A_416 : memref<1x128x64xf32, #tpu.memory_space<vmem>> -> memref<128x64xf32, #tpu.memory_space<vmem>>
      %dma_start3A_418 = arith.constant 0 : i32
      %dma_start3A_419 = tpu.memref_slice %arg12[%scan3A_386, %dma_start3A_418] : memref<40x128xi32, #tpu.memory_space<vmem>> -> memref<1x128xi32, #tpu.memory_space<vmem>>
      %dma_start3A_420 = tpu.memref_squeeze %dma_start3A_419 : memref<1x128xi32, #tpu.memory_space<vmem>> -> memref<128xi32, #tpu.memory_space<vmem>>
      %dma_start3A_421 = arith.constant 0 : i32
      %dma_start3A_422 = arith.constant 0 : i32
      %dma_start3A_423 = tpu.memref_slice %arg9[%dma_start3A_421, %dma_start3A_422] : memref<10000x64xf32, #tpu.memory_space<vmem_shared>> -> memref<10000x64xf32, #tpu.memory_space<vmem_shared>>
      tpu.enqueue_indirect_dma source(%dma_start3A_417 : memref<128x64xf32, #tpu.memory_space<vmem>>) target(%dma_start3A_423 : memref<10000x64xf32, #tpu.memory_space<vmem_shared>>) offsets(%dma_start3A_420 : memref<128xi32, #tpu.memory_space<vmem>>) semaphore(%arg19 : memref<!tpu.dma_semaphore, #tpu.memory_space<semaphore_mem>>) {add = true}
      %scan3A_424 = arith.constant 0 : i32
      scf.yield %scan3A_424 : i32
    }
    %scan3A_199 = arith.constant 40 : i32
    %rem3A = arith.constant 39 : i32
    %rem3A_200 = arith.constant 3 : i32
    %rem3A_201 = arith.remsi %rem3A, %rem3A_200 : i32
    %dma_wait3A = arith.constant 39 : i32
    %dma_wait3A_202 = arith.constant 0 : i32
    %dma_wait3A_203 = arith.constant 0 : i32
    %dma_wait3A_204 = tpu.memref_slice %arg16[%rem3A_201, %dma_wait3A_202, %dma_wait3A_203] : memref<3x128x64xf32, #tpu.memory_space<vmem>> -> memref<1x128x64xf32, #tpu.memory_space<vmem>>
    %dma_wait3A_205 = tpu.memref_squeeze %dma_wait3A_204 : memref<1x128x64xf32, #tpu.memory_space<vmem>> -> memref<128x64xf32, #tpu.memory_space<vmem>>
    %dma_wait3A_206 = arith.constant 0 : i32
    %dma_wait3A_207 = tpu.memref_slice %arg12[%dma_wait3A, %dma_wait3A_206] : memref<40x128xi32, #tpu.memory_space<vmem>> -> memref<1x128xi32, #tpu.memory_space<vmem>>
    %dma_wait3A_208 = tpu.memref_squeeze %dma_wait3A_207 : memref<1x128xi32, #tpu.memory_space<vmem>> -> memref<128xi32, #tpu.memory_space<vmem>>
    %dma_wait3A_209 = arith.constant 0 : i32
    %dma_wait3A_210 = arith.constant 0 : i32
    %dma_wait3A_211 = tpu.memref_slice %arg9[%dma_wait3A_209, %dma_wait3A_210] : memref<10000x64xf32, #tpu.memory_space<vmem_shared>> -> memref<10000x64xf32, #tpu.memory_space<vmem_shared>>
    tpu.wait_indirect_dma semaphore(%arg19 : memref<!tpu.dma_semaphore, #tpu.memory_space<semaphore_mem>>) src(%dma_wait3A_205 : memref<128x64xf32, #tpu.memory_space<vmem>>) dst(%dma_wait3A_211 : memref<10000x64xf32, #tpu.memory_space<vmem_shared>>)
    %mul3A_212 = arith.constant 160 : i32
    %mul3A_213 = arith.muli %arg1, %mul3A_212 : i32
    %add3A_214 = arith.constant 40 : i32
    %add3A_215 = arith.addi %mul3A_213, %add3A_214 : i32
    "tpu.region"() ({
      %run_scoped3A_386 = tpu.sem_alloc : memref<!tpu.dma_semaphore, #tpu.memory_space<semaphore_mem>>
      %dma_start3A_387 = arith.constant 0 : i32
      %dma_start3A_388 = tpu.memref_slice %arg2[%add3A_215, %dma_start3A_387] : memref<2560x128xi32, #tpu.memory_space<hbm>> -> memref<40x128xi32, #tpu.memory_space<hbm>>
      %dma_start3A_389 = arith.constant 0 : i32
      %dma_start3A_390 = tpu.memref_slice %arg2[%add3A_215, %dma_start3A_389] : memref<2560x128xi32, #tpu.memory_space<hbm>> -> memref<40x128xi32, #tpu.memory_space<hbm>>
      tpu.enqueue_dma source(%dma_start3A_390 : memref<40x128xi32, #tpu.memory_space<hbm>>) target(%arg14 : memref<40x128xi32, #tpu.memory_space<vmem>>) target_semaphore(%run_scoped3A_386 : memref<!tpu.dma_semaphore, #tpu.memory_space<semaphore_mem>>)
      %dma_wait3A_391 = arith.constant 0 : i32
      %dma_wait3A_392 = tpu.memref_slice %arg2[%add3A_215, %dma_wait3A_391] : memref<2560x128xi32, #tpu.memory_space<hbm>> -> memref<40x128xi32, #tpu.memory_space<hbm>>
      %dma_wait3A_393 = arith.constant 0 : i32
      %dma_wait3A_394 = tpu.memref_slice %arg2[%add3A_215, %dma_wait3A_393] : memref<2560x128xi32, #tpu.memory_space<hbm>> -> memref<40x128xi32, #tpu.memory_space<hbm>>
      tpu.wait_dma2 semaphore(%run_scoped3A_386 : memref<!tpu.dma_semaphore, #tpu.memory_space<semaphore_mem>>) src(%dma_wait3A_394 : memref<40x128xi32, #tpu.memory_space<hbm>>) dst(%arg14 : memref<40x128xi32, #tpu.memory_space<vmem>>)
      tpu.yield
    }) : () -> ()
    "tpu.region"() ({
      %run_scoped3A_386 = tpu.sem_alloc : memref<!tpu.dma_semaphore, #tpu.memory_space<semaphore_mem>>
      %dma_start3A_387 = arith.constant 0 : i32
      %dma_start3A_388 = tpu.memref_slice %arg3[%add3A_215, %dma_start3A_387] : memref<2560x128xi32, #tpu.memory_space<hbm>> -> memref<40x128xi32, #tpu.memory_space<hbm>>
      %dma_start3A_389 = arith.constant 0 : i32
      %dma_start3A_390 = tpu.memref_slice %arg3[%add3A_215, %dma_start3A_389] : memref<2560x128xi32, #tpu.memory_space<hbm>> -> memref<40x128xi32, #tpu.memory_space<hbm>>
      tpu.enqueue_dma source(%dma_start3A_390 : memref<40x128xi32, #tpu.memory_space<hbm>>) target(%arg12 : memref<40x128xi32, #tpu.memory_space<vmem>>) target_semaphore(%run_scoped3A_386 : memref<!tpu.dma_semaphore, #tpu.memory_space<semaphore_mem>>)
      %dma_wait3A_391 = arith.constant 0 : i32
      %dma_wait3A_392 = tpu.memref_slice %arg3[%add3A_215, %dma_wait3A_391] : memref<2560x128xi32, #tpu.memory_space<hbm>> -> memref<40x128xi32, #tpu.memory_space<hbm>>
      %dma_wait3A_393 = arith.constant 0 : i32
      %dma_wait3A_394 = tpu.memref_slice %arg3[%add3A_215, %dma_wait3A_393] : memref<2560x128xi32, #tpu.memory_space<hbm>> -> memref<40x128xi32, #tpu.memory_space<hbm>>
      tpu.wait_dma2 semaphore(%run_scoped3A_386 : memref<!tpu.dma_semaphore, #tpu.memory_space<semaphore_mem>>) src(%dma_wait3A_394 : memref<40x128xi32, #tpu.memory_space<hbm>>) dst(%arg12 : memref<40x128xi32, #tpu.memory_space<vmem>>)
      tpu.yield
    }) : () -> ()
    "tpu.region"() ({
      %run_scoped3A_386 = tpu.sem_alloc : memref<!tpu.dma_semaphore, #tpu.memory_space<semaphore_mem>>
      %dma_start3A_387 = arith.constant 0 : i32
      %dma_start3A_388 = tpu.memref_slice %arg4[%add3A_215, %dma_start3A_387] : memref<2560x128xf32, #tpu.memory_space<hbm>> -> memref<40x128xf32, #tpu.memory_space<hbm>>
      %dma_start3A_389 = arith.constant 0 : i32
      %dma_start3A_390 = tpu.memref_slice %arg4[%add3A_215, %dma_start3A_389] : memref<2560x128xf32, #tpu.memory_space<hbm>> -> memref<40x128xf32, #tpu.memory_space<hbm>>
      tpu.enqueue_dma source(%dma_start3A_390 : memref<40x128xf32, #tpu.memory_space<hbm>>) target(%arg13 : memref<40x128xf32, #tpu.memory_space<vmem>>) target_semaphore(%run_scoped3A_386 : memref<!tpu.dma_semaphore, #tpu.memory_space<semaphore_mem>>)
      %dma_wait3A_391 = arith.constant 0 : i32
      %dma_wait3A_392 = tpu.memref_slice %arg4[%add3A_215, %dma_wait3A_391] : memref<2560x128xf32, #tpu.memory_space<hbm>> -> memref<40x128xf32, #tpu.memory_space<hbm>>
      %dma_wait3A_393 = arith.constant 0 : i32
      %dma_wait3A_394 = tpu.memref_slice %arg4[%add3A_215, %dma_wait3A_393] : memref<2560x128xf32, #tpu.memory_space<hbm>> -> memref<40x128xf32, #tpu.memory_space<hbm>>
      tpu.wait_dma2 semaphore(%run_scoped3A_386 : memref<!tpu.dma_semaphore, #tpu.memory_space<semaphore_mem>>) src(%dma_wait3A_394 : memref<40x128xf32, #tpu.memory_space<hbm>>) dst(%arg13 : memref<40x128xf32, #tpu.memory_space<vmem>>)
      tpu.yield
    }) : () -> ()
    %parallel_loop3A_216 = arith.constant 0 : i32
    %parallel_loop3A_217 = arith.constant 320 : i32
    %parallel_loop3A_218 = arith.constant 1 : i32
    scf.for %parallel_loop3A_386 = %parallel_loop3A_216 to %parallel_loop3A_217 step %parallel_loop3A_218  : i32 {
      %parallel_loop3A_387 = arith.constant 8 : i32
      %parallel_loop3A_388 = arith.divsi %parallel_loop3A_386, %parallel_loop3A_387 : i32
      %parallel_loop3A_389 = arith.constant 0 : i32
      %parallel_loop3A_390 = arith.cmpi sgt, %parallel_loop3A_386, %parallel_loop3A_389 : i32
      %parallel_loop3A_391 = arith.extui %parallel_loop3A_390 : i1 to i32
      %parallel_loop3A_392 = arith.constant 0 : i32
      %parallel_loop3A_393 = arith.cmpi slt, %parallel_loop3A_386, %parallel_loop3A_392 : i32
      %parallel_loop3A_394 = arith.extui %parallel_loop3A_393 : i1 to i32
      %parallel_loop3A_395 = arith.subi %parallel_loop3A_391, %parallel_loop3A_394 : i32
      %parallel_loop3A_396 = arith.constant 0 : i32
      %parallel_loop3A_397 = arith.cmpi sgt, %parallel_loop3A_387, %parallel_loop3A_396 : i32
      %parallel_loop3A_398 = arith.extui %parallel_loop3A_397 : i1 to i32
      %parallel_loop3A_399 = arith.constant 0 : i32
      %parallel_loop3A_400 = arith.cmpi slt, %parallel_loop3A_387, %parallel_loop3A_399 : i32
      %parallel_loop3A_401 = arith.extui %parallel_loop3A_400 : i1 to i32
      %parallel_loop3A_402 = arith.subi %parallel_loop3A_398, %parallel_loop3A_401 : i32
      %parallel_loop3A_403 = arith.cmpi ne, %parallel_loop3A_395, %parallel_loop3A_402 : i32
      %parallel_loop3A_404 = arith.remsi %parallel_loop3A_386, %parallel_loop3A_387 : i32
      %parallel_loop3A_405 = arith.constant 0 : i32
      %parallel_loop3A_406 = arith.cmpi ne, %parallel_loop3A_404, %parallel_loop3A_405 : i32
      %parallel_loop3A_407 = arith.andi %parallel_loop3A_403, %parallel_loop3A_406 : i1
      %parallel_loop3A_408 = arith.constant 1 : i32
      %parallel_loop3A_409 = arith.subi %parallel_loop3A_388, %parallel_loop3A_408 : i32
      %parallel_loop3A_410 = arith.select %parallel_loop3A_407, %parallel_loop3A_409, %parallel_loop3A_388 : i32
      %parallel_loop3A_411 = arith.constant 8 : i32
      %parallel_loop3A_412 = arith.constant 0 : i32
      %parallel_loop3A_413 = arith.cmpi eq, %parallel_loop3A_411, %parallel_loop3A_412 : i32
      %parallel_loop3A_414 = arith.constant 1 : i32
      %parallel_loop3A_415 = arith.select %parallel_loop3A_413, %parallel_loop3A_414, %parallel_loop3A_411 : i32
      %parallel_loop3A_416 = arith.remsi %parallel_loop3A_386, %parallel_loop3A_415 : i32
      %parallel_loop3A_417 = arith.constant 0 : i32
      %parallel_loop3A_418 = arith.cmpi ne, %parallel_loop3A_416, %parallel_loop3A_417 : i32
      %parallel_loop3A_419 = arith.constant 0 : i32
      %parallel_loop3A_420 = arith.cmpi slt, %parallel_loop3A_416, %parallel_loop3A_419 : i32
      %parallel_loop3A_421 = arith.constant 0 : i32
      %parallel_loop3A_422 = arith.cmpi slt, %parallel_loop3A_415, %parallel_loop3A_421 : i32
      %parallel_loop3A_423 = arith.xori %parallel_loop3A_420, %parallel_loop3A_422 : i1
      %parallel_loop3A_424 = arith.andi %parallel_loop3A_423, %parallel_loop3A_418 : i1
      %parallel_loop3A_425 = arith.addi %parallel_loop3A_416, %parallel_loop3A_415 : i32
      %parallel_loop3A_426 = arith.select %parallel_loop3A_424, %parallel_loop3A_425, %parallel_loop3A_416 : i32
      %parallel_loop3A_427 = arith.constant 16 : i32
      %parallel_loop3A_428 = arith.muli %parallel_loop3A_426, %parallel_loop3A_427 : i32
      %parallel_loop3A_429 = arith.index_cast %parallel_loop3A_410 : i32 to index
      %parallel_loop3A_430 = arith.index_cast %parallel_loop3A_428 : i32 to index
      %parallel_loop3A_431 = tpu.vector_load %arg14[%parallel_loop3A_429, %parallel_loop3A_430] {strides = array<i32>} : memref<40x128xi32, #tpu.memory_space<vmem>>, vector<16xi32>,
      %parallel_loop3A_432 = arith.constant 16 : i32
      %parallel_loop3A_433 = arith.muli %parallel_loop3A_426, %parallel_loop3A_432 : i32
      %parallel_loop3A_434 = arith.index_cast %parallel_loop3A_410 : i32 to index
      %parallel_loop3A_435 = arith.index_cast %parallel_loop3A_433 : i32 to index
      %parallel_loop3A_436 = tpu.vector_load %arg13[%parallel_loop3A_434, %parallel_loop3A_435] {strides = array<i32>} : memref<40x128xf32, #tpu.memory_space<vmem>>, vector<16xf32>,
      %parallel_loop3A_437 = tpu.vector_load_idx %arg15[%parallel_loop3A_431] : memref<10000xf32, #tpu.memory_space<vmem>>[vector<16xi32>], vector<16xf32>,
      %parallel_loop3A_438 = arith.mulf %parallel_loop3A_437, %parallel_loop3A_436 : vector<16xf32>
      %parallel_loop3A_439 = arith.constant 16 : i32
      %parallel_loop3A_440 = arith.muli %parallel_loop3A_426, %parallel_loop3A_439 : i32
      %parallel_loop3A_441 = arith.index_cast %parallel_loop3A_410 : i32 to index
      %parallel_loop3A_442 = arith.index_cast %parallel_loop3A_440 : i32 to index
      %parallel_loop3A_443 = tpu.vector_load %arg13[%parallel_loop3A_441, %parallel_loop3A_442] {strides = array<i32>} : memref<40x128xf32, #tpu.memory_space<vmem>>, vector<16xf32>,
      tpu.vector_store %arg13[%parallel_loop3A_441, %parallel_loop3A_442], %parallel_loop3A_438 {strides = array<i32>} : memref<40x128xf32, #tpu.memory_space<vmem>>, vector<16xf32>,
    } {sc.loop_unroll_factor = 4 : i64, sc.parallel_access}
    %dma_start3A_219 = arith.constant 0 : i32
    %dma_start3A_220 = arith.constant 0 : i32
    %dma_start3A_221 = arith.constant 0 : i32
    %dma_start3A_222 = arith.constant 0 : i32
    %dma_start3A_223 = tpu.memref_slice %arg16[%dma_start3A_220, %dma_start3A_221, %dma_start3A_222] : memref<3x128x64xf32, #tpu.memory_space<vmem>> -> memref<1x128x64xf32, #tpu.memory_space<vmem>>
    %dma_start3A_224 = tpu.memref_squeeze %dma_start3A_223 : memref<1x128x64xf32, #tpu.memory_space<vmem>> -> memref<128x64xf32, #tpu.memory_space<vmem>>
    %dma_start3A_225 = arith.constant 0 : i32
    %dma_start3A_226 = tpu.memref_slice %arg14[%dma_start3A_219, %dma_start3A_225] : memref<40x128xi32, #tpu.memory_space<vmem>> -> memref<1x128xi32, #tpu.memory_space<vmem>>
    %dma_start3A_227 = tpu.memref_squeeze %dma_start3A_226 : memref<1x128xi32, #tpu.memory_space<vmem>> -> memref<128xi32, #tpu.memory_space<vmem>>
    %dma_start3A_228 = arith.constant 0 : i32
    %dma_start3A_229 = arith.constant 0 : i32
    %dma_start3A_230 = tpu.memref_slice %arg11[%dma_start3A_228, %dma_start3A_229] : memref<10000x64xf32, #tpu.memory_space<vmem_shared>> -> memref<10000x64xf32, #tpu.memory_space<vmem_shared>>
    tpu.enqueue_indirect_dma source(%dma_start3A_230 : memref<10000x64xf32, #tpu.memory_space<vmem_shared>>) target(%dma_start3A_224 : memref<128x64xf32, #tpu.memory_space<vmem>>) offsets(%dma_start3A_227 : memref<128xi32, #tpu.memory_space<vmem>>) semaphore(%arg18 : memref<!tpu.dma_semaphore, #tpu.memory_space<semaphore_mem>>)
    %dma_start3A_231 = arith.constant 1 : i32
    %dma_start3A_232 = arith.constant 1 : i32
    %dma_start3A_233 = arith.constant 0 : i32
    %dma_start3A_234 = arith.constant 0 : i32
    %dma_start3A_235 = tpu.memref_slice %arg16[%dma_start3A_232, %dma_start3A_233, %dma_start3A_234] : memref<3x128x64xf32, #tpu.memory_space<vmem>> -> memref<1x128x64xf32, #tpu.memory_space<vmem>>
    %dma_start3A_236 = tpu.memref_squeeze %dma_start3A_235 : memref<1x128x64xf32, #tpu.memory_space<vmem>> -> memref<128x64xf32, #tpu.memory_space<vmem>>
    %dma_start3A_237 = arith.constant 0 : i32
    %dma_start3A_238 = tpu.memref_slice %arg14[%dma_start3A_231, %dma_start3A_237] : memref<40x128xi32, #tpu.memory_space<vmem>> -> memref<1x128xi32, #tpu.memory_space<vmem>>
    %dma_start3A_239 = tpu.memref_squeeze %dma_start3A_238 : memref<1x128xi32, #tpu.memory_space<vmem>> -> memref<128xi32, #tpu.memory_space<vmem>>
    %dma_start3A_240 = arith.constant 0 : i32
    %dma_start3A_241 = arith.constant 0 : i32
    %dma_start3A_242 = tpu.memref_slice %arg11[%dma_start3A_240, %dma_start3A_241] : memref<10000x64xf32, #tpu.memory_space<vmem_shared>> -> memref<10000x64xf32, #tpu.memory_space<vmem_shared>>
    tpu.enqueue_indirect_dma source(%dma_start3A_242 : memref<10000x64xf32, #tpu.memory_space<vmem_shared>>) target(%dma_start3A_236 : memref<128x64xf32, #tpu.memory_space<vmem>>) offsets(%dma_start3A_239 : memref<128xi32, #tpu.memory_space<vmem>>) semaphore(%arg18 : memref<!tpu.dma_semaphore, #tpu.memory_space<semaphore_mem>>)
    %scan3A_243 = arith.constant 0 : i32
    %scan3A_244 = arith.constant 0 : i32
    %scan3A_245 = arith.constant 40 : i32
    %scan3A_246 = arith.addi %scan3A_244, %scan3A_245 : i32
    %scan3A_247 = arith.constant 1 : i32
    %scan3A_248 = scf.for %scan3A_386 = %scan3A_244 to %scan3A_246 step %scan3A_247 iter_args(%scan3A_387 = %scan3A_243) -> (i32)  : i32 {
      %rem3A_388 = arith.constant 3 : i32
      %rem3A_389 = arith.remsi %scan3A_386, %rem3A_388 : i32
      %dma_wait3A_390 = arith.constant 0 : i32
      %dma_wait3A_391 = arith.constant 0 : i32
      %dma_wait3A_392 = tpu.memref_slice %arg16[%rem3A_389, %dma_wait3A_390, %dma_wait3A_391] : memref<3x128x64xf32, #tpu.memory_space<vmem>> -> memref<1x128x64xf32, #tpu.memory_space<vmem>>
      %dma_wait3A_393 = tpu.memref_squeeze %dma_wait3A_392 : memref<1x128x64xf32, #tpu.memory_space<vmem>> -> memref<128x64xf32, #tpu.memory_space<vmem>>
      %dma_wait3A_394 = arith.constant 0 : i32
      %dma_wait3A_395 = tpu.memref_slice %arg14[%scan3A_386, %dma_wait3A_394] : memref<40x128xi32, #tpu.memory_space<vmem>> -> memref<1x128xi32, #tpu.memory_space<vmem>>
      %dma_wait3A_396 = tpu.memref_squeeze %dma_wait3A_395 : memref<1x128xi32, #tpu.memory_space<vmem>> -> memref<128xi32, #tpu.memory_space<vmem>>
      %dma_wait3A_397 = arith.constant 0 : i32
      %dma_wait3A_398 = arith.constant 0 : i32
      %dma_wait3A_399 = tpu.memref_slice %arg11[%dma_wait3A_397, %dma_wait3A_398] : memref<10000x64xf32, #tpu.memory_space<vmem_shared>> -> memref<10000x64xf32, #tpu.memory_space<vmem_shared>>
      tpu.wait_indirect_dma semaphore(%arg18 : memref<!tpu.dma_semaphore, #tpu.memory_space<semaphore_mem>>) src(%dma_wait3A_399 : memref<10000x64xf32, #tpu.memory_space<vmem_shared>>) dst(%dma_wait3A_393 : memref<128x64xf32, #tpu.memory_space<vmem>>)
      %ge3A = arith.constant 1 : i32
      %ge3A_400 = arith.cmpi sge, %scan3A_386, %ge3A : i32
      %convert_element_type3A_401 = arith.extui %ge3A_400 : i1 to i32
      %cond3A_402 = arith.constant 0 : i32
      %cond3A_403 = arith.cmpi ne, %convert_element_type3A_401, %cond3A_402 : i32
      scf.if %cond3A_403 {
        %add3A_425 = arith.constant 2 : i32
        %add3A_426 = arith.addi %scan3A_386, %add3A_425 : i32
        %rem3A_427 = arith.constant 3 : i32
        %rem3A_428 = arith.remsi %add3A_426, %rem3A_427 : i32
        %sub3A = arith.constant 1 : i32
        %sub3A_429 = arith.subi %scan3A_386, %sub3A : i32
        %dma_wait3A_430 = arith.constant 0 : i32
        %dma_wait3A_431 = arith.constant 0 : i32
        %dma_wait3A_432 = tpu.memref_slice %arg16[%rem3A_428, %dma_wait3A_430, %dma_wait3A_431] : memref<3x128x64xf32, #tpu.memory_space<vmem>> -> memref<1x128x64xf32, #tpu.memory_space<vmem>>
        %dma_wait3A_433 = tpu.memref_squeeze %dma_wait3A_432 : memref<1x128x64xf32, #tpu.memory_space<vmem>> -> memref<128x64xf32, #tpu.memory_space<vmem>>
        %dma_wait3A_434 = arith.constant 0 : i32
        %dma_wait3A_435 = tpu.memref_slice %arg12[%sub3A_429, %dma_wait3A_434] : memref<40x128xi32, #tpu.memory_space<vmem>> -> memref<1x128xi32, #tpu.memory_space<vmem>>
        %dma_wait3A_436 = tpu.memref_squeeze %dma_wait3A_435 : memref<1x128xi32, #tpu.memory_space<vmem>> -> memref<128xi32, #tpu.memory_space<vmem>>
        %dma_wait3A_437 = arith.constant 0 : i32
        %dma_wait3A_438 = arith.constant 0 : i32
        %dma_wait3A_439 = tpu.memref_slice %arg9[%dma_wait3A_437, %dma_wait3A_438] : memref<10000x64xf32, #tpu.memory_space<vmem_shared>> -> memref<10000x64xf32, #tpu.memory_space<vmem_shared>>
        tpu.wait_indirect_dma semaphore(%arg19 : memref<!tpu.dma_semaphore, #tpu.memory_space<semaphore_mem>>) src(%dma_wait3A_433 : memref<128x64xf32, #tpu.memory_space<vmem>>) dst(%dma_wait3A_439 : memref<10000x64xf32, #tpu.memory_space<vmem_shared>>)
      } else {
      }
      %lt3A_404 = arith.constant 38 : i32
      %lt3A_405 = arith.cmpi slt, %scan3A_386, %lt3A_404 : i32
      %convert_element_type3A_406 = arith.extui %lt3A_405 : i1 to i32
      %cond3A_407 = arith.constant 0 : i32
      %cond3A_408 = arith.cmpi ne, %convert_element_type3A_406, %cond3A_407 : i32
      scf.if %cond3A_408 {
        %add3A_425 = arith.constant 2 : i32
        %add3A_426 = arith.addi %scan3A_386, %add3A_425 : i32
        %add3A_427 = arith.constant 2 : i32
        %add3A_428 = arith.addi %scan3A_386, %add3A_427 : i32
        %rem3A_429 = arith.constant 3 : i32
        %rem3A_430 = arith.remsi %add3A_428, %rem3A_429 : i32
        %dma_start3A_431 = arith.constant 0 : i32
        %dma_start3A_432 = arith.constant 0 : i32
        %dma_start3A_433 = tpu.memref_slice %arg16[%rem3A_430, %dma_start3A_431, %dma_start3A_432] : memref<3x128x64xf32, #tpu.memory_space<vmem>> -> memref<1x128x64xf32, #tpu.memory_space<vmem>>
        %dma_start3A_434 = tpu.memref_squeeze %dma_start3A_433 : memref<1x128x64xf32, #tpu.memory_space<vmem>> -> memref<128x64xf32, #tpu.memory_space<vmem>>
        %dma_start3A_435 = arith.constant 0 : i32
        %dma_start3A_436 = tpu.memref_slice %arg14[%add3A_426, %dma_start3A_435] : memref<40x128xi32, #tpu.memory_space<vmem>> -> memref<1x128xi32, #tpu.memory_space<vmem>>
        %dma_start3A_437 = tpu.memref_squeeze %dma_start3A_436 : memref<1x128xi32, #tpu.memory_space<vmem>> -> memref<128xi32, #tpu.memory_space<vmem>>
        %dma_start3A_438 = arith.constant 0 : i32
        %dma_start3A_439 = arith.constant 0 : i32
        %dma_start3A_440 = tpu.memref_slice %arg11[%dma_start3A_438, %dma_start3A_439] : memref<10000x64xf32, #tpu.memory_space<vmem_shared>> -> memref<10000x64xf32, #tpu.memory_space<vmem_shared>>
        tpu.enqueue_indirect_dma source(%dma_start3A_440 : memref<10000x64xf32, #tpu.memory_space<vmem_shared>>) target(%dma_start3A_434 : memref<128x64xf32, #tpu.memory_space<vmem>>) offsets(%dma_start3A_437 : memref<128xi32, #tpu.memory_space<vmem>>) semaphore(%arg18 : memref<!tpu.dma_semaphore, #tpu.memory_space<semaphore_mem>>)
      } else {
      }
      %add3A_409 = vector.broadcast %scan3A_386 : i32 to vector<16xi32>
      %add3A_410 = arith.addi %broadcast_in_dim3A_163, %add3A_409 : vector<16xi32>
      %parallel_loop3A_411 = arith.constant 0 : i32
      %parallel_loop3A_412 = arith.constant 128 : i32
      %parallel_loop3A_413 = arith.constant 1 : i32
      scf.for %parallel_loop3A_425 = %parallel_loop3A_411 to %parallel_loop3A_412 step %parallel_loop3A_413  : i32 {
        %parallel_loop3A_426 = vector.broadcast %parallel_loop3A_425 : i32 to vector<16xi32>
        %parallel_loop3A_427 = arith.addi %broadcast_in_dim3A_163, %parallel_loop3A_426 : vector<16xi32>
        %parallel_loop3A_428 = tpu.vector_load_idx %arg13[%add3A_410, %parallel_loop3A_427] : memref<40x128xf32, #tpu.memory_space<vmem>>[vector<16xi32>, vector<16xi32>], vector<16xf32>,
        %parallel_loop3A_429 = arith.index_cast %rem3A_389 : i32 to index
        %parallel_loop3A_430 = arith.index_cast %parallel_loop3A_425 : i32 to index
        %parallel_loop3A_431 = arith.constant 0 : index
        %parallel_loop3A_432 = tpu.vector_load %arg16[%parallel_loop3A_429, %parallel_loop3A_430, %parallel_loop3A_431] {strides = array<i32>} : memref<3x128x64xf32, #tpu.memory_space<vmem>>, vector<16xf32>,
        %parallel_loop3A_433 = arith.mulf %parallel_loop3A_432, %parallel_loop3A_428 : vector<16xf32>
        %parallel_loop3A_434 = arith.index_cast %rem3A_389 : i32 to index
        %parallel_loop3A_435 = arith.index_cast %parallel_loop3A_425 : i32 to index
        %parallel_loop3A_436 = arith.constant 0 : index
        %parallel_loop3A_437 = tpu.vector_load %arg16[%parallel_loop3A_434, %parallel_loop3A_435, %parallel_loop3A_436] {strides = array<i32>} : memref<3x128x64xf32, #tpu.memory_space<vmem>>, vector<16xf32>,
        tpu.vector_store %arg16[%parallel_loop3A_434, %parallel_loop3A_435, %parallel_loop3A_436], %parallel_loop3A_433 {strides = array<i32>} : memref<3x128x64xf32, #tpu.memory_space<vmem>>, vector<16xf32>,
        %parallel_loop3A_438 = arith.index_cast %rem3A_389 : i32 to index
        %parallel_loop3A_439 = arith.index_cast %parallel_loop3A_425 : i32 to index
        %parallel_loop3A_440 = arith.constant 16 : index
        %parallel_loop3A_441 = tpu.vector_load %arg16[%parallel_loop3A_438, %parallel_loop3A_439, %parallel_loop3A_440] {strides = array<i32>} : memref<3x128x64xf32, #tpu.memory_space<vmem>>, vector<16xf32>,
        %parallel_loop3A_442 = arith.mulf %parallel_loop3A_441, %parallel_loop3A_428 : vector<16xf32>
        %parallel_loop3A_443 = arith.index_cast %rem3A_389 : i32 to index
        %parallel_loop3A_444 = arith.index_cast %parallel_loop3A_425 : i32 to index
        %parallel_loop3A_445 = arith.constant 16 : index
        %parallel_loop3A_446 = tpu.vector_load %arg16[%parallel_loop3A_443, %parallel_loop3A_444, %parallel_loop3A_445] {strides = array<i32>} : memref<3x128x64xf32, #tpu.memory_space<vmem>>, vector<16xf32>,
        tpu.vector_store %arg16[%parallel_loop3A_443, %parallel_loop3A_444, %parallel_loop3A_445], %parallel_loop3A_442 {strides = array<i32>} : memref<3x128x64xf32, #tpu.memory_space<vmem>>, vector<16xf32>,
        %parallel_loop3A_447 = arith.index_cast %rem3A_389 : i32 to index
        %parallel_loop3A_448 = arith.index_cast %parallel_loop3A_425 : i32 to index
        %parallel_loop3A_449 = arith.constant 32 : index
        %parallel_loop3A_450 = tpu.vector_load %arg16[%parallel_loop3A_447, %parallel_loop3A_448, %parallel_loop3A_449] {strides = array<i32>} : memref<3x128x64xf32, #tpu.memory_space<vmem>>, vector<16xf32>,
        %parallel_loop3A_451 = arith.mulf %parallel_loop3A_450, %parallel_loop3A_428 : vector<16xf32>
        %parallel_loop3A_452 = arith.index_cast %rem3A_389 : i32 to index
        %parallel_loop3A_453 = arith.index_cast %parallel_loop3A_425 : i32 to index
        %parallel_loop3A_454 = arith.constant 32 : index
        %parallel_loop3A_455 = tpu.vector_load %arg16[%parallel_loop3A_452, %parallel_loop3A_453, %parallel_loop3A_454] {strides = array<i32>} : memref<3x128x64xf32, #tpu.memory_space<vmem>>, vector<16xf32>,
        tpu.vector_store %arg16[%parallel_loop3A_452, %parallel_loop3A_453, %parallel_loop3A_454], %parallel_loop3A_451 {strides = array<i32>} : memref<3x128x64xf32, #tpu.memory_space<vmem>>, vector<16xf32>,
        %parallel_loop3A_456 = arith.index_cast %rem3A_389 : i32 to index
        %parallel_loop3A_457 = arith.index_cast %parallel_loop3A_425 : i32 to index
        %parallel_loop3A_458 = arith.constant 48 : index
        %parallel_loop3A_459 = tpu.vector_load %arg16[%parallel_loop3A_456, %parallel_loop3A_457, %parallel_loop3A_458] {strides = array<i32>} : memref<3x128x64xf32, #tpu.memory_space<vmem>>, vector<16xf32>,
        %parallel_loop3A_460 = arith.mulf %parallel_loop3A_459, %parallel_loop3A_428 : vector<16xf32>
        %parallel_loop3A_461 = arith.index_cast %rem3A_389 : i32 to index
        %parallel_loop3A_462 = arith.index_cast %parallel_loop3A_425 : i32 to index
        %parallel_loop3A_463 = arith.constant 48 : index
        %parallel_loop3A_464 = tpu.vector_load %arg16[%parallel_loop3A_461, %parallel_loop3A_462, %parallel_loop3A_463] {strides = array<i32>} : memref<3x128x64xf32, #tpu.memory_space<vmem>>, vector<16xf32>,
        tpu.vector_store %arg16[%parallel_loop3A_461, %parallel_loop3A_462, %parallel_loop3A_463], %parallel_loop3A_460 {strides = array<i32>} : memref<3x128x64xf32, #tpu.memory_space<vmem>>, vector<16xf32>,
      } {sc.loop_unroll_factor = 4 : i64, sc.parallel_access}
      %dma_start3A_414 = arith.constant 0 : i32
      %dma_start3A_415 = arith.constant 0 : i32
      %dma_start3A_416 = tpu.memref_slice %arg16[%rem3A_389, %dma_start3A_414, %dma_start3A_415] : memref<3x128x64xf32, #tpu.memory_space<vmem>> -> memref<1x128x64xf32, #tpu.memory_space<vmem>>
      %dma_start3A_417 = tpu.memref_squeeze %dma_start3A_416 : memref<1x128x64xf32, #tpu.memory_space<vmem>> -> memref<128x64xf32, #tpu.memory_space<vmem>>
      %dma_start3A_418 = arith.constant 0 : i32
      %dma_start3A_419 = tpu.memref_slice %arg12[%scan3A_386, %dma_start3A_418] : memref<40x128xi32, #tpu.memory_space<vmem>> -> memref<1x128xi32, #tpu.memory_space<vmem>>
      %dma_start3A_420 = tpu.memref_squeeze %dma_start3A_419 : memref<1x128xi32, #tpu.memory_space<vmem>> -> memref<128xi32, #tpu.memory_space<vmem>>
      %dma_start3A_421 = arith.constant 0 : i32
      %dma_start3A_422 = arith.constant 0 : i32
      %dma_start3A_423 = tpu.memref_slice %arg9[%dma_start3A_421, %dma_start3A_422] : memref<10000x64xf32, #tpu.memory_space<vmem_shared>> -> memref<10000x64xf32, #tpu.memory_space<vmem_shared>>
      tpu.enqueue_indirect_dma source(%dma_start3A_417 : memref<128x64xf32, #tpu.memory_space<vmem>>) target(%dma_start3A_423 : memref<10000x64xf32, #tpu.memory_space<vmem_shared>>) offsets(%dma_start3A_420 : memref<128xi32, #tpu.memory_space<vmem>>) semaphore(%arg19 : memref<!tpu.dma_semaphore, #tpu.memory_space<semaphore_mem>>) {add = true}
      %scan3A_424 = arith.constant 0 : i32
      scf.yield %scan3A_424 : i32
    }
    %scan3A_249 = arith.constant 40 : i32
    %rem3A_250 = arith.constant 39 : i32
    %rem3A_251 = arith.constant 3 : i32
    %rem3A_252 = arith.remsi %rem3A_250, %rem3A_251 : i32
    %dma_wait3A_253 = arith.constant 39 : i32
    %dma_wait3A_254 = arith.constant 0 : i32
    %dma_wait3A_255 = arith.constant 0 : i32
    %dma_wait3A_256 = tpu.memref_slice %arg16[%rem3A_252, %dma_wait3A_254, %dma_wait3A_255] : memref<3x128x64xf32, #tpu.memory_space<vmem>> -> memref<1x128x64xf32, #tpu.memory_space<vmem>>
    %dma_wait3A_257 = tpu.memref_squeeze %dma_wait3A_256 : memref<1x128x64xf32, #tpu.memory_space<vmem>> -> memref<128x64xf32, #tpu.memory_space<vmem>>
    %dma_wait3A_258 = arith.constant 0 : i32
    %dma_wait3A_259 = tpu.memref_slice %arg12[%dma_wait3A_253, %dma_wait3A_258] : memref<40x128xi32, #tpu.memory_space<vmem>> -> memref<1x128xi32, #tpu.memory_space<vmem>>
    %dma_wait3A_260 = tpu.memref_squeeze %dma_wait3A_259 : memref<1x128xi32, #tpu.memory_space<vmem>> -> memref<128xi32, #tpu.memory_space<vmem>>
    %dma_wait3A_261 = arith.constant 0 : i32
    %dma_wait3A_262 = arith.constant 0 : i32
    %dma_wait3A_263 = tpu.memref_slice %arg9[%dma_wait3A_261, %dma_wait3A_262] : memref<10000x64xf32, #tpu.memory_space<vmem_shared>> -> memref<10000x64xf32, #tpu.memory_space<vmem_shared>>
    tpu.wait_indirect_dma semaphore(%arg19 : memref<!tpu.dma_semaphore, #tpu.memory_space<semaphore_mem>>) src(%dma_wait3A_257 : memref<128x64xf32, #tpu.memory_space<vmem>>) dst(%dma_wait3A_263 : memref<10000x64xf32, #tpu.memory_space<vmem_shared>>)
    %mul3A_264 = arith.constant 160 : i32
    %mul3A_265 = arith.muli %arg1, %mul3A_264 : i32
    %add3A_266 = arith.constant 80 : i32
    %add3A_267 = arith.addi %mul3A_265, %add3A_266 : i32
    "tpu.region"() ({
      %run_scoped3A_386 = tpu.sem_alloc : memref<!tpu.dma_semaphore, #tpu.memory_space<semaphore_mem>>
      %dma_start3A_387 = arith.constant 0 : i32
      %dma_start3A_388 = tpu.memref_slice %arg2[%add3A_267, %dma_start3A_387] : memref<2560x128xi32, #tpu.memory_space<hbm>> -> memref<40x128xi32, #tpu.memory_space<hbm>>
      %dma_start3A_389 = arith.constant 0 : i32
      %dma_start3A_390 = tpu.memref_slice %arg2[%add3A_267, %dma_start3A_389] : memref<2560x128xi32, #tpu.memory_space<hbm>> -> memref<40x128xi32, #tpu.memory_space<hbm>>
      tpu.enqueue_dma source(%dma_start3A_390 : memref<40x128xi32, #tpu.memory_space<hbm>>) target(%arg14 : memref<40x128xi32, #tpu.memory_space<vmem>>) target_semaphore(%run_scoped3A_386 : memref<!tpu.dma_semaphore, #tpu.memory_space<semaphore_mem>>)
      %dma_wait3A_391 = arith.constant 0 : i32
      %dma_wait3A_392 = tpu.memref_slice %arg2[%add3A_267, %dma_wait3A_391] : memref<2560x128xi32, #tpu.memory_space<hbm>> -> memref<40x128xi32, #tpu.memory_space<hbm>>
      %dma_wait3A_393 = arith.constant 0 : i32
      %dma_wait3A_394 = tpu.memref_slice %arg2[%add3A_267, %dma_wait3A_393] : memref<2560x128xi32, #tpu.memory_space<hbm>> -> memref<40x128xi32, #tpu.memory_space<hbm>>
      tpu.wait_dma2 semaphore(%run_scoped3A_386 : memref<!tpu.dma_semaphore, #tpu.memory_space<semaphore_mem>>) src(%dma_wait3A_394 : memref<40x128xi32, #tpu.memory_space<hbm>>) dst(%arg14 : memref<40x128xi32, #tpu.memory_space<vmem>>)
      tpu.yield
    }) : () -> ()
    "tpu.region"() ({
      %run_scoped3A_386 = tpu.sem_alloc : memref<!tpu.dma_semaphore, #tpu.memory_space<semaphore_mem>>
      %dma_start3A_387 = arith.constant 0 : i32
      %dma_start3A_388 = tpu.memref_slice %arg3[%add3A_267, %dma_start3A_387] : memref<2560x128xi32, #tpu.memory_space<hbm>> -> memref<40x128xi32, #tpu.memory_space<hbm>>
      %dma_start3A_389 = arith.constant 0 : i32
      %dma_start3A_390 = tpu.memref_slice %arg3[%add3A_267, %dma_start3A_389] : memref<2560x128xi32, #tpu.memory_space<hbm>> -> memref<40x128xi32, #tpu.memory_space<hbm>>
      tpu.enqueue_dma source(%dma_start3A_390 : memref<40x128xi32, #tpu.memory_space<hbm>>) target(%arg12 : memref<40x128xi32, #tpu.memory_space<vmem>>) target_semaphore(%run_scoped3A_386 : memref<!tpu.dma_semaphore, #tpu.memory_space<semaphore_mem>>)
      %dma_wait3A_391 = arith.constant 0 : i32
      %dma_wait3A_392 = tpu.memref_slice %arg3[%add3A_267, %dma_wait3A_391] : memref<2560x128xi32, #tpu.memory_space<hbm>> -> memref<40x128xi32, #tpu.memory_space<hbm>>
      %dma_wait3A_393 = arith.constant 0 : i32
      %dma_wait3A_394 = tpu.memref_slice %arg3[%add3A_267, %dma_wait3A_393] : memref<2560x128xi32, #tpu.memory_space<hbm>> -> memref<40x128xi32, #tpu.memory_space<hbm>>
      tpu.wait_dma2 semaphore(%run_scoped3A_386 : memref<!tpu.dma_semaphore, #tpu.memory_space<semaphore_mem>>) src(%dma_wait3A_394 : memref<40x128xi32, #tpu.memory_space<hbm>>) dst(%arg12 : memref<40x128xi32, #tpu.memory_space<vmem>>)
      tpu.yield
    }) : () -> ()
    "tpu.region"() ({
      %run_scoped3A_386 = tpu.sem_alloc : memref<!tpu.dma_semaphore, #tpu.memory_space<semaphore_mem>>
      %dma_start3A_387 = arith.constant 0 : i32
      %dma_start3A_388 = tpu.memref_slice %arg4[%add3A_267, %dma_start3A_387] : memref<2560x128xf32, #tpu.memory_space<hbm>> -> memref<40x128xf32, #tpu.memory_space<hbm>>
      %dma_start3A_389 = arith.constant 0 : i32
      %dma_start3A_390 = tpu.memref_slice %arg4[%add3A_267, %dma_start3A_389] : memref<2560x128xf32, #tpu.memory_space<hbm>> -> memref<40x128xf32, #tpu.memory_space<hbm>>
      tpu.enqueue_dma source(%dma_start3A_390 : memref<40x128xf32, #tpu.memory_space<hbm>>) target(%arg13 : memref<40x128xf32, #tpu.memory_space<vmem>>) target_semaphore(%run_scoped3A_386 : memref<!tpu.dma_semaphore, #tpu.memory_space<semaphore_mem>>)
      %dma_wait3A_391 = arith.constant 0 : i32
      %dma_wait3A_392 = tpu.memref_slice %arg4[%add3A_267, %dma_wait3A_391] : memref<2560x128xf32, #tpu.memory_space<hbm>> -> memref<40x128xf32, #tpu.memory_space<hbm>>
      %dma_wait3A_393 = arith.constant 0 : i32
      %dma_wait3A_394 = tpu.memref_slice %arg4[%add3A_267, %dma_wait3A_393] : memref<2560x128xf32, #tpu.memory_space<hbm>> -> memref<40x128xf32, #tpu.memory_space<hbm>>
      tpu.wait_dma2 semaphore(%run_scoped3A_386 : memref<!tpu.dma_semaphore, #tpu.memory_space<semaphore_mem>>) src(%dma_wait3A_394 : memref<40x128xf32, #tpu.memory_space<hbm>>) dst(%arg13 : memref<40x128xf32, #tpu.memory_space<vmem>>)
      tpu.yield
    }) : () -> ()
    %parallel_loop3A_268 = arith.constant 0 : i32
    %parallel_loop3A_269 = arith.constant 320 : i32
    %parallel_loop3A_270 = arith.constant 1 : i32
    scf.for %parallel_loop3A_386 = %parallel_loop3A_268 to %parallel_loop3A_269 step %parallel_loop3A_270  : i32 {
      %parallel_loop3A_387 = arith.constant 8 : i32
      %parallel_loop3A_388 = arith.divsi %parallel_loop3A_386, %parallel_loop3A_387 : i32
      %parallel_loop3A_389 = arith.constant 0 : i32
      %parallel_loop3A_390 = arith.cmpi sgt, %parallel_loop3A_386, %parallel_loop3A_389 : i32
      %parallel_loop3A_391 = arith.extui %parallel_loop3A_390 : i1 to i32
      %parallel_loop3A_392 = arith.constant 0 : i32
      %parallel_loop3A_393 = arith.cmpi slt, %parallel_loop3A_386, %parallel_loop3A_392 : i32
      %parallel_loop3A_394 = arith.extui %parallel_loop3A_393 : i1 to i32
      %parallel_loop3A_395 = arith.subi %parallel_loop3A_391, %parallel_loop3A_394 : i32
      %parallel_loop3A_396 = arith.constant 0 : i32
      %parallel_loop3A_397 = arith.cmpi sgt, %parallel_loop3A_387, %parallel_loop3A_396 : i32
      %parallel_loop3A_398 = arith.extui %parallel_loop3A_397 : i1 to i32
      %parallel_loop3A_399 = arith.constant 0 : i32
      %parallel_loop3A_400 = arith.cmpi slt, %parallel_loop3A_387, %parallel_loop3A_399 : i32
      %parallel_loop3A_401 = arith.extui %parallel_loop3A_400 : i1 to i32
      %parallel_loop3A_402 = arith.subi %parallel_loop3A_398, %parallel_loop3A_401 : i32
      %parallel_loop3A_403 = arith.cmpi ne, %parallel_loop3A_395, %parallel_loop3A_402 : i32
      %parallel_loop3A_404 = arith.remsi %parallel_loop3A_386, %parallel_loop3A_387 : i32
      %parallel_loop3A_405 = arith.constant 0 : i32
      %parallel_loop3A_406 = arith.cmpi ne, %parallel_loop3A_404, %parallel_loop3A_405 : i32
      %parallel_loop3A_407 = arith.andi %parallel_loop3A_403, %parallel_loop3A_406 : i1
      %parallel_loop3A_408 = arith.constant 1 : i32
      %parallel_loop3A_409 = arith.subi %parallel_loop3A_388, %parallel_loop3A_408 : i32
      %parallel_loop3A_410 = arith.select %parallel_loop3A_407, %parallel_loop3A_409, %parallel_loop3A_388 : i32
      %parallel_loop3A_411 = arith.constant 8 : i32
      %parallel_loop3A_412 = arith.constant 0 : i32
      %parallel_loop3A_413 = arith.cmpi eq, %parallel_loop3A_411, %parallel_loop3A_412 : i32
      %parallel_loop3A_414 = arith.constant 1 : i32
      %parallel_loop3A_415 = arith.select %parallel_loop3A_413, %parallel_loop3A_414, %parallel_loop3A_411 : i32
      %parallel_loop3A_416 = arith.remsi %parallel_loop3A_386, %parallel_loop3A_415 : i32
      %parallel_loop3A_417 = arith.constant 0 : i32
      %parallel_loop3A_418 = arith.cmpi ne, %parallel_loop3A_416, %parallel_loop3A_417 : i32
      %parallel_loop3A_419 = arith.constant 0 : i32
      %parallel_loop3A_420 = arith.cmpi slt, %parallel_loop3A_416, %parallel_loop3A_419 : i32
      %parallel_loop3A_421 = arith.constant 0 : i32
      %parallel_loop3A_422 = arith.cmpi slt, %parallel_loop3A_415, %parallel_loop3A_421 : i32
      %parallel_loop3A_423 = arith.xori %parallel_loop3A_420, %parallel_loop3A_422 : i1
      %parallel_loop3A_424 = arith.andi %parallel_loop3A_423, %parallel_loop3A_418 : i1
      %parallel_loop3A_425 = arith.addi %parallel_loop3A_416, %parallel_loop3A_415 : i32
      %parallel_loop3A_426 = arith.select %parallel_loop3A_424, %parallel_loop3A_425, %parallel_loop3A_416 : i32
      %parallel_loop3A_427 = arith.constant 16 : i32
      %parallel_loop3A_428 = arith.muli %parallel_loop3A_426, %parallel_loop3A_427 : i32
      %parallel_loop3A_429 = arith.index_cast %parallel_loop3A_410 : i32 to index
      %parallel_loop3A_430 = arith.index_cast %parallel_loop3A_428 : i32 to index
      %parallel_loop3A_431 = tpu.vector_load %arg14[%parallel_loop3A_429, %parallel_loop3A_430] {strides = array<i32>} : memref<40x128xi32, #tpu.memory_space<vmem>>, vector<16xi32>,
      %parallel_loop3A_432 = arith.constant 16 : i32
      %parallel_loop3A_433 = arith.muli %parallel_loop3A_426, %parallel_loop3A_432 : i32
      %parallel_loop3A_434 = arith.index_cast %parallel_loop3A_410 : i32 to index
      %parallel_loop3A_435 = arith.index_cast %parallel_loop3A_433 : i32 to index
      %parallel_loop3A_436 = tpu.vector_load %arg13[%parallel_loop3A_434, %parallel_loop3A_435] {strides = array<i32>} : memref<40x128xf32, #tpu.memory_space<vmem>>, vector<16xf32>,
      %parallel_loop3A_437 = tpu.vector_load_idx %arg15[%parallel_loop3A_431] : memref<10000xf32, #tpu.memory_space<vmem>>[vector<16xi32>], vector<16xf32>,
      %parallel_loop3A_438 = arith.mulf %parallel_loop3A_437, %parallel_loop3A_436 : vector<16xf32>
      %parallel_loop3A_439 = arith.constant 16 : i32
      %parallel_loop3A_440 = arith.muli %parallel_loop3A_426, %parallel_loop3A_439 : i32
      %parallel_loop3A_441 = arith.index_cast %parallel_loop3A_410 : i32 to index
      %parallel_loop3A_442 = arith.index_cast %parallel_loop3A_440 : i32 to index
      %parallel_loop3A_443 = tpu.vector_load %arg13[%parallel_loop3A_441, %parallel_loop3A_442] {strides = array<i32>} : memref<40x128xf32, #tpu.memory_space<vmem>>, vector<16xf32>,
      tpu.vector_store %arg13[%parallel_loop3A_441, %parallel_loop3A_442], %parallel_loop3A_438 {strides = array<i32>} : memref<40x128xf32, #tpu.memory_space<vmem>>, vector<16xf32>,
    } {sc.loop_unroll_factor = 4 : i64, sc.parallel_access}
    %dma_start3A_271 = arith.constant 0 : i32
    %dma_start3A_272 = arith.constant 0 : i32
    %dma_start3A_273 = arith.constant 0 : i32
    %dma_start3A_274 = arith.constant 0 : i32
    %dma_start3A_275 = tpu.memref_slice %arg16[%dma_start3A_272, %dma_start3A_273, %dma_start3A_274] : memref<3x128x64xf32, #tpu.memory_space<vmem>> -> memref<1x128x64xf32, #tpu.memory_space<vmem>>
    %dma_start3A_276 = tpu.memref_squeeze %dma_start3A_275 : memref<1x128x64xf32, #tpu.memory_space<vmem>> -> memref<128x64xf32, #tpu.memory_space<vmem>>
    %dma_start3A_277 = arith.constant 0 : i32
    %dma_start3A_278 = tpu.memref_slice %arg14[%dma_start3A_271, %dma_start3A_277] : memref<40x128xi32, #tpu.memory_space<vmem>> -> memref<1x128xi32, #tpu.memory_space<vmem>>
    %dma_start3A_279 = tpu.memref_squeeze %dma_start3A_278 : memref<1x128xi32, #tpu.memory_space<vmem>> -> memref<128xi32, #tpu.memory_space<vmem>>
    %dma_start3A_280 = arith.constant 0 : i32
    %dma_start3A_281 = arith.constant 0 : i32
    %dma_start3A_282 = tpu.memref_slice %arg11[%dma_start3A_280, %dma_start3A_281] : memref<10000x64xf32, #tpu.memory_space<vmem_shared>> -> memref<10000x64xf32, #tpu.memory_space<vmem_shared>>
    tpu.enqueue_indirect_dma source(%dma_start3A_282 : memref<10000x64xf32, #tpu.memory_space<vmem_shared>>) target(%dma_start3A_276 : memref<128x64xf32, #tpu.memory_space<vmem>>) offsets(%dma_start3A_279 : memref<128xi32, #tpu.memory_space<vmem>>) semaphore(%arg18 : memref<!tpu.dma_semaphore, #tpu.memory_space<semaphore_mem>>)
    %dma_start3A_283 = arith.constant 1 : i32
    %dma_start3A_284 = arith.constant 1 : i32
    %dma_start3A_285 = arith.constant 0 : i32
    %dma_start3A_286 = arith.constant 0 : i32
    %dma_start3A_287 = tpu.memref_slice %arg16[%dma_start3A_284, %dma_start3A_285, %dma_start3A_286] : memref<3x128x64xf32, #tpu.memory_space<vmem>> -> memref<1x128x64xf32, #tpu.memory_space<vmem>>
    %dma_start3A_288 = tpu.memref_squeeze %dma_start3A_287 : memref<1x128x64xf32, #tpu.memory_space<vmem>> -> memref<128x64xf32, #tpu.memory_space<vmem>>
    %dma_start3A_289 = arith.constant 0 : i32
    %dma_start3A_290 = tpu.memref_slice %arg14[%dma_start3A_283, %dma_start3A_289] : memref<40x128xi32, #tpu.memory_space<vmem>> -> memref<1x128xi32, #tpu.memory_space<vmem>>
    %dma_start3A_291 = tpu.memref_squeeze %dma_start3A_290 : memref<1x128xi32, #tpu.memory_space<vmem>> -> memref<128xi32, #tpu.memory_space<vmem>>
    %dma_start3A_292 = arith.constant 0 : i32
    %dma_start3A_293 = arith.constant 0 : i32
    %dma_start3A_294 = tpu.memref_slice %arg11[%dma_start3A_292, %dma_start3A_293] : memref<10000x64xf32, #tpu.memory_space<vmem_shared>> -> memref<10000x64xf32, #tpu.memory_space<vmem_shared>>
    tpu.enqueue_indirect_dma source(%dma_start3A_294 : memref<10000x64xf32, #tpu.memory_space<vmem_shared>>) target(%dma_start3A_288 : memref<128x64xf32, #tpu.memory_space<vmem>>) offsets(%dma_start3A_291 : memref<128xi32, #tpu.memory_space<vmem>>) semaphore(%arg18 : memref<!tpu.dma_semaphore, #tpu.memory_space<semaphore_mem>>)
    %scan3A_295 = arith.constant 0 : i32
    %scan3A_296 = arith.constant 0 : i32
    %scan3A_297 = arith.constant 40 : i32
    %scan3A_298 = arith.addi %scan3A_296, %scan3A_297 : i32
    %scan3A_299 = arith.constant 1 : i32
    %scan3A_300 = scf.for %scan3A_386 = %scan3A_296 to %scan3A_298 step %scan3A_299 iter_args(%scan3A_387 = %scan3A_295) -> (i32)  : i32 {
      %rem3A_388 = arith.constant 3 : i32
      %rem3A_389 = arith.remsi %scan3A_386, %rem3A_388 : i32
      %dma_wait3A_390 = arith.constant 0 : i32
      %dma_wait3A_391 = arith.constant 0 : i32
      %dma_wait3A_392 = tpu.memref_slice %arg16[%rem3A_389, %dma_wait3A_390, %dma_wait3A_391] : memref<3x128x64xf32, #tpu.memory_space<vmem>> -> memref<1x128x64xf32, #tpu.memory_space<vmem>>
      %dma_wait3A_393 = tpu.memref_squeeze %dma_wait3A_392 : memref<1x128x64xf32, #tpu.memory_space<vmem>> -> memref<128x64xf32, #tpu.memory_space<vmem>>
      %dma_wait3A_394 = arith.constant 0 : i32
      %dma_wait3A_395 = tpu.memref_slice %arg14[%scan3A_386, %dma_wait3A_394] : memref<40x128xi32, #tpu.memory_space<vmem>> -> memref<1x128xi32, #tpu.memory_space<vmem>>
      %dma_wait3A_396 = tpu.memref_squeeze %dma_wait3A_395 : memref<1x128xi32, #tpu.memory_space<vmem>> -> memref<128xi32, #tpu.memory_space<vmem>>
      %dma_wait3A_397 = arith.constant 0 : i32
      %dma_wait3A_398 = arith.constant 0 : i32
      %dma_wait3A_399 = tpu.memref_slice %arg11[%dma_wait3A_397, %dma_wait3A_398] : memref<10000x64xf32, #tpu.memory_space<vmem_shared>> -> memref<10000x64xf32, #tpu.memory_space<vmem_shared>>
      tpu.wait_indirect_dma semaphore(%arg18 : memref<!tpu.dma_semaphore, #tpu.memory_space<semaphore_mem>>) src(%dma_wait3A_399 : memref<10000x64xf32, #tpu.memory_space<vmem_shared>>) dst(%dma_wait3A_393 : memref<128x64xf32, #tpu.memory_space<vmem>>)
      %ge3A = arith.constant 1 : i32
      %ge3A_400 = arith.cmpi sge, %scan3A_386, %ge3A : i32
      %convert_element_type3A_401 = arith.extui %ge3A_400 : i1 to i32
      %cond3A_402 = arith.constant 0 : i32
      %cond3A_403 = arith.cmpi ne, %convert_element_type3A_401, %cond3A_402 : i32
      scf.if %cond3A_403 {
        %add3A_425 = arith.constant 2 : i32
        %add3A_426 = arith.addi %scan3A_386, %add3A_425 : i32
        %rem3A_427 = arith.constant 3 : i32
        %rem3A_428 = arith.remsi %add3A_426, %rem3A_427 : i32
        %sub3A = arith.constant 1 : i32
        %sub3A_429 = arith.subi %scan3A_386, %sub3A : i32
        %dma_wait3A_430 = arith.constant 0 : i32
        %dma_wait3A_431 = arith.constant 0 : i32
        %dma_wait3A_432 = tpu.memref_slice %arg16[%rem3A_428, %dma_wait3A_430, %dma_wait3A_431] : memref<3x128x64xf32, #tpu.memory_space<vmem>> -> memref<1x128x64xf32, #tpu.memory_space<vmem>>
        %dma_wait3A_433 = tpu.memref_squeeze %dma_wait3A_432 : memref<1x128x64xf32, #tpu.memory_space<vmem>> -> memref<128x64xf32, #tpu.memory_space<vmem>>
        %dma_wait3A_434 = arith.constant 0 : i32
        %dma_wait3A_435 = tpu.memref_slice %arg12[%sub3A_429, %dma_wait3A_434] : memref<40x128xi32, #tpu.memory_space<vmem>> -> memref<1x128xi32, #tpu.memory_space<vmem>>
        %dma_wait3A_436 = tpu.memref_squeeze %dma_wait3A_435 : memref<1x128xi32, #tpu.memory_space<vmem>> -> memref<128xi32, #tpu.memory_space<vmem>>
        %dma_wait3A_437 = arith.constant 0 : i32
        %dma_wait3A_438 = arith.constant 0 : i32
        %dma_wait3A_439 = tpu.memref_slice %arg9[%dma_wait3A_437, %dma_wait3A_438] : memref<10000x64xf32, #tpu.memory_space<vmem_shared>> -> memref<10000x64xf32, #tpu.memory_space<vmem_shared>>
        tpu.wait_indirect_dma semaphore(%arg19 : memref<!tpu.dma_semaphore, #tpu.memory_space<semaphore_mem>>) src(%dma_wait3A_433 : memref<128x64xf32, #tpu.memory_space<vmem>>) dst(%dma_wait3A_439 : memref<10000x64xf32, #tpu.memory_space<vmem_shared>>)
      } else {
      }
      %lt3A_404 = arith.constant 38 : i32
      %lt3A_405 = arith.cmpi slt, %scan3A_386, %lt3A_404 : i32
      %convert_element_type3A_406 = arith.extui %lt3A_405 : i1 to i32
      %cond3A_407 = arith.constant 0 : i32
      %cond3A_408 = arith.cmpi ne, %convert_element_type3A_406, %cond3A_407 : i32
      scf.if %cond3A_408 {
        %add3A_425 = arith.constant 2 : i32
        %add3A_426 = arith.addi %scan3A_386, %add3A_425 : i32
        %add3A_427 = arith.constant 2 : i32
        %add3A_428 = arith.addi %scan3A_386, %add3A_427 : i32
        %rem3A_429 = arith.constant 3 : i32
        %rem3A_430 = arith.remsi %add3A_428, %rem3A_429 : i32
        %dma_start3A_431 = arith.constant 0 : i32
        %dma_start3A_432 = arith.constant 0 : i32
        %dma_start3A_433 = tpu.memref_slice %arg16[%rem3A_430, %dma_start3A_431, %dma_start3A_432] : memref<3x128x64xf32, #tpu.memory_space<vmem>> -> memref<1x128x64xf32, #tpu.memory_space<vmem>>
        %dma_start3A_434 = tpu.memref_squeeze %dma_start3A_433 : memref<1x128x64xf32, #tpu.memory_space<vmem>> -> memref<128x64xf32, #tpu.memory_space<vmem>>
        %dma_start3A_435 = arith.constant 0 : i32
        %dma_start3A_436 = tpu.memref_slice %arg14[%add3A_426, %dma_start3A_435] : memref<40x128xi32, #tpu.memory_space<vmem>> -> memref<1x128xi32, #tpu.memory_space<vmem>>
        %dma_start3A_437 = tpu.memref_squeeze %dma_start3A_436 : memref<1x128xi32, #tpu.memory_space<vmem>> -> memref<128xi32, #tpu.memory_space<vmem>>
        %dma_start3A_438 = arith.constant 0 : i32
        %dma_start3A_439 = arith.constant 0 : i32
        %dma_start3A_440 = tpu.memref_slice %arg11[%dma_start3A_438, %dma_start3A_439] : memref<10000x64xf32, #tpu.memory_space<vmem_shared>> -> memref<10000x64xf32, #tpu.memory_space<vmem_shared>>
        tpu.enqueue_indirect_dma source(%dma_start3A_440 : memref<10000x64xf32, #tpu.memory_space<vmem_shared>>) target(%dma_start3A_434 : memref<128x64xf32, #tpu.memory_space<vmem>>) offsets(%dma_start3A_437 : memref<128xi32, #tpu.memory_space<vmem>>) semaphore(%arg18 : memref<!tpu.dma_semaphore, #tpu.memory_space<semaphore_mem>>)
      } else {
      }
      %add3A_409 = vector.broadcast %scan3A_386 : i32 to vector<16xi32>
      %add3A_410 = arith.addi %broadcast_in_dim3A_163, %add3A_409 : vector<16xi32>
      %parallel_loop3A_411 = arith.constant 0 : i32
      %parallel_loop3A_412 = arith.constant 128 : i32
      %parallel_loop3A_413 = arith.constant 1 : i32
      scf.for %parallel_loop3A_425 = %parallel_loop3A_411 to %parallel_loop3A_412 step %parallel_loop3A_413  : i32 {
        %parallel_loop3A_426 = vector.broadcast %parallel_loop3A_425 : i32 to vector<16xi32>
        %parallel_loop3A_427 = arith.addi %broadcast_in_dim3A_163, %parallel_loop3A_426 : vector<16xi32>
        %parallel_loop3A_428 = tpu.vector_load_idx %arg13[%add3A_410, %parallel_loop3A_427] : memref<40x128xf32, #tpu.memory_space<vmem>>[vector<16xi32>, vector<16xi32>], vector<16xf32>,
        %parallel_loop3A_429 = arith.index_cast %rem3A_389 : i32 to index
        %parallel_loop3A_430 = arith.index_cast %parallel_loop3A_425 : i32 to index
        %parallel_loop3A_431 = arith.constant 0 : index
        %parallel_loop3A_432 = tpu.vector_load %arg16[%parallel_loop3A_429, %parallel_loop3A_430, %parallel_loop3A_431] {strides = array<i32>} : memref<3x128x64xf32, #tpu.memory_space<vmem>>, vector<16xf32>,
        %parallel_loop3A_433 = arith.mulf %parallel_loop3A_432, %parallel_loop3A_428 : vector<16xf32>
        %parallel_loop3A_434 = arith.index_cast %rem3A_389 : i32 to index
        %parallel_loop3A_435 = arith.index_cast %parallel_loop3A_425 : i32 to index
        %parallel_loop3A_436 = arith.constant 0 : index
        %parallel_loop3A_437 = tpu.vector_load %arg16[%parallel_loop3A_434, %parallel_loop3A_435, %parallel_loop3A_436] {strides = array<i32>} : memref<3x128x64xf32, #tpu.memory_space<vmem>>, vector<16xf32>,
        tpu.vector_store %arg16[%parallel_loop3A_434, %parallel_loop3A_435, %parallel_loop3A_436], %parallel_loop3A_433 {strides = array<i32>} : memref<3x128x64xf32, #tpu.memory_space<vmem>>, vector<16xf32>,
        %parallel_loop3A_438 = arith.index_cast %rem3A_389 : i32 to index
        %parallel_loop3A_439 = arith.index_cast %parallel_loop3A_425 : i32 to index
        %parallel_loop3A_440 = arith.constant 16 : index
        %parallel_loop3A_441 = tpu.vector_load %arg16[%parallel_loop3A_438, %parallel_loop3A_439, %parallel_loop3A_440] {strides = array<i32>} : memref<3x128x64xf32, #tpu.memory_space<vmem>>, vector<16xf32>,
        %parallel_loop3A_442 = arith.mulf %parallel_loop3A_441, %parallel_loop3A_428 : vector<16xf32>
        %parallel_loop3A_443 = arith.index_cast %rem3A_389 : i32 to index
        %parallel_loop3A_444 = arith.index_cast %parallel_loop3A_425 : i32 to index
        %parallel_loop3A_445 = arith.constant 16 : index
        %parallel_loop3A_446 = tpu.vector_load %arg16[%parallel_loop3A_443, %parallel_loop3A_444, %parallel_loop3A_445] {strides = array<i32>} : memref<3x128x64xf32, #tpu.memory_space<vmem>>, vector<16xf32>,
        tpu.vector_store %arg16[%parallel_loop3A_443, %parallel_loop3A_444, %parallel_loop3A_445], %parallel_loop3A_442 {strides = array<i32>} : memref<3x128x64xf32, #tpu.memory_space<vmem>>, vector<16xf32>,
        %parallel_loop3A_447 = arith.index_cast %rem3A_389 : i32 to index
        %parallel_loop3A_448 = arith.index_cast %parallel_loop3A_425 : i32 to index
        %parallel_loop3A_449 = arith.constant 32 : index
        %parallel_loop3A_450 = tpu.vector_load %arg16[%parallel_loop3A_447, %parallel_loop3A_448, %parallel_loop3A_449] {strides = array<i32>} : memref<3x128x64xf32, #tpu.memory_space<vmem>>, vector<16xf32>,
        %parallel_loop3A_451 = arith.mulf %parallel_loop3A_450, %parallel_loop3A_428 : vector<16xf32>
        %parallel_loop3A_452 = arith.index_cast %rem3A_389 : i32 to index
        %parallel_loop3A_453 = arith.index_cast %parallel_loop3A_425 : i32 to index
        %parallel_loop3A_454 = arith.constant 32 : index
        %parallel_loop3A_455 = tpu.vector_load %arg16[%parallel_loop3A_452, %parallel_loop3A_453, %parallel_loop3A_454] {strides = array<i32>} : memref<3x128x64xf32, #tpu.memory_space<vmem>>, vector<16xf32>,
        tpu.vector_store %arg16[%parallel_loop3A_452, %parallel_loop3A_453, %parallel_loop3A_454], %parallel_loop3A_451 {strides = array<i32>} : memref<3x128x64xf32, #tpu.memory_space<vmem>>, vector<16xf32>,
        %parallel_loop3A_456 = arith.index_cast %rem3A_389 : i32 to index
        %parallel_loop3A_457 = arith.index_cast %parallel_loop3A_425 : i32 to index
        %parallel_loop3A_458 = arith.constant 48 : index
        %parallel_loop3A_459 = tpu.vector_load %arg16[%parallel_loop3A_456, %parallel_loop3A_457, %parallel_loop3A_458] {strides = array<i32>} : memref<3x128x64xf32, #tpu.memory_space<vmem>>, vector<16xf32>,
        %parallel_loop3A_460 = arith.mulf %parallel_loop3A_459, %parallel_loop3A_428 : vector<16xf32>
        %parallel_loop3A_461 = arith.index_cast %rem3A_389 : i32 to index
        %parallel_loop3A_462 = arith.index_cast %parallel_loop3A_425 : i32 to index
        %parallel_loop3A_463 = arith.constant 48 : index
        %parallel_loop3A_464 = tpu.vector_load %arg16[%parallel_loop3A_461, %parallel_loop3A_462, %parallel_loop3A_463] {strides = array<i32>} : memref<3x128x64xf32, #tpu.memory_space<vmem>>, vector<16xf32>,
        tpu.vector_store %arg16[%parallel_loop3A_461, %parallel_loop3A_462, %parallel_loop3A_463], %parallel_loop3A_460 {strides = array<i32>} : memref<3x128x64xf32, #tpu.memory_space<vmem>>, vector<16xf32>,
      } {sc.loop_unroll_factor = 4 : i64, sc.parallel_access}
      %dma_start3A_414 = arith.constant 0 : i32
      %dma_start3A_415 = arith.constant 0 : i32
      %dma_start3A_416 = tpu.memref_slice %arg16[%rem3A_389, %dma_start3A_414, %dma_start3A_415] : memref<3x128x64xf32, #tpu.memory_space<vmem>> -> memref<1x128x64xf32, #tpu.memory_space<vmem>>
      %dma_start3A_417 = tpu.memref_squeeze %dma_start3A_416 : memref<1x128x64xf32, #tpu.memory_space<vmem>> -> memref<128x64xf32, #tpu.memory_space<vmem>>
      %dma_start3A_418 = arith.constant 0 : i32
      %dma_start3A_419 = tpu.memref_slice %arg12[%scan3A_386, %dma_start3A_418] : memref<40x128xi32, #tpu.memory_space<vmem>> -> memref<1x128xi32, #tpu.memory_space<vmem>>
      %dma_start3A_420 = tpu.memref_squeeze %dma_start3A_419 : memref<1x128xi32, #tpu.memory_space<vmem>> -> memref<128xi32, #tpu.memory_space<vmem>>
      %dma_start3A_421 = arith.constant 0 : i32
      %dma_start3A_422 = arith.constant 0 : i32
      %dma_start3A_423 = tpu.memref_slice %arg9[%dma_start3A_421, %dma_start3A_422] : memref<10000x64xf32, #tpu.memory_space<vmem_shared>> -> memref<10000x64xf32, #tpu.memory_space<vmem_shared>>
      tpu.enqueue_indirect_dma source(%dma_start3A_417 : memref<128x64xf32, #tpu.memory_space<vmem>>) target(%dma_start3A_423 : memref<10000x64xf32, #tpu.memory_space<vmem_shared>>) offsets(%dma_start3A_420 : memref<128xi32, #tpu.memory_space<vmem>>) semaphore(%arg19 : memref<!tpu.dma_semaphore, #tpu.memory_space<semaphore_mem>>) {add = true}
      %scan3A_424 = arith.constant 0 : i32
      scf.yield %scan3A_424 : i32
    }
    %scan3A_301 = arith.constant 40 : i32
    %rem3A_302 = arith.constant 39 : i32
    %rem3A_303 = arith.constant 3 : i32
    %rem3A_304 = arith.remsi %rem3A_302, %rem3A_303 : i32
    %dma_wait3A_305 = arith.constant 39 : i32
    %dma_wait3A_306 = arith.constant 0 : i32
    %dma_wait3A_307 = arith.constant 0 : i32
    %dma_wait3A_308 = tpu.memref_slice %arg16[%rem3A_304, %dma_wait3A_306, %dma_wait3A_307] : memref<3x128x64xf32, #tpu.memory_space<vmem>> -> memref<1x128x64xf32, #tpu.memory_space<vmem>>
    %dma_wait3A_309 = tpu.memref_squeeze %dma_wait3A_308 : memref<1x128x64xf32, #tpu.memory_space<vmem>> -> memref<128x64xf32, #tpu.memory_space<vmem>>
    %dma_wait3A_310 = arith.constant 0 : i32
    %dma_wait3A_311 = tpu.memref_slice %arg12[%dma_wait3A_305, %dma_wait3A_310] : memref<40x128xi32, #tpu.memory_space<vmem>> -> memref<1x128xi32, #tpu.memory_space<vmem>>
    %dma_wait3A_312 = tpu.memref_squeeze %dma_wait3A_311 : memref<1x128xi32, #tpu.memory_space<vmem>> -> memref<128xi32, #tpu.memory_space<vmem>>
    %dma_wait3A_313 = arith.constant 0 : i32
    %dma_wait3A_314 = arith.constant 0 : i32
    %dma_wait3A_315 = tpu.memref_slice %arg9[%dma_wait3A_313, %dma_wait3A_314] : memref<10000x64xf32, #tpu.memory_space<vmem_shared>> -> memref<10000x64xf32, #tpu.memory_space<vmem_shared>>
    tpu.wait_indirect_dma semaphore(%arg19 : memref<!tpu.dma_semaphore, #tpu.memory_space<semaphore_mem>>) src(%dma_wait3A_309 : memref<128x64xf32, #tpu.memory_space<vmem>>) dst(%dma_wait3A_315 : memref<10000x64xf32, #tpu.memory_space<vmem_shared>>)
    %mul3A_316 = arith.constant 160 : i32
    %mul3A_317 = arith.muli %arg1, %mul3A_316 : i32
    %add3A_318 = arith.constant 120 : i32
    %add3A_319 = arith.addi %mul3A_317, %add3A_318 : i32
    "tpu.region"() ({
      %run_scoped3A_386 = tpu.sem_alloc : memref<!tpu.dma_semaphore, #tpu.memory_space<semaphore_mem>>
      %dma_start3A_387 = arith.constant 0 : i32
      %dma_start3A_388 = tpu.memref_slice %arg2[%add3A_319, %dma_start3A_387] : memref<2560x128xi32, #tpu.memory_space<hbm>> -> memref<40x128xi32, #tpu.memory_space<hbm>>
      %dma_start3A_389 = arith.constant 0 : i32
      %dma_start3A_390 = tpu.memref_slice %arg2[%add3A_319, %dma_start3A_389] : memref<2560x128xi32, #tpu.memory_space<hbm>> -> memref<40x128xi32, #tpu.memory_space<hbm>>
      tpu.enqueue_dma source(%dma_start3A_390 : memref<40x128xi32, #tpu.memory_space<hbm>>) target(%arg14 : memref<40x128xi32, #tpu.memory_space<vmem>>) target_semaphore(%run_scoped3A_386 : memref<!tpu.dma_semaphore, #tpu.memory_space<semaphore_mem>>)
      %dma_wait3A_391 = arith.constant 0 : i32
      %dma_wait3A_392 = tpu.memref_slice %arg2[%add3A_319, %dma_wait3A_391] : memref<2560x128xi32, #tpu.memory_space<hbm>> -> memref<40x128xi32, #tpu.memory_space<hbm>>
      %dma_wait3A_393 = arith.constant 0 : i32
      %dma_wait3A_394 = tpu.memref_slice %arg2[%add3A_319, %dma_wait3A_393] : memref<2560x128xi32, #tpu.memory_space<hbm>> -> memref<40x128xi32, #tpu.memory_space<hbm>>
      tpu.wait_dma2 semaphore(%run_scoped3A_386 : memref<!tpu.dma_semaphore, #tpu.memory_space<semaphore_mem>>) src(%dma_wait3A_394 : memref<40x128xi32, #tpu.memory_space<hbm>>) dst(%arg14 : memref<40x128xi32, #tpu.memory_space<vmem>>)
      tpu.yield
    }) : () -> ()
    "tpu.region"() ({
      %run_scoped3A_386 = tpu.sem_alloc : memref<!tpu.dma_semaphore, #tpu.memory_space<semaphore_mem>>
      %dma_start3A_387 = arith.constant 0 : i32
      %dma_start3A_388 = tpu.memref_slice %arg3[%add3A_319, %dma_start3A_387] : memref<2560x128xi32, #tpu.memory_space<hbm>> -> memref<40x128xi32, #tpu.memory_space<hbm>>
      %dma_start3A_389 = arith.constant 0 : i32
      %dma_start3A_390 = tpu.memref_slice %arg3[%add3A_319, %dma_start3A_389] : memref<2560x128xi32, #tpu.memory_space<hbm>> -> memref<40x128xi32, #tpu.memory_space<hbm>>
      tpu.enqueue_dma source(%dma_start3A_390 : memref<40x128xi32, #tpu.memory_space<hbm>>) target(%arg12 : memref<40x128xi32, #tpu.memory_space<vmem>>) target_semaphore(%run_scoped3A_386 : memref<!tpu.dma_semaphore, #tpu.memory_space<semaphore_mem>>)
      %dma_wait3A_391 = arith.constant 0 : i32
      %dma_wait3A_392 = tpu.memref_slice %arg3[%add3A_319, %dma_wait3A_391] : memref<2560x128xi32, #tpu.memory_space<hbm>> -> memref<40x128xi32, #tpu.memory_space<hbm>>
      %dma_wait3A_393 = arith.constant 0 : i32
      %dma_wait3A_394 = tpu.memref_slice %arg3[%add3A_319, %dma_wait3A_393] : memref<2560x128xi32, #tpu.memory_space<hbm>> -> memref<40x128xi32, #tpu.memory_space<hbm>>
      tpu.wait_dma2 semaphore(%run_scoped3A_386 : memref<!tpu.dma_semaphore, #tpu.memory_space<semaphore_mem>>) src(%dma_wait3A_394 : memref<40x128xi32, #tpu.memory_space<hbm>>) dst(%arg12 : memref<40x128xi32, #tpu.memory_space<vmem>>)
      tpu.yield
    }) : () -> ()
    "tpu.region"() ({
      %run_scoped3A_386 = tpu.sem_alloc : memref<!tpu.dma_semaphore, #tpu.memory_space<semaphore_mem>>
      %dma_start3A_387 = arith.constant 0 : i32
      %dma_start3A_388 = tpu.memref_slice %arg4[%add3A_319, %dma_start3A_387] : memref<2560x128xf32, #tpu.memory_space<hbm>> -> memref<40x128xf32, #tpu.memory_space<hbm>>
      %dma_start3A_389 = arith.constant 0 : i32
      %dma_start3A_390 = tpu.memref_slice %arg4[%add3A_319, %dma_start3A_389] : memref<2560x128xf32, #tpu.memory_space<hbm>> -> memref<40x128xf32, #tpu.memory_space<hbm>>
      tpu.enqueue_dma source(%dma_start3A_390 : memref<40x128xf32, #tpu.memory_space<hbm>>) target(%arg13 : memref<40x128xf32, #tpu.memory_space<vmem>>) target_semaphore(%run_scoped3A_386 : memref<!tpu.dma_semaphore, #tpu.memory_space<semaphore_mem>>)
      %dma_wait3A_391 = arith.constant 0 : i32
      %dma_wait3A_392 = tpu.memref_slice %arg4[%add3A_319, %dma_wait3A_391] : memref<2560x128xf32, #tpu.memory_space<hbm>> -> memref<40x128xf32, #tpu.memory_space<hbm>>
      %dma_wait3A_393 = arith.constant 0 : i32
      %dma_wait3A_394 = tpu.memref_slice %arg4[%add3A_319, %dma_wait3A_393] : memref<2560x128xf32, #tpu.memory_space<hbm>> -> memref<40x128xf32, #tpu.memory_space<hbm>>
      tpu.wait_dma2 semaphore(%run_scoped3A_386 : memref<!tpu.dma_semaphore, #tpu.memory_space<semaphore_mem>>) src(%dma_wait3A_394 : memref<40x128xf32, #tpu.memory_space<hbm>>) dst(%arg13 : memref<40x128xf32, #tpu.memory_space<vmem>>)
      tpu.yield
    }) : () -> ()
    %parallel_loop3A_320 = arith.constant 0 : i32
    %parallel_loop3A_321 = arith.constant 320 : i32
    %parallel_loop3A_322 = arith.constant 1 : i32
    scf.for %parallel_loop3A_386 = %parallel_loop3A_320 to %parallel_loop3A_321 step %parallel_loop3A_322  : i32 {
      %parallel_loop3A_387 = arith.constant 8 : i32
      %parallel_loop3A_388 = arith.divsi %parallel_loop3A_386, %parallel_loop3A_387 : i32
      %parallel_loop3A_389 = arith.constant 0 : i32
      %parallel_loop3A_390 = arith.cmpi sgt, %parallel_loop3A_386, %parallel_loop3A_389 : i32
      %parallel_loop3A_391 = arith.extui %parallel_loop3A_390 : i1 to i32
      %parallel_loop3A_392 = arith.constant 0 : i32
      %parallel_loop3A_393 = arith.cmpi slt, %parallel_loop3A_386, %parallel_loop3A_392 : i32
      %parallel_loop3A_394 = arith.extui %parallel_loop3A_393 : i1 to i32
      %parallel_loop3A_395 = arith.subi %parallel_loop3A_391, %parallel_loop3A_394 : i32
      %parallel_loop3A_396 = arith.constant 0 : i32
      %parallel_loop3A_397 = arith.cmpi sgt, %parallel_loop3A_387, %parallel_loop3A_396 : i32
      %parallel_loop3A_398 = arith.extui %parallel_loop3A_397 : i1 to i32
      %parallel_loop3A_399 = arith.constant 0 : i32
      %parallel_loop3A_400 = arith.cmpi slt, %parallel_loop3A_387, %parallel_loop3A_399 : i32
      %parallel_loop3A_401 = arith.extui %parallel_loop3A_400 : i1 to i32
      %parallel_loop3A_402 = arith.subi %parallel_loop3A_398, %parallel_loop3A_401 : i32
      %parallel_loop3A_403 = arith.cmpi ne, %parallel_loop3A_395, %parallel_loop3A_402 : i32
      %parallel_loop3A_404 = arith.remsi %parallel_loop3A_386, %parallel_loop3A_387 : i32
      %parallel_loop3A_405 = arith.constant 0 : i32
      %parallel_loop3A_406 = arith.cmpi ne, %parallel_loop3A_404, %parallel_loop3A_405 : i32
      %parallel_loop3A_407 = arith.andi %parallel_loop3A_403, %parallel_loop3A_406 : i1
      %parallel_loop3A_408 = arith.constant 1 : i32
      %parallel_loop3A_409 = arith.subi %parallel_loop3A_388, %parallel_loop3A_408 : i32
      %parallel_loop3A_410 = arith.select %parallel_loop3A_407, %parallel_loop3A_409, %parallel_loop3A_388 : i32
      %parallel_loop3A_411 = arith.constant 8 : i32
      %parallel_loop3A_412 = arith.constant 0 : i32
      %parallel_loop3A_413 = arith.cmpi eq, %parallel_loop3A_411, %parallel_loop3A_412 : i32
      %parallel_loop3A_414 = arith.constant 1 : i32
      %parallel_loop3A_415 = arith.select %parallel_loop3A_413, %parallel_loop3A_414, %parallel_loop3A_411 : i32
      %parallel_loop3A_416 = arith.remsi %parallel_loop3A_386, %parallel_loop3A_415 : i32
      %parallel_loop3A_417 = arith.constant 0 : i32
      %parallel_loop3A_418 = arith.cmpi ne, %parallel_loop3A_416, %parallel_loop3A_417 : i32
      %parallel_loop3A_419 = arith.constant 0 : i32
      %parallel_loop3A_420 = arith.cmpi slt, %parallel_loop3A_416, %parallel_loop3A_419 : i32
      %parallel_loop3A_421 = arith.constant 0 : i32
      %parallel_loop3A_422 = arith.cmpi slt, %parallel_loop3A_415, %parallel_loop3A_421 : i32
      %parallel_loop3A_423 = arith.xori %parallel_loop3A_420, %parallel_loop3A_422 : i1
      %parallel_loop3A_424 = arith.andi %parallel_loop3A_423, %parallel_loop3A_418 : i1
      %parallel_loop3A_425 = arith.addi %parallel_loop3A_416, %parallel_loop3A_415 : i32
      %parallel_loop3A_426 = arith.select %parallel_loop3A_424, %parallel_loop3A_425, %parallel_loop3A_416 : i32
      %parallel_loop3A_427 = arith.constant 16 : i32
      %parallel_loop3A_428 = arith.muli %parallel_loop3A_426, %parallel_loop3A_427 : i32
      %parallel_loop3A_429 = arith.index_cast %parallel_loop3A_410 : i32 to index
      %parallel_loop3A_430 = arith.index_cast %parallel_loop3A_428 : i32 to index
      %parallel_loop3A_431 = tpu.vector_load %arg14[%parallel_loop3A_429, %parallel_loop3A_430] {strides = array<i32>} : memref<40x128xi32, #tpu.memory_space<vmem>>, vector<16xi32>,
      %parallel_loop3A_432 = arith.constant 16 : i32
      %parallel_loop3A_433 = arith.muli %parallel_loop3A_426, %parallel_loop3A_432 : i32
      %parallel_loop3A_434 = arith.index_cast %parallel_loop3A_410 : i32 to index
      %parallel_loop3A_435 = arith.index_cast %parallel_loop3A_433 : i32 to index
      %parallel_loop3A_436 = tpu.vector_load %arg13[%parallel_loop3A_434, %parallel_loop3A_435] {strides = array<i32>} : memref<40x128xf32, #tpu.memory_space<vmem>>, vector<16xf32>,
      %parallel_loop3A_437 = tpu.vector_load_idx %arg15[%parallel_loop3A_431] : memref<10000xf32, #tpu.memory_space<vmem>>[vector<16xi32>], vector<16xf32>,
      %parallel_loop3A_438 = arith.mulf %parallel_loop3A_437, %parallel_loop3A_436 : vector<16xf32>
      %parallel_loop3A_439 = arith.constant 16 : i32
      %parallel_loop3A_440 = arith.muli %parallel_loop3A_426, %parallel_loop3A_439 : i32
      %parallel_loop3A_441 = arith.index_cast %parallel_loop3A_410 : i32 to index
      %parallel_loop3A_442 = arith.index_cast %parallel_loop3A_440 : i32 to index
      %parallel_loop3A_443 = tpu.vector_load %arg13[%parallel_loop3A_441, %parallel_loop3A_442] {strides = array<i32>} : memref<40x128xf32, #tpu.memory_space<vmem>>, vector<16xf32>,
      tpu.vector_store %arg13[%parallel_loop3A_441, %parallel_loop3A_442], %parallel_loop3A_438 {strides = array<i32>} : memref<40x128xf32, #tpu.memory_space<vmem>>, vector<16xf32>,
    } {sc.loop_unroll_factor = 4 : i64, sc.parallel_access}
    %dma_start3A_323 = arith.constant 0 : i32
    %dma_start3A_324 = arith.constant 0 : i32
    %dma_start3A_325 = arith.constant 0 : i32
    %dma_start3A_326 = arith.constant 0 : i32
    %dma_start3A_327 = tpu.memref_slice %arg16[%dma_start3A_324, %dma_start3A_325, %dma_start3A_326] : memref<3x128x64xf32, #tpu.memory_space<vmem>> -> memref<1x128x64xf32, #tpu.memory_space<vmem>>
    %dma_start3A_328 = tpu.memref_squeeze %dma_start3A_327 : memref<1x128x64xf32, #tpu.memory_space<vmem>> -> memref<128x64xf32, #tpu.memory_space<vmem>>
    %dma_start3A_329 = arith.constant 0 : i32
    %dma_start3A_330 = tpu.memref_slice %arg14[%dma_start3A_323, %dma_start3A_329] : memref<40x128xi32, #tpu.memory_space<vmem>> -> memref<1x128xi32, #tpu.memory_space<vmem>>
    %dma_start3A_331 = tpu.memref_squeeze %dma_start3A_330 : memref<1x128xi32, #tpu.memory_space<vmem>> -> memref<128xi32, #tpu.memory_space<vmem>>
    %dma_start3A_332 = arith.constant 0 : i32
    %dma_start3A_333 = arith.constant 0 : i32
    %dma_start3A_334 = tpu.memref_slice %arg11[%dma_start3A_332, %dma_start3A_333] : memref<10000x64xf32, #tpu.memory_space<vmem_shared>> -> memref<10000x64xf32, #tpu.memory_space<vmem_shared>>
    tpu.enqueue_indirect_dma source(%dma_start3A_334 : memref<10000x64xf32, #tpu.memory_space<vmem_shared>>) target(%dma_start3A_328 : memref<128x64xf32, #tpu.memory_space<vmem>>) offsets(%dma_start3A_331 : memref<128xi32, #tpu.memory_space<vmem>>) semaphore(%arg18 : memref<!tpu.dma_semaphore, #tpu.memory_space<semaphore_mem>>)
    %dma_start3A_335 = arith.constant 1 : i32
    %dma_start3A_336 = arith.constant 1 : i32
    %dma_start3A_337 = arith.constant 0 : i32
    %dma_start3A_338 = arith.constant 0 : i32
    %dma_start3A_339 = tpu.memref_slice %arg16[%dma_start3A_336, %dma_start3A_337, %dma_start3A_338] : memref<3x128x64xf32, #tpu.memory_space<vmem>> -> memref<1x128x64xf32, #tpu.memory_space<vmem>>
    %dma_start3A_340 = tpu.memref_squeeze %dma_start3A_339 : memref<1x128x64xf32, #tpu.memory_space<vmem>> -> memref<128x64xf32, #tpu.memory_space<vmem>>
    %dma_start3A_341 = arith.constant 0 : i32
    %dma_start3A_342 = tpu.memref_slice %arg14[%dma_start3A_335, %dma_start3A_341] : memref<40x128xi32, #tpu.memory_space<vmem>> -> memref<1x128xi32, #tpu.memory_space<vmem>>
    %dma_start3A_343 = tpu.memref_squeeze %dma_start3A_342 : memref<1x128xi32, #tpu.memory_space<vmem>> -> memref<128xi32, #tpu.memory_space<vmem>>
    %dma_start3A_344 = arith.constant 0 : i32
    %dma_start3A_345 = arith.constant 0 : i32
    %dma_start3A_346 = tpu.memref_slice %arg11[%dma_start3A_344, %dma_start3A_345] : memref<10000x64xf32, #tpu.memory_space<vmem_shared>> -> memref<10000x64xf32, #tpu.memory_space<vmem_shared>>
    tpu.enqueue_indirect_dma source(%dma_start3A_346 : memref<10000x64xf32, #tpu.memory_space<vmem_shared>>) target(%dma_start3A_340 : memref<128x64xf32, #tpu.memory_space<vmem>>) offsets(%dma_start3A_343 : memref<128xi32, #tpu.memory_space<vmem>>) semaphore(%arg18 : memref<!tpu.dma_semaphore, #tpu.memory_space<semaphore_mem>>)
    %scan3A_347 = arith.constant 0 : i32
    %scan3A_348 = arith.constant 0 : i32
    %scan3A_349 = arith.constant 40 : i32
    %scan3A_350 = arith.addi %scan3A_348, %scan3A_349 : i32
    %scan3A_351 = arith.constant 1 : i32
    %scan3A_352 = scf.for %scan3A_386 = %scan3A_348 to %scan3A_350 step %scan3A_351 iter_args(%scan3A_387 = %scan3A_347) -> (i32)  : i32 {
      %rem3A_388 = arith.constant 3 : i32
      %rem3A_389 = arith.remsi %scan3A_386, %rem3A_388 : i32
      %dma_wait3A_390 = arith.constant 0 : i32
      %dma_wait3A_391 = arith.constant 0 : i32
      %dma_wait3A_392 = tpu.memref_slice %arg16[%rem3A_389, %dma_wait3A_390, %dma_wait3A_391] : memref<3x128x64xf32, #tpu.memory_space<vmem>> -> memref<1x128x64xf32, #tpu.memory_space<vmem>>
      %dma_wait3A_393 = tpu.memref_squeeze %dma_wait3A_392 : memref<1x128x64xf32, #tpu.memory_space<vmem>> -> memref<128x64xf32, #tpu.memory_space<vmem>>
      %dma_wait3A_394 = arith.constant 0 : i32
      %dma_wait3A_395 = tpu.memref_slice %arg14[%scan3A_386, %dma_wait3A_394] : memref<40x128xi32, #tpu.memory_space<vmem>> -> memref<1x128xi32, #tpu.memory_space<vmem>>
      %dma_wait3A_396 = tpu.memref_squeeze %dma_wait3A_395 : memref<1x128xi32, #tpu.memory_space<vmem>> -> memref<128xi32, #tpu.memory_space<vmem>>
      %dma_wait3A_397 = arith.constant 0 : i32
      %dma_wait3A_398 = arith.constant 0 : i32
      %dma_wait3A_399 = tpu.memref_slice %arg11[%dma_wait3A_397, %dma_wait3A_398] : memref<10000x64xf32, #tpu.memory_space<vmem_shared>> -> memref<10000x64xf32, #tpu.memory_space<vmem_shared>>
      tpu.wait_indirect_dma semaphore(%arg18 : memref<!tpu.dma_semaphore, #tpu.memory_space<semaphore_mem>>) src(%dma_wait3A_399 : memref<10000x64xf32, #tpu.memory_space<vmem_shared>>) dst(%dma_wait3A_393 : memref<128x64xf32, #tpu.memory_space<vmem>>)
      %ge3A = arith.constant 1 : i32
      %ge3A_400 = arith.cmpi sge, %scan3A_386, %ge3A : i32
      %convert_element_type3A_401 = arith.extui %ge3A_400 : i1 to i32
      %cond3A_402 = arith.constant 0 : i32
      %cond3A_403 = arith.cmpi ne, %convert_element_type3A_401, %cond3A_402 : i32
      scf.if %cond3A_403 {
        %add3A_425 = arith.constant 2 : i32
        %add3A_426 = arith.addi %scan3A_386, %add3A_425 : i32
        %rem3A_427 = arith.constant 3 : i32
        %rem3A_428 = arith.remsi %add3A_426, %rem3A_427 : i32
        %sub3A = arith.constant 1 : i32
        %sub3A_429 = arith.subi %scan3A_386, %sub3A : i32
        %dma_wait3A_430 = arith.constant 0 : i32
        %dma_wait3A_431 = arith.constant 0 : i32
        %dma_wait3A_432 = tpu.memref_slice %arg16[%rem3A_428, %dma_wait3A_430, %dma_wait3A_431] : memref<3x128x64xf32, #tpu.memory_space<vmem>> -> memref<1x128x64xf32, #tpu.memory_space<vmem>>
        %dma_wait3A_433 = tpu.memref_squeeze %dma_wait3A_432 : memref<1x128x64xf32, #tpu.memory_space<vmem>> -> memref<128x64xf32, #tpu.memory_space<vmem>>
        %dma_wait3A_434 = arith.constant 0 : i32
        %dma_wait3A_435 = tpu.memref_slice %arg12[%sub3A_429, %dma_wait3A_434] : memref<40x128xi32, #tpu.memory_space<vmem>> -> memref<1x128xi32, #tpu.memory_space<vmem>>
        %dma_wait3A_436 = tpu.memref_squeeze %dma_wait3A_435 : memref<1x128xi32, #tpu.memory_space<vmem>> -> memref<128xi32, #tpu.memory_space<vmem>>
        %dma_wait3A_437 = arith.constant 0 : i32
        %dma_wait3A_438 = arith.constant 0 : i32
        %dma_wait3A_439 = tpu.memref_slice %arg9[%dma_wait3A_437, %dma_wait3A_438] : memref<10000x64xf32, #tpu.memory_space<vmem_shared>> -> memref<10000x64xf32, #tpu.memory_space<vmem_shared>>
        tpu.wait_indirect_dma semaphore(%arg19 : memref<!tpu.dma_semaphore, #tpu.memory_space<semaphore_mem>>) src(%dma_wait3A_433 : memref<128x64xf32, #tpu.memory_space<vmem>>) dst(%dma_wait3A_439 : memref<10000x64xf32, #tpu.memory_space<vmem_shared>>)
      } else {
      }
      %lt3A_404 = arith.constant 38 : i32
      %lt3A_405 = arith.cmpi slt, %scan3A_386, %lt3A_404 : i32
      %convert_element_type3A_406 = arith.extui %lt3A_405 : i1 to i32
      %cond3A_407 = arith.constant 0 : i32
      %cond3A_408 = arith.cmpi ne, %convert_element_type3A_406, %cond3A_407 : i32
      scf.if %cond3A_408 {
        %add3A_425 = arith.constant 2 : i32
        %add3A_426 = arith.addi %scan3A_386, %add3A_425 : i32
        %add3A_427 = arith.constant 2 : i32
        %add3A_428 = arith.addi %scan3A_386, %add3A_427 : i32
        %rem3A_429 = arith.constant 3 : i32
        %rem3A_430 = arith.remsi %add3A_428, %rem3A_429 : i32
        %dma_start3A_431 = arith.constant 0 : i32
        %dma_start3A_432 = arith.constant 0 : i32
        %dma_start3A_433 = tpu.memref_slice %arg16[%rem3A_430, %dma_start3A_431, %dma_start3A_432] : memref<3x128x64xf32, #tpu.memory_space<vmem>> -> memref<1x128x64xf32, #tpu.memory_space<vmem>>
        %dma_start3A_434 = tpu.memref_squeeze %dma_start3A_433 : memref<1x128x64xf32, #tpu.memory_space<vmem>> -> memref<128x64xf32, #tpu.memory_space<vmem>>
        %dma_start3A_435 = arith.constant 0 : i32
        %dma_start3A_436 = tpu.memref_slice %arg14[%add3A_426, %dma_start3A_435] : memref<40x128xi32, #tpu.memory_space<vmem>> -> memref<1x128xi32, #tpu.memory_space<vmem>>
        %dma_start3A_437 = tpu.memref_squeeze %dma_start3A_436 : memref<1x128xi32, #tpu.memory_space<vmem>> -> memref<128xi32, #tpu.memory_space<vmem>>
        %dma_start3A_438 = arith.constant 0 : i32
        %dma_start3A_439 = arith.constant 0 : i32
        %dma_start3A_440 = tpu.memref_slice %arg11[%dma_start3A_438, %dma_start3A_439] : memref<10000x64xf32, #tpu.memory_space<vmem_shared>> -> memref<10000x64xf32, #tpu.memory_space<vmem_shared>>
        tpu.enqueue_indirect_dma source(%dma_start3A_440 : memref<10000x64xf32, #tpu.memory_space<vmem_shared>>) target(%dma_start3A_434 : memref<128x64xf32, #tpu.memory_space<vmem>>) offsets(%dma_start3A_437 : memref<128xi32, #tpu.memory_space<vmem>>) semaphore(%arg18 : memref<!tpu.dma_semaphore, #tpu.memory_space<semaphore_mem>>)
      } else {
      }
      %add3A_409 = vector.broadcast %scan3A_386 : i32 to vector<16xi32>
      %add3A_410 = arith.addi %broadcast_in_dim3A_163, %add3A_409 : vector<16xi32>
      %parallel_loop3A_411 = arith.constant 0 : i32
      %parallel_loop3A_412 = arith.constant 128 : i32
      %parallel_loop3A_413 = arith.constant 1 : i32
      scf.for %parallel_loop3A_425 = %parallel_loop3A_411 to %parallel_loop3A_412 step %parallel_loop3A_413  : i32 {
        %parallel_loop3A_426 = vector.broadcast %parallel_loop3A_425 : i32 to vector<16xi32>
        %parallel_loop3A_427 = arith.addi %broadcast_in_dim3A_163, %parallel_loop3A_426 : vector<16xi32>
        %parallel_loop3A_428 = tpu.vector_load_idx %arg13[%add3A_410, %parallel_loop3A_427] : memref<40x128xf32, #tpu.memory_space<vmem>>[vector<16xi32>, vector<16xi32>], vector<16xf32>,
        %parallel_loop3A_429 = arith.index_cast %rem3A_389 : i32 to index
        %parallel_loop3A_430 = arith.index_cast %parallel_loop3A_425 : i32 to index
        %parallel_loop3A_431 = arith.constant 0 : index
        %parallel_loop3A_432 = tpu.vector_load %arg16[%parallel_loop3A_429, %parallel_loop3A_430, %parallel_loop3A_431] {strides = array<i32>} : memref<3x128x64xf32, #tpu.memory_space<vmem>>, vector<16xf32>,
        %parallel_loop3A_433 = arith.mulf %parallel_loop3A_432, %parallel_loop3A_428 : vector<16xf32>
        %parallel_loop3A_434 = arith.index_cast %rem3A_389 : i32 to index
        %parallel_loop3A_435 = arith.index_cast %parallel_loop3A_425 : i32 to index
        %parallel_loop3A_436 = arith.constant 0 : index
        %parallel_loop3A_437 = tpu.vector_load %arg16[%parallel_loop3A_434, %parallel_loop3A_435, %parallel_loop3A_436] {strides = array<i32>} : memref<3x128x64xf32, #tpu.memory_space<vmem>>, vector<16xf32>,
        tpu.vector_store %arg16[%parallel_loop3A_434, %parallel_loop3A_435, %parallel_loop3A_436], %parallel_loop3A_433 {strides = array<i32>} : memref<3x128x64xf32, #tpu.memory_space<vmem>>, vector<16xf32>,
        %parallel_loop3A_438 = arith.index_cast %rem3A_389 : i32 to index
        %parallel_loop3A_439 = arith.index_cast %parallel_loop3A_425 : i32 to index
        %parallel_loop3A_440 = arith.constant 16 : index
        %parallel_loop3A_441 = tpu.vector_load %arg16[%parallel_loop3A_438, %parallel_loop3A_439, %parallel_loop3A_440] {strides = array<i32>} : memref<3x128x64xf32, #tpu.memory_space<vmem>>, vector<16xf32>,
        %parallel_loop3A_442 = arith.mulf %parallel_loop3A_441, %parallel_loop3A_428 : vector<16xf32>
        %parallel_loop3A_443 = arith.index_cast %rem3A_389 : i32 to index
        %parallel_loop3A_444 = arith.index_cast %parallel_loop3A_425 : i32 to index
        %parallel_loop3A_445 = arith.constant 16 : index
        %parallel_loop3A_446 = tpu.vector_load %arg16[%parallel_loop3A_443, %parallel_loop3A_444, %parallel_loop3A_445] {strides = array<i32>} : memref<3x128x64xf32, #tpu.memory_space<vmem>>, vector<16xf32>,
        tpu.vector_store %arg16[%parallel_loop3A_443, %parallel_loop3A_444, %parallel_loop3A_445], %parallel_loop3A_442 {strides = array<i32>} : memref<3x128x64xf32, #tpu.memory_space<vmem>>, vector<16xf32>,
        %parallel_loop3A_447 = arith.index_cast %rem3A_389 : i32 to index
        %parallel_loop3A_448 = arith.index_cast %parallel_loop3A_425 : i32 to index
        %parallel_loop3A_449 = arith.constant 32 : index
        %parallel_loop3A_450 = tpu.vector_load %arg16[%parallel_loop3A_447, %parallel_loop3A_448, %parallel_loop3A_449] {strides = array<i32>} : memref<3x128x64xf32, #tpu.memory_space<vmem>>, vector<16xf32>,
        %parallel_loop3A_451 = arith.mulf %parallel_loop3A_450, %parallel_loop3A_428 : vector<16xf32>
        %parallel_loop3A_452 = arith.index_cast %rem3A_389 : i32 to index
        %parallel_loop3A_453 = arith.index_cast %parallel_loop3A_425 : i32 to index
        %parallel_loop3A_454 = arith.constant 32 : index
        %parallel_loop3A_455 = tpu.vector_load %arg16[%parallel_loop3A_452, %parallel_loop3A_453, %parallel_loop3A_454] {strides = array<i32>} : memref<3x128x64xf32, #tpu.memory_space<vmem>>, vector<16xf32>,
        tpu.vector_store %arg16[%parallel_loop3A_452, %parallel_loop3A_453, %parallel_loop3A_454], %parallel_loop3A_451 {strides = array<i32>} : memref<3x128x64xf32, #tpu.memory_space<vmem>>, vector<16xf32>,
        %parallel_loop3A_456 = arith.index_cast %rem3A_389 : i32 to index
        %parallel_loop3A_457 = arith.index_cast %parallel_loop3A_425 : i32 to index
        %parallel_loop3A_458 = arith.constant 48 : index
        %parallel_loop3A_459 = tpu.vector_load %arg16[%parallel_loop3A_456, %parallel_loop3A_457, %parallel_loop3A_458] {strides = array<i32>} : memref<3x128x64xf32, #tpu.memory_space<vmem>>, vector<16xf32>,
        %parallel_loop3A_460 = arith.mulf %parallel_loop3A_459, %parallel_loop3A_428 : vector<16xf32>
        %parallel_loop3A_461 = arith.index_cast %rem3A_389 : i32 to index
        %parallel_loop3A_462 = arith.index_cast %parallel_loop3A_425 : i32 to index
        %parallel_loop3A_463 = arith.constant 48 : index
        %parallel_loop3A_464 = tpu.vector_load %arg16[%parallel_loop3A_461, %parallel_loop3A_462, %parallel_loop3A_463] {strides = array<i32>} : memref<3x128x64xf32, #tpu.memory_space<vmem>>, vector<16xf32>,
        tpu.vector_store %arg16[%parallel_loop3A_461, %parallel_loop3A_462, %parallel_loop3A_463], %parallel_loop3A_460 {strides = array<i32>} : memref<3x128x64xf32, #tpu.memory_space<vmem>>, vector<16xf32>,
      } {sc.loop_unroll_factor = 4 : i64, sc.parallel_access}
      %dma_start3A_414 = arith.constant 0 : i32
      %dma_start3A_415 = arith.constant 0 : i32
      %dma_start3A_416 = tpu.memref_slice %arg16[%rem3A_389, %dma_start3A_414, %dma_start3A_415] : memref<3x128x64xf32, #tpu.memory_space<vmem>> -> memref<1x128x64xf32, #tpu.memory_space<vmem>>
      %dma_start3A_417 = tpu.memref_squeeze %dma_start3A_416 : memref<1x128x64xf32, #tpu.memory_space<vmem>> -> memref<128x64xf32, #tpu.memory_space<vmem>>
      %dma_start3A_418 = arith.constant 0 : i32
      %dma_start3A_419 = tpu.memref_slice %arg12[%scan3A_386, %dma_start3A_418] : memref<40x128xi32, #tpu.memory_space<vmem>> -> memref<1x128xi32, #tpu.memory_space<vmem>>
      %dma_start3A_420 = tpu.memref_squeeze %dma_start3A_419 : memref<1x128xi32, #tpu.memory_space<vmem>> -> memref<128xi32, #tpu.memory_space<vmem>>
      %dma_start3A_421 = arith.constant 0 : i32
      %dma_start3A_422 = arith.constant 0 : i32
      %dma_start3A_423 = tpu.memref_slice %arg9[%dma_start3A_421, %dma_start3A_422] : memref<10000x64xf32, #tpu.memory_space<vmem_shared>> -> memref<10000x64xf32, #tpu.memory_space<vmem_shared>>
      tpu.enqueue_indirect_dma source(%dma_start3A_417 : memref<128x64xf32, #tpu.memory_space<vmem>>) target(%dma_start3A_423 : memref<10000x64xf32, #tpu.memory_space<vmem_shared>>) offsets(%dma_start3A_420 : memref<128xi32, #tpu.memory_space<vmem>>) semaphore(%arg19 : memref<!tpu.dma_semaphore, #tpu.memory_space<semaphore_mem>>) {add = true}
      %scan3A_424 = arith.constant 0 : i32
      scf.yield %scan3A_424 : i32
    }
    %scan3A_353 = arith.constant 40 : i32
    %rem3A_354 = arith.constant 39 : i32
    %rem3A_355 = arith.constant 3 : i32
    %rem3A_356 = arith.remsi %rem3A_354, %rem3A_355 : i32
    %dma_wait3A_357 = arith.constant 39 : i32
    %dma_wait3A_358 = arith.constant 0 : i32
    %dma_wait3A_359 = arith.constant 0 : i32
    %dma_wait3A_360 = tpu.memref_slice %arg16[%rem3A_356, %dma_wait3A_358, %dma_wait3A_359] : memref<3x128x64xf32, #tpu.memory_space<vmem>> -> memref<1x128x64xf32, #tpu.memory_space<vmem>>
    %dma_wait3A_361 = tpu.memref_squeeze %dma_wait3A_360 : memref<1x128x64xf32, #tpu.memory_space<vmem>> -> memref<128x64xf32, #tpu.memory_space<vmem>>
    %dma_wait3A_362 = arith.constant 0 : i32
    %dma_wait3A_363 = tpu.memref_slice %arg12[%dma_wait3A_357, %dma_wait3A_362] : memref<40x128xi32, #tpu.memory_space<vmem>> -> memref<1x128xi32, #tpu.memory_space<vmem>>
    %dma_wait3A_364 = tpu.memref_squeeze %dma_wait3A_363 : memref<1x128xi32, #tpu.memory_space<vmem>> -> memref<128xi32, #tpu.memory_space<vmem>>
    %dma_wait3A_365 = arith.constant 0 : i32
    %dma_wait3A_366 = arith.constant 0 : i32
    %dma_wait3A_367 = tpu.memref_slice %arg9[%dma_wait3A_365, %dma_wait3A_366] : memref<10000x64xf32, #tpu.memory_space<vmem_shared>> -> memref<10000x64xf32, #tpu.memory_space<vmem_shared>>
    tpu.wait_indirect_dma semaphore(%arg19 : memref<!tpu.dma_semaphore, #tpu.memory_space<semaphore_mem>>) src(%dma_wait3A_361 : memref<128x64xf32, #tpu.memory_space<vmem>>) dst(%dma_wait3A_367 : memref<10000x64xf32, #tpu.memory_space<vmem_shared>>)
    %barrier3A_368 = arith.constant 0 : index
    tpu.barrier barrier_id(%barrier3A_368)
    %lt3A_369 = arith.constant 15 : i32
    %lt3A_370 = arith.cmpi slt, %arg1, %lt3A_369 : i32
    %convert_element_type3A_371 = arith.extui %lt3A_370 : i1 to i32
    %cond3A_372 = arith.constant 0 : i32
    %cond3A_373 = arith.cmpi ne, %convert_element_type3A_371, %cond3A_372 : i32
    scf.if %cond3A_373 {
      %mul3A_386 = arith.constant 640 : i32
      %mul3A_387 = arith.muli %arg1, %mul3A_386 : i32
      %mul3A_388 = arith.constant 640 : i32
      %mul3A_389 = arith.muli %arg1, %mul3A_388 : i32
      "tpu.region"() ({
        %run_scoped3A_390 = tpu.sem_alloc : memref<!tpu.dma_semaphore, #tpu.memory_space<semaphore_mem>>
        %dma_start3A_391 = arith.constant 0 : i32
        %dma_start3A_392 = tpu.memref_slice %arg7[%arg0, %mul3A_389, %dma_start3A_391] : memref<2x10000x64xf32, #tpu.memory_space<hbm>> -> memref<1x640x64xf32, #tpu.memory_space<hbm>>
        %dma_start3A_393 = tpu.memref_squeeze %dma_start3A_392 : memref<1x640x64xf32, #tpu.memory_space<hbm>> -> memref<640x64xf32, #tpu.memory_space<hbm>>
        %dma_start3A_394 = arith.constant 0 : i32
        %dma_start3A_395 = tpu.memref_slice %arg9[%mul3A_387, %dma_start3A_394] : memref<10000x64xf32, #tpu.memory_space<vmem_shared>> -> memref<640x64xf32, #tpu.memory_space<vmem_shared>>
        tpu.enqueue_dma source(%dma_start3A_395 : memref<640x64xf32, #tpu.memory_space<vmem_shared>>) target(%dma_start3A_393 : memref<640x64xf32, #tpu.memory_space<hbm>>) target_semaphore(%run_scoped3A_390 : memref<!tpu.dma_semaphore, #tpu.memory_space<semaphore_mem>>)
        %dma_wait3A_396 = arith.constant 0 : i32
        %dma_wait3A_397 = tpu.memref_slice %arg7[%arg0, %mul3A_389, %dma_wait3A_396] : memref<2x10000x64xf32, #tpu.memory_space<hbm>> -> memref<1x640x64xf32, #tpu.memory_space<hbm>>
        %dma_wait3A_398 = tpu.memref_squeeze %dma_wait3A_397 : memref<1x640x64xf32, #tpu.memory_space<hbm>> -> memref<640x64xf32, #tpu.memory_space<hbm>>
        %dma_wait3A_399 = arith.constant 0 : i32
        %dma_wait3A_400 = tpu.memref_slice %arg9[%mul3A_387, %dma_wait3A_399] : memref<10000x64xf32, #tpu.memory_space<vmem_shared>> -> memref<640x64xf32, #tpu.memory_space<vmem_shared>>
        tpu.wait_dma2 semaphore(%run_scoped3A_390 : memref<!tpu.dma_semaphore, #tpu.memory_space<semaphore_mem>>) src(%dma_wait3A_400 : memref<640x64xf32, #tpu.memory_space<vmem_shared>>) dst(%dma_wait3A_398 : memref<640x64xf32, #tpu.memory_space<hbm>>)
        tpu.yield
      }) : () -> ()
    } else {
    }
    %eq3A_374 = arith.constant 15 : i32
    %eq3A_375 = arith.cmpi eq, %arg1, %eq3A_374 : i32
    %convert_element_type3A_376 = arith.extui %eq3A_375 : i1 to i32
    %cond3A_377 = arith.constant 0 : i32
    %cond3A_378 = arith.cmpi ne, %convert_element_type3A_376, %cond3A_377 : i32
    scf.if %cond3A_378 {
      "tpu.region"() ({
        %run_scoped3A_386 = tpu.sem_alloc : memref<!tpu.dma_semaphore, #tpu.memory_space<semaphore_mem>>
        %dma_start3A_387 = arith.constant 9600 : i32
        %dma_start3A_388 = arith.constant 0 : i32
        %dma_start3A_389 = tpu.memref_slice %arg7[%arg0, %dma_start3A_387, %dma_start3A_388] : memref<2x10000x64xf32, #tpu.memory_space<hbm>> -> memref<1x400x64xf32, #tpu.memory_space<hbm>>
        %dma_start3A_390 = tpu.memref_squeeze %dma_start3A_389 : memref<1x400x64xf32, #tpu.memory_space<hbm>> -> memref<400x64xf32, #tpu.memory_space<hbm>>
        %dma_start3A_391 = arith.constant 9600 : i32
        %dma_start3A_392 = arith.constant 0 : i32
        %dma_start3A_393 = tpu.memref_slice %arg9[%dma_start3A_391, %dma_start3A_392] : memref<10000x64xf32, #tpu.memory_space<vmem_shared>> -> memref<400x64xf32, #tpu.memory_space<vmem_shared>>
        tpu.enqueue_dma source(%dma_start3A_393 : memref<400x64xf32, #tpu.memory_space<vmem_shared>>) target(%dma_start3A_390 : memref<400x64xf32, #tpu.memory_space<hbm>>) target_semaphore(%run_scoped3A_386 : memref<!tpu.dma_semaphore, #tpu.memory_space<semaphore_mem>>)
        %dma_wait3A_394 = arith.constant 9600 : i32
        %dma_wait3A_395 = arith.constant 0 : i32
        %dma_wait3A_396 = tpu.memref_slice %arg7[%arg0, %dma_wait3A_394, %dma_wait3A_395] : memref<2x10000x64xf32, #tpu.memory_space<hbm>> -> memref<1x400x64xf32, #tpu.memory_space<hbm>>
        %dma_wait3A_397 = tpu.memref_squeeze %dma_wait3A_396 : memref<1x400x64xf32, #tpu.memory_space<hbm>> -> memref<400x64xf32, #tpu.memory_space<hbm>>
        %dma_wait3A_398 = arith.constant 9600 : i32
        %dma_wait3A_399 = arith.constant 0 : i32
        %dma_wait3A_400 = tpu.memref_slice %arg9[%dma_wait3A_398, %dma_wait3A_399] : memref<10000x64xf32, #tpu.memory_space<vmem_shared>> -> memref<400x64xf32, #tpu.memory_space<vmem_shared>>
        tpu.wait_dma2 semaphore(%run_scoped3A_386 : memref<!tpu.dma_semaphore, #tpu.memory_space<semaphore_mem>>) src(%dma_wait3A_400 : memref<400x64xf32, #tpu.memory_space<vmem_shared>>) dst(%dma_wait3A_397 : memref<400x64xf32, #tpu.memory_space<hbm>>)
        tpu.yield
      }) : () -> ()
    } else {
    }
    %eq3A_379 = arith.constant 0 : i32
    %eq3A_380 = arith.cmpi eq, %arg0, %eq3A_379 : i32
    %lt3A_381 = arith.constant 10 : i32
    %lt3A_382 = arith.cmpi slt, %arg1, %lt3A_381 : i32
    %and3A = arith.andi %eq3A_380, %lt3A_382 : i1
    %convert_element_type3A_383 = arith.extui %and3A : i1 to i32
    %cond3A_384 = arith.constant 0 : i32
    %cond3A_385 = arith.cmpi ne, %convert_element_type3A_383, %cond3A_384 : i32
    scf.if %cond3A_385 {
      %mul3A_386 = arith.constant 1000 : i32
      %mul3A_387 = arith.muli %arg1, %mul3A_386 : i32
      %mul3A_388 = arith.constant 1000 : i32
      %mul3A_389 = arith.muli %arg1, %mul3A_388 : i32
      "tpu.region"() ({
        %run_scoped3A_390 = tpu.sem_alloc : memref<!tpu.dma_semaphore, #tpu.memory_space<semaphore_mem>>
        %dma_start3A_391 = tpu.memref_slice %arg15[%mul3A_387] : memref<10000xf32, #tpu.memory_space<vmem>> -> memref<1000xf32, #tpu.memory_space<vmem>>
        %dma_start3A_392 = tpu.memref_slice %arg8[%mul3A_389] : memref<10000xf32, #tpu.memory_space<hbm>> -> memref<1000xf32, #tpu.memory_space<hbm>>
        %dma_start3A_393 = tpu.memref_slice %arg8[%mul3A_389] : memref<10000xf32, #tpu.memory_space<hbm>> -> memref<1000xf32, #tpu.memory_space<hbm>>
        %dma_start3A_394 = tpu.memref_slice %arg15[%mul3A_387] : memref<10000xf32, #tpu.memory_space<vmem>> -> memref<1000xf32, #tpu.memory_space<vmem>>
        tpu.enqueue_dma source(%dma_start3A_394 : memref<1000xf32, #tpu.memory_space<vmem>>) target(%dma_start3A_393 : memref<1000xf32, #tpu.memory_space<hbm>>) target_semaphore(%run_scoped3A_390 : memref<!tpu.dma_semaphore, #tpu.memory_space<semaphore_mem>>)
        %dma_wait3A_395 = tpu.memref_slice %arg15[%mul3A_387] : memref<10000xf32, #tpu.memory_space<vmem>> -> memref<1000xf32, #tpu.memory_space<vmem>>
        %dma_wait3A_396 = tpu.memref_slice %arg8[%mul3A_389] : memref<10000xf32, #tpu.memory_space<hbm>> -> memref<1000xf32, #tpu.memory_space<hbm>>
        %dma_wait3A_397 = tpu.memref_slice %arg8[%mul3A_389] : memref<10000xf32, #tpu.memory_space<hbm>> -> memref<1000xf32, #tpu.memory_space<hbm>>
        %dma_wait3A_398 = tpu.memref_slice %arg15[%mul3A_387] : memref<10000xf32, #tpu.memory_space<vmem>> -> memref<1000xf32, #tpu.memory_space<vmem>>
        tpu.wait_dma2 semaphore(%run_scoped3A_390 : memref<!tpu.dma_semaphore, #tpu.memory_space<semaphore_mem>>) src(%dma_wait3A_398 : memref<1000xf32, #tpu.memory_space<vmem>>) dst(%dma_wait3A_397 : memref<1000xf32, #tpu.memory_space<hbm>>)
        tpu.yield
      }) : () -> ()
    } else {
    }
    return
  }
}

module attributes {stable_mosaic.version = 14 : i64} {
  func.func @_xw_body(%arg0: i32, %arg1: memref<2000x128xf32, #tpu.memory_space<vmem>>, %arg2: memref<1x128xf32, #tpu.memory_space<vmem>>, %arg3: memref<256x128xf32, #tpu.memory_space<vmem>>, %arg4: memref<2000x128xf32, #tpu.memory_space<vmem>>, %arg5: memref<2000x64xf32, #tpu.memory_space<vmem>>, %arg6: memref<2000x64xf32, #tpu.memory_space<vmem>>) attributes {dimension_semantics = [#tpu.dimension_semantics<arbitrary>], iteration_bounds = array<i64: 5>, scalar_prefetch = 0 : i64, scratch_operands = 0 : i64, tpu.core_type = #tpu.core_type<tc>, window_params = [{transform_indices = @transform_0, window_bounds = array<i64: 2000, 128>}, {pipeline_mode = #tpu.pipeline_mode<synchronous>, transform_indices = @transform_1, window_bounds = array<i64: 1, 128>}, {pipeline_mode = #tpu.pipeline_mode<synchronous>, transform_indices = @transform_2, window_bounds = array<i64: 256, 128>}, {transform_indices = @transform_3, window_bounds = array<i64: 2000, 128>}, {transform_indices = @transform_4, window_bounds = array<i64: 2000, 64>}, {transform_indices = @transform_5, window_bounds = array<i64: 2000, 64>}]} {
    %get3A = arith.constant 0 : index
    %get3A_0 = arith.constant 0 : index
    %get3A_1 = vector.load %arg3[%get3A, %get3A_0] : memref<256x128xf32, #tpu.memory_space<vmem>>, vector<128x128xf32>
    %get3A_2 = arith.constant 128 : index
    %get3A_3 = arith.constant 0 : index
    %get3A_4 = vector.load %arg3[%get3A_2, %get3A_3] : memref<256x128xf32, #tpu.memory_space<vmem>>, vector<128x128xf32>
    %get3A_5 = arith.constant 0 : index
    %get3A_6 = arith.constant 0 : index
    %get3A_7 = vector.load %arg2[%get3A_5, %get3A_6] : memref<1x128xf32, #tpu.memory_space<vmem>>, vector<1x128xf32>
    %dot_general3A = arith.constant dense<0.000000e+00> : vector<1x128xf32>
    %dot_general3A_8 = tpu.matmul %get3A_7, %get3A_4, %dot_general3A {dimension_numbers = #tpu.dot_dimension_numbers<[1], [0], [0], [1], [0, 0, 1, 1], [], []>, transpose_lhs_hint = false} : vector<1x128xf32>, vector<128x128xf32>, vector<1x128xf32> -> vector<1x128xf32>
    %get3A_9 = arith.constant 0 : index
    %get3A_10 = arith.constant 0 : index
    %get3A_11 = vector.load %arg1[%get3A_9, %get3A_10] : memref<2000x128xf32, #tpu.memory_space<vmem>>, vector<2000x128xf32>
    %dot_general3A_12 = arith.constant dense<0.000000e+00> : vector<2000x128xf32>
    %dot_general3A_13 = tpu.matmul %get3A_11, %get3A_1, %dot_general3A_12 {dimension_numbers = #tpu.dot_dimension_numbers<[1], [0], [0], [1], [0, 0, 1, 1], [], []>, transpose_lhs_hint = false} : vector<2000x128xf32>, vector<128x128xf32>, vector<2000x128xf32> -> vector<2000x128xf32>
    %add3A = vector.broadcast %dot_general3A_8 : vector<1x128xf32> to vector<2000x128xf32>
    %add3A_14 = arith.addf %dot_general3A_13, %add3A : vector<2000x128xf32>
    %swap3A = arith.constant 0 : index
    %swap3A_15 = arith.constant 0 : index
    %swap3A_16 = vector.load %arg4[%swap3A, %swap3A_15] : memref<2000x128xf32, #tpu.memory_space<vmem>>, vector<2000x128xf32>
    tpu.vector_store %arg4[%swap3A, %swap3A_15], %add3A_14 {strides = array<i32>} : memref<2000x128xf32, #tpu.memory_space<vmem>>, vector<2000x128xf32>,
    %slice3A = vector.extract_strided_slice %add3A_14 {offsets = [0, 0], sizes = [2000, 64], strides = [1, 1]} : vector<2000x128xf32> to vector<2000x64xf32>
    %swap3A_17 = arith.constant 0 : index
    %swap3A_18 = arith.constant 0 : index
    %swap3A_19 = vector.load %arg5[%swap3A_17, %swap3A_18] : memref<2000x64xf32, #tpu.memory_space<vmem>>, vector<2000x64xf32>
    tpu.vector_store %arg5[%swap3A_17, %swap3A_18], %slice3A {strides = array<i32>} : memref<2000x64xf32, #tpu.memory_space<vmem>>, vector<2000x64xf32>,
    %slice3A_20 = vector.extract_strided_slice %add3A_14 {offsets = [0, 64], sizes = [2000, 64], strides = [1, 1]} : vector<2000x128xf32> to vector<2000x64xf32>
    %swap3A_21 = arith.constant 0 : index
    %swap3A_22 = arith.constant 0 : index
    %swap3A_23 = vector.load %arg6[%swap3A_21, %swap3A_22] : memref<2000x64xf32, #tpu.memory_space<vmem>>, vector<2000x64xf32>
    tpu.vector_store %arg6[%swap3A_21, %swap3A_22], %slice3A_20 {strides = array<i32>} : memref<2000x64xf32, #tpu.memory_space<vmem>>, vector<2000x64xf32>,
    return
  }
  func.func @transform_0(%arg0: i32) -> (i32, i32) {
    %c0_i32 = arith.constant 0 : i32
    %c0_i32_0 = arith.constant 0 : i32
    return %arg0, %c0_i32 : i32, i32
  }
  func.func @transform_1(%arg0: i32) -> (i32, i32) {
    %c0_i32 = arith.constant 0 : i32
    %c0_i32_0 = arith.constant 0 : i32
    %c0_i32_1 = arith.constant 0 : i32
    return %c0_i32, %c0_i32_0 : i32, i32
  }
  func.func @transform_2(%arg0: i32) -> (i32, i32) {
    %c0_i32 = arith.constant 0 : i32
    %c0_i32_0 = arith.constant 0 : i32
    %c0_i32_1 = arith.constant 0 : i32
    return %c0_i32, %c0_i32_0 : i32, i32
  }
  func.func @transform_3(%arg0: i32) -> (i32, i32) {
    %c0_i32 = arith.constant 0 : i32
    %c0_i32_0 = arith.constant 0 : i32
    return %arg0, %c0_i32 : i32, i32
  }
  func.func @transform_4(%arg0: i32) -> (i32, i32) {
    %c0_i32 = arith.constant 0 : i32
    %c0_i32_0 = arith.constant 0 : i32
    return %arg0, %c0_i32 : i32, i32
  }
  func.func @transform_5(%arg0: i32) -> (i32, i32) {
    %c0_i32 = arith.constant 0 : i32
    %c0_i32_0 = arith.constant 0 : i32
    return %arg0, %c0_i32 : i32, i32
  }
}

module attributes {stable_mosaic.version = 14 : i64} {
  func.func @_ew_body(%arg0: i32, %arg1: memref<12800x128xf32, #tpu.memory_space<vmem>>, %arg2: memref<128x1xf32, #tpu.memory_space<vmem>>, %arg3: memref<1x1xf32, #tpu.memory_space<vmem>>, %arg4: memref<1x12800xf32, #tpu.memory_space<vmem>>) attributes {dimension_semantics = [#tpu.dimension_semantics<arbitrary>], iteration_bounds = array<i64: 25>, scalar_prefetch = 0 : i64, scratch_operands = 0 : i64, tpu.core_type = #tpu.core_type<tc>, window_params = [{transform_indices = @transform_0, window_bounds = array<i64: 12800, 128>}, {pipeline_mode = #tpu.pipeline_mode<synchronous>, transform_indices = @transform_1, window_bounds = array<i64: 128, 1>}, {pipeline_mode = #tpu.pipeline_mode<synchronous>, transform_indices = @transform_2, window_bounds = array<i64: 1, 1>}, {transform_indices = @transform_3, window_bounds = array<i64: 1, 12800>}]} {
    %get3A = arith.constant 0 : index
    %get3A_0 = arith.constant 0 : index
    %get3A_1 = vector.load %arg2[%get3A, %get3A_0] : memref<128x1xf32, #tpu.memory_space<vmem>>, vector<128x1xf32>
    %reshape3A = vector.shape_cast %get3A_1 : vector<128x1xf32> to vector<1x128xf32>
    %get3A_2 = arith.constant 0 : index
    %get3A_3 = arith.constant 0 : index
    %get3A_4 = vector.load %arg1[%get3A_2, %get3A_3] : memref<12800x128xf32, #tpu.memory_space<vmem>>, vector<12800x128xf32>
    %dot_general3A = arith.constant dense<0.000000e+00> : vector<1x12800xf32>
    %dot_general3A_5 = tpu.matmul %reshape3A, %get3A_4, %dot_general3A {dimension_numbers = #tpu.dot_dimension_numbers<[1], [1], [0], [0], [0, 0, 1, 0], [], []>, transpose_lhs_hint = false} : vector<1x128xf32>, vector<12800x128xf32>, vector<1x12800xf32> -> vector<1x12800xf32>
    %get3A_6 = arith.constant 0 : index
    %get3A_7 = arith.constant 0 : index
    %get3A_8 = vector.load %arg3[%get3A_6, %get3A_7] : memref<1x1xf32, #tpu.memory_space<vmem>>, vector<1x1xf32>
    %get3A_9 = vector.extract %get3A_8[0, 0] : f32 from vector<1x1xf32>
    %add3A = vector.broadcast %get3A_9 : f32 to vector<1x12800xf32>
    %add3A_10 = arith.addf %dot_general3A_5, %add3A : vector<1x12800xf32>
    %max3A = arith.constant 0.000000e+00 : f32
    %max3A_11 = vector.broadcast %max3A : f32 to vector<1x12800xf32>
    %max3A_12 = arith.maximumf %add3A_10, %max3A_11 : vector<1x12800xf32>
    %swap3A = arith.constant 0 : index
    %swap3A_13 = arith.constant 0 : index
    %swap3A_14 = vector.load %arg4[%swap3A, %swap3A_13] : memref<1x12800xf32, #tpu.memory_space<vmem>>, vector<1x12800xf32>
    tpu.vector_store %arg4[%swap3A, %swap3A_13], %max3A_12 {strides = array<i32>} : memref<1x12800xf32, #tpu.memory_space<vmem>>, vector<1x12800xf32>,
    return
  }
  func.func @transform_0(%arg0: i32) -> (i32, i32) {
    %c0_i32 = arith.constant 0 : i32
    %c0_i32_0 = arith.constant 0 : i32
    return %arg0, %c0_i32 : i32, i32
  }
  func.func @transform_1(%arg0: i32) -> (i32, i32) {
    %c0_i32 = arith.constant 0 : i32
    %c0_i32_0 = arith.constant 0 : i32
    %c0_i32_1 = arith.constant 0 : i32
    return %c0_i32, %c0_i32_0 : i32, i32
  }
  func.func @transform_2(%arg0: i32) -> (i32, i32) {
    %c0_i32 = arith.constant 0 : i32
    %c0_i32_0 = arith.constant 0 : i32
    %c0_i32_1 = arith.constant 0 : i32
    return %c0_i32, %c0_i32_0 : i32, i32
  }
  func.func @transform_3(%arg0: i32) -> (i32, i32) {
    %c0_i32 = arith.constant 0 : i32
    %c0_i32_0 = arith.constant 0 : i32
    return %c0_i32, %arg0 : i32, i32
  }
}

module attributes {stable_mosaic.version = 14 : i64} {
  func.func @_tail_body(%arg0: i32, %arg1: memref<2x2000x64xf32, #tpu.memory_space<vmem>>, %arg2: memref<2000x1xf32, #tpu.memory_space<vmem>>, %arg3: memref<2000x128xf32, #tpu.memory_space<vmem>>, %arg4: memref<1x128xf32, #tpu.memory_space<vmem>>, %arg5: memref<32x128xf32, #tpu.memory_space<vmem>>, %arg6: memref<128x128xf32, #tpu.memory_space<vmem>>, %arg7: memref<1x128xf32, #tpu.memory_space<vmem>>, %arg8: memref<2000x32xf32, #tpu.memory_space<vmem>>, %arg9: memref<2000x1xi32, #tpu.memory_space<vmem>>, %arg10: memref<1x1xf32, #tpu.memory_space<vmem>>) attributes {dimension_semantics = [#tpu.dimension_semantics<arbitrary>], iteration_bounds = array<i64: 5>, scalar_prefetch = 0 : i64, scratch_operands = 0 : i64, tpu.core_type = #tpu.core_type<tc>, window_params = [{transform_indices = @transform_0, window_bounds = array<i64: 2, 2000, 64>}, {transform_indices = @transform_1, window_bounds = array<i64: 2000, 1>}, {transform_indices = @transform_2, window_bounds = array<i64: 2000, 128>}, {pipeline_mode = #tpu.pipeline_mode<synchronous>, transform_indices = @transform_3, window_bounds = array<i64: 1, 128>}, {pipeline_mode = #tpu.pipeline_mode<synchronous>, transform_indices = @transform_4, window_bounds = array<i64: 32, 128>}, {pipeline_mode = #tpu.pipeline_mode<synchronous>, transform_indices = @transform_5, window_bounds = array<i64: 128, 128>}, {pipeline_mode = #tpu.pipeline_mode<synchronous>, transform_indices = @transform_6, window_bounds = array<i64: 1, 128>}, {transform_indices = @transform_7, window_bounds = array<i64: 2000, 32>}, {transform_indices = @transform_8, window_bounds = array<i64: 2000, 1>}, {pipeline_mode = #tpu.pipeline_mode<synchronous>, transform_indices = @transform_9, window_bounds = array<i64: 1, 1>}]} {
    %get3A = arith.constant 0 : index
    %get3A_0 = arith.constant 0 : index
    %get3A_1 = vector.load %arg5[%get3A, %get3A_0] : memref<32x128xf32, #tpu.memory_space<vmem>>, vector<32x128xf32>
    %get3A_2 = arith.constant 0 : index
    %get3A_3 = arith.constant 0 : index
    %get3A_4 = vector.load %arg6[%get3A_2, %get3A_3] : memref<128x128xf32, #tpu.memory_space<vmem>>, vector<128x128xf32>
    %dot_general3A = arith.constant dense<0.000000e+00> : vector<32x128xf32>
    %dot_general3A_5 = tpu.matmul %get3A_1, %get3A_4, %dot_general3A {dimension_numbers = #tpu.dot_dimension_numbers<[1], [0], [0], [1], [0, 0, 1, 1], [], []>, transpose_lhs_hint = false} : vector<32x128xf32>, vector<128x128xf32>, vector<32x128xf32> -> vector<32x128xf32>
    %get3A_6 = arith.constant 0 : index
    %get3A_7 = arith.constant 0 : index
    %get3A_8 = vector.load %arg7[%get3A_6, %get3A_7] : memref<1x128xf32, #tpu.memory_space<vmem>>, vector<1x128xf32>
    %add3A = vector.broadcast %get3A_8 : vector<1x128xf32> to vector<32x128xf32>
    %add3A_9 = arith.addf %dot_general3A_5, %add3A : vector<32x128xf32>
    %mul3A = arith.mulf %add3A_9, %add3A_9 : vector<32x128xf32>
    %reduce_sum3A = arith.constant dense<0.000000e+00> : vector<32xf32>
    %reduce_sum3A_10 = vector.multi_reduction <add>, %mul3A, %reduce_sum3A [1] : vector<32x128xf32> to vector<32xf32>
    %broadcast_in_dim3A = vector.shape_cast %reduce_sum3A_10 : vector<32xf32> to vector<32x1xf32>
    %sqrt3A = math.sqrt %broadcast_in_dim3A : vector<32x1xf32>
    %max3A = arith.constant 9.99999996E-13 : f32
    %max3A_11 = vector.broadcast %max3A : f32 to vector<32x1xf32>
    %max3A_12 = arith.maximumf %sqrt3A, %max3A_11 : vector<32x1xf32>
    %div3A = vector.broadcast %max3A_12 : vector<32x1xf32> to vector<32x128xf32>
    %div3A_13 = arith.divf %add3A_9, %div3A : vector<32x128xf32>
    %get3A_14 = arith.constant 0 : index
    %get3A_15 = arith.constant 0 : index
    %get3A_16 = vector.load %arg2[%get3A_14, %get3A_15] : memref<2000x1xf32, #tpu.memory_space<vmem>>, vector<2000x1xf32>
    %get3A_17 = arith.constant 0 : index
    %get3A_18 = arith.constant 0 : index
    %get3A_19 = arith.constant 0 : index
    %get3A_20 = vector.load %arg1[%get3A_17, %get3A_18, %get3A_19] : memref<2x2000x64xf32, #tpu.memory_space<vmem>>, vector<1x2000x64xf32>
    %get3A_21 = vector.shape_cast %get3A_20 : vector<1x2000x64xf32> to vector<2000x64xf32>
    %get3A_22 = arith.constant 1 : index
    %get3A_23 = arith.constant 0 : index
    %get3A_24 = arith.constant 0 : index
    %get3A_25 = vector.load %arg1[%get3A_22, %get3A_23, %get3A_24] : memref<2x2000x64xf32, #tpu.memory_space<vmem>>, vector<1x2000x64xf32>
    %get3A_26 = vector.shape_cast %get3A_25 : vector<1x2000x64xf32> to vector<2000x64xf32>
    %concatenate3A = tpu.concatenate %get3A_21, %get3A_26 in 1 : vector<2000x64xf32>, vector<2000x64xf32> -> vector<2000x128xf32>
    %mul3A_27 = vector.broadcast %get3A_16 : vector<2000x1xf32> to vector<2000x128xf32>
    %mul3A_28 = arith.mulf %mul3A_27, %concatenate3A : vector<2000x128xf32>
    %mul3A_29 = arith.mulf %get3A_16, %get3A_16 : vector<2000x1xf32>
    %get3A_30 = arith.constant 0 : index
    %get3A_31 = arith.constant 0 : index
    %get3A_32 = vector.load %arg3[%get3A_30, %get3A_31] : memref<2000x128xf32, #tpu.memory_space<vmem>>, vector<2000x128xf32>
    %mul3A_33 = vector.broadcast %mul3A_29 : vector<2000x1xf32> to vector<2000x128xf32>
    %mul3A_34 = arith.mulf %mul3A_33, %get3A_32 : vector<2000x128xf32>
    %add3A_35 = arith.addf %mul3A_28, %mul3A_34 : vector<2000x128xf32>
    %get3A_36 = arith.constant 0 : index
    %get3A_37 = arith.constant 0 : index
    %get3A_38 = vector.load %arg4[%get3A_36, %get3A_37] : memref<1x128xf32, #tpu.memory_space<vmem>>, vector<1x128xf32>
    %add3A_39 = vector.broadcast %get3A_38 : vector<1x128xf32> to vector<2000x128xf32>
    %add3A_40 = arith.addf %add3A_35, %add3A_39 : vector<2000x128xf32>
    %mul3A_41 = arith.mulf %add3A_40, %add3A_40 : vector<2000x128xf32>
    %reduce_sum3A_42 = arith.constant dense<0.000000e+00> : vector<2000xf32>
    %reduce_sum3A_43 = vector.multi_reduction <add>, %mul3A_41, %reduce_sum3A_42 [1] : vector<2000x128xf32> to vector<2000xf32>
    %broadcast_in_dim3A_44 = vector.shape_cast %reduce_sum3A_43 : vector<2000xf32> to vector<2000x1xf32>
    %sqrt3A_45 = math.sqrt %broadcast_in_dim3A_44 : vector<2000x1xf32>
    %max3A_46 = arith.constant 9.99999996E-13 : f32
    %max3A_47 = vector.broadcast %max3A_46 : f32 to vector<2000x1xf32>
    %max3A_48 = arith.maximumf %sqrt3A_45, %max3A_47 : vector<2000x1xf32>
    %div3A_49 = vector.broadcast %max3A_48 : vector<2000x1xf32> to vector<2000x128xf32>
    %div3A_50 = arith.divf %add3A_40, %div3A_49 : vector<2000x128xf32>
    %dot_general3A_51 = arith.constant dense<0.000000e+00> : vector<2000x32xf32>
    %dot_general3A_52 = tpu.matmul %div3A_50, %div3A_13, %dot_general3A_51 {dimension_numbers = #tpu.dot_dimension_numbers<[1], [1], [0], [0], [0, 0, 1, 0], [], []>, transpose_lhs_hint = false} : vector<2000x128xf32>, vector<32x128xf32>, vector<2000x32xf32> -> vector<2000x32xf32>
    %reduce_max3A = arith.constant dense<0xFF800000> : vector<2000xf32>
    %reduce_max3A_53 = vector.multi_reduction <maximumf>, %dot_general3A_52, %reduce_max3A [1] : vector<2000x32xf32> to vector<2000xf32>
    %broadcast_in_dim3A_54 = vector.shape_cast %reduce_max3A_53 : vector<2000xf32> to vector<2000x1xf32>
    %sub3A = vector.broadcast %broadcast_in_dim3A_54 : vector<2000x1xf32> to vector<2000x32xf32>
    %sub3A_55 = arith.subf %dot_general3A_52, %sub3A : vector<2000x32xf32>
    %exp3A = math.exp %sub3A_55 : vector<2000x32xf32>
    %reduce_sum3A_56 = arith.constant dense<0.000000e+00> : vector<2000xf32>
    %reduce_sum3A_57 = vector.multi_reduction <add>, %exp3A, %reduce_sum3A_56 [1] : vector<2000x32xf32> to vector<2000xf32>
    %broadcast_in_dim3A_58 = vector.shape_cast %reduce_sum3A_57 : vector<2000xf32> to vector<2000x1xf32>
    %div3A_59 = vector.broadcast %broadcast_in_dim3A_58 : vector<2000x1xf32> to vector<2000x32xf32>
    %div3A_60 = arith.divf %exp3A, %div3A_59 : vector<2000x32xf32>
    %add3A_61 = arith.constant 1.000000e-30 : f32
    %add3A_62 = vector.broadcast %add3A_61 : f32 to vector<2000x32xf32>
    %add3A_63 = arith.addf %div3A_60, %add3A_62 : vector<2000x32xf32>
    %log3A = math.log %add3A_63 : vector<2000x32xf32>
    %get3A_64 = arith.constant 0 : index
    %get3A_65 = arith.constant 0 : index
    %get3A_66 = vector.load %arg8[%get3A_64, %get3A_65] : memref<2000x32xf32, #tpu.memory_space<vmem>>, vector<2000x32xf32>
    %add3A_67 = arith.addf %log3A, %get3A_66 : vector<2000x32xf32>
    %iota3A = tpu.iota {dimensions = array<i32: 1>} : vector<2000x32xi32>
    %reduce_max3A_68 = arith.constant dense<0xFF800000> : vector<2000xf32>
    %reduce_max3A_69 = vector.multi_reduction <maximumf>, %add3A_67, %reduce_max3A_68 [1] : vector<2000x32xf32> to vector<2000xf32>
    %broadcast_in_dim3A_70 = vector.shape_cast %reduce_max3A_69 : vector<2000xf32> to vector<2000x1xf32>
    %eq3A = vector.broadcast %broadcast_in_dim3A_70 : vector<2000x1xf32> to vector<2000x32xf32>
    %eq3A_71 = arith.cmpf oeq, %add3A_67, %eq3A : vector<2000x32xf32>
    %jit3A = arith.constant 32 : i32
    %broadcast_in_dim3A_72 = vector.broadcast %jit3A : i32 to vector<2000x32xi32>
    %select_n3A = arith.select %eq3A_71, %iota3A, %broadcast_in_dim3A_72 : vector<2000x32xi1>, vector<2000x32xi32>
    %reduce_min3A = arith.constant dense<2147483647> : vector<2000xi32>
    %reduce_min3A_73 = vector.multi_reduction <minsi>, %select_n3A, %reduce_min3A [1] : vector<2000x32xi32> to vector<2000xi32>
    %broadcast_in_dim3A_74 = vector.shape_cast %reduce_min3A_73 : vector<2000xi32> to vector<2000x1xi32>
    %swap3A = arith.constant 0 : index
    %swap3A_75 = arith.constant 0 : index
    %swap3A_76 = vector.load %arg9[%swap3A, %swap3A_75] : memref<2000x1xi32, #tpu.memory_space<vmem>>, vector<2000x1xi32>
    tpu.vector_store %arg9[%swap3A, %swap3A_75], %broadcast_in_dim3A_74 {strides = array<i32>} : memref<2000x1xi32, #tpu.memory_space<vmem>>, vector<2000x1xi32>,
    %broadcast_in_dim3A_77 = vector.shape_cast %reduce_min3A_73 : vector<2000xi32> to vector<2000x1xi32>
    %eq3A_78 = vector.broadcast %broadcast_in_dim3A_77 : vector<2000x1xi32> to vector<2000x32xi32>
    %eq3A_79 = arith.cmpi eq, %iota3A, %eq3A_78 : vector<2000x32xi32>
    %jit3A_80 = arith.constant 0.000000e+00 : f32
    %broadcast_in_dim3A_81 = vector.broadcast %jit3A_80 : f32 to vector<2000x32xf32>
    %select_n3A_82 = arith.select %eq3A_79, %div3A_60, %broadcast_in_dim3A_81 : vector<2000x32xi1>, vector<2000x32xf32>
    %reduce_sum3A_83 = arith.constant dense<0.000000e+00> : vector<2000xf32>
    %reduce_sum3A_84 = vector.multi_reduction <add>, %select_n3A_82, %reduce_sum3A_83 [1] : vector<2000x32xf32> to vector<2000xf32>
    %add3A_85 = arith.constant 9.99999974E-6 : f32
    %add3A_86 = vector.broadcast %add3A_85 : f32 to vector<2000xf32>
    %add3A_87 = arith.addf %reduce_sum3A_84, %add3A_86 : vector<2000xf32>
    %log3A_88 = math.log %add3A_87 : vector<2000xf32>
    %reduce_sum3A_89 = vector.shape_cast %log3A_88 : vector<2000xf32> to vector<1x2000xf32>
    %reduce_sum3A_90 = arith.constant dense<0.000000e+00> : vector<1xf32>
    %reduce_sum3A_91 = vector.multi_reduction <add>, %reduce_sum3A_89, %reduce_sum3A_90 [1] : vector<1x2000xf32> to vector<1xf32>
    %reduce_sum3A_92 = vector.shape_cast %reduce_sum3A_91 : vector<1xf32> to vector<1x1xf32>
    %reduce_sum3A_93 = vector.extract %reduce_sum3A_92[0, 0] : f32 from vector<1x1xf32>
    %eq3A_94 = arith.constant 0 : i32
    %eq3A_95 = arith.cmpi eq, %arg0, %eq3A_94 : i32
    %convert_element_type3A = arith.extui %eq3A_95 : i1 to i32
    %cond3A = arith.constant 0 : i32
    %cond3A_96 = arith.cmpi ne, %convert_element_type3A, %cond3A : i32
    scf.if %cond3A_96 {
      %broadcast_in_dim3A_104 = arith.constant 0.000000e+00 : f32
      %broadcast_in_dim3A_105 = vector.broadcast %broadcast_in_dim3A_104 : f32 to vector<1x1xf32>
      %swap3A_106 = arith.constant 0 : index
      %swap3A_107 = arith.constant 0 : index
      %swap3A_108 = vector.load %arg10[%swap3A_106, %swap3A_107] : memref<1x1xf32, #tpu.memory_space<vmem>>, vector<1x1xf32>
      tpu.vector_store %arg10[%swap3A_106, %swap3A_107], %broadcast_in_dim3A_105 {strides = array<i32>} : memref<1x1xf32, #tpu.memory_space<vmem>>, vector<1x1xf32>,
    } else {
    }
    %get3A_97 = arith.constant 0 : index
    %get3A_98 = arith.constant 0 : index
    %get3A_99 = vector.load %arg10[%get3A_97, %get3A_98] : memref<1x1xf32, #tpu.memory_space<vmem>>, vector<1x1xf32>
    %reshape3A = vector.broadcast %reduce_sum3A_93 : f32 to vector<1x1xf32>
    %add3A_100 = arith.addf %get3A_99, %reshape3A : vector<1x1xf32>
    %swap3A_101 = arith.constant 0 : index
    %swap3A_102 = arith.constant 0 : index
    %swap3A_103 = vector.load %arg10[%swap3A_101, %swap3A_102] : memref<1x1xf32, #tpu.memory_space<vmem>>, vector<1x1xf32>
    tpu.vector_store %arg10[%swap3A_101, %swap3A_102], %add3A_100 {strides = array<i32>} : memref<1x1xf32, #tpu.memory_space<vmem>>, vector<1x1xf32>,
    return
  }
  func.func @transform_0(%arg0: i32) -> (i32, i32, i32) {
    %c0_i32 = arith.constant 0 : i32
    %c0_i32_0 = arith.constant 0 : i32
    %c0_i32_1 = arith.constant 0 : i32
    return %c0_i32, %arg0, %c0_i32_0 : i32, i32, i32
  }
  func.func @transform_1(%arg0: i32) -> (i32, i32) {
    %c0_i32 = arith.constant 0 : i32
    %c0_i32_0 = arith.constant 0 : i32
    return %arg0, %c0_i32 : i32, i32
  }
  func.func @transform_2(%arg0: i32) -> (i32, i32) {
    %c0_i32 = arith.constant 0 : i32
    %c0_i32_0 = arith.constant 0 : i32
    return %arg0, %c0_i32 : i32, i32
  }
  func.func @transform_3(%arg0: i32) -> (i32, i32) {
    %c0_i32 = arith.constant 0 : i32
    %c0_i32_0 = arith.constant 0 : i32
    %c0_i32_1 = arith.constant 0 : i32
    return %c0_i32, %c0_i32_0 : i32, i32
  }
  func.func @transform_4(%arg0: i32) -> (i32, i32) {
    %c0_i32 = arith.constant 0 : i32
    %c0_i32_0 = arith.constant 0 : i32
    %c0_i32_1 = arith.constant 0 : i32
    return %c0_i32, %c0_i32_0 : i32, i32
  }
  func.func @transform_5(%arg0: i32) -> (i32, i32) {
    %c0_i32 = arith.constant 0 : i32
    %c0_i32_0 = arith.constant 0 : i32
    %c0_i32_1 = arith.constant 0 : i32
    return %c0_i32, %c0_i32_0 : i32, i32
  }
  func.func @transform_6(%arg0: i32) -> (i32, i32) {
    %c0_i32 = arith.constant 0 : i32
    %c0_i32_0 = arith.constant 0 : i32
    %c0_i32_1 = arith.constant 0 : i32
    return %c0_i32, %c0_i32_0 : i32, i32
  }
  func.func @transform_7(%arg0: i32) -> (i32, i32) {
    %c0_i32 = arith.constant 0 : i32
    %c0_i32_0 = arith.constant 0 : i32
    return %arg0, %c0_i32 : i32, i32
  }
  func.func @transform_8(%arg0: i32) -> (i32, i32) {
    %c0_i32 = arith.constant 0 : i32
    %c0_i32_0 = arith.constant 0 : i32
    return %arg0, %c0_i32 : i32, i32
  }
  func.func @transform_9(%arg0: i32) -> (i32, i32) {
    %c0_i32 = arith.constant 0 : i32
    %c0_i32_0 = arith.constant 0 : i32
    %c0_i32_1 = arith.constant 0 : i32
    return %c0_i32, %c0_i32_0 : i32, i32
  }
}

</mosaic_0001>

<sc_bundles>
// kernel: kernel.6.cloned.1.call-start
scs
__scs_entry_jumppad:
0x0: {  	(pc) =	sbr.rel $0x88, $3  }
0x1: {  	(tag) =	ssettag $0x0;
	lr =	simm.s32 $0x1  }
0x2: {  	[smem:$0x3F96] =	sst lr;
	_ =	strace $0xD0000000  }
0x3: {  	_ = 	snop  }
0x4: {  	_ = 	snop  }
0x5: {  	_ = 	snop  }
0x6: {  	_ = 	snop  }
0x7: {  	_ = 	snop  }
__scs_overlays_trampoline_lowered:
0x8: {  	[smem:$0x3FA5] =	sst s0  }
0x9: {  	[smem:$0x3FA6] =	sst s1  }
0xa: {  	[smem:$0x3FA7] =	sst s2  }
0xb: {  	[smem:$0x3FA8] =	sst s3  }
0xc: {  	[smem:$0x3FA9] =	sst s4  }
0xd: {  	[smem:$0x3FAA] =	sst s5  }
0xe: {  	[smem:$0x3FAB] =	sst s6  }
0xf: {  	[smem:$0x3FAC] =	sst s7  }
0x10: {  	[smem:$0x3FAD] =	sst s8  }
0x11: {  	[smem:$0x3FAE] =	sst s9;
	s0 =	simm.s32 @!p0 $0x0  }
0x12: {  	s1 =	sld [smem:$0x3F94];
	s0 =	simm.s32 @p0 $0x1  }
0x13: {  	[smem:$0x3FAF] =	sst s0;
	s0 =	simm.s32 @!p1 $0x0  }
0x14: {  	s2 =	sld [smem:$0x3F93];
	s0 =	simm.s32 @p1 $0x1  }
0x15: {  	[smem:$0x3FB0] =	sst s0;
	s0 =	simm.s32 @!p2 $0x0  }
0x16: {  	s3 =	sld [smem:$0x3FDB];
	s0 =	simm.s32 @p2 $0x1  }
0x17: {  	s4 =	simm.s32 $0x1BF5;
	[smem:$0x3FB2] =	sst s0  }
0x18: {  	s0 =	sld [smem:$0x3F95];
	_ =	swait.ge [sflag:s4], $0x0  }
0x19: {  	s7 =	sld [smem:$0x3F96]  }
0x1a: {  	s8 =	sadd.s32 $0xFFFFE003, lr  }
0x1b: {  	s9 =	sadd.s32 $0xFFFFFEF7, lr;
	s5 =	simm.s32 $0xFFFFFFFF;
	p2 =	slt.u32 s8, $0xFFFFF086  }
0x1c: {  	p1 =	slt.u32 s9, $0xF7A;
	s5 =	simm.s32 @!p2 $0x0  }
0x1d: {  	s5 =	simm.s32 @p1 $0x1;
	p0 =	seq.s32 s7, s2  }
0x1e: {  	s7 =	smul.u32 @!p0 $0xF7A, s2;
	p2 =	seq.s32 @!p0 s5, $0x0  }
0x1f: {  	s9 =	smul.u32 $0xF7A, s1;
	s8 =	simm.s32 @!p0 $0x1BF5;
	p2 =	por !p2, p0  }
0x20: {  	[sflag:s8] =	ssyncset.s32 @!p0 $0xFFFFF086;
	s6 =	sadd.s32 @!p0 s3, s7;
	s7 =	simm.s32 @!p0 $0x108  }
0x21: {  	s3 =	sadd.s32 s3, s9;
	s6 =	sadd.s32 @!p0 $0x88, s6;
	s7 =	simm.s32 @p2 $0x1082  }
0x22: {  	[simem:s7], [sflag:s8] =	dma.local @!p0 [hbm:s6], $0xF7A  }
0x23: {  	s9 =	sor.u32 $0xD0000000, s2;
	s6 =	simm.s32 $0x108;
	_ =	swait.ge @!p0 [sflag:s8], $0x0  }
0x24: {  	s3 =	sadd.s32 $0x88, s3;
	s6 =	simm.s32 @!p1 $0x1082;
	[sflag:s4] =	ssyncset.s32 $0xFFFFF086  }
0x25: {  	[simem:s6], [sflag:s4] =	dma.local [hbm:s3], $0xF7A  }
0x26: {  	[smem:$0x3F96] =	sst s1;
	(tag) =	ssettag s2;
	_ =	strace s9  }
0x27: {  	s1 =	sld [smem:$0x3FA6]  }
0x28: {  	s2 =	sld [smem:$0x3FA7]  }
0x29: {  	s4 =	sld [smem:$0x3FA9]  }
0x2a: {  	p0 =	seq.s32 s5, $0x0;
	s5 =	sld [smem:$0x3FAA]  }
0x2b: {  	s6 =	sld [smem:$0x3FAB]  }
0x2c: {  	s7 =	sld [smem:$0x3FAC]  }
0x2d: {  	s3 =	simm.s32 $0x108;
	s8 =	sld [smem:$0x3FAD]  }
0x2e: {  	s3 =	simm.s32 @!p0 $0x1082;
	s9 =	sld [smem:$0x3FAE]  }
0x2f: {  	lr =	sadd.s32 s0, s3;
	s0 =	sld [smem:$0x3FA5]  }
0x30: {  	s3 =	sld [smem:$0x3FA8]  }
0x31: {  	[smem:$0x3FB1] =	sst s10  }
0x32: {  	s10 =	sld [smem:$0x3FAF];
	_ =	sdelay $0x3  }
0x33: {  	p0 =	seq.s32 s10, $0x1;
	s10 =	sld [smem:$0x3FB1];
	_ =	sdelay $0x3  }
0x34: {  	[smem:$0x3FB1] =	sst s10  }
0x35: {  	s10 =	sld [smem:$0x3FB0];
	_ =	sdelay $0x3  }
0x36: {  	p1 =	seq.s32 s10, $0x1;
	s10 =	sld [smem:$0x3FB1];
	_ =	sdelay $0x3  }
0x37: {  	[smem:$0x3FB1] =	sst s10  }
0x38: {  	s10 =	sld [smem:$0x3FB2]  }
0x39: {  	_ = 	snop;
	(pc) =	sbr.ind lr, $3  }
0x3a: {  	_ = 	snop  }
0x3b: {  	_ = 	snop  }
0x3c: {  	p2 =	seq.s32 s10, $0x1;
	s10 =	sld [smem:$0x3FB1]  }
0x3d: {  	_ =	shalt  }
0x3e: {  	_ =	shalt  }
0x3f: {  	_ =	shalt  }
0x40: {  	_ =	shalt  }
0x41: {  	_ =	shalt  }
0x42: {  	_ =	shalt  }
0x43: {  	_ =	shalt  }
0x44: {  	_ =	shalt  }
0x45: {  	_ =	shalt  }
0x46: {  	_ =	shalt  }
0x47: {  	_ =	shalt  }
0x48: {  	_ =	shalt  }
0x49: {  	_ =	shalt  }
0x4a: {  	_ =	shalt  }
0x4b: {  	_ =	shalt  }
0x4c: {  	_ =	shalt  }
0x4d: {  	_ =	shalt  }
0x4e: {  	_ =	shalt  }
0x4f: {  	_ =	shalt  }
0x50: {  	_ =	shalt  }
0x51: {  	_ =	shalt  }
0x52: {  	_ =	shalt  }
0x53: {  	_ =	shalt  }
0x54: {  	_ =	shalt  }
0x55: {  	_ =	shalt  }
0x56: {  	_ =	shalt  }
0x57: {  	_ =	shalt  }
0x58: {  	_ =	shalt  }
0x59: {  	_ =	shalt  }
0x5a: {  	_ =	shalt  }
0x5b: {  	_ =	shalt  }
0x5c: {  	_ =	shalt  }
0x5d: {  	_ =	shalt  }
0x5e: {  	_ =	shalt  }
0x5f: {  	_ =	shalt  }
0x60: {  	_ =	shalt  }
0x61: {  	_ =	shalt  }
0x62: {  	_ =	shalt  }
0x63: {  	_ =	shalt  }
0x64: {  	_ =	shalt  }
0x65: {  	_ =	shalt  }
0x66: {  	_ =	shalt  }
0x67: {  	_ =	shalt  }
0x68: {  	_ =	shalt  }
0x69: {  	_ =	shalt  }
0x6a: {  	_ =	shalt  }
0x6b: {  	_ =	shalt  }
0x6c: {  	_ =	shalt  }
0x6d: {  	_ =	shalt  }
0x6e: {  	_ =	shalt  }
0x6f: {  	_ =	shalt  }
0x70: {  	_ =	shalt  }
0x71: {  	_ =	shalt  }
0x72: {  	_ =	shalt  }
0x73: {  	_ =	shalt  }
0x74: {  	_ =	shalt  }
0x75: {  	_ =	shalt  }
0x76: {  	_ =	shalt  }
0x77: {  	_ =	shalt  }
0x78: {  	_ =	shalt  }
0x79: {  	_ =	shalt  }
0x7a: {  	_ =	shalt  }
0x7b: {  	_ =	shalt  }
0x7c: {  	_ =	shalt  }
0x7d: {  	_ =	shalt  }
0x7e: {  	_ =	shalt  }
0x7f: {  	_ =	shalt  }
0x80: {  	_ =	shalt  }
0x81: {  	_ =	shalt  }
0x82: {  	_ =	shalt  }
0x83: {  	_ =	shalt  }
0x84: {  	_ =	shalt  }
0x85: {  	_ =	shalt  }
0x86: {  	_ =	shalt  }
0x87: {  	_ =	shalt  }
.Lfunc_end0:
.L_simem_size_0:
called_computation_lowered:
.L_overlay_start_0:
0x88: {  	s2 =	sld [smem:$0x3FD9]  }
0x89: {  	s3 =	sld [smem:$0x3FFE];
	_ =	sdelay $0x1  }
0x8a: {  	s1 =	srdreg.scid  }
0x8b: {  	s0 =	sand.u32 $0x1, s1  }
0x8c: {  	s14 =	sshll.u32 s0, $0xA;
	s2 =	sadd.s32 s3, s2  }
0x8d: {  	s2 =	sadd.s32 s2, s14  }
0x8e: {  	[smem:$0x3FBD] =	sst s2  }
0x8f: {  	_ = 	snop  }
0x90: {  	s2 =	sld [smem:$0x3FD0];
	_ =	sdelay $0x2  }
0x91: {  	s15 =	simm.s32 $0xA;
	s4 =	simm.s32 $0x10  }
0x92: {  	[smem:s4], [sflag:s15] =	dma.local [hbm:s2], $0x1  }
0x93: {  	_ =	swait.eq [sflag:s15], $0x1  }
0x94: {  	[sflag:s15] =	ssyncset.done $0x0  }
0x95: {  	s16 =	sld [smem:$0x10];
	[sflag:s15] =	ssyncadd.s32 $0xFFFFFFFF  }
0x96: {  	s17 =	sld [smem:$0x12];
	(tm) =	ssettm $0x1  }
0x97: {  	s18 =	sld [smem:$0x3FFB];
	_ =	sdelay $0x3  }
0x98: {  	_ =	strace s18  }
0x99: {  	s4 =	sld [smem:$0x3FFC];
	_ =	sdelay $0x3  }
0x9a: {  	_ =	strace s4  }
0x9b: {  	s4 =	sld [smem:$0x3FFD];
	_ =	sdelay $0x3  }
0x9c: {  	_ =	strace s4  }
0x9d: {  	_ =	strace $0x8FFFFFFF  }
0x9e: {  	s19 =	sld [smem:$0x3FDB];
	_ =	sdelay $0x1  }
0x9f: {  	s5 =	simm.s32 $_scs_section_size  }
0xa0: {  	s6 =	simm.s32 $_size__tile_overlayer_lowered;
	s7 =	simm.s32 $_tile_overlayer_lowered  }
0xa1: {  	s22 =	simm.s32 $0x1BFF;
	s21 =	sshll.u32 s7, $0x1;
	s4 =	sadd.s32 s5, s19  }
0xa2: {  	s8 =	simm.s32 $0x0;
	s20 =	sshll.u32 s6, $0x1;
	s6 =	sadd.s32 s21, s4  }
0xa3: {  	[timem:s8], [sflag:s22] =	dma.local [hbm:s6], s20  }
0xa4: {  	_ =	swait.ge [sflag:s22], s20  }
0xa5: {  	s5 =	ssub.s32 $0x0, s20;
	[sflag:s22] =	ssyncset.done $0x0  }
0xa6: {  	[sflag:s22] =	ssyncadd.s32 s5;
	_ =	sdelay $0x1  }
0xa7: {  	s23 =	simm.s32 $0x1B8B  }
0xa8: {  	_ =	swait.ge [sflag:s23], $0x1  }
0xa9: {  	[sflag:s23] =	ssyncset.done $0x0  }
0xaa: {  	s25 =	simm.s32 $0x1B8E;
	s24 =	sld [smem:$0x3FFE];
	[sflag:s23] =	ssyncadd.s32 $0xFFFFFFFF  }
0xab: {  	s26 =	simm.s32 $execute0_lowered;
	[smem:$0x3FD2] =	sst s25  }
0xac: {  	s6 =	sshll.u32 s26, $0x1;
	_ =	strace $0x80000046;
	[dreg:$0x1] =	wrdreg $0xFFFFFFFF  }
0xad: {  	s28 =	simm.s32 $_size_execute0_lowered;
	s4 =	sadd.s32 s4, s6;
	[dreg:$0x0] =	wrdreg $0x0  }
0xae: {  	s6 =	sshll.u32 s28, $0x1;
	[dreg:$0x2] =	wrdreg s4  }
0xaf: {  	[dreg:$0x3] =	wrdreg s6  }
0xb0: {  	[dreg:$0x4] =	wrdreg $0xC0  }
0xb1: {  	_ =	task [dreg:s8], $0x5FFFF  }
0xb2: {  	[dreg:$0x1] =	wrdreg $0xFFFFFFFF  }
0xb3: {  	[dreg:$0x0] =	wrdreg $0x60  }
0xb4: {  	[dreg:$0x2] =	wrdreg s24  }
0xb5: {  	[dreg:$0x3] =	wrdreg s17  }
0xb6: {  	[dreg:$0x4] =	wrdreg s16  }
0xb7: {  	[dreg:$0x5] =	wrdreg $0x9C400  }
0xb8: {  	[dreg:$0x6] =	wrdreg $0x0  }
0xb9: {  	[dreg:$0x7] =	wrdreg $0x9EC00  }
0xba: {  	[dreg:$0x8] =	wrdreg $0x9  }
0xbb: {  	_ =	task.clear_ibuf [dreg:s8], $0x9FFFF;
	_ =	strace $0x90000046  }
0xbc: {  	s29 =	simm.s32 $0x9;
	_ =	strace $0x80000048  }
0xbd: {  	_ =	swait.ge [sflag:s29], $0x1  }
0xbe: {  	[sflag:s29] =	ssyncadd.s32 $0xFFFFFFFF  }
0xbf: {  	_ =	strace $0x90000048  }
0xc0: {  	_ =	sfence  }
0xc1: {  	s30 =	sld [smem:$0x0];
	_ =	sdelay $0x2  }
0xc2: {  	s31 =	sshll.u32 s1, $0xD;
	s1 =	sshrl.u32 s1, $0x2  }
0xc3: {  	s3 =	sand.u32 $0x4000, s31;
	s1 =	sadd.s32 s1, s30  }
0xc4: {  	s0 =	sor.u32 s3, s0;
	s1 =	sshll.u32 s1, $0x11  }
0xc5: {  	s0 =	sor.u32 s1, s0  }
0xc6: {  	s0 =	sadd.s32 $0x8F2B, s0  }
0xc7: {  	[sflag:s0] =	ssyncadd.remote.s32 $0x1  }
0xc8: {  	_ =	sfence.sel $0xFFFF  }
0xc9: {  	[dreg:$0x0] =	wrdreg $0xFFFFFFFF;
	(pc) =	sbr.abs _section_cstart, $3  }
0xca: {  	[dreg:$0x1] =	wrdreg $0xFFFFFFFF  }
0xcb: {  	_ =	task.clear_ibuf [dreg:s8], $0x2FFFF;
	_ =	strace $0x9FFFFFFF  }
0xcc: {  	(tm) =	ssettm $0x7FFFFFFF  }
0xcd: {  	_ =	shalt  }
tec
execute0_lowered:
.L_overlay_start_1:
0x0: {  	(tag) =	ssettag $0x1  }
0x1: {  	s1 =	rddreg [dreg:$0x0]  }
0x2: {  	s4 =	rddreg [dreg:$0x1]  }
0x3: {  	s7 =	rddreg [dreg:$0x2]  }
0x4: {  	s0 =	rddreg [dreg:$0x3]  }
0x5: {  	s2 =	rddreg [dreg:$0x4]  }
0x6: {  	s3 =	rddreg [dreg:$0x5];
	s20 =	stileid.u32  }
0x7: {  	s5 =	srdreg.scid;
	s8 =	sadd.s32 $0x1E800, s1;
	s11 =	smul.u32 $0x5000, s20  }
0x8: {  	s9 =	sand.u32 $0x1, s5;
	s10 =	sadd.s32 $0x14800, s1;
	s14 =	smul.u32 $0xA00, s20  }
0x9: {  	s12 =	sadd.s32 $0x28800, s1;
	s6 =	smul.u32 $0xA000, s20;
	p0 =	sne.s32 s20, $0xF  }
0xa: {  	s5 =	ssub.s32 $0x2, s9;
	s11 =	sshrl.u32 s11, $0x3;
	s17 =	sadd.s32 s12, s14  }
0xb: {  	s25 =	sadd.s32 s8, s14;
	[dreg:$0x7] =	wrdreg s17;
	s18 =	sadd.s32 $0x280, s11  }
0xc: {  	p3 =	sne.s32 @p0 s9, $0x0;
	[dreg:$0xe] =	wrdreg s25;
	s15 =	sadd.s32 s10, s18  }
0xd: {  	s21 =	sadd.s32 $0x500, s11;
	s19 =	sadd.s32 s12, s18;
	[dreg:$0x8] =	wrdreg s15  }
0xe: {  	p1 =	seq.s32 @!p0 s9, $0x0;
	s16 =	sadd.s32 s10, s21;
	[dreg:$0x9] =	wrdreg s19  }
0xf: {  	s23 =	sadd.s32 $0x780, s11;
	s22 =	sadd.s32 s12, s21;
	[dreg:$0xa] =	wrdreg s16  }
0x10: {  	s31 =	sadd.s32 s10, s14;
	s10 =	sadd.s32 s10, s23;
	[dreg:$0xb] =	wrdreg s22  }
0x11: {  	s13 =	sshrl.u32 s5, $0x1;
	s24 =	sadd.s32 s12, s23;
	[dreg:$0xc] =	wrdreg s10  }
0x12: {  	s11 =	smul.u32 $0x9C400, s9;
	s26 =	sadd.s32 s8, s18;
	[dreg:$0xd] =	wrdreg s24  }
0x13: {  	s12 =	smul.u32 $0x3E8, s20;
	s14 =	sadd.s32 s8, s21;
	[dreg:$0xf] =	wrdreg s26  }
0x14: {  	s8 =	sadd.s32 s8, s23;
	s21 =	smul.u32 $0x280, s20;
	[dreg:$0x10] =	wrdreg s14  }
0x15: {  	s5 =	ssub.s32 s5, s13;
	s23 =	smul.u32 $0x28000, s20;
	[dreg:$0x11] =	wrdreg s8  }
0x16: {  	s16 =	simm.s32 $0x0;
	s17 =	sadd.s32 s6, s11;
	s18 =	sshrl.u32 s11, $0x3  }
0x17: {  	s19 =	sadd.s32 $0x32800, s1;
	s15 =	sshrl.u32 s12, $0x3;
	[smem:$0x7FF] =	sst s16  }
0x18: {  	s10 =	sadd.s32 s21, s0;
	s22 =	sadd.s32 $0x80, s21;
	s7 =	sadd.s32 s7, s15  }
0x19: {  	s24 =	sadd.s32 $0x100, s21;
	[dreg:$0x12] =	wrdreg s7;
	s7 =	sshrl.u32 s17, $0x3  }
0x1a: {  	s25 =	sadd.s32 $0x180, s21;
	s13 =	sshrl.u32 s23, $0x2;
	s7 =	sadd.s32 s19, s7  }
0x1b: {  	s26 =	sadd.s32 s22, s0;
	s9 =	sshll.u32 s22, $0x6;
	[dreg:$0x13] =	wrdreg s7  }
0x1c: {  	s13 =	sadd.s32 s13, s2;
	_ =	strace $0x80000047;
	[dreg:$0x15] =	wrdreg s26  }
0x1d: {  	s8 =	sadd.s32 $0x200, s21;
	s9 =	sadd.s32 s9, s2;
	[dreg:$0x16] =	wrdreg s13  }
0x1e: {  	s21 =	sshll.u32 s25, $0x6;
	s17 =	sadd.s32 s24, s0;
	[dreg:$0x17] =	wrdreg s9  }
0x1f: {  	s7 =	sadd.s32 s19, s18;
	s19 =	sadd.s32 s25, s0;
	[dreg:$0x18] =	wrdreg s17  }
0x20: {  	s23 =	sshrl.u32 s6, $0x3;
	s22 =	sadd.s32 s21, s2;
	[dreg:$0x19] =	wrdreg s19  }
0x21: {  	s18 =	sshll.u32 s24, $0x6;
	s24 =	sadd.s32 s8, s0;
	[dreg:$0x1b] =	wrdreg s22  }
0x22: {  	s25 =	sadd.s32 s23, s1;
	s1 =	sadd.s32 $0x13A00, s1;
	[dreg:$0x1c] =	wrdreg s24  }
0x23: {  	s11 =	sadd.s32 $0x12C00, s4;
	[smem:$0x7EC] =	sst s1  }
0x24: {  	s21 =	sadd.s32 $0x140, s10;
	[smem:$0x7ED] =	sst s11  }
0x25: {  	[smem:$0x7F8] =	sst s21  }
0x26: {  	s8 =	sshll.u32 s8, $0x6;
	s9 =	sadd.s32 s18, s2;
	[dreg:$0x14] =	wrdreg s10  }
0x27: {  	s29 =	simm.s32 $0x3;
	s8 =	sadd.s32 s8, s2;
	[dreg:$0x1a] =	wrdreg s9  }
0x28: {  	s30 =	simm.s32 $0x0;
	s26 =	sadd.s32 $0xE00, s25;
	[dreg:$0x1d] =	wrdreg s8  }
0x29: {  	p2 =	slt.u32 s20, $0xA;
	s13 =	sadd.s32 $0x17700, s12;
	[dreg:$0x1e] =	wrdreg s26  }
0x2a: {  	s28 =	sadd.s32 $0x96000, s2;
	s15 =	sadd.s32 $0x12C00, s7;
	[smem:$0x7EF] =	sst s13  }
0x2b: {  	s14 =	sadd.s32 s6, s3;
	s17 =	smax.u32 s5, $0x1;
	[smem:$0x7F0] =	sst s15  }
0x2c: {  	s1 =	sadd.s32 s6, s2;
	s18 =	sadd.s32 $0x40, s10;
	[smem:$0x7F1] =	sst s17  }
0x2d: {  	s19 =	sadd.s32 $0xC0, s10;
	s22 =	sadd.s32 $0x1C0, s10;
	[smem:$0x7F6] =	sst s18  }
0x2e: {  	s24 =	sadd.s32 $0x98000, s2;
	s25 =	sadd.s32 $0x9A000, s2;
	[smem:$0x7F7] =	sst s19  }
0x2f: {  	s12 =	simm.s32 $0x19E10;
	s21 =	simm.s32 $0x1;
	[smem:$0x7F9] =	sst s22  }
0x30: {  	s9 =	sadd.s32 s4, s23;
	s4 =	simm.s32 @!p2 $0x0;
	[smem:$0x7FB] =	sst s24  }
0x31: {  	s1 =	sshrl.u32 @p0 s1, $0x3;
	s23 =	sadd.s32 $0x240, s10;
	[smem:$0x7FC] =	sst s25  }
0x32: {  	s26 =	sadd.s32 $0x9C000, s2;
	s18 =	sadd.s32 $0x96000, s3;
	s13 =	simm.s32 $0x4  }
0x33: {  	s15 =	simm.s32 $0x13B00;
	s17 =	simm.s32 $0x14F00;
	[dreg:$0x1f] =	wrdreg s9  }
0x34: {  	s4 =	simm.s32 @p2 $0x1;
	p2 =	por !p3, !p0;
	p3 =	por p3, !p0  }
0x35: {  	s19 =	simm.s32 $0x80;
	[smem:$0x7EE] =	sst s4;
	s4 =	simm.s32 @!p3 $0x0  }
0x36: {  	[smem:$0x7F5] =	sst s1;
	s4 =	simm.s32 @p3 $0x1;
	p3 =	por !p1, p0  }
0x37: {  	s22 =	simm.s32 $0x17700;
	[smem:$0x7F2] =	sst s4;
	s4 =	simm.s32 @!p3 $0x0  }
0x38: {  	[smem:$0x7FA] =	sst s23;
	p1 =	por p1, p0;
	s4 =	simm.s32 @p3 $0x1  }
0x39: {  	s24 =	simm.s32 $0x16380;
	[smem:$0x7F3] =	sst s4;
	s4 =	simm.s32 @!p1 $0x0  }
0x3a: {  	s25 =	simm.s32 $0x1BE10;
	[smem:$0x7FD] =	sst s26;
	s4 =	simm.s32 @p1 $0x1  }
0x3b: {  	v0 =	vimm.f32 $0.0e+00;
	s23 =	simm.s32 $0x16300;
	s26 =	simm.s32 $0x2;
	[smem:$0x7F4] =	sst s4  }
.LBB2_1:
0x3c: {  	s1 =	sand.u32 $0x7F00, s16  }
0x3d: {  	s4 =	sand.u32 $0x30, s16;
	s5 =	sshrl.u32 s1, $0x2  }
0x3e: {  	s1 =	simm.s32 $0x40;
	s5 =	sor.u32 s4, s5;
	s4 =	simm.s32 $0x0  }
.LBB2_2:
0x3f: {  	p1 =	sne.s32 s1, $0x7FC0  }
0x40: {  	[tilespmem:s5+$0x19E10] =	vst v0;
	s4 =	sadd.s32 $0x10, s4;
	s5 =	smov.u32 s1;
	s1 =	sadd.s32 $0x40, s1  }
.Ltmp0:
0x41: {  	(pc) =	sbr.rel @p1 .LBB2_2-.Ltmp0, $4  }
0x42: {  	_ = 	snop  }
0x43: {  	s5 =	sand.u32 $0x7F00, s5  }
0x44: {  	s6 =	sand.u32 $0x30, s4;
	s5 =	sshrl.u32 s5, $0x2  }
0x45: {  	s5 =	sor.u32 s6, s5  }
0x46: {  	[tilespmem:s5+$0x19E10] =	vst v0;
	s1 =	rddreg [dreg:$0x14]  }
0x47: {  	[spmem:s1] =	stream.linear.scatter [tilespmem:s12], [sflag:$0x4], $0x40, $0x38;
	[tilespmem:$0x1FE10] =	vst v63  }
0x48: {  	_ =	swait.ge [sflag:s13], $0x40  }
0x49: {  	s7 =	sld [smem:$0x7F6]  }
0x4a: {  	[sflag:s13] =	ssyncset.done $0x0  }
0x4b: {  	s4 =	simm.s32 $0x19E50;
	[sflag:s13] =	ssyncadd.s32 $0xFFFFFFC0  }
0x4c: {  	[spmem:s7] =	stream.linear.scatter [tilespmem:s4], [sflag:$0x4], $0x40, $0x38;
	[tilespmem:$0x1FE10] =	vst v63  }
0x4d: {  	_ =	swait.ge [sflag:s13], $0x40  }
0x4e: {  	[sflag:s13] =	ssyncset.done $0x0  }
0x4f: {  	s9 =	simm.s32 $0x19E90;
	s8 =	rddreg [dreg:$0x15];
	[sflag:s13] =	ssyncadd.s32 $0xFFFFFFC0  }
0x50: {  	[spmem:s8] =	stream.linear.scatter [tilespmem:s9], [sflag:$0x4], $0x40, $0x38;
	[tilespmem:$0x1FE10] =	vst v63  }
0x51: {  	_ =	swait.ge [sflag:s13], $0x40  }
0x52: {  	s10 =	sld [smem:$0x7F7]  }
0x53: {  	[sflag:s13] =	ssyncset.done $0x0  }
0x54: {  	s11 =	simm.s32 $0x19ED0;
	[sflag:s13] =	ssyncadd.s32 $0xFFFFFFC0  }
0x55: {  	[spmem:s10] =	stream.linear.scatter [tilespmem:s11], [sflag:$0x4], $0x40, $0x38;
	[tilespmem:$0x1FE10] =	vst v63  }
0x56: {  	_ =	swait.ge [sflag:s13], $0x40  }
0x57: {  	[sflag:s13] =	ssyncset.done $0x0  }
0x58: {  	s5 =	simm.s32 $0x19F10;
	s4 =	rddreg [dreg:$0x18];
	[sflag:s13] =	ssyncadd.s32 $0xFFFFFFC0  }
0x59: {  	[spmem:s4] =	stream.linear.scatter [tilespmem:s5], [sflag:$0x4], $0x40, $0x38;
	[tilespmem:$0x1FE10] =	vst v63  }
0x5a: {  	_ =	swait.ge [sflag:s13], $0x40  }
0x5b: {  	s6 =	sld [smem:$0x7F8]  }
0x5c: {  	[sflag:s13] =	ssyncset.done $0x0  }
0x5d: {  	s7 =	simm.s32 $0x19F50;
	[sflag:s13] =	ssyncadd.s32 $0xFFFFFFC0  }
0x5e: {  	[spmem:s6] =	stream.linear.scatter [tilespmem:s7], [sflag:$0x4], $0x40, $0x38;
	[tilespmem:$0x1FE10] =	vst v63  }
0x5f: {  	_ =	swait.ge [sflag:s13], $0x40  }
0x60: {  	[sflag:s13] =	ssyncset.done $0x0  }
0x61: {  	s9 =	simm.s32 $0x19F90;
	s8 =	rddreg [dreg:$0x19];
	[sflag:s13] =	ssyncadd.s32 $0xFFFFFFC0  }
0x62: {  	[spmem:s8] =	stream.linear.scatter [tilespmem:s9], [sflag:$0x4], $0x40, $0x38;
	[tilespmem:$0x1FE10] =	vst v63  }
0x63: {  	_ =	swait.ge [sflag:s13], $0x40  }
0x64: {  	s10 =	sld [smem:$0x7F9]  }
0x65: {  	[sflag:s13] =	ssyncset.done $0x0  }
0x66: {  	s11 =	simm.s32 $0x19FD0;
	[sflag:s13] =	ssyncadd.s32 $0xFFFFFFC0  }
0x67: {  	[spmem:s10] =	stream.linear.scatter [tilespmem:s11], [sflag:$0x4], $0x40, $0x38;
	[tilespmem:$0x1FE10] =	vst v63  }
0x68: {  	_ =	swait.ge [sflag:s13], $0x40  }
0x69: {  	[sflag:s13] =	ssyncset.done $0x0  }
0x6a: {  	s5 =	simm.s32 $0x1A010;
	s4 =	rddreg [dreg:$0x1c];
	[sflag:s13] =	ssyncadd.s32 $0xFFFFFFC0  }
0x6b: {  	[spmem:s4] =	stream.linear.scatter [tilespmem:s5], [sflag:$0x4], $0x40, $0x38;
	[tilespmem:$0x1FE10] =	vst v63  }
0x6c: {  	_ =	swait.ge [sflag:s13], $0x40  }
0x6d: {  	s6 =	sld [smem:$0x7FA]  }
0x6e: {  	[sflag:s13] =	ssyncset.done $0x0  }
0x6f: {  	s7 =	simm.s32 $0x1A050;
	[sflag:s13] =	ssyncadd.s32 $0xFFFFFFC0  }
0x70: {  	[spmem:s6] =	stream.linear.scatter [tilespmem:s7], [sflag:$0x4], $0x40, $0x38;
	[tilespmem:$0x1FE10] =	vst v63  }
0x71: {  	_ =	swait.ge [sflag:s13], $0x40  }
0x72: {  	[sflag:s13] =	ssyncset.done $0x0  }
0x73: {  	s1 =	simm.s32 @p0 $0x19E10;
	s4 =	rddreg [dreg:$0x16];
	[sflag:s13] =	ssyncadd.s32 $0xFFFFFFC0  }
0x74: {  	[spmem:s4] =	stream.linear.scatter @p0 [tilespmem:s1], [sflag:$0x4], $0x2000, $0x38;
	[tilespmem:$0x1FE10] =	vst v63  }
0x75: {  	s4 =	simm.s32 @p0 $0x4  }
0x76: {  	_ =	swait.ge @p0 [sflag:s4], $0x2000  }
0x77: {  	[sflag:s4] =	ssyncset.done @p0 $0x0  }
0x78: {  	s5 =	rddreg [dreg:$0x17];
	[sflag:s4] =	ssyncadd.s32 @p0 $0xFFFFE000  }
0x79: {  	[spmem:s5] =	stream.linear.scatter @p0 [tilespmem:s1], [sflag:$0x4], $0x2000, $0x38;
	[tilespmem:$0x1FE10] =	vst v63  }
0x7a: {  	_ =	swait.ge @p0 [sflag:s4], $0x2000  }
0x7b: {  	[sflag:s4] =	ssyncset.done @p0 $0x0  }
0x7c: {  	s5 =	rddreg [dreg:$0x1a];
	[sflag:s4] =	ssyncadd.s32 @p0 $0xFFFFE000  }
0x7d: {  	[spmem:s5] =	stream.linear.scatter @p0 [tilespmem:s1], [sflag:$0x4], $0x2000, $0x38;
	[tilespmem:$0x1FE10] =	vst v63  }
0x7e: {  	_ =	swait.ge @p0 [sflag:s4], $0x2000  }
0x7f: {  	[sflag:s4] =	ssyncset.done @p0 $0x0  }
0x80: {  	s5 =	rddreg [dreg:$0x1b];
	[sflag:s4] =	ssyncadd.s32 @p0 $0xFFFFE000  }
0x81: {  	[spmem:s5] =	stream.linear.scatter @p0 [tilespmem:s1], [sflag:$0x4], $0x2000, $0x38;
	[tilespmem:$0x1FE10] =	vst v63  }
0x82: {  	_ =	swait.ge @p0 [sflag:s4], $0x2000  }
0x83: {  	[sflag:s4] =	ssyncset.done @p0 $0x0  }
0x84: {  	s5 =	rddreg [dreg:$0x1d];
	[sflag:s4] =	ssyncadd.s32 @p0 $0xFFFFE000  }
0x85: {  	[spmem:s5] =	stream.linear.scatter @p0 [tilespmem:s1], [sflag:$0x4], $0x2000, $0x38;
	[tilespmem:$0x1FE10] =	vst v63  }
0x86: {  	s1 =	sshll.u32 @!p2 s20, $0x6;
	_ =	swait.ge @p0 [sflag:s4], $0x2000  }
0x87: {  	s1 =	sor.u32 @!p2 $0x1C04, s1;
	[sflag:s4] =	ssyncset.done @p0 $0x0  }
0x88: {  	s5 =	rddreg [dreg:$0x1e];
	[sflag:s4] =	ssyncadd.s32 @p0 $0xFFFFE000;
	s4 =	sshrl.u32 @!p2 s14, $0x3  }
0x89: {  	[spmem:s4], [sflag:s1] =	dma.local @!p2 [hbm:s5], $0x1400  }
0x8a: {  	s1 =	simm.s32 @!p2 $0x4  }
0x8b: {  	_ =	swait.ge @!p2 [sflag:s1], $0x1400  }
0x8c: {  	s8 =	sld [smem:$0x7F2];
	_ =	sdelay $0x2  }
0x8d: {  	p1 =	seq.s32 s8, $0x1  }
0x8e: {  	[sflag:s1] =	ssyncset.done @!p2 $0x0;
	s5 =	rddreg [dreg:$0x1f];
	s4 =	sshll.u32 @!p1 s20, $0x6  }
0x8f: {  	[sflag:s1] =	ssyncadd.s32 @!p2 $0xFFFFEC00;
	s1 =	sor.u32 @!p1 $0x1C04, s4;
	s4 =	sshrl.u32 @!p1 s14, $0x3  }
0x90: {  	[spmem:s4], [sflag:s1] =	dma.local @!p1 [hbm:s5], $0x1400  }
0x91: {  	s1 =	simm.s32 @!p1 $0x4  }
0x92: {  	_ =	swait.ge @!p1 [sflag:s1], $0x1400  }
0x93: {  	[sflag:s1] =	ssyncset.done @!p1 $0x0  }
0x94: {  	s4 =	simm.s32 @!p0 $0x4;
	[sflag:s1] =	ssyncadd.s32 @!p1 $0xFFFFEC00;
	s1 =	simm.s32 @!p0 $0x19E10  }
0x95: {  	[spmem:s28] =	stream.linear.scatter @!p0 [tilespmem:s1], [sflag:$0x4], $0x2000, $0x38;
	[tilespmem:$0x1FE10] =	vst v63  }
0x96: {  	_ =	swait.ge @!p0 [sflag:s4], $0x2000  }
0x97: {  	s5 =	sld [smem:$0x7FB]  }
0x98: {  	[sflag:s4] =	ssyncset.done @!p0 $0x0  }
0x99: {  	[sflag:s4] =	ssyncadd.s32 @!p0 $0xFFFFE000  }
0x9a: {  	[spmem:s5] =	stream.linear.scatter @!p0 [tilespmem:s1], [sflag:$0x4], $0x2000, $0x38;
	[tilespmem:$0x1FE10] =	vst v63  }
0x9b: {  	_ =	swait.ge @!p0 [sflag:s4], $0x2000  }
0x9c: {  	s5 =	sld [smem:$0x7FC]  }
0x9d: {  	[sflag:s4] =	ssyncset.done @!p0 $0x0  }
0x9e: {  	[sflag:s4] =	ssyncadd.s32 @!p0 $0xFFFFE000  }
0x9f: {  	[spmem:s5] =	stream.linear.scatter @!p0 [tilespmem:s1], [sflag:$0x4], $0x2000, $0x38;
	[tilespmem:$0x1FE10] =	vst v63  }
0xa0: {  	_ =	swait.ge @!p0 [sflag:s4], $0x2000  }
0xa1: {  	s5 =	sld [smem:$0x7FD]  }
0xa2: {  	[sflag:s4] =	ssyncset.done @!p0 $0x0  }
0xa3: {  	[sflag:s4] =	ssyncadd.s32 @!p0 $0xFFFFE000  }
0xa4: {  	[spmem:s5] =	stream.linear.scatter @!p0 [tilespmem:s1], [sflag:$0x4], $0x400, $0x38;
	[tilespmem:$0x1FE10] =	vst v63  }
0xa5: {  	_ =	swait.ge @!p0 [sflag:s4], $0x400  }
0xa6: {  	s9 =	sld [smem:$0x7F3];
	_ =	sdelay $0x1  }
0xa7: {  	s5 =	sld [smem:$0x7ED]  }
0xa8: {  	[sflag:s4] =	ssyncset.done @!p0 $0x0;
	p5 =	seq.s32 s9, $0x1  }
0xa9: {  	[sflag:s4] =	ssyncadd.s32 @!p0 $0xFFFFFC00;
	s1 =	sshrl.u32 @!p5 s18, $0x3;
	s4 =	simm.s32 @!p5 $0x1FC4  }
0xaa: {  	[spmem:s1], [sflag:s4] =	dma.local @!p5 [hbm:s5], $0xC80  }
0xab: {  	s1 =	simm.s32 @!p5 $0x4  }
0xac: {  	_ =	swait.ge @!p5 [sflag:s1], $0xC80  }
0xad: {  	s10 =	sld [smem:$0x7F4];
	_ =	sdelay $0x1  }
0xae: {  	s5 =	sld [smem:$0x7EC]  }
0xaf: {  	[sflag:s1] =	ssyncset.done @!p5 $0x0;
	p6 =	seq.s32 s10, $0x1  }
0xb0: {  	[sflag:s1] =	ssyncadd.s32 @!p5 $0xFFFFF380;
	s1 =	sshrl.u32 @!p6 s18, $0x3;
	s4 =	simm.s32 @!p6 $0x1FC4  }
0xb1: {  	[spmem:s1], [sflag:s4] =	dma.local @!p6 [hbm:s5], $0xC80  }
0xb2: {  	s1 =	simm.s32 @!p6 $0x4  }
0xb3: {  	_ =	swait.ge @!p6 [sflag:s1], $0xC80  }
0xb4: {  	[sflag:s1] =	ssyncset.done @!p6 $0x0  }
0xb5: {  	[sflag:s1] =	ssyncadd.s32 @!p6 $0xFFFFF380  }
0xb6: {  	s1 =	simm.s32 $0x0;
	[bflag:$0x0] =	sbarrier.arrive $0xFFFF  }
0xb7: {  	[tilespmem:s15], [sflag:$0x4] =	stream.linear.gather [hbm4b:s31+s1], $0x1400, $0x38;
	[tilespmem:$0x1FE10] =	vst v63  }
0xb8: {  	_ =	swait.ge [sflag:s13], $0x1400  }
0xb9: {  	[sflag:s13] =	ssyncset.done $0x0;
	s20 =	sld [smem:$0x7EE]  }
0xba: {  	s11 =	rddreg [dreg:$0x7];
	[sflag:s13] =	ssyncadd.s32 $0xFFFFEC00  }
0xbb: {  	[tilespmem:s17], [sflag:$0x4] =	stream.linear.gather [hbm4b:s11+s1], $0x1400, $0x38;
	[tilespmem:$0x1FE10] =	vst v63  }
0xbc: {  	p1 =	por @!p2 $0x0, $0x0;
	p4 =	seq.s32 s20, $0x1  }
0xbd: {  	p6 =	por @!p6 $0x0, $0x0;
	_ =	swait.ge [sflag:s13], $0x1400;
	p3 =	por p4, p4  }
0xbe: {  	p6 =	por @!p5 p4, p4;
	[sflag:s13] =	ssyncset.done $0x0;
	p3 =	por @!p2 p1, p1  }
0xbf: {  	[sflag:s13] =	ssyncadd.s32 $0xFFFFEC00;
	p3 =	por @!p0 p6, p6  }
.LBB2_4:
0xc0: {  	p1 =	sne.s32 s1, $0x4E00  }
.Ltmp1:
0xc1: {  	_ = 	snop;
	(pc) =	sbr.rel @p1 .LBB2_4-.Ltmp1, $4  }
0xc2: {  	_ = 	snop  }
0xc3: {  	s4 =	sshra.s32 s1, $0x2  }
0xc4: {  	s1 =	sadd.s32 $0x200, s1;
	s5 =	sadd.s32 $0x14F00, s4;
	s4 =	sadd.s32 $0x13B00, s4  }
0xc5: {  	[spmem:s0] =	stream.indirect.scatter.add.f32 [tilespmem:s5], [sflag:$0x1], $0x1, s4, s19, $0xb8;
	[tilespmem:$0x1FE10] =	vst v63  }
0xc6: {  	_ =	swait.ge [sflag:s21], $0x80  }
0xc7: {  	s1 =	simm.s32 $0x27;
	[sflag:s21] =	ssyncset.done $0x0  }
.LBB2_6:
0xc8: {  	p1 =	sne.s32 s1, $0x1;
	s1 =	sadd.s32 $0xFFFFFFFF, s1;
	[sflag:s21] =	ssyncadd.s32 $0xFFFFFF80  }
.Ltmp2:
0xc9: {  	(pc) =	sbr.rel @p1 .LBB2_6-.Ltmp2, $3  }
0xca: {  	_ =	sdelay $0x1  }
0xcb: {  	_ =	swait.ge [sflag:s21], $0x80  }
0xcc: {  	[sflag:s21] =	ssyncset.done $0x0  }
0xcd: {  	[sflag:s21] =	ssyncadd.s32 $0xFFFFFF80;
	s1 =	simm.s32 $0x0;
	s4 =	rddreg [dreg:$0x8]  }
0xce: {  	[tilespmem:s15], [sflag:$0x4] =	stream.linear.gather [hbm4b:s4+s1], $0x1400, $0x38;
	[tilespmem:$0x1FE10] =	vst v63  }
0xcf: {  	_ =	swait.ge [sflag:s13], $0x1400  }
0xd0: {  	[sflag:s13] =	ssyncset.done $0x0  }
0xd1: {  	s20 =	rddreg [dreg:$0x9];
	[sflag:s13] =	ssyncadd.s32 $0xFFFFEC00  }
0xd2: {  	[tilespmem:s17], [sflag:$0x4] =	stream.linear.gather [hbm4b:s20+s1], $0x1400, $0x38;
	[tilespmem:$0x1FE10] =	vst v63  }
0xd3: {  	_ =	swait.ge [sflag:s13], $0x1400  }
0xd4: {  	[sflag:s13] =	ssyncset.done $0x0  }
0xd5: {  	[sflag:s13] =	ssyncadd.s32 $0xFFFFEC00  }
.LBB2_8:
0xd6: {  	p1 =	sne.s32 s1, $0x4E00  }
.Ltmp3:
0xd7: {  	_ = 	snop;
	(pc) =	sbr.rel @p1 .LBB2_8-.Ltmp3, $4  }
0xd8: {  	_ = 	snop  }
0xd9: {  	s4 =	sshra.s32 s1, $0x2  }
0xda: {  	s1 =	sadd.s32 $0x200, s1;
	s5 =	sadd.s32 $0x14F00, s4;
	s4 =	sadd.s32 $0x13B00, s4  }
0xdb: {  	[spmem:s0] =	stream.indirect.scatter.add.f32 [tilespmem:s5], [sflag:$0x1], $0x1, s4, s19, $0xb8;
	[tilespmem:$0x1FE10] =	vst v63  }
0xdc: {  	_ =	swait.ge [sflag:s21], $0x80  }
0xdd: {  	s1 =	simm.s32 $0x27;
	[sflag:s21] =	ssyncset.done $0x0  }
.LBB2_10:
0xde: {  	p1 =	sne.s32 s1, $0x1;
	s1 =	sadd.s32 $0xFFFFFFFF, s1;
	[sflag:s21] =	ssyncadd.s32 $0xFFFFFF80  }
.Ltmp4:
0xdf: {  	(pc) =	sbr.rel @p1 .LBB2_10-.Ltmp4, $3  }
0xe0: {  	_ =	sdelay $0x1  }
0xe1: {  	_ =	swait.ge [sflag:s21], $0x80  }
0xe2: {  	[sflag:s21] =	ssyncset.done $0x0  }
0xe3: {  	[sflag:s21] =	ssyncadd.s32 $0xFFFFFF80;
	s1 =	simm.s32 $0x0;
	s4 =	rddreg [dreg:$0xa]  }
0xe4: {  	[tilespmem:s15], [sflag:$0x4] =	stream.linear.gather [hbm4b:s4+s1], $0x1400, $0x38;
	[tilespmem:$0x1FE10] =	vst v63  }
0xe5: {  	_ =	swait.ge [sflag:s13], $0x1400  }
0xe6: {  	[sflag:s13] =	ssyncset.done $0x0  }
0xe7: {  	s20 =	rddreg [dreg:$0xb];
	[sflag:s13] =	ssyncadd.s32 $0xFFFFEC00  }
0xe8: {  	[tilespmem:s17], [sflag:$0x4] =	stream.linear.gather [hbm4b:s20+s1], $0x1400, $0x38;
	[tilespmem:$0x1FE10] =	vst v63  }
0xe9: {  	_ =	swait.ge [sflag:s13], $0x1400  }
0xea: {  	[sflag:s13] =	ssyncset.done $0x0  }
0xeb: {  	[sflag:s13] =	ssyncadd.s32 $0xFFFFEC00  }
.LBB2_12:
0xec: {  	p1 =	sne.s32 s1, $0x4E00  }
.Ltmp5:
0xed: {  	_ = 	snop;
	(pc) =	sbr.rel @p1 .LBB2_12-.Ltmp5, $4  }
0xee: {  	_ = 	snop  }
0xef: {  	s4 =	sshra.s32 s1, $0x2  }
0xf0: {  	s1 =	sadd.s32 $0x200, s1;
	s5 =	sadd.s32 $0x14F00, s4;
	s4 =	sadd.s32 $0x13B00, s4  }
0xf1: {  	[spmem:s0] =	stream.indirect.scatter.add.f32 [tilespmem:s5], [sflag:$0x1], $0x1, s4, s19, $0xb8;
	[tilespmem:$0x1FE10] =	vst v63  }
0xf2: {  	_ =	swait.ge [sflag:s21], $0x80  }
0xf3: {  	s1 =	simm.s32 $0x27;
	[sflag:s21] =	ssyncset.done $0x0  }
.LBB2_14:
0xf4: {  	p1 =	sne.s32 s1, $0x1;
	s1 =	sadd.s32 $0xFFFFFFFF, s1;
	[sflag:s21] =	ssyncadd.s32 $0xFFFFFF80  }
.Ltmp6:
0xf5: {  	(pc) =	sbr.rel @p1 .LBB2_14-.Ltmp6, $3  }
0xf6: {  	_ =	sdelay $0x1  }
0xf7: {  	_ =	swait.ge [sflag:s21], $0x80  }
0xf8: {  	[sflag:s21] =	ssyncset.done $0x0  }
0xf9: {  	[sflag:s21] =	ssyncadd.s32 $0xFFFFFF80;
	s1 =	simm.s32 $0x0;
	s4 =	rddreg [dreg:$0xc]  }
0xfa: {  	[tilespmem:s15], [sflag:$0x4] =	stream.linear.gather [hbm4b:s4+s1], $0x1400, $0x38;
	[tilespmem:$0x1FE10] =	vst v63  }
0xfb: {  	_ =	swait.ge [sflag:s13], $0x1400  }
0xfc: {  	[sflag:s13] =	ssyncset.done $0x0  }
0xfd: {  	s20 =	rddreg [dreg:$0xd];
	[sflag:s13] =	ssyncadd.s32 $0xFFFFEC00  }
0xfe: {  	[tilespmem:s17], [sflag:$0x4] =	stream.linear.gather [hbm4b:s20+s1], $0x1400, $0x38;
	[tilespmem:$0x1FE10] =	vst v63  }
0xff: {  	_ =	swait.ge [sflag:s13], $0x1400  }
0x100: {  	[sflag:s13] =	ssyncset.done $0x0  }
0x101: {  	[sflag:s13] =	ssyncadd.s32 $0xFFFFEC00  }
.LBB2_16:
0x102: {  	p1 =	sne.s32 s1, $0x4E00  }
.Ltmp7:
0x103: {  	_ = 	snop;
	(pc) =	sbr.rel @p1 .LBB2_16-.Ltmp7, $4  }
0x104: {  	_ = 	snop  }
0x105: {  	s4 =	sshra.s32 s1, $0x2  }
0x106: {  	s1 =	sadd.s32 $0x200, s1;
	s5 =	sadd.s32 $0x14F00, s4;
	s4 =	sadd.s32 $0x13B00, s4  }
0x107: {  	[spmem:s0] =	stream.indirect.scatter.add.f32 [tilespmem:s5], [sflag:$0x1], $0x1, s4, s19, $0xb8;
	[tilespmem:$0x1FE10] =	vst v63  }
0x108: {  	_ =	swait.ge [sflag:s21], $0x80  }
0x109: {  	s1 =	simm.s32 $0x27;
	[sflag:s21] =	ssyncset.done $0x0  }
.LBB2_18:
0x10a: {  	p1 =	sne.s32 s1, $0x1;
	s1 =	sadd.s32 $0xFFFFFFFF, s1;
	[sflag:s21] =	ssyncadd.s32 $0xFFFFFF80  }
.Ltmp8:
0x10b: {  	(pc) =	sbr.rel @p1 .LBB2_18-.Ltmp8, $3  }
0x10c: {  	_ =	sdelay $0x1  }
0x10d: {  	_ =	swait.ge [sflag:s21], $0x80  }
0x10e: {  	[sflag:s21] =	ssyncset.done $0x0  }
0x10f: {  	[sflag:s21] =	ssyncadd.s32 $0xFFFFFF80  }
0x110: {  	[bflag:$0x0] =	sbarrier.arrive $0xFFFF  }
0x111: {  	[tilespmem:s22], [sflag:$0x4] =	stream.linear.gather [spmem:s0], $0x2710, $0x38;
	[tilespmem:$0x1FE10] =	vst v63  }
0x112: {  	_ =	swait.ge [sflag:s13], $0x2710  }
0x113: {  	[sflag:s13] =	ssyncset.done $0x0  }
0x114: {  	s1 =	simm.s32 $0x0;
	s4 =	simm.s32 $0x40;
	[sflag:s13] =	ssyncadd.s32 $0xFFFFD8F0  }
.LBB2_20:
0x115: {  	p1 =	sne.s32 s4, $0x9C00;
	v1 =	vld [tilespmem:s1+$0x17700];
	_ =	sdelay $0x4  }
0x116: {  	v1 =	vadd.f32 $1.000000000e+00, v1;
	_ =	sdelay $0x1  }
0x117: {  	v2 =	vshrl.u32 v1, $0x1;
	v1 =	vmul.f32 $-5.000000000e-01, v1  }
0x118: {  	v2 =	vsub.s32 $0x5F3759DF, v2  }
0x119: {  	v3 =	vmul.f32 v2, v1;
	_ =	sdelay $0x1  }
0x11a: {  	v3 =	vmul.f32 v2, v3;
	_ =	sdelay $0x1  }
0x11b: {  	v3 =	vadd.f32 $1.500000000e+00, v3;
	_ =	sdelay $0x1  }
0x11c: {  	v2 =	vmul.f32 v2, v3;
	_ =	sdelay $0x1  }
0x11d: {  	v3 =	vmul.f32 v2, v1;
	_ =	sdelay $0x1  }
0x11e: {  	v3 =	vmul.f32 v3, v2;
	_ =	sdelay $0x1  }
0x11f: {  	v3 =	vadd.f32 $1.500000000e+00, v3;
	_ =	sdelay $0x1  }
0x120: {  	v2 =	vmul.f32 v3, v2;
	_ =	sdelay $0x1  }
0x121: {  	v1 =	vmul.f32 v2, v1;
	_ =	sdelay $0x1  }
0x122: {  	v1 =	vmul.f32 v1, v2;
	_ =	sdelay $0x1  }
.Ltmp9:
0x123: {  	v1 =	vadd.f32 $1.500000000e+00, v1;
	(pc) =	sbr.rel @p1 .LBB2_20-.Ltmp9, $3  }
0x124: {  	_ = 	snop  }
0x125: {  	v1 =	vmul.f32 v1, v2;
	_ =	sdelay $0x1  }
0x126: {  	[tilespmem:s1+$0x17700] =	vst v1;
	s1 =	sshra.s32 s4, $0x2;
	s4 =	sadd.s32 $0x40, s4  }
0x127: {  	v1 =	vld [tilespmem:s1+$0x17700];
	_ =	sdelay $0x4  }
0x128: {  	v1 =	vadd.f32 $1.000000000e+00, v1;
	_ =	sdelay $0x1  }
0x129: {  	v2 =	vshrl.u32 v1, $0x1;
	v1 =	vmul.f32 $-5.000000000e-01, v1  }
0x12a: {  	v2 =	vsub.s32 $0x5F3759DF, v2  }
0x12b: {  	v3 =	vmul.f32 v2, v1;
	_ =	sdelay $0x1  }
0x12c: {  	v3 =	vmul.f32 v2, v3;
	_ =	sdelay $0x1  }
0x12d: {  	v3 =	vadd.f32 $1.500000000e+00, v3;
	_ =	sdelay $0x1  }
0x12e: {  	v2 =	vmul.f32 v2, v3;
	_ =	sdelay $0x1  }
0x12f: {  	v3 =	vmul.f32 v2, v1;
	_ =	sdelay $0x1  }
0x130: {  	v3 =	vmul.f32 v3, v2;
	_ =	sdelay $0x1  }
0x131: {  	v3 =	vadd.f32 $1.500000000e+00, v3;
	_ =	sdelay $0x1  }
0x132: {  	v2 =	vmul.f32 v3, v2;
	_ =	sdelay $0x1  }
0x133: {  	v1 =	vmul.f32 v2, v1;
	_ =	sdelay $0x1  }
0x134: {  	v1 =	vmul.f32 v1, v2;
	_ =	sdelay $0x1  }
0x135: {  	v1 =	vadd.f32 $1.500000000e+00, v1;
	_ =	sdelay $0x1  }
0x136: {  	v1 =	vmul.f32 v1, v2;
	_ =	sdelay $0x1  }
0x137: {  	s11 =	rddreg [dreg:$0xe];
	[tilespmem:s1+$0x17700] =	vst v1  }
0x138: {  	[tilespmem:s23], [sflag:$0x4] =	stream.linear.gather [hbm4b:s11+s16], $0x1400, $0x38;
	[tilespmem:$0x1FE10] =	vst v63  }
0x139: {  	_ =	swait.ge [sflag:s13], $0x1400  }
0x13a: {  	[sflag:s13] =	ssyncset.done $0x0  }
0x13b: {  	[sflag:s13] =	ssyncadd.s32 $0xFFFFEC00  }
0x13c: {  	[tilespmem:s15], [sflag:$0x4] =	stream.linear.gather [hbm4b:s31+s16], $0x1400, $0x38;
	[tilespmem:$0x1FE10] =	vst v63  }
0x13d: {  	_ =	swait.ge [sflag:s13], $0x1400  }
0x13e: {  	[sflag:s13] =	ssyncset.done $0x0  }
0x13f: {  	s20 =	rddreg [dreg:$0x7];
	[sflag:s13] =	ssyncadd.s32 $0xFFFFEC00  }
0x140: {  	[tilespmem:s17], [sflag:$0x4] =	stream.linear.gather [hbm4b:s20+s16], $0x1400, $0x38;
	[tilespmem:$0x1FE10] =	vst v63  }
0x141: {  	_ =	swait.ge [sflag:s13], $0x1400  }
0x142: {  	[sflag:s13] =	ssyncset.done $0x0  }
0x143: {  	s11 =	smov.u32 s31;
	s31 =	simm.s32 $0x16320;
	[sflag:s13] =	ssyncadd.s32 $0xFFFFEC00  }
0x144: {  	v1 =	vld [tilespmem:s31+$0x10]  }
0x145: {  	v2 =	vld [tilespmem:s31+$0xFFFFFFF0]  }
0x146: {  	v3 =	vld [tilespmem:s31+$0xFFFFFFE0]  }
0x147: {  	s1 =	simm.s32 $0x14F20;
	v4 =	vld [tilespmem:s31+$0x0]  }
0x148: {  	s4 =	simm.s32 $0x16360;
	v7 =	vld [tilespmem:s1+$0x10]  }
0x149: {  	v5 =	vld [tilespmem:s4+$0x10]  }
0x14a: {  	v10 =	vld [tilespmem:s4+$0xFFFFFFF0]  }
0x14b: {  	v11 =	vld [tilespmem:s4+$0xFFFFFFE0]  }
0x14c: {  	v12 =	vld [tilespmem:s1+$0xFFFFFFE0]  }
0x14d: {  	v13 =	vld [tilespmem:s1+$0xFFFFFFF0]  }
0x14e: {  	v6 =	vld [tilespmem:s1+$0x0]  }
0x14f: {  	v1 =	vld.idx.msk [tilespmem:v1+s22+$0x0], $0xffff  }
0x150: {  	v9 =	vld.idx.msk [tilespmem:v2+s22+$0x0], $0xffff  }
0x151: {  	v8 =	vld.idx.msk [tilespmem:v3+s22+$0x0], $0xffff  }
0x152: {  	v2 =	vld [tilespmem:s4+$0x0]  }
0x153: {  	v3 =	vld.idx.msk [tilespmem:v4+s22+$0x0], $0xffff  }
0x154: {  	v5 =	vld.idx.msk [tilespmem:v5+s22+$0x0], $0xffff;
	s4 =	simm.s32 $0x14F60  }
0x155: {  	v1 =	vmul.f32 v1, v7;
	v7 =	vld [tilespmem:s4+$0x10]  }
0x156: {  	v4 =	vld.idx.msk [tilespmem:v10+s22+$0x0], $0xffff;
	v8 =	vmul.f32 v8, v12  }
0x157: {  	s5 =	simm.s32 $0x4;
	s6 =	simm.s32 $0x163A0;
	v9 =	vmul.f32 v9, v13;
	[tilespmem:s1+$0x10] =	vst v1;
	v1 =	vld.idx.msk [tilespmem:v11+s22+$0x0], $0xffff  }
.LBB2_22:
0x158: {  	v10 =	vld [tilespmem:s6+$0x10];
	s5 =	sadd.s32 $0x4, s5;
	[tilespmem:s1+$0xFFFFFFE0] =	vst v8;
	v3 =	vmul.f32 v3, v6  }
0x159: {  	v8 =	vld [tilespmem:s6+$0xFFFFFFF0];
	p1 =	slt.u32 s5, $0x13C;
	[tilespmem:s1+$0xFFFFFFF0] =	vst v9  }
0x15a: {  	v9 =	vld [tilespmem:s6+$0x0];
	v5 =	vmul.f32 v5, v7;
	[tilespmem:s1+$0x0] =	vst v3;
	s1 =	smov.u32 s4  }
0x15b: {  	v11 =	vld [tilespmem:s6+$0xFFFFFFE0]  }
0x15c: {  	v12 =	vmov v4;
	v3 =	vld.idx.msk [tilespmem:v2+s22+$0x0], $0xffff;
	[tilespmem:s4+$0x10] =	vst v5  }
0x15d: {  	v13 =	vld [tilespmem:s4+$0xFFFFFFE0]  }
0x15e: {  	v14 =	vld [tilespmem:s4+$0xFFFFFFF0]  }
.Ltmp10:
0x15f: {  	v6 =	vld [tilespmem:s4+$0x0];
	v2 =	vmov v9;
	(pc) =	sbr.rel @p1 .LBB2_22-.Ltmp10, $4  }
0x160: {  	s4 =	sadd.s32 $0x40, s4;
	v5 =	vld.idx.msk [tilespmem:v10+s22+$0x0], $0xffff  }
0x161: {  	v7 =	vld [tilespmem:s4+$0x10]  }
0x162: {  	v4 =	vld.idx.msk [tilespmem:v8+s22+$0x0], $0xffff;
	v8 =	vmul.f32 v1, v13  }
0x163: {  	s6 =	sadd.s32 $0x40, s6;
	v1 =	vld.idx.msk [tilespmem:v11+s22+$0x0], $0xffff;
	v9 =	vmul.f32 v12, v14  }
0x164: {  	_ =	sdelay $0x3  }
0x165: {  	v2 =	vld.idx.msk [tilespmem:v2+s22+$0x0], $0xffff  }
0x166: {  	v10 =	vld [tilespmem:s4+$0xFFFFFFE0]  }
0x167: {  	v11 =	vld [tilespmem:s4+$0xFFFFFFF0]  }
0x168: {  	v12 =	vld [tilespmem:s4+$0x0]  }
0x169: {  	[tilespmem:s1+$0xFFFFFFE0] =	vst v8;
	v3 =	vmul.f32 v3, v6  }
0x16a: {  	[tilespmem:s1+$0xFFFFFFF0] =	vst v9;
	v5 =	vmul.f32 v5, v7  }
0x16b: {  	[tilespmem:s1+$0x0] =	vst v3;
	v1 =	vmul.f32 v1, v10  }
0x16c: {  	[tilespmem:s4+$0x10] =	vst v5;
	v3 =	vmul.f32 v4, v11  }
0x16d: {  	[tilespmem:s4+$0xFFFFFFE0] =	vst v1;
	v1 =	vmul.f32 v2, v12  }
0x16e: {  	[tilespmem:s4+$0xFFFFFFF0] =	vst v3  }
0x16f: {  	[tilespmem:s4+$0x0] =	vst v1  }
0x170: {  	[tilespmem:s12], [sflag:$0x2] =	stream.indirect.gather [spmem:s3], $0x40, s23, s19, $0xb8;
	[tilespmem:$0x1FE10] =	vst v63  }
0x171: {  	s31 =	simm.s32 $0x0;
	s7 =	simm.s32 $0x19F00  }
0x172: {  	[tilespmem:s25], [sflag:$0x2] =	stream.indirect.gather [spmem:s3], $0x40, s24, s19, $0xb8;
	[tilespmem:$0x1FE10] =	vst v63  }
.LBB2_24:
0x173: {  	_ =	swait.ge [sflag:s26], $0x2000  }
0x174: {  	p1 =	seq.s32 s31, $0x0;
	[sflag:s26] =	ssyncset.done $0x0  }
0x175: {  	s1 =	simm.s32 @!p1 $0x3;
	[sflag:s26] =	ssyncadd.s32 $0xFFFFE000  }
0x176: {  	p6 =	sgt.u32 @!p1 s31, $0x25;
	_ =	swait.ge @!p1 [sflag:s1], $0x2000  }
0x177: {  	p6 =	por p1, !p6;
	[sflag:s1] =	ssyncset.done @!p1 $0x0  }
0x178: {  	[sflag:s1] =	ssyncadd.s32 @!p1 $0xFFFFE000;
	s1 =	sadd.s32 @p6 $0x2, s31  }
0x179: {  	s4 =	smul.u32 @p6 $0xAB, s1;
	_ =	sdelay $0x1  }
0x17a: {  	s4 =	sshrl.u32 @p6 s4, $0x9  }
0x17b: {  	s4 =	sand.u32 @p6 $0x7F, s4  }
0x17c: {  	s4 =	smul.u32 @p6 $0x3, s4;
	_ =	sdelay $0x1  }
0x17d: {  	s4 =	ssub.s32 @p6 s1, s4  }
0x17e: {  	s1 =	sshll.u32 @p6 s1, $0x7;
	s4 =	sand.u32 @p6 $0xF3, s4  }
0x17f: {  	s1 =	sand.u32 @p6 $0x3FFFFF80, s1;
	s4 =	sshll.u32 @p6 s4, $0xD  }
0x180: {  	s6 =	smulhi.u32 $0xAAAAAAAB, s31;
	s1 =	sadd.s32 @p6 $0x16300, s1;
	s4 =	sor.u32 @p6 $0x19E10, s4  }
0x181: {  	[tilespmem:s4], [sflag:$0x2] =	stream.indirect.gather @p6 [spmem:s3], $0x40, s1, s19, $0xb8;
	[tilespmem:$0x1FE10] =	vst v63  }
0x182: {  	s5 =	simm.s32 $0x0;
	s1 =	sshrl.u32 s6, $0x1  }
0x183: {  	v1 =	vmov s5;
	s8 =	smul.u32 $0xFFFE8000, s1;
	s1 =	sshll.u32 s31, $0x7  }
0x184: {  	s9 =	simm.s32 $0x3;
	s10 =	simm.s32 $0x1;
	v2 =	vand.u32 $0x7C, v1;
	v8 =	vmov s1  }
0x185: {  	v3 =	vmov s9;
	v4 =	vmov s10;
	s4 =	sshra.s32 s8, $0x2;
	v2 =	vor.u32 v8, v2  }
0x186: {  	s20 =	simm.s32 $0x2;
	v3 =	vand.u32 $0x7F, v3;
	v1 =	vmov s4;
	v2 =	vbroadcast v2, $0x0  }
0x187: {  	v5 =	vmov s20;
	v4 =	vand.u32 $0x7D, v4;
	v3 =	vor.u32 v8, v3  }
0x188: {  	v5 =	vand.u32 $0x7E, v5;
	v4 =	vor.u32 v8, v4;
	v6 =	vbroadcast v3, $0x0  }
0x189: {  	v3 =	vor.u32 v8, v5;
	v4 =	vbroadcast v4, $0x0  }
0x18a: {  	v7 =	vbroadcast v3, $0x0  }
0x18b: {  	v9 =	vld.idx.msk [tilespmem:v1+s7+$0xFFFFFF50 ss:$0x1], $0xffff  }
0x18c: {  	v3 =	vld.idx.msk [tilespmem:v2+s17+$0x0], $0xffff  }
0x18d: {  	v2 =	vld.idx.msk [tilespmem:v1+s7+$0xFFFFFFD0 ss:$0x1], $0xffff  }
0x18e: {  	v10 =	vld.idx.msk [tilespmem:v6+s17+$0x0], $0xffff  }
0x18f: {  	s5 =	simm.s32 $0x4;
	v5 =	vld.idx.msk [tilespmem:v4+s17+$0x0], $0xffff  }
0x190: {  	v6 =	vmov s5;
	v4 =	vld.idx.msk [tilespmem:v7+s17+$0x0], $0xffff  }
0x191: {  	s6 =	simm.s32 $0x5;
	v6 =	vand.u32 $0x7C, v6;
	v7 =	vld.idx.msk [tilespmem:v1+s7+$0xFFFFFF10 ss:$0x1], $0xffff  }
0x192: {  	v12 =	vmov s6;
	v6 =	vor.u32 v8, v6  }
0x193: {  	v12 =	vand.u32 $0x7D, v12;
	s8 =	simm.s32 $0x6;
	v6 =	vbroadcast v6, $0x0;
	v2 =	vmul.f32 v2, v10  }
0x194: {  	v12 =	vor.u32 v8, v12;
	v13 =	vmov s8;
	v11 =	vld.idx.msk [tilespmem:v1+s7+$0xFFFFFF90 ss:$0x1], $0xffff  }
0x195: {  	v12 =	vbroadcast v12, $0x0;
	v13 =	vand.u32 $0x7E, v13;
	v9 =	vmul.f32 v9, v5;
	[tilespmem:v1+s7+$0xFFFFFFD0 ss:$0x1] =	vst.idx.msk $0xffff, v2  }
0x196: {  	s9 =	simm.s32 $0x7;
	s5 =	sadd.s32 $0x100, s7;
	v7 =	vmul.f32 v7, v3;
	v2 =	vor.u32 v8, v13;
	v13 =	vld.idx.msk [tilespmem:v1+s7+$0xFFFFFFE0 ss:$0x1], $0xffff  }
0x197: {  	v15 =	vmov s9;
	v17 =	vld.idx.msk [tilespmem:v1+s5+$0xFFFFFF10 ss:$0x1], $0xffff;
	[tilespmem:v1+s7+$0xFFFFFF50 ss:$0x1] =	vst.idx.msk $0xffff, v9;
	v14 =	vbroadcast v2, $0x0  }
0x198: {  	[tilespmem:v1+s7+$0xFFFFFF10 ss:$0x1] =	vst.idx.msk $0xffff, v7;
	v7 =	vand.u32 $0x7F, v15;
	v15 =	vld.idx.msk [tilespmem:v1+s7+$0xFFFFFF60 ss:$0x1], $0xffff  }
0x199: {  	v2 =	vld.idx.msk [tilespmem:v6+s17+$0x0], $0xffff;
	v6 =	vmul.f32 v11, v4;
	v7 =	vor.u32 v8, v7  }
0x19a: {  	v11 =	vld.idx.msk [tilespmem:v1+s7+$0xFFFFFF20 ss:$0x1], $0xffff;
	v9 =	vbroadcast v7, $0x0  }
0x19b: {  	v7 =	vld.idx.msk [tilespmem:v12+s17+$0x0], $0xffff;
	[tilespmem:v1+s7+$0xFFFFFF90 ss:$0x1] =	vst.idx.msk $0xffff, v6;
	v13 =	vmul.f32 v13, v10  }
0x19c: {  	v16 =	vld.idx.msk [tilespmem:v1+s7+$0xFFFFFFA0 ss:$0x1], $0xffff  }
0x19d: {  	s10 =	simm.s32 $0x8;
	v6 =	vld.idx.msk [tilespmem:v14+s17+$0x0], $0xffff;
	[tilespmem:v1+s7+$0xFFFFFFE0 ss:$0x1] =	vst.idx.msk $0xffff, v13  }
0x19e: {  	v13 =	vmov s10;
	v12 =	vld.idx.msk [tilespmem:v1+s7+$0xFFFFFFF0 ss:$0x1], $0xffff  }
0x19f: {  	v15 =	vmul.f32 v15, v5;
	v14 =	vld.idx.msk [tilespmem:v1+s5+$0xFFFFFFD0 ss:$0x1], $0xffff;
	v13 =	vand.u32 $0x7C, v13  }
0x1a0: {  	s20 =	smul.u32 $0xAB, s31;
	v11 =	vmul.f32 v11, v3;
	v9 =	vld.idx.msk [tilespmem:v9+s17+$0x0], $0xffff;
	v13 =	vor.u32 v8, v13  }
0x1a1: {  	v19 =	vld.idx.msk [tilespmem:v1+s5+$0xFFFFFF50 ss:$0x1], $0xffff;
	[tilespmem:v1+s7+$0xFFFFFF60 ss:$0x1] =	vst.idx.msk $0xffff, v15;
	v16 =	vmul.f32 v16, v4;
	v18 =	vbroadcast v13, $0x0  }
0x1a2: {  	s4 =	sshrl.u32 s20, $0x9;
	v15 =	vld.idx.msk [tilespmem:v1+s5+$0xFFFFFF90 ss:$0x1], $0xffff;
	[tilespmem:v1+s7+$0xFFFFFF20 ss:$0x1] =	vst.idx.msk $0xffff, v11  }
0x1a3: {  	s8 =	simm.s32 $0xA;
	s4 =	sand.u32 $0x7F, s4;
	v21 =	vld.idx.msk [tilespmem:v1+s7+$0xFFFFFF70 ss:$0x1], $0xffff;
	[tilespmem:v1+s7+$0xFFFFFFA0 ss:$0x1] =	vst.idx.msk $0xffff, v16;
	v16 =	vmul.f32 v12, v10  }
0x1a4: {  	v20 =	vmov s8;
	s4 =	smul.u32 $0x3, s4;
	v13 =	vld.idx.msk [tilespmem:v1+s7+$0xFFFFFF30 ss:$0x1], $0xffff  }
0x1a5: {  	s6 =	simm.s32 $0x9;
	v20 =	vand.u32 $0x7E, v20;
	v12 =	vld.idx.msk [tilespmem:v1+s7+$0xFFFFFFB0 ss:$0x1], $0xffff;
	v22 =	vmul.f32 v14, v9;
	[tilespmem:v1+s7+$0xFFFFFFF0 ss:$0x1] =	vst.idx.msk $0xffff, v16  }
0x1a6: {  	v20 =	vor.u32 v8, v20;
	s4 =	ssub.s32 s31, s4;
	v17 =	vmul.f32 v17, v2;
	v11 =	vmov s6;
	v14 =	vld.idx.msk [tilespmem:v1+s7+$0x0 ss:$0x1], $0xffff  }
0x1a7: {  	s4 =	sand.u32 $0xFF, s4;
	v19 =	vmul.f32 v19, v7;
	v16 =	vand.u32 $0x7D, v11;
	[tilespmem:v1+s5+$0xFFFFFFD0 ss:$0x1] =	vst.idx.msk $0xffff, v22;
	v11 =	vld.idx.msk [tilespmem:v18+s17+$0x0], $0xffff  }
0x1a8: {  	s9 =	simm.s32 $0xB;
	s20 =	smov.u32 s7;
	s4 =	sshll.u32 s4, $0xD;
	[tilespmem:v1+s5+$0xFFFFFF10 ss:$0x1] =	vst.idx.msk $0xffff, v17;
	v16 =	vor.u32 v8, v16;
	v18 =	vmul.f32 v15, v6;
	v15 =	vld.idx.msk [tilespmem:v1+s5+$0xFFFFFFE0 ss:$0x1], $0xffff  }
0x1a9: {  	s8 =	simm.s32 $0xC;
	s4 =	sadd.s32 $0x19E10, s4;
	s6 =	smov.u32 s5;
	[tilespmem:v1+s5+$0xFFFFFF50 ss:$0x1] =	vst.idx.msk $0xffff, v19;
	v19 =	vmul.f32 v21, v5;
	v17 =	vbroadcast v16, $0x0;
	v16 =	vld.idx.msk [tilespmem:v1+s5+$0xFFFFFF20 ss:$0x1], $0xffff  }
.LBB2_25:
0x1aa: {  	p1 =	slt.u32 s8, $0x7C;
	v20 =	vbroadcast v20, $0x0;
	v21 =	vmov s9;
	v22 =	vld.idx.msk [tilespmem:v1+s5+$0xFFFFFF60 ss:$0x1], $0xffff;
	[tilespmem:v1+s5+$0xFFFFFF90 ss:$0x1] =	vst.idx.msk $0xffff, v18;
	v12 =	vmul.f32 v12, v4  }
0x1ab: {  	v13 =	vmul.f32 v13, v3;
	v18 =	vand.u32 $0x7F, v21;
	v21 =	vld.idx.msk [tilespmem:v1+s5+$0xFFFFFFA0 ss:$0x1], $0xffff;
	[tilespmem:v1+s20+$0xFFFFFF70 ss:$0x1] =	vst.idx.msk $0xffff, v19  }
0x1ac: {  	v18 =	vor.u32 v8, v18;
	v19 =	vld.idx.msk [tilespmem:v1+s20+$0xFFFFFF80 ss:$0x1], $0xffff;
	[tilespmem:v1+s20+$0xFFFFFFB0 ss:$0x1] =	vst.idx.msk $0xffff, v12;
	v12 =	vmul.f32 v14, v10  }
0x1ad: {  	v10 =	vmov v9;
	v14 =	vbroadcast v18, $0x0;
	[tilespmem:v1+s20+$0xFFFFFF30 ss:$0x1] =	vst.idx.msk $0xffff, v13;
	v13 =	vld.idx.msk [tilespmem:v1+s20+$0xFFFFFFC0 ss:$0x1], $0xffff  }
0x1ae: {  	v9 =	vmul.f32 v15, v10;
	v15 =	vld.idx.msk [tilespmem:v1+s20+$0xFFFFFF40 ss:$0x1], $0xffff;
	[tilespmem:v1+s20+$0x0 ss:$0x1] =	vst.idx.msk $0xffff, v12  }
0x1af: {  	v16 =	vmul.f32 v16, v2;
	v12 =	vld.idx.msk [tilespmem:v17+s17+$0x0], $0xffff  }
0x1b0: {  	v18 =	vmul.f32 v22, v7;
	v17 =	vld.idx.msk [tilespmem:v20+s17+$0x0], $0xffff;
	[tilespmem:v1+s5+$0xFFFFFFE0 ss:$0x1] =	vst.idx.msk $0xffff, v9  }
0x1b1: {  	s5 =	sadd.s32 $0x100, s5;
	[tilespmem:v1+s6+$0xFFFFFF20 ss:$0x1] =	vst.idx.msk $0xffff, v16;
	v16 =	vmul.f32 v21, v6;
	v20 =	vld.idx.msk [tilespmem:v1+s6+$0xFFFFFFF0 ss:$0x1], $0xffff  }
0x1b2: {  	v9 =	vmov s8;
	v21 =	vld.idx.msk [tilespmem:v1+s5+$0xFFFFFFD0 ss:$0x1], $0xffff;
	[tilespmem:v1+s6+$0xFFFFFF60 ss:$0x1] =	vst.idx.msk $0xffff, v18;
	v18 =	vmul.f32 v19, v5;
	v5 =	vmov v7  }
0x1b3: {  	v19 =	vand.u32 $0x7C, v9;
	v13 =	vmul.f32 v13, v4;
	v4 =	vmov v6;
	v9 =	vld.idx.msk [tilespmem:v14+s17+$0x0], $0xffff;
	[tilespmem:v1+s6+$0xFFFFFFA0 ss:$0x1] =	vst.idx.msk $0xffff, v16  }
0x1b4: {  	v22 =	vor.u32 v8, v19;
	v15 =	vmul.f32 v15, v3;
	v14 =	vld.idx.msk [tilespmem:v1+s5+$0xFFFFFF10 ss:$0x1], $0xffff;
	[tilespmem:v1+s20+$0xFFFFFF80 ss:$0x1] =	vst.idx.msk $0xffff, v18  }
0x1b5: {  	v3 =	vmovc v2;
	v2 =	vmov v11;
	v16 =	vbroadcast v22, $0x0;
	v7 =	vmov v12;
	v18 =	vld.idx.msk [tilespmem:v1+s5+$0xFFFFFF50 ss:$0x1], $0xffff;
	[tilespmem:v1+s20+$0xFFFFFFC0 ss:$0x1] =	vst.idx.msk $0xffff, v13  }
0x1b6: {  	v6 =	vmov v17;
	v19 =	vld.idx.msk [tilespmem:v1+s5+$0xFFFFFF90 ss:$0x1], $0xffff;
	[tilespmem:v1+s20+$0xFFFFFF40 ss:$0x1] =	vst.idx.msk $0xffff, v15;
	s20 =	smov.u32 s6;
	s6 =	smov.u32 s5  }
0x1b7: {  	v11 =	vmul.f32 v20, v10;
	v22 =	vld.idx.msk [tilespmem:v1+s20+$0xFFFFFF70 ss:$0x1], $0xffff  }
0x1b8: {  	s9 =	sadd.s32 $0x1, s8;
	s10 =	sadd.s32 $0x2, s8;
	v12 =	vld.idx.msk [tilespmem:v1+s20+$0xFFFFFFB0 ss:$0x1], $0xffff  }
.Ltmp11:
0x1b9: {  	v17 =	vmov s10;
	v15 =	vmov s9;
	v20 =	vmul.f32 v21, v9;
	v13 =	vld.idx.msk [tilespmem:v1+s20+$0xFFFFFF30 ss:$0x1], $0xffff;
	[tilespmem:v1+s20+$0xFFFFFFF0 ss:$0x1] =	vst.idx.msk $0xffff, v11;
	(pc) =	sbr.rel @p1 .LBB2_25-.Ltmp11, $4  }
0x1ba: {  	v17 =	vand.u32 $0x7E, v17;
	v15 =	vand.u32 $0x7D, v15;
	v21 =	vmul.f32 v14, v2;
	v14 =	vld.idx.msk [tilespmem:v1+s20+$0x0 ss:$0x1], $0xffff  }
0x1bb: {  	v23 =	vmul.f32 v18, v7;
	v11 =	vld.idx.msk [tilespmem:v16+s17+$0x0], $0xffff;
	v16 =	vor.u32 v8, v15;
	[tilespmem:v1+s5+$0xFFFFFFD0 ss:$0x1] =	vst.idx.msk $0xffff, v20  }
0x1bc: {  	v20 =	vor.u32 v8, v17;
	v18 =	vmul.f32 v19, v6;
	[tilespmem:v1+s5+$0xFFFFFF10 ss:$0x1] =	vst.idx.msk $0xffff, v21;
	v15 =	vld.idx.msk [tilespmem:v1+s5+$0xFFFFFFE0 ss:$0x1], $0xffff  }
0x1bd: {  	s9 =	sadd.s32 $0x3, s8;
	s8 =	sadd.s32 $0x4, s8;
	v17 =	vbroadcast v16, $0x0;
	v19 =	vmul.f32 v22, v5;
	v16 =	vld.idx.msk [tilespmem:v1+s5+$0xFFFFFF20 ss:$0x1], $0xffff;
	[tilespmem:v1+s5+$0xFFFFFF50 ss:$0x1] =	vst.idx.msk $0xffff, v23  }
0x1be: {  	v21 =	vmov s9  }
0x1bf: {  	v21 =	vand.u32 $0x7F, v21  }
0x1c0: {  	v8 =	vor.u32 v8, v21  }
0x1c1: {  	v8 =	vbroadcast v8, $0x0  }
0x1c2: {  	v24 =	vld.idx.msk [tilespmem:v1+s5+$0xFFFFFF60 ss:$0x1], $0xffff  }
0x1c3: {  	v20 =	vbroadcast v20, $0x0;
	s8 =	sadd.s32 $0x100, s5;
	v17 =	vld.idx.msk [tilespmem:v17+s17+$0x0], $0xffff  }
0x1c4: {  	v25 =	vld.idx.msk [tilespmem:v1+s8+$0xFFFFFFD0 ss:$0x1], $0xffff  }
0x1c5: {  	[tilespmem:v1+s5+$0xFFFFFF90 ss:$0x1] =	vst.idx.msk $0xffff, v18;
	v12 =	vmul.f32 v12, v4;
	v26 =	vld.idx.msk [tilespmem:v1+s8+$0xFFFFFF50 ss:$0x1], $0xffff  }
0x1c6: {  	v13 =	vmul.f32 v13, v3;
	[tilespmem:v1+s20+$0xFFFFFF70 ss:$0x1] =	vst.idx.msk $0xffff, v19;
	v28 =	vld.idx.msk [tilespmem:v1+s8+$0xFFFFFF90 ss:$0x1], $0xffff  }
0x1c7: {  	v10 =	vmul.f32 v14, v10;
	[tilespmem:v1+s20+$0xFFFFFFB0 ss:$0x1] =	vst.idx.msk $0xffff, v12;
	v8 =	vld.idx.msk [tilespmem:v8+s17+$0x0], $0xffff  }
0x1c8: {  	v30 =	vld.idx.msk [tilespmem:v1+s8+$0xFFFFFF10 ss:$0x1], $0xffff;
	[tilespmem:v1+s20+$0xFFFFFF30 ss:$0x1] =	vst.idx.msk $0xffff, v13;
	v27 =	vmul.f32 v15, v9  }
0x1c9: {  	[tilespmem:v1+s20+$0x0 ss:$0x1] =	vst.idx.msk $0xffff, v10;
	v29 =	vmul.f32 v16, v2;
	v20 =	vld.idx.msk [tilespmem:v20+s17+$0x0], $0xffff  }
0x1ca: {  	v31 =	vld.idx.msk [tilespmem:v1+s5+$0xFFFFFFA0 ss:$0x1], $0xffff;
	v32 =	vmul.f32 v24, v7;
	[tilespmem:v1+s5+$0xFFFFFFE0 ss:$0x1] =	vst.idx.msk $0xffff, v27  }
0x1cb: {  	v33 =	vld.idx.msk [tilespmem:v1+s20+$0xFFFFFF80 ss:$0x1], $0xffff;
	[tilespmem:v1+s6+$0xFFFFFF20 ss:$0x1] =	vst.idx.msk $0xffff, v29;
	v12 =	vmul.f32 v26, v17  }
0x1cc: {  	v35 =	vld.idx.msk [tilespmem:v1+s20+$0xFFFFFFC0 ss:$0x1], $0xffff;
	[tilespmem:v1+s6+$0xFFFFFF60 ss:$0x1] =	vst.idx.msk $0xffff, v32;
	v34 =	vmul.f32 v25, v8  }
0x1cd: {  	v36 =	vld.idx.msk [tilespmem:v1+s20+$0xFFFFFF40 ss:$0x1], $0xffff;
	v38 =	vmul.f32 v30, v11;
	[tilespmem:v1+s8+$0xFFFFFF50 ss:$0x1] =	vst.idx.msk $0xffff, v12  }
0x1ce: {  	v41 =	vld.idx.msk [tilespmem:v1+s8+$0xFFFFFF60 ss:$0x1], $0xffff;
	v37 =	vmul.f32 v28, v20;
	[tilespmem:v1+s8+$0xFFFFFFD0 ss:$0x1] =	vst.idx.msk $0xffff, v34  }
0x1cf: {  	v40 =	vmul.f32 v31, v6;
	[tilespmem:v1+s8+$0xFFFFFF10 ss:$0x1] =	vst.idx.msk $0xffff, v38;
	v39 =	vld.idx.msk [tilespmem:v1+s8+$0xFFFFFFE0 ss:$0x1], $0xffff  }
0x1d0: {  	v5 =	vmul.f32 v33, v5;
	v43 =	vld.idx.msk [tilespmem:v1+s8+$0xFFFFFF20 ss:$0x1], $0xffff;
	[tilespmem:v1+s8+$0xFFFFFF90 ss:$0x1] =	vst.idx.msk $0xffff, v37  }
0x1d1: {  	[tilespmem:v1+s6+$0xFFFFFFA0 ss:$0x1] =	vst.idx.msk $0xffff, v40;
	v42 =	vmul.f32 v35, v4;
	v10 =	vld.idx.msk [tilespmem:v1+s8+$0xFFFFFFA0 ss:$0x1], $0xffff  }
0x1d2: {  	v44 =	vld.idx.msk [tilespmem:v1+s6+$0xFFFFFFF0 ss:$0x1], $0xffff;
	v3 =	vmul.f32 v36, v3;
	[tilespmem:v1+s20+$0xFFFFFF80 ss:$0x1] =	vst.idx.msk $0xffff, v5  }
0x1d3: {  	v48 =	vld.idx.msk [tilespmem:v1+s6+$0xFFFFFF30 ss:$0x1], $0xffff;
	[tilespmem:v1+s20+$0xFFFFFFC0 ss:$0x1] =	vst.idx.msk $0xffff, v42;
	v47 =	vmul.f32 v41, v17  }
0x1d4: {  	[tilespmem:v1+s20+$0xFFFFFF40 ss:$0x1] =	vst.idx.msk $0xffff, v3;
	v3 =	vld.idx.msk [tilespmem:v1+s6+$0xFFFFFFB0 ss:$0x1], $0xffff;
	v46 =	vmul.f32 v39, v8  }
0x1d5: {  	v45 =	vld.idx.msk [tilespmem:v1+s6+$0xFFFFFF70 ss:$0x1], $0xffff;
	v50 =	vmul.f32 v43, v11;
	[tilespmem:v1+s8+$0xFFFFFF60 ss:$0x1] =	vst.idx.msk $0xffff, v47  }
0x1d6: {  	v52 =	vld.idx.msk [tilespmem:v1+s8+$0xFFFFFF70 ss:$0x1], $0xffff;
	v49 =	vmul.f32 v10, v20;
	[tilespmem:v1+s8+$0xFFFFFFE0 ss:$0x1] =	vst.idx.msk $0xffff, v46  }
0x1d7: {  	v13 =	vmul.f32 v44, v9;
	[tilespmem:v1+s8+$0xFFFFFF20 ss:$0x1] =	vst.idx.msk $0xffff, v50;
	v51 =	vld.idx.msk [tilespmem:v1+s8+$0xFFFFFFF0 ss:$0x1], $0xffff  }
0x1d8: {  	v15 =	vmul.f32 v48, v2;
	v54 =	vld.idx.msk [tilespmem:v1+s8+$0xFFFFFF30 ss:$0x1], $0xffff;
	[tilespmem:v1+s8+$0xFFFFFFA0 ss:$0x1] =	vst.idx.msk $0xffff, v49  }
0x1d9: {  	[tilespmem:v1+s6+$0xFFFFFFF0 ss:$0x1] =	vst.idx.msk $0xffff, v13;
	v3 =	vmul.f32 v3, v6;
	v53 =	vld.idx.msk [tilespmem:v1+s8+$0xFFFFFFB0 ss:$0x1], $0xffff  }
0x1da: {  	v4 =	vmul.f32 v45, v7;
	v55 =	vld.idx.msk [tilespmem:v1+s6+$0x0 ss:$0x1], $0xffff;
	[tilespmem:v1+s6+$0xFFFFFF30 ss:$0x1] =	vst.idx.msk $0xffff, v15  }
0x1db: {  	v15 =	vld.idx.msk [tilespmem:v1+s6+$0xFFFFFF40 ss:$0x1], $0xffff;
	[tilespmem:v1+s6+$0xFFFFFFB0 ss:$0x1] =	vst.idx.msk $0xffff, v3;
	v5 =	vmul.f32 v52, v17  }
0x1dc: {  	[tilespmem:v1+s6+$0xFFFFFF70 ss:$0x1] =	vst.idx.msk $0xffff, v4;
	v56 =	vld.idx.msk [tilespmem:v1+s6+$0xFFFFFFC0 ss:$0x1], $0xffff;
	v3 =	vmul.f32 v51, v8  }
0x1dd: {  	v4 =	vld.idx.msk [tilespmem:v1+s6+$0xFFFFFF80 ss:$0x1], $0xffff;
	v13 =	vmul.f32 v54, v11;
	[tilespmem:v1+s8+$0xFFFFFF70 ss:$0x1] =	vst.idx.msk $0xffff, v5  }
0x1de: {  	v59 =	vld.idx.msk [tilespmem:v1+s8+$0xFFFFFF80 ss:$0x1], $0xffff;
	[tilespmem:v1+s8+$0xFFFFFFF0 ss:$0x1] =	vst.idx.msk $0xffff, v3;
	v3 =	vmul.f32 v53, v20  }
0x1df: {  	v58 =	vmul.f32 v55, v9;
	[tilespmem:v1+s8+$0xFFFFFF30 ss:$0x1] =	vst.idx.msk $0xffff, v13;
	v57 =	vld.idx.msk [tilespmem:v1+s8+$0x0 ss:$0x1], $0xffff  }
0x1e0: {  	v2 =	vmul.f32 v15, v2;
	v62 =	vld.idx.msk [tilespmem:v1+s8+$0xFFFFFF40 ss:$0x1], $0xffff;
	[tilespmem:v1+s8+$0xFFFFFFB0 ss:$0x1] =	vst.idx.msk $0xffff, v3  }
0x1e1: {  	[tilespmem:v1+s6+$0x0 ss:$0x1] =	vst.idx.msk $0xffff, v58;
	v61 =	vmul.f32 v56, v6;
	v60 =	vld.idx.msk [tilespmem:v1+s8+$0xFFFFFFC0 ss:$0x1], $0xffff  }
0x1e2: {  	[tilespmem:v1+s6+$0xFFFFFF40 ss:$0x1] =	vst.idx.msk $0xffff, v2;
	v3 =	vmul.f32 v4, v7  }
0x1e3: {  	s31 =	sadd.s32 $0x1, s31;
	[tilespmem:v1+s6+$0xFFFFFFC0 ss:$0x1] =	vst.idx.msk $0xffff, v61;
	v2 =	vmul.f32 v59, v17  }
0x1e4: {  	p1 =	sne.s32 s31, $0x28;
	[tilespmem:v1+s6+$0xFFFFFF80 ss:$0x1] =	vst.idx.msk $0xffff, v3;
	v3 =	vmul.f32 v57, v8  }
.Ltmp12:
0x1e5: {  	v63 =	vmul.f32 v62, v11;
	[tilespmem:v1+s8+$0xFFFFFF80 ss:$0x1] =	vst.idx.msk $0xffff, v2;
	(pc) =	sbr.rel @p1 .LBB2_24-.Ltmp12, $4  }
0x1e6: {  	[tilespmem:v1+s8+$0x0 ss:$0x1] =	vst.idx.msk $0xffff, v3;
	v3 =	vmul.f32 v60, v20  }
0x1e7: {  	s1 =	sand.u32 $0x3FFFFF80, s1;
	[tilespmem:v1+s8+$0xFFFFFF40 ss:$0x1] =	vst.idx.msk $0xffff, v63  }
0x1e8: {  	s7 =	sadd.s32 $0x2000, s7;
	s1 =	sadd.s32 $0x13B00, s1;
	[tilespmem:v1+s8+$0xFFFFFFC0 ss:$0x1] =	vst.idx.msk $0xffff, v3  }
0x1e9: {  	[spmem:s2] =	stream.indirect.scatter.add.f32 [tilespmem:s4], [sflag:$0x3], $0x40, s1, s19, $0xb8;
	[tilespmem:$0x1FE10] =	vst v63  }
0x1ea: {  	_ =	swait.ge [sflag:s29], $0x2000  }
0x1eb: {  	[sflag:s29] =	ssyncset.done $0x0  }
0x1ec: {  	s1 =	rddreg [dreg:$0xf];
	[sflag:s29] =	ssyncadd.s32 $0xFFFFE000  }
0x1ed: {  	[tilespmem:s23], [sflag:$0x4] =	stream.linear.gather [hbm4b:s1+s16], $0x1400, $0x38;
	[tilespmem:$0x1FE10] =	vst v63  }
0x1ee: {  	_ =	swait.ge [sflag:s13], $0x1400  }
0x1ef: {  	[sflag:s13] =	ssyncset.done $0x0  }
0x1f0: {  	s10 =	rddreg [dreg:$0x8];
	[sflag:s13] =	ssyncadd.s32 $0xFFFFEC00  }
0x1f1: {  	[tilespmem:s15], [sflag:$0x4] =	stream.linear.gather [hbm4b:s10+s16], $0x1400, $0x38;
	[tilespmem:$0x1FE10] =	vst v63  }
0x1f2: {  	_ =	swait.ge [sflag:s13], $0x1400  }
0x1f3: {  	[sflag:s13] =	ssyncset.done $0x0  }
0x1f4: {  	s20 =	rddreg [dreg:$0x9];
	[sflag:s13] =	ssyncadd.s32 $0xFFFFEC00  }
0x1f5: {  	[tilespmem:s17], [sflag:$0x4] =	stream.linear.gather [hbm4b:s20+s16], $0x1400, $0x38;
	[tilespmem:$0x1FE10] =	vst v63  }
0x1f6: {  	_ =	swait.ge [sflag:s13], $0x1400  }
0x1f7: {  	[sflag:s13] =	ssyncset.done $0x0  }
0x1f8: {  	s31 =	simm.s32 $0x16320;
	[sflag:s13] =	ssyncadd.s32 $0xFFFFEC00  }
0x1f9: {  	v1 =	vld [tilespmem:s31+$0x10]  }
0x1fa: {  	v2 =	vld [tilespmem:s31+$0xFFFFFFF0]  }
0x1fb: {  	v3 =	vld [tilespmem:s31+$0xFFFFFFE0]  }
0x1fc: {  	s1 =	simm.s32 $0x14F20;
	v4 =	vld [tilespmem:s31+$0x0]  }
0x1fd: {  	s4 =	simm.s32 $0x16360;
	v7 =	vld [tilespmem:s1+$0x10]  }
0x1fe: {  	v5 =	vld [tilespmem:s4+$0x10]  }
0x1ff: {  	v10 =	vld [tilespmem:s4+$0xFFFFFFF0]  }
0x200: {  	v11 =	vld [tilespmem:s4+$0xFFFFFFE0]  }
0x201: {  	v12 =	vld [tilespmem:s1+$0xFFFFFFE0]  }
0x202: {  	v13 =	vld [tilespmem:s1+$0xFFFFFFF0]  }
0x203: {  	v6 =	vld [tilespmem:s1+$0x0]  }
0x204: {  	v1 =	vld.idx.msk [tilespmem:v1+s22+$0x0], $0xffff  }
0x205: {  	v9 =	vld.idx.msk [tilespmem:v2+s22+$0x0], $0xffff  }
0x206: {  	v8 =	vld.idx.msk [tilespmem:v3+s22+$0x0], $0xffff  }
0x207: {  	v2 =	vld [tilespmem:s4+$0x0]  }
0x208: {  	v3 =	vld.idx.msk [tilespmem:v4+s22+$0x0], $0xffff  }
0x209: {  	v5 =	vld.idx.msk [tilespmem:v5+s22+$0x0], $0xffff;
	s4 =	simm.s32 $0x14F60  }
0x20a: {  	v1 =	vmul.f32 v1, v7;
	v7 =	vld [tilespmem:s4+$0x10]  }
0x20b: {  	v4 =	vld.idx.msk [tilespmem:v10+s22+$0x0], $0xffff;
	v8 =	vmul.f32 v8, v12  }
0x20c: {  	s5 =	simm.s32 $0x4;
	s6 =	simm.s32 $0x163A0;
	v9 =	vmul.f32 v9, v13;
	[tilespmem:s1+$0x10] =	vst v1;
	v1 =	vld.idx.msk [tilespmem:v11+s22+$0x0], $0xffff  }
.LBB2_28:
0x20d: {  	v10 =	vld [tilespmem:s6+$0x10];
	s5 =	sadd.s32 $0x4, s5;
	[tilespmem:s1+$0xFFFFFFE0] =	vst v8;
	v3 =	vmul.f32 v3, v6  }
0x20e: {  	v8 =	vld [tilespmem:s6+$0xFFFFFFF0];
	p1 =	slt.u32 s5, $0x13C;
	[tilespmem:s1+$0xFFFFFFF0] =	vst v9  }
0x20f: {  	v9 =	vld [tilespmem:s6+$0x0];
	v5 =	vmul.f32 v5, v7;
	[tilespmem:s1+$0x0] =	vst v3;
	s1 =	smov.u32 s4  }
0x210: {  	v11 =	vld [tilespmem:s6+$0xFFFFFFE0]  }
0x211: {  	v12 =	vmov v4;
	v3 =	vld.idx.msk [tilespmem:v2+s22+$0x0], $0xffff;
	[tilespmem:s4+$0x10] =	vst v5  }
0x212: {  	v13 =	vld [tilespmem:s4+$0xFFFFFFE0]  }
0x213: {  	v14 =	vld [tilespmem:s4+$0xFFFFFFF0]  }
.Ltmp13:
0x214: {  	v6 =	vld [tilespmem:s4+$0x0];
	v2 =	vmov v9;
	(pc) =	sbr.rel @p1 .LBB2_28-.Ltmp13, $4  }
0x215: {  	s4 =	sadd.s32 $0x40, s4;
	v5 =	vld.idx.msk [tilespmem:v10+s22+$0x0], $0xffff  }
0x216: {  	v7 =	vld [tilespmem:s4+$0x10]  }
0x217: {  	v4 =	vld.idx.msk [tilespmem:v8+s22+$0x0], $0xffff;
	v8 =	vmul.f32 v1, v13  }
0x218: {  	s6 =	sadd.s32 $0x40, s6;
	v1 =	vld.idx.msk [tilespmem:v11+s22+$0x0], $0xffff;
	v9 =	vmul.f32 v12, v14  }
0x219: {  	_ =	sdelay $0x3  }
0x21a: {  	v2 =	vld.idx.msk [tilespmem:v2+s22+$0x0], $0xffff  }
0x21b: {  	v10 =	vld [tilespmem:s4+$0xFFFFFFE0]  }
0x21c: {  	v11 =	vld [tilespmem:s4+$0xFFFFFFF0]  }
0x21d: {  	v12 =	vld [tilespmem:s4+$0x0]  }
0x21e: {  	[tilespmem:s1+$0xFFFFFFE0] =	vst v8;
	v3 =	vmul.f32 v3, v6  }
0x21f: {  	[tilespmem:s1+$0xFFFFFFF0] =	vst v9;
	v5 =	vmul.f32 v5, v7  }
0x220: {  	[tilespmem:s1+$0x0] =	vst v3;
	v1 =	vmul.f32 v1, v10  }
0x221: {  	[tilespmem:s4+$0x10] =	vst v5;
	v3 =	vmul.f32 v4, v11  }
0x222: {  	[tilespmem:s4+$0xFFFFFFE0] =	vst v1;
	v1 =	vmul.f32 v2, v12  }
0x223: {  	[tilespmem:s4+$0xFFFFFFF0] =	vst v3  }
0x224: {  	[tilespmem:s4+$0x0] =	vst v1  }
0x225: {  	[tilespmem:s12], [sflag:$0x2] =	stream.indirect.gather [spmem:s3], $0x40, s23, s19, $0xb8;
	[tilespmem:$0x1FE10] =	vst v63  }
0x226: {  	s31 =	simm.s32 $0x0;
	s20 =	simm.s32 $0x19F00  }
0x227: {  	[tilespmem:s25], [sflag:$0x2] =	stream.indirect.gather [spmem:s3], $0x40, s24, s19, $0xb8;
	[tilespmem:$0x1FE10] =	vst v63  }
.LBB2_30:
0x228: {  	_ =	swait.ge [sflag:s26], $0x2000  }
0x229: {  	p1 =	seq.s32 s31, $0x0;
	[sflag:s26] =	ssyncset.done $0x0  }
0x22a: {  	s1 =	simm.s32 @!p1 $0x3;
	[sflag:s26] =	ssyncadd.s32 $0xFFFFE000  }
0x22b: {  	p6 =	sgt.u32 @!p1 s31, $0x25;
	_ =	swait.ge @!p1 [sflag:s1], $0x2000  }
0x22c: {  	p6 =	por p1, !p6;
	[sflag:s1] =	ssyncset.done @!p1 $0x0  }
0x22d: {  	[sflag:s1] =	ssyncadd.s32 @!p1 $0xFFFFE000;
	s1 =	sadd.s32 @p6 $0x2, s31  }
0x22e: {  	s4 =	smul.u32 @p6 $0xAB, s1;
	_ =	sdelay $0x1  }
0x22f: {  	s4 =	sshrl.u32 @p6 s4, $0x9  }
0x230: {  	s4 =	sand.u32 @p6 $0x7F, s4  }
0x231: {  	s4 =	smul.u32 @p6 $0x3, s4;
	_ =	sdelay $0x1  }
0x232: {  	s4 =	ssub.s32 @p6 s1, s4  }
0x233: {  	s1 =	sshll.u32 @p6 s1, $0x7;
	s4 =	sand.u32 @p6 $0xF3, s4  }
0x234: {  	s1 =	sand.u32 @p6 $0x3FFFFF80, s1;
	s4 =	sshll.u32 @p6 s4, $0xD  }
0x235: {  	s5 =	smulhi.u32 $0xAAAAAAAB, s31;
	s1 =	sadd.s32 @p6 $0x16300, s1;
	s4 =	sor.u32 @p6 $0x19E10, s4  }
0x236: {  	[tilespmem:s4], [sflag:$0x2] =	stream.indirect.gather @p6 [spmem:s3], $0x40, s1, s19, $0xb8;
	[tilespmem:$0x1FE10] =	vst v63  }
0x237: {  	s1 =	sshrl.u32 s5, $0x1;
	s5 =	simm.s32 $0x0  }
0x238: {  	s6 =	smul.u32 $0xFFFE8000, s1;
	s1 =	sshll.u32 s31, $0x7;
	v1 =	vmov s5  }
0x239: {  	s7 =	simm.s32 $0x3;
	s8 =	simm.s32 $0x1;
	v8 =	vmov s1;
	v2 =	vand.u32 $0x7C, v1  }
0x23a: {  	v3 =	vmov s7;
	v4 =	vmov s8;
	s4 =	sshra.s32 s6, $0x2;
	v2 =	vor.u32 v8, v2  }
0x23b: {  	s9 =	simm.s32 $0x2;
	v3 =	vand.u32 $0x7F, v3;
	v1 =	vmov s4;
	v2 =	vbroadcast v2, $0x0  }
0x23c: {  	v5 =	vmov s9;
	v4 =	vand.u32 $0x7D, v4;
	v3 =	vor.u32 v8, v3  }
0x23d: {  	v5 =	vand.u32 $0x7E, v5;
	v4 =	vor.u32 v8, v4;
	v6 =	vbroadcast v3, $0x0  }
0x23e: {  	v3 =	vor.u32 v8, v5;
	v4 =	vbroadcast v4, $0x0  }
0x23f: {  	v7 =	vbroadcast v3, $0x0  }
0x240: {  	v9 =	vld.idx.msk [tilespmem:v1+s20+$0xFFFFFF50 ss:$0x1], $0xffff  }
0x241: {  	v3 =	vld.idx.msk [tilespmem:v2+s17+$0x0], $0xffff  }
0x242: {  	v2 =	vld.idx.msk [tilespmem:v1+s20+$0xFFFFFFD0 ss:$0x1], $0xffff  }
0x243: {  	v10 =	vld.idx.msk [tilespmem:v6+s17+$0x0], $0xffff  }
0x244: {  	s10 =	simm.s32 $0x4;
	v5 =	vld.idx.msk [tilespmem:v4+s17+$0x0], $0xffff  }
0x245: {  	v6 =	vmov s10;
	v4 =	vld.idx.msk [tilespmem:v7+s17+$0x0], $0xffff  }
0x246: {  	s5 =	simm.s32 $0x5;
	v6 =	vand.u32 $0x7C, v6;
	v7 =	vld.idx.msk [tilespmem:v1+s20+$0xFFFFFF10 ss:$0x1], $0xffff  }
0x247: {  	v12 =	vmov s5;
	v6 =	vor.u32 v8, v6  }
0x248: {  	s6 =	simm.s32 $0x6;
	v12 =	vand.u32 $0x7D, v12;
	v6 =	vbroadcast v6, $0x0;
	v2 =	vmul.f32 v2, v10  }
0x249: {  	v13 =	vmov s6;
	v12 =	vor.u32 v8, v12;
	v11 =	vld.idx.msk [tilespmem:v1+s20+$0xFFFFFF90 ss:$0x1], $0xffff  }
0x24a: {  	v13 =	vand.u32 $0x7E, v13;
	v12 =	vbroadcast v12, $0x0;
	v9 =	vmul.f32 v9, v5;
	[tilespmem:v1+s20+$0xFFFFFFD0 ss:$0x1] =	vst.idx.msk $0xffff, v2  }
0x24b: {  	s7 =	simm.s32 $0x7;
	s6 =	sadd.s32 $0x100, s20;
	v7 =	vmul.f32 v7, v3;
	v2 =	vor.u32 v8, v13;
	v13 =	vld.idx.msk [tilespmem:v1+s20+$0xFFFFFFE0 ss:$0x1], $0xffff  }
0x24c: {  	v15 =	vmov s7;
	v17 =	vld.idx.msk [tilespmem:v1+s6+$0xFFFFFF10 ss:$0x1], $0xffff;
	[tilespmem:v1+s20+$0xFFFFFF50 ss:$0x1] =	vst.idx.msk $0xffff, v9;
	v14 =	vbroadcast v2, $0x0  }
0x24d: {  	[tilespmem:v1+s20+$0xFFFFFF10 ss:$0x1] =	vst.idx.msk $0xffff, v7;
	v7 =	vand.u32 $0x7F, v15;
	v15 =	vld.idx.msk [tilespmem:v1+s20+$0xFFFFFF60 ss:$0x1], $0xffff  }
0x24e: {  	v2 =	vld.idx.msk [tilespmem:v6+s17+$0x0], $0xffff;
	v6 =	vmul.f32 v11, v4;
	v7 =	vor.u32 v8, v7  }
0x24f: {  	v11 =	vld.idx.msk [tilespmem:v1+s20+$0xFFFFFF20 ss:$0x1], $0xffff;
	v9 =	vbroadcast v7, $0x0  }
0x250: {  	v7 =	vld.idx.msk [tilespmem:v12+s17+$0x0], $0xffff;
	[tilespmem:v1+s20+$0xFFFFFF90 ss:$0x1] =	vst.idx.msk $0xffff, v6;
	v13 =	vmul.f32 v13, v10  }
0x251: {  	v16 =	vld.idx.msk [tilespmem:v1+s20+$0xFFFFFFA0 ss:$0x1], $0xffff  }
0x252: {  	s8 =	simm.s32 $0x8;
	v6 =	vld.idx.msk [tilespmem:v14+s17+$0x0], $0xffff;
	[tilespmem:v1+s20+$0xFFFFFFE0 ss:$0x1] =	vst.idx.msk $0xffff, v13  }
0x253: {  	v13 =	vmov s8;
	v12 =	vld.idx.msk [tilespmem:v1+s20+$0xFFFFFFF0 ss:$0x1], $0xffff  }
0x254: {  	v15 =	vmul.f32 v15, v5;
	v14 =	vld.idx.msk [tilespmem:v1+s6+$0xFFFFFFD0 ss:$0x1], $0xffff;
	v13 =	vand.u32 $0x7C, v13  }
0x255: {  	s9 =	smul.u32 $0xAB, s31;
	v11 =	vmul.f32 v11, v3;
	v9 =	vld.idx.msk [tilespmem:v9+s17+$0x0], $0xffff;
	v13 =	vor.u32 v8, v13  }
0x256: {  	v19 =	vld.idx.msk [tilespmem:v1+s6+$0xFFFFFF50 ss:$0x1], $0xffff;
	[tilespmem:v1+s20+$0xFFFFFF60 ss:$0x1] =	vst.idx.msk $0xffff, v15;
	v16 =	vmul.f32 v16, v4;
	v18 =	vbroadcast v13, $0x0  }
0x257: {  	s4 =	sshrl.u32 s9, $0x9;
	v15 =	vld.idx.msk [tilespmem:v1+s6+$0xFFFFFF90 ss:$0x1], $0xffff;
	[tilespmem:v1+s20+$0xFFFFFF20 ss:$0x1] =	vst.idx.msk $0xffff, v11  }
0x258: {  	s7 =	simm.s32 $0xA;
	s4 =	sand.u32 $0x7F, s4;
	v21 =	vld.idx.msk [tilespmem:v1+s20+$0xFFFFFF70 ss:$0x1], $0xffff;
	[tilespmem:v1+s20+$0xFFFFFFA0 ss:$0x1] =	vst.idx.msk $0xffff, v16;
	v16 =	vmul.f32 v12, v10  }
0x259: {  	v20 =	vmov s7;
	s4 =	smul.u32 $0x3, s4;
	v13 =	vld.idx.msk [tilespmem:v1+s20+$0xFFFFFF30 ss:$0x1], $0xffff  }
0x25a: {  	v20 =	vand.u32 $0x7E, v20;
	s10 =	simm.s32 $0x9;
	v12 =	vld.idx.msk [tilespmem:v1+s20+$0xFFFFFFB0 ss:$0x1], $0xffff;
	v22 =	vmul.f32 v14, v9;
	[tilespmem:v1+s20+$0xFFFFFFF0 ss:$0x1] =	vst.idx.msk $0xffff, v16  }
0x25b: {  	v20 =	vor.u32 v8, v20;
	s4 =	ssub.s32 s31, s4;
	v17 =	vmul.f32 v17, v2;
	v11 =	vmov s10;
	v14 =	vld.idx.msk [tilespmem:v1+s20+$0x0 ss:$0x1], $0xffff  }
0x25c: {  	s4 =	sand.u32 $0xFF, s4;
	v19 =	vmul.f32 v19, v7;
	v16 =	vand.u32 $0x7D, v11;
	[tilespmem:v1+s6+$0xFFFFFFD0 ss:$0x1] =	vst.idx.msk $0xffff, v22;
	v11 =	vld.idx.msk [tilespmem:v18+s17+$0x0], $0xffff  }
0x25d: {  	s7 =	smov.u32 s20;
	s9 =	simm.s32 $0xB;
	s4 =	sshll.u32 s4, $0xD;
	[tilespmem:v1+s6+$0xFFFFFF10 ss:$0x1] =	vst.idx.msk $0xffff, v17;
	v16 =	vor.u32 v8, v16;
	v18 =	vmul.f32 v15, v6;
	v15 =	vld.idx.msk [tilespmem:v1+s6+$0xFFFFFFE0 ss:$0x1], $0xffff  }
0x25e: {  	s5 =	smov.u32 s6;
	s4 =	sadd.s32 $0x19E10, s4;
	s8 =	simm.s32 $0xC;
	[tilespmem:v1+s6+$0xFFFFFF50 ss:$0x1] =	vst.idx.msk $0xffff, v19;
	v19 =	vmul.f32 v21, v5;
	v17 =	vbroadcast v16, $0x0;
	v16 =	vld.idx.msk [tilespmem:v1+s6+$0xFFFFFF20 ss:$0x1], $0xffff  }
.LBB2_31:
0x25f: {  	p1 =	slt.u32 s8, $0x7C;
	v20 =	vbroadcast v20, $0x0;
	v21 =	vmov s9;
	v22 =	vld.idx.msk [tilespmem:v1+s6+$0xFFFFFF60 ss:$0x1], $0xffff;
	[tilespmem:v1+s6+$0xFFFFFF90 ss:$0x1] =	vst.idx.msk $0xffff, v18;
	v12 =	vmul.f32 v12, v4  }
0x260: {  	v13 =	vmul.f32 v13, v3;
	v18 =	vand.u32 $0x7F, v21;
	v21 =	vld.idx.msk [tilespmem:v1+s6+$0xFFFFFFA0 ss:$0x1], $0xffff;
	[tilespmem:v1+s7+$0xFFFFFF70 ss:$0x1] =	vst.idx.msk $0xffff, v19  }
0x261: {  	v18 =	vor.u32 v8, v18;
	v19 =	vld.idx.msk [tilespmem:v1+s7+$0xFFFFFF80 ss:$0x1], $0xffff;
	[tilespmem:v1+s7+$0xFFFFFFB0 ss:$0x1] =	vst.idx.msk $0xffff, v12;
	v12 =	vmul.f32 v14, v10  }
0x262: {  	v10 =	vmov v9;
	v14 =	vbroadcast v18, $0x0;
	[tilespmem:v1+s7+$0xFFFFFF30 ss:$0x1] =	vst.idx.msk $0xffff, v13;
	v13 =	vld.idx.msk [tilespmem:v1+s7+$0xFFFFFFC0 ss:$0x1], $0xffff  }
0x263: {  	v9 =	vmul.f32 v15, v10;
	v15 =	vld.idx.msk [tilespmem:v1+s7+$0xFFFFFF40 ss:$0x1], $0xffff;
	[tilespmem:v1+s7+$0x0 ss:$0x1] =	vst.idx.msk $0xffff, v12  }
0x264: {  	v16 =	vmul.f32 v16, v2;
	v12 =	vld.idx.msk [tilespmem:v17+s17+$0x0], $0xffff  }
0x265: {  	v18 =	vmul.f32 v22, v7;
	v17 =	vld.idx.msk [tilespmem:v20+s17+$0x0], $0xffff;
	[tilespmem:v1+s6+$0xFFFFFFE0 ss:$0x1] =	vst.idx.msk $0xffff, v9  }
0x266: {  	s6 =	sadd.s32 $0x100, s6;
	[tilespmem:v1+s5+$0xFFFFFF20 ss:$0x1] =	vst.idx.msk $0xffff, v16;
	v16 =	vmul.f32 v21, v6;
	v20 =	vld.idx.msk [tilespmem:v1+s5+$0xFFFFFFF0 ss:$0x1], $0xffff  }
0x267: {  	v9 =	vmov s8;
	v21 =	vld.idx.msk [tilespmem:v1+s6+$0xFFFFFFD0 ss:$0x1], $0xffff;
	[tilespmem:v1+s5+$0xFFFFFF60 ss:$0x1] =	vst.idx.msk $0xffff, v18;
	v18 =	vmul.f32 v19, v5;
	v5 =	vmov v7  }
0x268: {  	v19 =	vand.u32 $0x7C, v9;
	v13 =	vmul.f32 v13, v4;
	v4 =	vmov v6;
	v9 =	vld.idx.msk [tilespmem:v14+s17+$0x0], $0xffff;
	[tilespmem:v1+s5+$0xFFFFFFA0 ss:$0x1] =	vst.idx.msk $0xffff, v16  }
0x269: {  	v22 =	vor.u32 v8, v19;
	v15 =	vmul.f32 v15, v3;
	v14 =	vld.idx.msk [tilespmem:v1+s6+$0xFFFFFF10 ss:$0x1], $0xffff;
	[tilespmem:v1+s7+$0xFFFFFF80 ss:$0x1] =	vst.idx.msk $0xffff, v18  }
0x26a: {  	v3 =	vmovc v2;
	v2 =	vmov v11;
	v16 =	vbroadcast v22, $0x0;
	v7 =	vmov v12;
	v18 =	vld.idx.msk [tilespmem:v1+s6+$0xFFFFFF50 ss:$0x1], $0xffff;
	[tilespmem:v1+s7+$0xFFFFFFC0 ss:$0x1] =	vst.idx.msk $0xffff, v13  }
0x26b: {  	v6 =	vmov v17;
	v19 =	vld.idx.msk [tilespmem:v1+s6+$0xFFFFFF90 ss:$0x1], $0xffff;
	[tilespmem:v1+s7+$0xFFFFFF40 ss:$0x1] =	vst.idx.msk $0xffff, v15;
	s7 =	smov.u32 s5;
	s5 =	smov.u32 s6  }
0x26c: {  	v11 =	vmul.f32 v20, v10;
	v22 =	vld.idx.msk [tilespmem:v1+s7+$0xFFFFFF70 ss:$0x1], $0xffff  }
0x26d: {  	s9 =	sadd.s32 $0x1, s8;
	s10 =	sadd.s32 $0x2, s8;
	v12 =	vld.idx.msk [tilespmem:v1+s7+$0xFFFFFFB0 ss:$0x1], $0xffff  }
.Ltmp14:
0x26e: {  	v17 =	vmov s10;
	v15 =	vmov s9;
	v20 =	vmul.f32 v21, v9;
	v13 =	vld.idx.msk [tilespmem:v1+s7+$0xFFFFFF30 ss:$0x1], $0xffff;
	[tilespmem:v1+s7+$0xFFFFFFF0 ss:$0x1] =	vst.idx.msk $0xffff, v11;
	(pc) =	sbr.rel @p1 .LBB2_31-.Ltmp14, $4  }
0x26f: {  	v17 =	vand.u32 $0x7E, v17;
	v15 =	vand.u32 $0x7D, v15;
	v21 =	vmul.f32 v14, v2;
	v14 =	vld.idx.msk [tilespmem:v1+s7+$0x0 ss:$0x1], $0xffff  }
0x270: {  	v23 =	vmul.f32 v18, v7;
	v11 =	vld.idx.msk [tilespmem:v16+s17+$0x0], $0xffff;
	v16 =	vor.u32 v8, v15;
	[tilespmem:v1+s6+$0xFFFFFFD0 ss:$0x1] =	vst.idx.msk $0xffff, v20  }
0x271: {  	v20 =	vor.u32 v8, v17;
	v18 =	vmul.f32 v19, v6;
	[tilespmem:v1+s6+$0xFFFFFF10 ss:$0x1] =	vst.idx.msk $0xffff, v21;
	v15 =	vld.idx.msk [tilespmem:v1+s6+$0xFFFFFFE0 ss:$0x1], $0xffff  }
0x272: {  	s9 =	sadd.s32 $0x3, s8;
	s8 =	sadd.s32 $0x4, s8;
	v17 =	vbroadcast v16, $0x0;
	v19 =	vmul.f32 v22, v5;
	v16 =	vld.idx.msk [tilespmem:v1+s6+$0xFFFFFF20 ss:$0x1], $0xffff;
	[tilespmem:v1+s6+$0xFFFFFF50 ss:$0x1] =	vst.idx.msk $0xffff, v23  }
0x273: {  	v21 =	vmov s9  }
0x274: {  	v21 =	vand.u32 $0x7F, v21  }
0x275: {  	v8 =	vor.u32 v8, v21  }
0x276: {  	v8 =	vbroadcast v8, $0x0  }
0x277: {  	v24 =	vld.idx.msk [tilespmem:v1+s6+$0xFFFFFF60 ss:$0x1], $0xffff  }
0x278: {  	v20 =	vbroadcast v20, $0x0;
	s8 =	sadd.s32 $0x100, s6;
	v17 =	vld.idx.msk [tilespmem:v17+s17+$0x0], $0xffff  }
0x279: {  	v25 =	vld.idx.msk [tilespmem:v1+s8+$0xFFFFFFD0 ss:$0x1], $0xffff  }
0x27a: {  	[tilespmem:v1+s6+$0xFFFFFF90 ss:$0x1] =	vst.idx.msk $0xffff, v18;
	v12 =	vmul.f32 v12, v4;
	v26 =	vld.idx.msk [tilespmem:v1+s8+$0xFFFFFF50 ss:$0x1], $0xffff  }
0x27b: {  	v13 =	vmul.f32 v13, v3;
	[tilespmem:v1+s7+$0xFFFFFF70 ss:$0x1] =	vst.idx.msk $0xffff, v19;
	v28 =	vld.idx.msk [tilespmem:v1+s8+$0xFFFFFF90 ss:$0x1], $0xffff  }
0x27c: {  	v10 =	vmul.f32 v14, v10;
	[tilespmem:v1+s7+$0xFFFFFFB0 ss:$0x1] =	vst.idx.msk $0xffff, v12;
	v8 =	vld.idx.msk [tilespmem:v8+s17+$0x0], $0xffff  }
0x27d: {  	v30 =	vld.idx.msk [tilespmem:v1+s8+$0xFFFFFF10 ss:$0x1], $0xffff;
	[tilespmem:v1+s7+$0xFFFFFF30 ss:$0x1] =	vst.idx.msk $0xffff, v13;
	v27 =	vmul.f32 v15, v9  }
0x27e: {  	[tilespmem:v1+s7+$0x0 ss:$0x1] =	vst.idx.msk $0xffff, v10;
	v29 =	vmul.f32 v16, v2;
	v20 =	vld.idx.msk [tilespmem:v20+s17+$0x0], $0xffff  }
0x27f: {  	v31 =	vld.idx.msk [tilespmem:v1+s6+$0xFFFFFFA0 ss:$0x1], $0xffff;
	v32 =	vmul.f32 v24, v7;
	[tilespmem:v1+s6+$0xFFFFFFE0 ss:$0x1] =	vst.idx.msk $0xffff, v27  }
0x280: {  	v33 =	vld.idx.msk [tilespmem:v1+s7+$0xFFFFFF80 ss:$0x1], $0xffff;
	[tilespmem:v1+s5+$0xFFFFFF20 ss:$0x1] =	vst.idx.msk $0xffff, v29;
	v12 =	vmul.f32 v26, v17  }
0x281: {  	v35 =	vld.idx.msk [tilespmem:v1+s7+$0xFFFFFFC0 ss:$0x1], $0xffff;
	[tilespmem:v1+s5+$0xFFFFFF60 ss:$0x1] =	vst.idx.msk $0xffff, v32;
	v34 =	vmul.f32 v25, v8  }
0x282: {  	v36 =	vld.idx.msk [tilespmem:v1+s7+$0xFFFFFF40 ss:$0x1], $0xffff;
	v38 =	vmul.f32 v30, v11;
	[tilespmem:v1+s8+$0xFFFFFF50 ss:$0x1] =	vst.idx.msk $0xffff, v12  }
0x283: {  	v41 =	vld.idx.msk [tilespmem:v1+s8+$0xFFFFFF60 ss:$0x1], $0xffff;
	v37 =	vmul.f32 v28, v20;
	[tilespmem:v1+s8+$0xFFFFFFD0 ss:$0x1] =	vst.idx.msk $0xffff, v34  }
0x284: {  	v40 =	vmul.f32 v31, v6;
	[tilespmem:v1+s8+$0xFFFFFF10 ss:$0x1] =	vst.idx.msk $0xffff, v38;
	v39 =	vld.idx.msk [tilespmem:v1+s8+$0xFFFFFFE0 ss:$0x1], $0xffff  }
0x285: {  	v5 =	vmul.f32 v33, v5;
	v43 =	vld.idx.msk [tilespmem:v1+s8+$0xFFFFFF20 ss:$0x1], $0xffff;
	[tilespmem:v1+s8+$0xFFFFFF90 ss:$0x1] =	vst.idx.msk $0xffff, v37  }
0x286: {  	[tilespmem:v1+s5+$0xFFFFFFA0 ss:$0x1] =	vst.idx.msk $0xffff, v40;
	v42 =	vmul.f32 v35, v4;
	v10 =	vld.idx.msk [tilespmem:v1+s8+$0xFFFFFFA0 ss:$0x1], $0xffff  }
0x287: {  	v44 =	vld.idx.msk [tilespmem:v1+s5+$0xFFFFFFF0 ss:$0x1], $0xffff;
	v3 =	vmul.f32 v36, v3;
	[tilespmem:v1+s7+$0xFFFFFF80 ss:$0x1] =	vst.idx.msk $0xffff, v5  }
0x288: {  	v48 =	vld.idx.msk [tilespmem:v1+s5+$0xFFFFFF30 ss:$0x1], $0xffff;
	[tilespmem:v1+s7+$0xFFFFFFC0 ss:$0x1] =	vst.idx.msk $0xffff, v42;
	v47 =	vmul.f32 v41, v17  }
0x289: {  	[tilespmem:v1+s7+$0xFFFFFF40 ss:$0x1] =	vst.idx.msk $0xffff, v3;
	v3 =	vld.idx.msk [tilespmem:v1+s5+$0xFFFFFFB0 ss:$0x1], $0xffff;
	v46 =	vmul.f32 v39, v8  }
0x28a: {  	v45 =	vld.idx.msk [tilespmem:v1+s5+$0xFFFFFF70 ss:$0x1], $0xffff;
	v50 =	vmul.f32 v43, v11;
	[tilespmem:v1+s8+$0xFFFFFF60 ss:$0x1] =	vst.idx.msk $0xffff, v47  }
0x28b: {  	v52 =	vld.idx.msk [tilespmem:v1+s8+$0xFFFFFF70 ss:$0x1], $0xffff;
	v49 =	vmul.f32 v10, v20;
	[tilespmem:v1+s8+$0xFFFFFFE0 ss:$0x1] =	vst.idx.msk $0xffff, v46  }
0x28c: {  	v13 =	vmul.f32 v44, v9;
	[tilespmem:v1+s8+$0xFFFFFF20 ss:$0x1] =	vst.idx.msk $0xffff, v50;
	v51 =	vld.idx.msk [tilespmem:v1+s8+$0xFFFFFFF0 ss:$0x1], $0xffff  }
0x28d: {  	v15 =	vmul.f32 v48, v2;
	v54 =	vld.idx.msk [tilespmem:v1+s8+$0xFFFFFF30 ss:$0x1], $0xffff;
	[tilespmem:v1+s8+$0xFFFFFFA0 ss:$0x1] =	vst.idx.msk $0xffff, v49  }
0x28e: {  	[tilespmem:v1+s5+$0xFFFFFFF0 ss:$0x1] =	vst.idx.msk $0xffff, v13;
	v3 =	vmul.f32 v3, v6;
	v53 =	vld.idx.msk [tilespmem:v1+s8+$0xFFFFFFB0 ss:$0x1], $0xffff  }
0x28f: {  	v4 =	vmul.f32 v45, v7;
	v55 =	vld.idx.msk [tilespmem:v1+s5+$0x0 ss:$0x1], $0xffff;
	[tilespmem:v1+s5+$0xFFFFFF30 ss:$0x1] =	vst.idx.msk $0xffff, v15  }
0x290: {  	v15 =	vld.idx.msk [tilespmem:v1+s5+$0xFFFFFF40 ss:$0x1], $0xffff;
	[tilespmem:v1+s5+$0xFFFFFFB0 ss:$0x1] =	vst.idx.msk $0xffff, v3;
	v5 =	vmul.f32 v52, v17  }
0x291: {  	[tilespmem:v1+s5+$0xFFFFFF70 ss:$0x1] =	vst.idx.msk $0xffff, v4;
	v56 =	vld.idx.msk [tilespmem:v1+s5+$0xFFFFFFC0 ss:$0x1], $0xffff;
	v3 =	vmul.f32 v51, v8  }
0x292: {  	v4 =	vld.idx.msk [tilespmem:v1+s5+$0xFFFFFF80 ss:$0x1], $0xffff;
	v13 =	vmul.f32 v54, v11;
	[tilespmem:v1+s8+$0xFFFFFF70 ss:$0x1] =	vst.idx.msk $0xffff, v5  }
0x293: {  	v59 =	vld.idx.msk [tilespmem:v1+s8+$0xFFFFFF80 ss:$0x1], $0xffff;
	[tilespmem:v1+s8+$0xFFFFFFF0 ss:$0x1] =	vst.idx.msk $0xffff, v3;
	v3 =	vmul.f32 v53, v20  }
0x294: {  	v58 =	vmul.f32 v55, v9;
	[tilespmem:v1+s8+$0xFFFFFF30 ss:$0x1] =	vst.idx.msk $0xffff, v13;
	v57 =	vld.idx.msk [tilespmem:v1+s8+$0x0 ss:$0x1], $0xffff  }
0x295: {  	v2 =	vmul.f32 v15, v2;
	v62 =	vld.idx.msk [tilespmem:v1+s8+$0xFFFFFF40 ss:$0x1], $0xffff;
	[tilespmem:v1+s8+$0xFFFFFFB0 ss:$0x1] =	vst.idx.msk $0xffff, v3  }
0x296: {  	[tilespmem:v1+s5+$0x0 ss:$0x1] =	vst.idx.msk $0xffff, v58;
	v61 =	vmul.f32 v56, v6;
	v60 =	vld.idx.msk [tilespmem:v1+s8+$0xFFFFFFC0 ss:$0x1], $0xffff  }
0x297: {  	[tilespmem:v1+s5+$0xFFFFFF40 ss:$0x1] =	vst.idx.msk $0xffff, v2;
	v3 =	vmul.f32 v4, v7  }
0x298: {  	s31 =	sadd.s32 $0x1, s31;
	[tilespmem:v1+s5+$0xFFFFFFC0 ss:$0x1] =	vst.idx.msk $0xffff, v61;
	v2 =	vmul.f32 v59, v17  }
0x299: {  	p1 =	sne.s32 s31, $0x28;
	[tilespmem:v1+s5+$0xFFFFFF80 ss:$0x1] =	vst.idx.msk $0xffff, v3;
	v3 =	vmul.f32 v57, v8  }
.Ltmp15:
0x29a: {  	v63 =	vmul.f32 v62, v11;
	[tilespmem:v1+s8+$0xFFFFFF80 ss:$0x1] =	vst.idx.msk $0xffff, v2;
	(pc) =	sbr.rel @p1 .LBB2_30-.Ltmp15, $4  }
0x29b: {  	[tilespmem:v1+s8+$0x0 ss:$0x1] =	vst.idx.msk $0xffff, v3;
	v3 =	vmul.f32 v60, v20  }
0x29c: {  	s1 =	sand.u32 $0x3FFFFF80, s1;
	[tilespmem:v1+s8+$0xFFFFFF40 ss:$0x1] =	vst.idx.msk $0xffff, v63  }
0x29d: {  	s20 =	sadd.s32 $0x2000, s20;
	s1 =	sadd.s32 $0x13B00, s1;
	[tilespmem:v1+s8+$0xFFFFFFC0 ss:$0x1] =	vst.idx.msk $0xffff, v3  }
0x29e: {  	[spmem:s2] =	stream.indirect.scatter.add.f32 [tilespmem:s4], [sflag:$0x3], $0x40, s1, s19, $0xb8;
	[tilespmem:$0x1FE10] =	vst v63  }
0x29f: {  	_ =	swait.ge [sflag:s29], $0x2000  }
0x2a0: {  	[sflag:s29] =	ssyncset.done $0x0  }
0x2a1: {  	s1 =	rddreg [dreg:$0x10];
	[sflag:s29] =	ssyncadd.s32 $0xFFFFE000  }
0x2a2: {  	[tilespmem:s23], [sflag:$0x4] =	stream.linear.gather [hbm4b:s1+s16], $0x1400, $0x38;
	[tilespmem:$0x1FE10] =	vst v63  }
0x2a3: {  	_ =	swait.ge [sflag:s13], $0x1400  }
0x2a4: {  	[sflag:s13] =	ssyncset.done $0x0  }
0x2a5: {  	s10 =	rddreg [dreg:$0xa];
	[sflag:s13] =	ssyncadd.s32 $0xFFFFEC00  }
0x2a6: {  	[tilespmem:s15], [sflag:$0x4] =	stream.linear.gather [hbm4b:s10+s16], $0x1400, $0x38;
	[tilespmem:$0x1FE10] =	vst v63  }
0x2a7: {  	_ =	swait.ge [sflag:s13], $0x1400  }
0x2a8: {  	[sflag:s13] =	ssyncset.done $0x0  }
0x2a9: {  	s20 =	rddreg [dreg:$0xb];
	[sflag:s13] =	ssyncadd.s32 $0xFFFFEC00  }
0x2aa: {  	[tilespmem:s17], [sflag:$0x4] =	stream.linear.gather [hbm4b:s20+s16], $0x1400, $0x38;
	[tilespmem:$0x1FE10] =	vst v63  }
0x2ab: {  	_ =	swait.ge [sflag:s13], $0x1400  }
0x2ac: {  	[sflag:s13] =	ssyncset.done $0x0  }
0x2ad: {  	s31 =	simm.s32 $0x16320;
	[sflag:s13] =	ssyncadd.s32 $0xFFFFEC00  }
0x2ae: {  	v1 =	vld [tilespmem:s31+$0x10]  }
0x2af: {  	v2 =	vld [tilespmem:s31+$0xFFFFFFF0]  }
0x2b0: {  	v3 =	vld [tilespmem:s31+$0xFFFFFFE0]  }
0x2b1: {  	s1 =	simm.s32 $0x14F20;
	v4 =	vld [tilespmem:s31+$0x0]  }
0x2b2: {  	s4 =	simm.s32 $0x16360;
	v7 =	vld [tilespmem:s1+$0x10]  }
0x2b3: {  	v5 =	vld [tilespmem:s4+$0x10]  }
0x2b4: {  	v10 =	vld [tilespmem:s4+$0xFFFFFFF0]  }
0x2b5: {  	v11 =	vld [tilespmem:s4+$0xFFFFFFE0]  }
0x2b6: {  	v12 =	vld [tilespmem:s1+$0xFFFFFFE0]  }
0x2b7: {  	v13 =	vld [tilespmem:s1+$0xFFFFFFF0]  }
0x2b8: {  	v6 =	vld [tilespmem:s1+$0x0]  }
0x2b9: {  	v1 =	vld.idx.msk [tilespmem:v1+s22+$0x0], $0xffff  }
0x2ba: {  	v9 =	vld.idx.msk [tilespmem:v2+s22+$0x0], $0xffff  }
0x2bb: {  	v8 =	vld.idx.msk [tilespmem:v3+s22+$0x0], $0xffff  }
0x2bc: {  	v2 =	vld [tilespmem:s4+$0x0]  }
0x2bd: {  	v3 =	vld.idx.msk [tilespmem:v4+s22+$0x0], $0xffff  }
0x2be: {  	v5 =	vld.idx.msk [tilespmem:v5+s22+$0x0], $0xffff;
	s4 =	simm.s32 $0x14F60  }
0x2bf: {  	v1 =	vmul.f32 v1, v7;
	v7 =	vld [tilespmem:s4+$0x10]  }
0x2c0: {  	v4 =	vld.idx.msk [tilespmem:v10+s22+$0x0], $0xffff;
	v8 =	vmul.f32 v8, v12  }
0x2c1: {  	s5 =	simm.s32 $0x4;
	s6 =	simm.s32 $0x163A0;
	v9 =	vmul.f32 v9, v13;
	[tilespmem:s1+$0x10] =	vst v1;
	v1 =	vld.idx.msk [tilespmem:v11+s22+$0x0], $0xffff  }
.LBB2_34:
0x2c2: {  	v10 =	vld [tilespmem:s6+$0x10];
	s5 =	sadd.s32 $0x4, s5;
	[tilespmem:s1+$0xFFFFFFE0] =	vst v8;
	v3 =	vmul.f32 v3, v6  }
0x2c3: {  	v8 =	vld [tilespmem:s6+$0xFFFFFFF0];
	p1 =	slt.u32 s5, $0x13C;
	[tilespmem:s1+$0xFFFFFFF0] =	vst v9  }
0x2c4: {  	v9 =	vld [tilespmem:s6+$0x0];
	v5 =	vmul.f32 v5, v7;
	[tilespmem:s1+$0x0] =	vst v3;
	s1 =	smov.u32 s4  }
0x2c5: {  	v11 =	vld [tilespmem:s6+$0xFFFFFFE0]  }
0x2c6: {  	v12 =	vmov v4;
	v3 =	vld.idx.msk [tilespmem:v2+s22+$0x0], $0xffff;
	[tilespmem:s4+$0x10] =	vst v5  }
0x2c7: {  	v13 =	vld [tilespmem:s4+$0xFFFFFFE0]  }
0x2c8: {  	v14 =	vld [tilespmem:s4+$0xFFFFFFF0]  }
.Ltmp16:
0x2c9: {  	v6 =	vld [tilespmem:s4+$0x0];
	v2 =	vmov v9;
	(pc) =	sbr.rel @p1 .LBB2_34-.Ltmp16, $4  }
0x2ca: {  	s4 =	sadd.s32 $0x40, s4;
	v5 =	vld.idx.msk [tilespmem:v10+s22+$0x0], $0xffff  }
0x2cb: {  	v7 =	vld [tilespmem:s4+$0x10]  }
0x2cc: {  	v4 =	vld.idx.msk [tilespmem:v8+s22+$0x0], $0xffff;
	v8 =	vmul.f32 v1, v13  }
0x2cd: {  	s6 =	sadd.s32 $0x40, s6;
	v1 =	vld.idx.msk [tilespmem:v11+s22+$0x0], $0xffff;
	v9 =	vmul.f32 v12, v14  }
0x2ce: {  	_ =	sdelay $0x3  }
0x2cf: {  	v2 =	vld.idx.msk [tilespmem:v2+s22+$0x0], $0xffff  }
0x2d0: {  	v10 =	vld [tilespmem:s4+$0xFFFFFFE0]  }
0x2d1: {  	v11 =	vld [tilespmem:s4+$0xFFFFFFF0]  }
0x2d2: {  	v12 =	vld [tilespmem:s4+$0x0]  }
0x2d3: {  	[tilespmem:s1+$0xFFFFFFE0] =	vst v8;
	v3 =	vmul.f32 v3, v6  }
0x2d4: {  	[tilespmem:s1+$0xFFFFFFF0] =	vst v9;
	v5 =	vmul.f32 v5, v7  }
0x2d5: {  	[tilespmem:s1+$0x0] =	vst v3;
	v1 =	vmul.f32 v1, v10  }
0x2d6: {  	[tilespmem:s4+$0x10] =	vst v5;
	v3 =	vmul.f32 v4, v11  }
0x2d7: {  	[tilespmem:s4+$0xFFFFFFE0] =	vst v1;
	v1 =	vmul.f32 v2, v12  }
0x2d8: {  	[tilespmem:s4+$0xFFFFFFF0] =	vst v3  }
0x2d9: {  	[tilespmem:s4+$0x0] =	vst v1  }
0x2da: {  	[tilespmem:s12], [sflag:$0x2] =	stream.indirect.gather [spmem:s3], $0x40, s23, s19, $0xb8;
	[tilespmem:$0x1FE10] =	vst v63  }
0x2db: {  	s31 =	simm.s32 $0x0;
	s20 =	simm.s32 $0x19F00  }
0x2dc: {  	[tilespmem:s25], [sflag:$0x2] =	stream.indirect.gather [spmem:s3], $0x40, s24, s19, $0xb8;
	[tilespmem:$0x1FE10] =	vst v63  }
.LBB2_36:
0x2dd: {  	_ =	swait.ge [sflag:s26], $0x2000  }
0x2de: {  	p1 =	seq.s32 s31, $0x0;
	[sflag:s26] =	ssyncset.done $0x0  }
0x2df: {  	s1 =	simm.s32 @!p1 $0x3;
	[sflag:s26] =	ssyncadd.s32 $0xFFFFE000  }
0x2e0: {  	p6 =	sgt.u32 @!p1 s31, $0x25;
	_ =	swait.ge @!p1 [sflag:s1], $0x2000  }
0x2e1: {  	p6 =	por p1, !p6;
	[sflag:s1] =	ssyncset.done @!p1 $0x0  }
0x2e2: {  	[sflag:s1] =	ssyncadd.s32 @!p1 $0xFFFFE000;
	s1 =	sadd.s32 @p6 $0x2, s31  }
0x2e3: {  	s4 =	smul.u32 @p6 $0xAB, s1;
	_ =	sdelay $0x1  }
0x2e4: {  	s4 =	sshrl.u32 @p6 s4, $0x9  }
0x2e5: {  	s4 =	sand.u32 @p6 $0x7F, s4  }
0x2e6: {  	s4 =	smul.u32 @p6 $0x3, s4;
	_ =	sdelay $0x1  }
0x2e7: {  	s4 =	ssub.s32 @p6 s1, s4  }
0x2e8: {  	s1 =	sshll.u32 @p6 s1, $0x7;
	s4 =	sand.u32 @p6 $0xF3, s4  }
0x2e9: {  	s1 =	sand.u32 @p6 $0x3FFFFF80, s1;
	s4 =	sshll.u32 @p6 s4, $0xD  }
0x2ea: {  	s5 =	smulhi.u32 $0xAAAAAAAB, s31;
	s1 =	sadd.s32 @p6 $0x16300, s1;
	s4 =	sor.u32 @p6 $0x19E10, s4  }
0x2eb: {  	[tilespmem:s4], [sflag:$0x2] =	stream.indirect.gather @p6 [spmem:s3], $0x40, s1, s19, $0xb8;
	[tilespmem:$0x1FE10] =	vst v63  }
0x2ec: {  	s1 =	sshrl.u32 s5, $0x1;
	s5 =	simm.s32 $0x0  }
0x2ed: {  	s6 =	smul.u32 $0xFFFE8000, s1;
	s1 =	sshll.u32 s31, $0x7;
	v1 =	vmov s5  }
0x2ee: {  	s7 =	simm.s32 $0x3;
	s8 =	simm.s32 $0x1;
	v8 =	vmov s1;
	v2 =	vand.u32 $0x7C, v1  }
0x2ef: {  	v3 =	vmov s7;
	v4 =	vmov s8;
	s4 =	sshra.s32 s6, $0x2;
	v2 =	vor.u32 v8, v2  }
0x2f0: {  	s9 =	simm.s32 $0x2;
	v3 =	vand.u32 $0x7F, v3;
	v1 =	vmov s4;
	v2 =	vbroadcast v2, $0x0  }
0x2f1: {  	v5 =	vmov s9;
	v4 =	vand.u32 $0x7D, v4;
	v3 =	vor.u32 v8, v3  }
0x2f2: {  	v5 =	vand.u32 $0x7E, v5;
	v4 =	vor.u32 v8, v4;
	v6 =	vbroadcast v3, $0x0  }
0x2f3: {  	v3 =	vor.u32 v8, v5;
	v4 =	vbroadcast v4, $0x0  }
0x2f4: {  	v7 =	vbroadcast v3, $0x0  }
0x2f5: {  	v9 =	vld.idx.msk [tilespmem:v1+s20+$0xFFFFFF50 ss:$0x1], $0xffff  }
0x2f6: {  	v3 =	vld.idx.msk [tilespmem:v2+s17+$0x0], $0xffff  }
0x2f7: {  	v2 =	vld.idx.msk [tilespmem:v1+s20+$0xFFFFFFD0 ss:$0x1], $0xffff  }
0x2f8: {  	v10 =	vld.idx.msk [tilespmem:v6+s17+$0x0], $0xffff  }
0x2f9: {  	s10 =	simm.s32 $0x4;
	v5 =	vld.idx.msk [tilespmem:v4+s17+$0x0], $0xffff  }
0x2fa: {  	v6 =	vmov s10;
	v4 =	vld.idx.msk [tilespmem:v7+s17+$0x0], $0xffff  }
0x2fb: {  	s5 =	simm.s32 $0x5;
	v6 =	vand.u32 $0x7C, v6;
	v7 =	vld.idx.msk [tilespmem:v1+s20+$0xFFFFFF10 ss:$0x1], $0xffff  }
0x2fc: {  	v12 =	vmov s5;
	v6 =	vor.u32 v8, v6  }
0x2fd: {  	s6 =	simm.s32 $0x6;
	v12 =	vand.u32 $0x7D, v12;
	v6 =	vbroadcast v6, $0x0;
	v2 =	vmul.f32 v2, v10  }
0x2fe: {  	v13 =	vmov s6;
	v12 =	vor.u32 v8, v12;
	v11 =	vld.idx.msk [tilespmem:v1+s20+$0xFFFFFF90 ss:$0x1], $0xffff  }
0x2ff: {  	v13 =	vand.u32 $0x7E, v13;
	v12 =	vbroadcast v12, $0x0;
	v9 =	vmul.f32 v9, v5;
	[tilespmem:v1+s20+$0xFFFFFFD0 ss:$0x1] =	vst.idx.msk $0xffff, v2  }
0x300: {  	s7 =	simm.s32 $0x7;
	s6 =	sadd.s32 $0x100, s20;
	v7 =	vmul.f32 v7, v3;
	v2 =	vor.u32 v8, v13;
	v13 =	vld.idx.msk [tilespmem:v1+s20+$0xFFFFFFE0 ss:$0x1], $0xffff  }
0x301: {  	v15 =	vmov s7;
	v17 =	vld.idx.msk [tilespmem:v1+s6+$0xFFFFFF10 ss:$0x1], $0xffff;
	[tilespmem:v1+s20+$0xFFFFFF50 ss:$0x1] =	vst.idx.msk $0xffff, v9;
	v14 =	vbroadcast v2, $0x0  }
0x302: {  	[tilespmem:v1+s20+$0xFFFFFF10 ss:$0x1] =	vst.idx.msk $0xffff, v7;
	v7 =	vand.u32 $0x7F, v15;
	v15 =	vld.idx.msk [tilespmem:v1+s20+$0xFFFFFF60 ss:$0x1], $0xffff  }
0x303: {  	v2 =	vld.idx.msk [tilespmem:v6+s17+$0x0], $0xffff;
	v6 =	vmul.f32 v11, v4;
	v7 =	vor.u32 v8, v7  }
0x304: {  	v11 =	vld.idx.msk [tilespmem:v1+s20+$0xFFFFFF20 ss:$0x1], $0xffff;
	v9 =	vbroadcast v7, $0x0  }
0x305: {  	v7 =	vld.idx.msk [tilespmem:v12+s17+$0x0], $0xffff;
	[tilespmem:v1+s20+$0xFFFFFF90 ss:$0x1] =	vst.idx.msk $0xffff, v6;
	v13 =	vmul.f32 v13, v10  }
0x306: {  	v16 =	vld.idx.msk [tilespmem:v1+s20+$0xFFFFFFA0 ss:$0x1], $0xffff  }
0x307: {  	s8 =	simm.s32 $0x8;
	v6 =	vld.idx.msk [tilespmem:v14+s17+$0x0], $0xffff;
	[tilespmem:v1+s20+$0xFFFFFFE0 ss:$0x1] =	vst.idx.msk $0xffff, v13  }
0x308: {  	v13 =	vmov s8;
	v12 =	vld.idx.msk [tilespmem:v1+s20+$0xFFFFFFF0 ss:$0x1], $0xffff  }
0x309: {  	v15 =	vmul.f32 v15, v5;
	v14 =	vld.idx.msk [tilespmem:v1+s6+$0xFFFFFFD0 ss:$0x1], $0xffff;
	v13 =	vand.u32 $0x7C, v13  }
0x30a: {  	s9 =	smul.u32 $0xAB, s31;
	v11 =	vmul.f32 v11, v3;
	v9 =	vld.idx.msk [tilespmem:v9+s17+$0x0], $0xffff;
	v13 =	vor.u32 v8, v13  }
0x30b: {  	v19 =	vld.idx.msk [tilespmem:v1+s6+$0xFFFFFF50 ss:$0x1], $0xffff;
	[tilespmem:v1+s20+$0xFFFFFF60 ss:$0x1] =	vst.idx.msk $0xffff, v15;
	v16 =	vmul.f32 v16, v4;
	v18 =	vbroadcast v13, $0x0  }
0x30c: {  	s4 =	sshrl.u32 s9, $0x9;
	v15 =	vld.idx.msk [tilespmem:v1+s6+$0xFFFFFF90 ss:$0x1], $0xffff;
	[tilespmem:v1+s20+$0xFFFFFF20 ss:$0x1] =	vst.idx.msk $0xffff, v11  }
0x30d: {  	s7 =	simm.s32 $0xA;
	s4 =	sand.u32 $0x7F, s4;
	v21 =	vld.idx.msk [tilespmem:v1+s20+$0xFFFFFF70 ss:$0x1], $0xffff;
	[tilespmem:v1+s20+$0xFFFFFFA0 ss:$0x1] =	vst.idx.msk $0xffff, v16;
	v16 =	vmul.f32 v12, v10  }
0x30e: {  	v20 =	vmov s7;
	s4 =	smul.u32 $0x3, s4;
	v13 =	vld.idx.msk [tilespmem:v1+s20+$0xFFFFFF30 ss:$0x1], $0xffff  }
0x30f: {  	v20 =	vand.u32 $0x7E, v20;
	s10 =	simm.s32 $0x9;
	v12 =	vld.idx.msk [tilespmem:v1+s20+$0xFFFFFFB0 ss:$0x1], $0xffff;
	v22 =	vmul.f32 v14, v9;
	[tilespmem:v1+s20+$0xFFFFFFF0 ss:$0x1] =	vst.idx.msk $0xffff, v16  }
0x310: {  	v20 =	vor.u32 v8, v20;
	s4 =	ssub.s32 s31, s4;
	v17 =	vmul.f32 v17, v2;
	v11 =	vmov s10;
	v14 =	vld.idx.msk [tilespmem:v1+s20+$0x0 ss:$0x1], $0xffff  }
0x311: {  	s4 =	sand.u32 $0xFF, s4;
	v19 =	vmul.f32 v19, v7;
	v16 =	vand.u32 $0x7D, v11;
	[tilespmem:v1+s6+$0xFFFFFFD0 ss:$0x1] =	vst.idx.msk $0xffff, v22;
	v11 =	vld.idx.msk [tilespmem:v18+s17+$0x0], $0xffff  }
0x312: {  	s7 =	smov.u32 s20;
	s9 =	simm.s32 $0xB;
	s4 =	sshll.u32 s4, $0xD;
	[tilespmem:v1+s6+$0xFFFFFF10 ss:$0x1] =	vst.idx.msk $0xffff, v17;
	v16 =	vor.u32 v8, v16;
	v18 =	vmul.f32 v15, v6;
	v15 =	vld.idx.msk [tilespmem:v1+s6+$0xFFFFFFE0 ss:$0x1], $0xffff  }
0x313: {  	s5 =	smov.u32 s6;
	s4 =	sadd.s32 $0x19E10, s4;
	s8 =	simm.s32 $0xC;
	[tilespmem:v1+s6+$0xFFFFFF50 ss:$0x1] =	vst.idx.msk $0xffff, v19;
	v19 =	vmul.f32 v21, v5;
	v17 =	vbroadcast v16, $0x0;
	v16 =	vld.idx.msk [tilespmem:v1+s6+$0xFFFFFF20 ss:$0x1], $0xffff  }
.LBB2_37:
0x314: {  	p1 =	slt.u32 s8, $0x7C;
	v20 =	vbroadcast v20, $0x0;
	v21 =	vmov s9;
	v22 =	vld.idx.msk [tilespmem:v1+s6+$0xFFFFFF60 ss:$0x1], $0xffff;
	[tilespmem:v1+s6+$0xFFFFFF90 ss:$0x1] =	vst.idx.msk $0xffff, v18;
	v12 =	vmul.f32 v12, v4  }
0x315: {  	v13 =	vmul.f32 v13, v3;
	v18 =	vand.u32 $0x7F, v21;
	v21 =	vld.idx.msk [tilespmem:v1+s6+$0xFFFFFFA0 ss:$0x1], $0xffff;
	[tilespmem:v1+s7+$0xFFFFFF70 ss:$0x1] =	vst.idx.msk $0xffff, v19  }
0x316: {  	v18 =	vor.u32 v8, v18;
	v19 =	vld.idx.msk [tilespmem:v1+s7+$0xFFFFFF80 ss:$0x1], $0xffff;
	[tilespmem:v1+s7+$0xFFFFFFB0 ss:$0x1] =	vst.idx.msk $0xffff, v12;
	v12 =	vmul.f32 v14, v10  }
0x317: {  	v10 =	vmov v9;
	v14 =	vbroadcast v18, $0x0;
	[tilespmem:v1+s7+$0xFFFFFF30 ss:$0x1] =	vst.idx.msk $0xffff, v13;
	v13 =	vld.idx.msk [tilespmem:v1+s7+$0xFFFFFFC0 ss:$0x1], $0xffff  }
0x318: {  	v9 =	vmul.f32 v15, v10;
	v15 =	vld.idx.msk [tilespmem:v1+s7+$0xFFFFFF40 ss:$0x1], $0xffff;
	[tilespmem:v1+s7+$0x0 ss:$0x1] =	vst.idx.msk $0xffff, v12  }
0x319: {  	v16 =	vmul.f32 v16, v2;
	v12 =	vld.idx.msk [tilespmem:v17+s17+$0x0], $0xffff  }
0x31a: {  	v18 =	vmul.f32 v22, v7;
	v17 =	vld.idx.msk [tilespmem:v20+s17+$0x0], $0xffff;
	[tilespmem:v1+s6+$0xFFFFFFE0 ss:$0x1] =	vst.idx.msk $0xffff, v9  }
0x31b: {  	s6 =	sadd.s32 $0x100, s6;
	[tilespmem:v1+s5+$0xFFFFFF20 ss:$0x1] =	vst.idx.msk $0xffff, v16;
	v16 =	vmul.f32 v21, v6;
	v20 =	vld.idx.msk [tilespmem:v1+s5+$0xFFFFFFF0 ss:$0x1], $0xffff  }
0x31c: {  	v9 =	vmov s8;
	v21 =	vld.idx.msk [tilespmem:v1+s6+$0xFFFFFFD0 ss:$0x1], $0xffff;
	[tilespmem:v1+s5+$0xFFFFFF60 ss:$0x1] =	vst.idx.msk $0xffff, v18;
	v18 =	vmul.f32 v19, v5;
	v5 =	vmov v7  }
0x31d: {  	v19 =	vand.u32 $0x7C, v9;
	v13 =	vmul.f32 v13, v4;
	v4 =	vmov v6;
	v9 =	vld.idx.msk [tilespmem:v14+s17+$0x0], $0xffff;
	[tilespmem:v1+s5+$0xFFFFFFA0 ss:$0x1] =	vst.idx.msk $0xffff, v16  }
0x31e: {  	v22 =	vor.u32 v8, v19;
	v15 =	vmul.f32 v15, v3;
	v14 =	vld.idx.msk [tilespmem:v1+s6+$0xFFFFFF10 ss:$0x1], $0xffff;
	[tilespmem:v1+s7+$0xFFFFFF80 ss:$0x1] =	vst.idx.msk $0xffff, v18  }
0x31f: {  	v3 =	vmovc v2;
	v2 =	vmov v11;
	v16 =	vbroadcast v22, $0x0;
	v7 =	vmov v12;
	v18 =	vld.idx.msk [tilespmem:v1+s6+$0xFFFFFF50 ss:$0x1], $0xffff;
	[tilespmem:v1+s7+$0xFFFFFFC0 ss:$0x1] =	vst.idx.msk $0xffff, v13  }
0x320: {  	v6 =	vmov v17;
	v19 =	vld.idx.msk [tilespmem:v1+s6+$0xFFFFFF90 ss:$0x1], $0xffff;
	[tilespmem:v1+s7+$0xFFFFFF40 ss:$0x1] =	vst.idx.msk $0xffff, v15;
	s7 =	smov.u32 s5;
	s5 =	smov.u32 s6  }
0x321: {  	v11 =	vmul.f32 v20, v10;
	v22 =	vld.idx.msk [tilespmem:v1+s7+$0xFFFFFF70 ss:$0x1], $0xffff  }
0x322: {  	s9 =	sadd.s32 $0x1, s8;
	s10 =	sadd.s32 $0x2, s8;
	v12 =	vld.idx.msk [tilespmem:v1+s7+$0xFFFFFFB0 ss:$0x1], $0xffff  }
.Ltmp17:
0x323: {  	v17 =	vmov s10;
	v15 =	vmov s9;
	v20 =	vmul.f32 v21, v9;
	v13 =	vld.idx.msk [tilespmem:v1+s7+$0xFFFFFF30 ss:$0x1], $0xffff;
	[tilespmem:v1+s7+$0xFFFFFFF0 ss:$0x1] =	vst.idx.msk $0xffff, v11;
	(pc) =	sbr.rel @p1 .LBB2_37-.Ltmp17, $4  }
0x324: {  	v17 =	vand.u32 $0x7E, v17;
	v15 =	vand.u32 $0x7D, v15;
	v21 =	vmul.f32 v14, v2;
	v14 =	vld.idx.msk [tilespmem:v1+s7+$0x0 ss:$0x1], $0xffff  }
0x325: {  	v23 =	vmul.f32 v18, v7;
	v11 =	vld.idx.msk [tilespmem:v16+s17+$0x0], $0xffff;
	v16 =	vor.u32 v8, v15;
	[tilespmem:v1+s6+$0xFFFFFFD0 ss:$0x1] =	vst.idx.msk $0xffff, v20  }
0x326: {  	v20 =	vor.u32 v8, v17;
	v18 =	vmul.f32 v19, v6;
	[tilespmem:v1+s6+$0xFFFFFF10 ss:$0x1] =	vst.idx.msk $0xffff, v21;
	v15 =	vld.idx.msk [tilespmem:v1+s6+$0xFFFFFFE0 ss:$0x1], $0xffff  }
0x327: {  	s9 =	sadd.s32 $0x3, s8;
	s8 =	sadd.s32 $0x4, s8;
	v17 =	vbroadcast v16, $0x0;
	v19 =	vmul.f32 v22, v5;
	v16 =	vld.idx.msk [tilespmem:v1+s6+$0xFFFFFF20 ss:$0x1], $0xffff;
	[tilespmem:v1+s6+$0xFFFFFF50 ss:$0x1] =	vst.idx.msk $0xffff, v23  }
0x328: {  	v21 =	vmov s9  }
0x329: {  	v21 =	vand.u32 $0x7F, v21  }
0x32a: {  	v8 =	vor.u32 v8, v21  }
0x32b: {  	v8 =	vbroadcast v8, $0x0  }
0x32c: {  	v24 =	vld.idx.msk [tilespmem:v1+s6+$0xFFFFFF60 ss:$0x1], $0xffff  }
0x32d: {  	v20 =	vbroadcast v20, $0x0;
	s8 =	sadd.s32 $0x100, s6;
	v17 =	vld.idx.msk [tilespmem:v17+s17+$0x0], $0xffff  }
0x32e: {  	v25 =	vld.idx.msk [tilespmem:v1+s8+$0xFFFFFFD0 ss:$0x1], $0xffff  }
0x32f: {  	[tilespmem:v1+s6+$0xFFFFFF90 ss:$0x1] =	vst.idx.msk $0xffff, v18;
	v12 =	vmul.f32 v12, v4;
	v26 =	vld.idx.msk [tilespmem:v1+s8+$0xFFFFFF50 ss:$0x1], $0xffff  }
0x330: {  	v13 =	vmul.f32 v13, v3;
	[tilespmem:v1+s7+$0xFFFFFF70 ss:$0x1] =	vst.idx.msk $0xffff, v19;
	v28 =	vld.idx.msk [tilespmem:v1+s8+$0xFFFFFF90 ss:$0x1], $0xffff  }
0x331: {  	v10 =	vmul.f32 v14, v10;
	[tilespmem:v1+s7+$0xFFFFFFB0 ss:$0x1] =	vst.idx.msk $0xffff, v12;
	v8 =	vld.idx.msk [tilespmem:v8+s17+$0x0], $0xffff  }
0x332: {  	v30 =	vld.idx.msk [tilespmem:v1+s8+$0xFFFFFF10 ss:$0x1], $0xffff;
	[tilespmem:v1+s7+$0xFFFFFF30 ss:$0x1] =	vst.idx.msk $0xffff, v13;
	v27 =	vmul.f32 v15, v9  }
0x333: {  	[tilespmem:v1+s7+$0x0 ss:$0x1] =	vst.idx.msk $0xffff, v10;
	v29 =	vmul.f32 v16, v2;
	v20 =	vld.idx.msk [tilespmem:v20+s17+$0x0], $0xffff  }
0x334: {  	v31 =	vld.idx.msk [tilespmem:v1+s6+$0xFFFFFFA0 ss:$0x1], $0xffff;
	v32 =	vmul.f32 v24, v7;
	[tilespmem:v1+s6+$0xFFFFFFE0 ss:$0x1] =	vst.idx.msk $0xffff, v27  }
0x335: {  	v33 =	vld.idx.msk [tilespmem:v1+s7+$0xFFFFFF80 ss:$0x1], $0xffff;
	[tilespmem:v1+s5+$0xFFFFFF20 ss:$0x1] =	vst.idx.msk $0xffff, v29;
	v12 =	vmul.f32 v26, v17  }
0x336: {  	v35 =	vld.idx.msk [tilespmem:v1+s7+$0xFFFFFFC0 ss:$0x1], $0xffff;
	[tilespmem:v1+s5+$0xFFFFFF60 ss:$0x1] =	vst.idx.msk $0xffff, v32;
	v34 =	vmul.f32 v25, v8  }
0x337: {  	v36 =	vld.idx.msk [tilespmem:v1+s7+$0xFFFFFF40 ss:$0x1], $0xffff;
	v38 =	vmul.f32 v30, v11;
	[tilespmem:v1+s8+$0xFFFFFF50 ss:$0x1] =	vst.idx.msk $0xffff, v12  }
0x338: {  	v41 =	vld.idx.msk [tilespmem:v1+s8+$0xFFFFFF60 ss:$0x1], $0xffff;
	v37 =	vmul.f32 v28, v20;
	[tilespmem:v1+s8+$0xFFFFFFD0 ss:$0x1] =	vst.idx.msk $0xffff, v34  }
0x339: {  	v40 =	vmul.f32 v31, v6;
	[tilespmem:v1+s8+$0xFFFFFF10 ss:$0x1] =	vst.idx.msk $0xffff, v38;
	v39 =	vld.idx.msk [tilespmem:v1+s8+$0xFFFFFFE0 ss:$0x1], $0xffff  }
0x33a: {  	v5 =	vmul.f32 v33, v5;
	v43 =	vld.idx.msk [tilespmem:v1+s8+$0xFFFFFF20 ss:$0x1], $0xffff;
	[tilespmem:v1+s8+$0xFFFFFF90 ss:$0x1] =	vst.idx.msk $0xffff, v37  }
0x33b: {  	[tilespmem:v1+s5+$0xFFFFFFA0 ss:$0x1] =	vst.idx.msk $0xffff, v40;
	v42 =	vmul.f32 v35, v4;
	v10 =	vld.idx.msk [tilespmem:v1+s8+$0xFFFFFFA0 ss:$0x1], $0xffff  }
0x33c: {  	v44 =	vld.idx.msk [tilespmem:v1+s5+$0xFFFFFFF0 ss:$0x1], $0xffff;
	v3 =	vmul.f32 v36, v3;
	[tilespmem:v1+s7+$0xFFFFFF80 ss:$0x1] =	vst.idx.msk $0xffff, v5  }
0x33d: {  	v48 =	vld.idx.msk [tilespmem:v1+s5+$0xFFFFFF30 ss:$0x1], $0xffff;
	[tilespmem:v1+s7+$0xFFFFFFC0 ss:$0x1] =	vst.idx.msk $0xffff, v42;
	v47 =	vmul.f32 v41, v17  }
0x33e: {  	[tilespmem:v1+s7+$0xFFFFFF40 ss:$0x1] =	vst.idx.msk $0xffff, v3;
	v3 =	vld.idx.msk [tilespmem:v1+s5+$0xFFFFFFB0 ss:$0x1], $0xffff;
	v46 =	vmul.f32 v39, v8  }
0x33f: {  	v45 =	vld.idx.msk [tilespmem:v1+s5+$0xFFFFFF70 ss:$0x1], $0xffff;
	v50 =	vmul.f32 v43, v11;
	[tilespmem:v1+s8+$0xFFFFFF60 ss:$0x1] =	vst.idx.msk $0xffff, v47  }
0x340: {  	v52 =	vld.idx.msk [tilespmem:v1+s8+$0xFFFFFF70 ss:$0x1], $0xffff;
	v49 =	vmul.f32 v10, v20;
	[tilespmem:v1+s8+$0xFFFFFFE0 ss:$0x1] =	vst.idx.msk $0xffff, v46  }
0x341: {  	v13 =	vmul.f32 v44, v9;
	[tilespmem:v1+s8+$0xFFFFFF20 ss:$0x1] =	vst.idx.msk $0xffff, v50;
	v51 =	vld.idx.msk [tilespmem:v1+s8+$0xFFFFFFF0 ss:$0x1], $0xffff  }
0x342: {  	v15 =	vmul.f32 v48, v2;
	v54 =	vld.idx.msk [tilespmem:v1+s8+$0xFFFFFF30 ss:$0x1], $0xffff;
	[tilespmem:v1+s8+$0xFFFFFFA0 ss:$0x1] =	vst.idx.msk $0xffff, v49  }
0x343: {  	[tilespmem:v1+s5+$0xFFFFFFF0 ss:$0x1] =	vst.idx.msk $0xffff, v13;
	v3 =	vmul.f32 v3, v6;
	v53 =	vld.idx.msk [tilespmem:v1+s8+$0xFFFFFFB0 ss:$0x1], $0xffff  }
0x344: {  	v4 =	vmul.f32 v45, v7;
	v55 =	vld.idx.msk [tilespmem:v1+s5+$0x0 ss:$0x1], $0xffff;
	[tilespmem:v1+s5+$0xFFFFFF30 ss:$0x1] =	vst.idx.msk $0xffff, v15  }
0x345: {  	v15 =	vld.idx.msk [tilespmem:v1+s5+$0xFFFFFF40 ss:$0x1], $0xffff;
	[tilespmem:v1+s5+$0xFFFFFFB0 ss:$0x1] =	vst.idx.msk $0xffff, v3;
	v5 =	vmul.f32 v52, v17  }
0x346: {  	[tilespmem:v1+s5+$0xFFFFFF70 ss:$0x1] =	vst.idx.msk $0xffff, v4;
	v56 =	vld.idx.msk [tilespmem:v1+s5+$0xFFFFFFC0 ss:$0x1], $0xffff;
	v3 =	vmul.f32 v51, v8  }
0x347: {  	v4 =	vld.idx.msk [tilespmem:v1+s5+$0xFFFFFF80 ss:$0x1], $0xffff;
	v13 =	vmul.f32 v54, v11;
	[tilespmem:v1+s8+$0xFFFFFF70 ss:$0x1] =	vst.idx.msk $0xffff, v5  }
0x348: {  	v59 =	vld.idx.msk [tilespmem:v1+s8+$0xFFFFFF80 ss:$0x1], $0xffff;
	[tilespmem:v1+s8+$0xFFFFFFF0 ss:$0x1] =	vst.idx.msk $0xffff, v3;
	v3 =	vmul.f32 v53, v20  }
0x349: {  	v58 =	vmul.f32 v55, v9;
	[tilespmem:v1+s8+$0xFFFFFF30 ss:$0x1] =	vst.idx.msk $0xffff, v13;
	v57 =	vld.idx.msk [tilespmem:v1+s8+$0x0 ss:$0x1], $0xffff  }
0x34a: {  	v2 =	vmul.f32 v15, v2;
	v62 =	vld.idx.msk [tilespmem:v1+s8+$0xFFFFFF40 ss:$0x1], $0xffff;
	[tilespmem:v1+s8+$0xFFFFFFB0 ss:$0x1] =	vst.idx.msk $0xffff, v3  }
0x34b: {  	[tilespmem:v1+s5+$0x0 ss:$0x1] =	vst.idx.msk $0xffff, v58;
	v61 =	vmul.f32 v56, v6;
	v60 =	vld.idx.msk [tilespmem:v1+s8+$0xFFFFFFC0 ss:$0x1], $0xffff  }
0x34c: {  	[tilespmem:v1+s5+$0xFFFFFF40 ss:$0x1] =	vst.idx.msk $0xffff, v2;
	v3 =	vmul.f32 v4, v7  }
0x34d: {  	s31 =	sadd.s32 $0x1, s31;
	[tilespmem:v1+s5+$0xFFFFFFC0 ss:$0x1] =	vst.idx.msk $0xffff, v61;
	v2 =	vmul.f32 v59, v17  }
0x34e: {  	p1 =	sne.s32 s31, $0x28;
	[tilespmem:v1+s5+$0xFFFFFF80 ss:$0x1] =	vst.idx.msk $0xffff, v3;
	v3 =	vmul.f32 v57, v8  }
.Ltmp18:
0x34f: {  	v63 =	vmul.f32 v62, v11;
	[tilespmem:v1+s8+$0xFFFFFF80 ss:$0x1] =	vst.idx.msk $0xffff, v2;
	(pc) =	sbr.rel @p1 .LBB2_36-.Ltmp18, $4  }
0x350: {  	[tilespmem:v1+s8+$0x0 ss:$0x1] =	vst.idx.msk $0xffff, v3;
	v3 =	vmul.f32 v60, v20  }
0x351: {  	s1 =	sand.u32 $0x3FFFFF80, s1;
	[tilespmem:v1+s8+$0xFFFFFF40 ss:$0x1] =	vst.idx.msk $0xffff, v63  }
0x352: {  	s20 =	sadd.s32 $0x2000, s20;
	s1 =	sadd.s32 $0x13B00, s1;
	[tilespmem:v1+s8+$0xFFFFFFC0 ss:$0x1] =	vst.idx.msk $0xffff, v3  }
0x353: {  	[spmem:s2] =	stream.indirect.scatter.add.f32 [tilespmem:s4], [sflag:$0x3], $0x40, s1, s19, $0xb8;
	[tilespmem:$0x1FE10] =	vst v63  }
0x354: {  	_ =	swait.ge [sflag:s29], $0x2000  }
0x355: {  	[sflag:s29] =	ssyncset.done $0x0  }
0x356: {  	s1 =	rddreg [dreg:$0x11];
	[sflag:s29] =	ssyncadd.s32 $0xFFFFE000  }
0x357: {  	[tilespmem:s23], [sflag:$0x4] =	stream.linear.gather [hbm4b:s1+s16], $0x1400, $0x38;
	[tilespmem:$0x1FE10] =	vst v63  }
0x358: {  	_ =	swait.ge [sflag:s13], $0x1400  }
0x359: {  	[sflag:s13] =	ssyncset.done $0x0  }
0x35a: {  	s10 =	rddreg [dreg:$0xc];
	[sflag:s13] =	ssyncadd.s32 $0xFFFFEC00  }
0x35b: {  	[tilespmem:s15], [sflag:$0x4] =	stream.linear.gather [hbm4b:s10+s16], $0x1400, $0x38;
	[tilespmem:$0x1FE10] =	vst v63  }
0x35c: {  	_ =	swait.ge [sflag:s13], $0x1400  }
0x35d: {  	[sflag:s13] =	ssyncset.done $0x0  }
0x35e: {  	s20 =	rddreg [dreg:$0xd];
	[sflag:s13] =	ssyncadd.s32 $0xFFFFEC00  }
0x35f: {  	[tilespmem:s17], [sflag:$0x4] =	stream.linear.gather [hbm4b:s20+s16], $0x1400, $0x38;
	[tilespmem:$0x1FE10] =	vst v63  }
0x360: {  	_ =	swait.ge [sflag:s13], $0x1400  }
0x361: {  	[sflag:s13] =	ssyncset.done $0x0  }
0x362: {  	s31 =	simm.s32 $0x16320;
	[sflag:s13] =	ssyncadd.s32 $0xFFFFEC00  }
0x363: {  	v1 =	vld [tilespmem:s31+$0x10]  }
0x364: {  	v2 =	vld [tilespmem:s31+$0xFFFFFFF0]  }
0x365: {  	v3 =	vld [tilespmem:s31+$0xFFFFFFE0]  }
0x366: {  	s1 =	simm.s32 $0x14F20;
	v4 =	vld [tilespmem:s31+$0x0]  }
0x367: {  	s4 =	simm.s32 $0x16360;
	v7 =	vld [tilespmem:s1+$0x10]  }
0x368: {  	v5 =	vld [tilespmem:s4+$0x10]  }
0x369: {  	v10 =	vld [tilespmem:s4+$0xFFFFFFF0]  }
0x36a: {  	v11 =	vld [tilespmem:s4+$0xFFFFFFE0]  }
0x36b: {  	v12 =	vld [tilespmem:s1+$0xFFFFFFE0]  }
0x36c: {  	v13 =	vld [tilespmem:s1+$0xFFFFFFF0]  }
0x36d: {  	v6 =	vld [tilespmem:s1+$0x0]  }
0x36e: {  	v1 =	vld.idx.msk [tilespmem:v1+s22+$0x0], $0xffff  }
0x36f: {  	v9 =	vld.idx.msk [tilespmem:v2+s22+$0x0], $0xffff  }
0x370: {  	v8 =	vld.idx.msk [tilespmem:v3+s22+$0x0], $0xffff  }
0x371: {  	v2 =	vld [tilespmem:s4+$0x0]  }
0x372: {  	v3 =	vld.idx.msk [tilespmem:v4+s22+$0x0], $0xffff  }
0x373: {  	v5 =	vld.idx.msk [tilespmem:v5+s22+$0x0], $0xffff;
	s4 =	simm.s32 $0x14F60  }
0x374: {  	v1 =	vmul.f32 v1, v7;
	v7 =	vld [tilespmem:s4+$0x10]  }
0x375: {  	v4 =	vld.idx.msk [tilespmem:v10+s22+$0x0], $0xffff;
	v8 =	vmul.f32 v8, v12  }
0x376: {  	s5 =	simm.s32 $0x4;
	s6 =	simm.s32 $0x163A0;
	v9 =	vmul.f32 v9, v13;
	[tilespmem:s1+$0x10] =	vst v1;
	v1 =	vld.idx.msk [tilespmem:v11+s22+$0x0], $0xffff  }
.LBB2_40:
0x377: {  	v10 =	vld [tilespmem:s6+$0x10];
	s5 =	sadd.s32 $0x4, s5;
	[tilespmem:s1+$0xFFFFFFE0] =	vst v8;
	v3 =	vmul.f32 v3, v6  }
0x378: {  	v8 =	vld [tilespmem:s6+$0xFFFFFFF0];
	p1 =	slt.u32 s5, $0x13C;
	[tilespmem:s1+$0xFFFFFFF0] =	vst v9  }
0x379: {  	v9 =	vld [tilespmem:s6+$0x0];
	v5 =	vmul.f32 v5, v7;
	[tilespmem:s1+$0x0] =	vst v3;
	s1 =	smov.u32 s4  }
0x37a: {  	v11 =	vld [tilespmem:s6+$0xFFFFFFE0]  }
0x37b: {  	v12 =	vmov v4;
	v3 =	vld.idx.msk [tilespmem:v2+s22+$0x0], $0xffff;
	[tilespmem:s4+$0x10] =	vst v5  }
0x37c: {  	v13 =	vld [tilespmem:s4+$0xFFFFFFE0]  }
0x37d: {  	v14 =	vld [tilespmem:s4+$0xFFFFFFF0]  }
.Ltmp19:
0x37e: {  	v6 =	vld [tilespmem:s4+$0x0];
	v2 =	vmov v9;
	(pc) =	sbr.rel @p1 .LBB2_40-.Ltmp19, $4  }
0x37f: {  	s4 =	sadd.s32 $0x40, s4;
	v5 =	vld.idx.msk [tilespmem:v10+s22+$0x0], $0xffff  }
0x380: {  	v7 =	vld [tilespmem:s4+$0x10]  }
0x381: {  	v4 =	vld.idx.msk [tilespmem:v8+s22+$0x0], $0xffff;
	v8 =	vmul.f32 v1, v13  }
0x382: {  	s6 =	sadd.s32 $0x40, s6;
	v1 =	vld.idx.msk [tilespmem:v11+s22+$0x0], $0xffff;
	v9 =	vmul.f32 v12, v14  }
0x383: {  	_ =	sdelay $0x3  }
0x384: {  	v2 =	vld.idx.msk [tilespmem:v2+s22+$0x0], $0xffff  }
0x385: {  	v10 =	vld [tilespmem:s4+$0xFFFFFFE0]  }
0x386: {  	v11 =	vld [tilespmem:s4+$0xFFFFFFF0]  }
0x387: {  	v12 =	vld [tilespmem:s4+$0x0]  }
0x388: {  	[tilespmem:s1+$0xFFFFFFE0] =	vst v8;
	v3 =	vmul.f32 v3, v6  }
0x389: {  	[tilespmem:s1+$0xFFFFFFF0] =	vst v9;
	v5 =	vmul.f32 v5, v7  }
0x38a: {  	[tilespmem:s1+$0x0] =	vst v3;
	v1 =	vmul.f32 v1, v10  }
0x38b: {  	[tilespmem:s4+$0x10] =	vst v5;
	v3 =	vmul.f32 v4, v11  }
0x38c: {  	[tilespmem:s4+$0xFFFFFFE0] =	vst v1;
	v1 =	vmul.f32 v2, v12  }
0x38d: {  	[tilespmem:s4+$0xFFFFFFF0] =	vst v3  }
0x38e: {  	[tilespmem:s4+$0x0] =	vst v1  }
0x38f: {  	[tilespmem:s12], [sflag:$0x2] =	stream.indirect.gather [spmem:s3], $0x40, s23, s19, $0xb8;
	[tilespmem:$0x1FE10] =	vst v63  }
0x390: {  	s31 =	simm.s32 $0x0;
	s20 =	simm.s32 $0x19F00  }
0x391: {  	[tilespmem:s25], [sflag:$0x2] =	stream.indirect.gather [spmem:s3], $0x40, s24, s19, $0xb8;
	[tilespmem:$0x1FE10] =	vst v63  }
.LBB2_42:
0x392: {  	_ =	swait.ge [sflag:s26], $0x2000  }
0x393: {  	p1 =	seq.s32 s31, $0x0;
	[sflag:s26] =	ssyncset.done $0x0  }
0x394: {  	s1 =	simm.s32 @!p1 $0x3;
	[sflag:s26] =	ssyncadd.s32 $0xFFFFE000  }
0x395: {  	p6 =	sgt.u32 @!p1 s31, $0x25;
	_ =	swait.ge @!p1 [sflag:s1], $0x2000  }
0x396: {  	p6 =	por p1, !p6;
	[sflag:s1] =	ssyncset.done @!p1 $0x0  }
0x397: {  	[sflag:s1] =	ssyncadd.s32 @!p1 $0xFFFFE000;
	s1 =	sadd.s32 @p6 $0x2, s31  }
0x398: {  	s4 =	smul.u32 @p6 $0xAB, s1;
	_ =	sdelay $0x1  }
0x399: {  	s4 =	sshrl.u32 @p6 s4, $0x9  }
0x39a: {  	s4 =	sand.u32 @p6 $0x7F, s4  }
0x39b: {  	s4 =	smul.u32 @p6 $0x3, s4;
	_ =	sdelay $0x1  }
0x39c: {  	s4 =	ssub.s32 @p6 s1, s4  }
0x39d: {  	s1 =	sshll.u32 @p6 s1, $0x7;
	s4 =	sand.u32 @p6 $0xF3, s4  }
0x39e: {  	s1 =	sand.u32 @p6 $0x3FFFFF80, s1;
	s4 =	sshll.u32 @p6 s4, $0xD  }
0x39f: {  	s5 =	smulhi.u32 $0xAAAAAAAB, s31;
	s1 =	sadd.s32 @p6 $0x16300, s1;
	s4 =	sor.u32 @p6 $0x19E10, s4  }
0x3a0: {  	[tilespmem:s4], [sflag:$0x2] =	stream.indirect.gather @p6 [spmem:s3], $0x40, s1, s19, $0xb8;
	[tilespmem:$0x1FE10] =	vst v63  }
0x3a1: {  	s1 =	sshrl.u32 s5, $0x1;
	s5 =	simm.s32 $0x0  }
0x3a2: {  	s6 =	smul.u32 $0xFFFE8000, s1;
	s1 =	sshll.u32 s31, $0x7;
	v1 =	vmov s5  }
0x3a3: {  	s7 =	simm.s32 $0x3;
	s8 =	simm.s32 $0x1;
	v8 =	vmov s1;
	v2 =	vand.u32 $0x7C, v1  }
0x3a4: {  	v3 =	vmov s7;
	v4 =	vmov s8;
	s4 =	sshra.s32 s6, $0x2;
	v2 =	vor.u32 v8, v2  }
0x3a5: {  	s9 =	simm.s32 $0x2;
	v3 =	vand.u32 $0x7F, v3;
	v1 =	vmov s4;
	v2 =	vbroadcast v2, $0x0  }
0x3a6: {  	v5 =	vmov s9;
	v4 =	vand.u32 $0x7D, v4;
	v3 =	vor.u32 v8, v3  }
0x3a7: {  	v5 =	vand.u32 $0x7E, v5;
	v4 =	vor.u32 v8, v4;
	v6 =	vbroadcast v3, $0x0  }
0x3a8: {  	v3 =	vor.u32 v8, v5;
	v4 =	vbroadcast v4, $0x0  }
0x3a9: {  	v7 =	vbroadcast v3, $0x0  }
0x3aa: {  	v9 =	vld.idx.msk [tilespmem:v1+s20+$0xFFFFFF50 ss:$0x1], $0xffff  }
0x3ab: {  	v3 =	vld.idx.msk [tilespmem:v2+s17+$0x0], $0xffff  }
0x3ac: {  	v2 =	vld.idx.msk [tilespmem:v1+s20+$0xFFFFFFD0 ss:$0x1], $0xffff  }
0x3ad: {  	v10 =	vld.idx.msk [tilespmem:v6+s17+$0x0], $0xffff  }
0x3ae: {  	s10 =	simm.s32 $0x4;
	v5 =	vld.idx.msk [tilespmem:v4+s17+$0x0], $0xffff  }
0x3af: {  	v6 =	vmov s10;
	v4 =	vld.idx.msk [tilespmem:v7+s17+$0x0], $0xffff  }
0x3b0: {  	s5 =	simm.s32 $0x5;
	v6 =	vand.u32 $0x7C, v6;
	v7 =	vld.idx.msk [tilespmem:v1+s20+$0xFFFFFF10 ss:$0x1], $0xffff  }
0x3b1: {  	v12 =	vmov s5;
	v6 =	vor.u32 v8, v6  }
0x3b2: {  	s6 =	simm.s32 $0x6;
	v12 =	vand.u32 $0x7D, v12;
	v6 =	vbroadcast v6, $0x0;
	v2 =	vmul.f32 v2, v10  }
0x3b3: {  	v13 =	vmov s6;
	v12 =	vor.u32 v8, v12;
	v11 =	vld.idx.msk [tilespmem:v1+s20+$0xFFFFFF90 ss:$0x1], $0xffff  }
0x3b4: {  	v13 =	vand.u32 $0x7E, v13;
	v12 =	vbroadcast v12, $0x0;
	v9 =	vmul.f32 v9, v5;
	[tilespmem:v1+s20+$0xFFFFFFD0 ss:$0x1] =	vst.idx.msk $0xffff, v2  }
0x3b5: {  	s7 =	simm.s32 $0x7;
	s6 =	sadd.s32 $0x100, s20;
	v7 =	vmul.f32 v7, v3;
	v2 =	vor.u32 v8, v13;
	v13 =	vld.idx.msk [tilespmem:v1+s20+$0xFFFFFFE0 ss:$0x1], $0xffff  }
0x3b6: {  	v15 =	vmov s7;
	v17 =	vld.idx.msk [tilespmem:v1+s6+$0xFFFFFF10 ss:$0x1], $0xffff;
	[tilespmem:v1+s20+$0xFFFFFF50 ss:$0x1] =	vst.idx.msk $0xffff, v9;
	v14 =	vbroadcast v2, $0x0  }
0x3b7: {  	[tilespmem:v1+s20+$0xFFFFFF10 ss:$0x1] =	vst.idx.msk $0xffff, v7;
	v7 =	vand.u32 $0x7F, v15;
	v15 =	vld.idx.msk [tilespmem:v1+s20+$0xFFFFFF60 ss:$0x1], $0xffff  }
0x3b8: {  	v2 =	vld.idx.msk [tilespmem:v6+s17+$0x0], $0xffff;
	v6 =	vmul.f32 v11, v4;
	v7 =	vor.u32 v8, v7  }
0x3b9: {  	v11 =	vld.idx.msk [tilespmem:v1+s20+$0xFFFFFF20 ss:$0x1], $0xffff;
	v9 =	vbroadcast v7, $0x0  }
0x3ba: {  	v7 =	vld.idx.msk [tilespmem:v12+s17+$0x0], $0xffff;
	[tilespmem:v1+s20+$0xFFFFFF90 ss:$0x1] =	vst.idx.msk $0xffff, v6;
	v13 =	vmul.f32 v13, v10  }
0x3bb: {  	v16 =	vld.idx.msk [tilespmem:v1+s20+$0xFFFFFFA0 ss:$0x1], $0xffff  }
0x3bc: {  	s8 =	simm.s32 $0x8;
	v6 =	vld.idx.msk [tilespmem:v14+s17+$0x0], $0xffff;
	[tilespmem:v1+s20+$0xFFFFFFE0 ss:$0x1] =	vst.idx.msk $0xffff, v13  }
0x3bd: {  	v13 =	vmov s8;
	v12 =	vld.idx.msk [tilespmem:v1+s20+$0xFFFFFFF0 ss:$0x1], $0xffff  }
0x3be: {  	v15 =	vmul.f32 v15, v5;
	v14 =	vld.idx.msk [tilespmem:v1+s6+$0xFFFFFFD0 ss:$0x1], $0xffff;
	v13 =	vand.u32 $0x7C, v13  }
0x3bf: {  	s9 =	smul.u32 $0xAB, s31;
	v11 =	vmul.f32 v11, v3;
	v9 =	vld.idx.msk [tilespmem:v9+s17+$0x0], $0xffff;
	v13 =	vor.u32 v8, v13  }
0x3c0: {  	v19 =	vld.idx.msk [tilespmem:v1+s6+$0xFFFFFF50 ss:$0x1], $0xffff;
	[tilespmem:v1+s20+$0xFFFFFF60 ss:$0x1] =	vst.idx.msk $0xffff, v15;
	v16 =	vmul.f32 v16, v4;
	v18 =	vbroadcast v13, $0x0  }
0x3c1: {  	s4 =	sshrl.u32 s9, $0x9;
	v15 =	vld.idx.msk [tilespmem:v1+s6+$0xFFFFFF90 ss:$0x1], $0xffff;
	[tilespmem:v1+s20+$0xFFFFFF20 ss:$0x1] =	vst.idx.msk $0xffff, v11  }
0x3c2: {  	s7 =	simm.s32 $0xA;
	s4 =	sand.u32 $0x7F, s4;
	v21 =	vld.idx.msk [tilespmem:v1+s20+$0xFFFFFF70 ss:$0x1], $0xffff;
	[tilespmem:v1+s20+$0xFFFFFFA0 ss:$0x1] =	vst.idx.msk $0xffff, v16;
	v16 =	vmul.f32 v12, v10  }
0x3c3: {  	v20 =	vmov s7;
	s4 =	smul.u32 $0x3, s4;
	v13 =	vld.idx.msk [tilespmem:v1+s20+$0xFFFFFF30 ss:$0x1], $0xffff  }
0x3c4: {  	v20 =	vand.u32 $0x7E, v20;
	s10 =	simm.s32 $0x9;
	v12 =	vld.idx.msk [tilespmem:v1+s20+$0xFFFFFFB0 ss:$0x1], $0xffff;
	v22 =	vmul.f32 v14, v9;
	[tilespmem:v1+s20+$0xFFFFFFF0 ss:$0x1] =	vst.idx.msk $0xffff, v16  }
0x3c5: {  	v20 =	vor.u32 v8, v20;
	s4 =	ssub.s32 s31, s4;
	v17 =	vmul.f32 v17, v2;
	v11 =	vmov s10;
	v14 =	vld.idx.msk [tilespmem:v1+s20+$0x0 ss:$0x1], $0xffff  }
0x3c6: {  	s4 =	sand.u32 $0xFF, s4;
	v19 =	vmul.f32 v19, v7;
	v16 =	vand.u32 $0x7D, v11;
	[tilespmem:v1+s6+$0xFFFFFFD0 ss:$0x1] =	vst.idx.msk $0xffff, v22;
	v11 =	vld.idx.msk [tilespmem:v18+s17+$0x0], $0xffff  }
0x3c7: {  	s7 =	smov.u32 s20;
	s9 =	simm.s32 $0xB;
	s4 =	sshll.u32 s4, $0xD;
	[tilespmem:v1+s6+$0xFFFFFF10 ss:$0x1] =	vst.idx.msk $0xffff, v17;
	v16 =	vor.u32 v8, v16;
	v18 =	vmul.f32 v15, v6;
	v15 =	vld.idx.msk [tilespmem:v1+s6+$0xFFFFFFE0 ss:$0x1], $0xffff  }
0x3c8: {  	s5 =	smov.u32 s6;
	s4 =	sadd.s32 $0x19E10, s4;
	s8 =	simm.s32 $0xC;
	[tilespmem:v1+s6+$0xFFFFFF50 ss:$0x1] =	vst.idx.msk $0xffff, v19;
	v19 =	vmul.f32 v21, v5;
	v17 =	vbroadcast v16, $0x0;
	v16 =	vld.idx.msk [tilespmem:v1+s6+$0xFFFFFF20 ss:$0x1], $0xffff  }
.LBB2_43:
0x3c9: {  	p1 =	slt.u32 s8, $0x7C;
	v20 =	vbroadcast v20, $0x0;
	v21 =	vmov s9;
	v22 =	vld.idx.msk [tilespmem:v1+s6+$0xFFFFFF60 ss:$0x1], $0xffff;
	[tilespmem:v1+s6+$0xFFFFFF90 ss:$0x1] =	vst.idx.msk $0xffff, v18;
	v12 =	vmul.f32 v12, v4  }
0x3ca: {  	v13 =	vmul.f32 v13, v3;
	v18 =	vand.u32 $0x7F, v21;
	v21 =	vld.idx.msk [tilespmem:v1+s6+$0xFFFFFFA0 ss:$0x1], $0xffff;
	[tilespmem:v1+s7+$0xFFFFFF70 ss:$0x1] =	vst.idx.msk $0xffff, v19  }
0x3cb: {  	v18 =	vor.u32 v8, v18;
	v19 =	vld.idx.msk [tilespmem:v1+s7+$0xFFFFFF80 ss:$0x1], $0xffff;
	[tilespmem:v1+s7+$0xFFFFFFB0 ss:$0x1] =	vst.idx.msk $0xffff, v12;
	v12 =	vmul.f32 v14, v10  }
0x3cc: {  	v10 =	vmov v9;
	v14 =	vbroadcast v18, $0x0;
	[tilespmem:v1+s7+$0xFFFFFF30 ss:$0x1] =	vst.idx.msk $0xffff, v13;
	v13 =	vld.idx.msk [tilespmem:v1+s7+$0xFFFFFFC0 ss:$0x1], $0xffff  }
0x3cd: {  	v9 =	vmul.f32 v15, v10;
	v15 =	vld.idx.msk [tilespmem:v1+s7+$0xFFFFFF40 ss:$0x1], $0xffff;
	[tilespmem:v1+s7+$0x0 ss:$0x1] =	vst.idx.msk $0xffff, v12  }
0x3ce: {  	v16 =	vmul.f32 v16, v2;
	v12 =	vld.idx.msk [tilespmem:v17+s17+$0x0], $0xffff  }
0x3cf: {  	v18 =	vmul.f32 v22, v7;
	v17 =	vld.idx.msk [tilespmem:v20+s17+$0x0], $0xffff;
	[tilespmem:v1+s6+$0xFFFFFFE0 ss:$0x1] =	vst.idx.msk $0xffff, v9  }
0x3d0: {  	s6 =	sadd.s32 $0x100, s6;
	[tilespmem:v1+s5+$0xFFFFFF20 ss:$0x1] =	vst.idx.msk $0xffff, v16;
	v16 =	vmul.f32 v21, v6;
	v20 =	vld.idx.msk [tilespmem:v1+s5+$0xFFFFFFF0 ss:$0x1], $0xffff  }
0x3d1: {  	v9 =	vmov s8;
	v21 =	vld.idx.msk [tilespmem:v1+s6+$0xFFFFFFD0 ss:$0x1], $0xffff;
	[tilespmem:v1+s5+$0xFFFFFF60 ss:$0x1] =	vst.idx.msk $0xffff, v18;
	v18 =	vmul.f32 v19, v5;
	v5 =	vmov v7  }
0x3d2: {  	v19 =	vand.u32 $0x7C, v9;
	v13 =	vmul.f32 v13, v4;
	v4 =	vmov v6;
	v9 =	vld.idx.msk [tilespmem:v14+s17+$0x0], $0xffff;
	[tilespmem:v1+s5+$0xFFFFFFA0 ss:$0x1] =	vst.idx.msk $0xffff, v16  }
0x3d3: {  	v22 =	vor.u32 v8, v19;
	v15 =	vmul.f32 v15, v3;
	v14 =	vld.idx.msk [tilespmem:v1+s6+$0xFFFFFF10 ss:$0x1], $0xffff;
	[tilespmem:v1+s7+$0xFFFFFF80 ss:$0x1] =	vst.idx.msk $0xffff, v18  }
0x3d4: {  	v3 =	vmovc v2;
	v2 =	vmov v11;
	v16 =	vbroadcast v22, $0x0;
	v7 =	vmov v12;
	v18 =	vld.idx.msk [tilespmem:v1+s6+$0xFFFFFF50 ss:$0x1], $0xffff;
	[tilespmem:v1+s7+$0xFFFFFFC0 ss:$0x1] =	vst.idx.msk $0xffff, v13  }
0x3d5: {  	v6 =	vmov v17;
	v19 =	vld.idx.msk [tilespmem:v1+s6+$0xFFFFFF90 ss:$0x1], $0xffff;
	[tilespmem:v1+s7+$0xFFFFFF40 ss:$0x1] =	vst.idx.msk $0xffff, v15;
	s7 =	smov.u32 s5;
	s5 =	smov.u32 s6  }
0x3d6: {  	v11 =	vmul.f32 v20, v10;
	v22 =	vld.idx.msk [tilespmem:v1+s7+$0xFFFFFF70 ss:$0x1], $0xffff  }
0x3d7: {  	s9 =	sadd.s32 $0x1, s8;
	s10 =	sadd.s32 $0x2, s8;
	v12 =	vld.idx.msk [tilespmem:v1+s7+$0xFFFFFFB0 ss:$0x1], $0xffff  }
.Ltmp20:
0x3d8: {  	v17 =	vmov s10;
	v15 =	vmov s9;
	v20 =	vmul.f32 v21, v9;
	v13 =	vld.idx.msk [tilespmem:v1+s7+$0xFFFFFF30 ss:$0x1], $0xffff;
	[tilespmem:v1+s7+$0xFFFFFFF0 ss:$0x1] =	vst.idx.msk $0xffff, v11;
	(pc) =	sbr.rel @p1 .LBB2_43-.Ltmp20, $4  }
0x3d9: {  	v17 =	vand.u32 $0x7E, v17;
	v15 =	vand.u32 $0x7D, v15;
	v21 =	vmul.f32 v14, v2;
	v14 =	vld.idx.msk [tilespmem:v1+s7+$0x0 ss:$0x1], $0xffff  }
0x3da: {  	v23 =	vmul.f32 v18, v7;
	v11 =	vld.idx.msk [tilespmem:v16+s17+$0x0], $0xffff;
	v16 =	vor.u32 v8, v15;
	[tilespmem:v1+s6+$0xFFFFFFD0 ss:$0x1] =	vst.idx.msk $0xffff, v20  }
0x3db: {  	v20 =	vor.u32 v8, v17;
	v18 =	vmul.f32 v19, v6;
	[tilespmem:v1+s6+$0xFFFFFF10 ss:$0x1] =	vst.idx.msk $0xffff, v21;
	v15 =	vld.idx.msk [tilespmem:v1+s6+$0xFFFFFFE0 ss:$0x1], $0xffff  }
0x3dc: {  	s9 =	sadd.s32 $0x3, s8;
	s8 =	sadd.s32 $0x4, s8;
	v17 =	vbroadcast v16, $0x0;
	v19 =	vmul.f32 v22, v5;
	v16 =	vld.idx.msk [tilespmem:v1+s6+$0xFFFFFF20 ss:$0x1], $0xffff;
	[tilespmem:v1+s6+$0xFFFFFF50 ss:$0x1] =	vst.idx.msk $0xffff, v23  }
0x3dd: {  	v21 =	vmov s9  }
0x3de: {  	v21 =	vand.u32 $0x7F, v21  }
0x3df: {  	v8 =	vor.u32 v8, v21  }
0x3e0: {  	v8 =	vbroadcast v8, $0x0  }
0x3e1: {  	v24 =	vld.idx.msk [tilespmem:v1+s6+$0xFFFFFF60 ss:$0x1], $0xffff  }
0x3e2: {  	v20 =	vbroadcast v20, $0x0;
	s8 =	sadd.s32 $0x100, s6;
	v17 =	vld.idx.msk [tilespmem:v17+s17+$0x0], $0xffff  }
0x3e3: {  	v25 =	vld.idx.msk [tilespmem:v1+s8+$0xFFFFFFD0 ss:$0x1], $0xffff  }
0x3e4: {  	[tilespmem:v1+s6+$0xFFFFFF90 ss:$0x1] =	vst.idx.msk $0xffff, v18;
	v12 =	vmul.f32 v12, v4;
	v26 =	vld.idx.msk [tilespmem:v1+s8+$0xFFFFFF50 ss:$0x1], $0xffff  }
0x3e5: {  	v13 =	vmul.f32 v13, v3;
	[tilespmem:v1+s7+$0xFFFFFF70 ss:$0x1] =	vst.idx.msk $0xffff, v19;
	v28 =	vld.idx.msk [tilespmem:v1+s8+$0xFFFFFF90 ss:$0x1], $0xffff  }
0x3e6: {  	v10 =	vmul.f32 v14, v10;
	[tilespmem:v1+s7+$0xFFFFFFB0 ss:$0x1] =	vst.idx.msk $0xffff, v12;
	v8 =	vld.idx.msk [tilespmem:v8+s17+$0x0], $0xffff  }
0x3e7: {  	v30 =	vld.idx.msk [tilespmem:v1+s8+$0xFFFFFF10 ss:$0x1], $0xffff;
	[tilespmem:v1+s7+$0xFFFFFF30 ss:$0x1] =	vst.idx.msk $0xffff, v13;
	v27 =	vmul.f32 v15, v9  }
0x3e8: {  	[tilespmem:v1+s7+$0x0 ss:$0x1] =	vst.idx.msk $0xffff, v10;
	v29 =	vmul.f32 v16, v2;
	v20 =	vld.idx.msk [tilespmem:v20+s17+$0x0], $0xffff  }
0x3e9: {  	v31 =	vld.idx.msk [tilespmem:v1+s6+$0xFFFFFFA0 ss:$0x1], $0xffff;
	v32 =	vmul.f32 v24, v7;
	[tilespmem:v1+s6+$0xFFFFFFE0 ss:$0x1] =	vst.idx.msk $0xffff, v27  }
0x3ea: {  	v33 =	vld.idx.msk [tilespmem:v1+s7+$0xFFFFFF80 ss:$0x1], $0xffff;
	[tilespmem:v1+s5+$0xFFFFFF20 ss:$0x1] =	vst.idx.msk $0xffff, v29;
	v12 =	vmul.f32 v26, v17  }
0x3eb: {  	v35 =	vld.idx.msk [tilespmem:v1+s7+$0xFFFFFFC0 ss:$0x1], $0xffff;
	[tilespmem:v1+s5+$0xFFFFFF60 ss:$0x1] =	vst.idx.msk $0xffff, v32;
	v34 =	vmul.f32 v25, v8  }
0x3ec: {  	v36 =	vld.idx.msk [tilespmem:v1+s7+$0xFFFFFF40 ss:$0x1], $0xffff;
	v38 =	vmul.f32 v30, v11;
	[tilespmem:v1+s8+$0xFFFFFF50 ss:$0x1] =	vst.idx.msk $0xffff, v12  }
0x3ed: {  	v41 =	vld.idx.msk [tilespmem:v1+s8+$0xFFFFFF60 ss:$0x1], $0xffff;
	v37 =	vmul.f32 v28, v20;
	[tilespmem:v1+s8+$0xFFFFFFD0 ss:$0x1] =	vst.idx.msk $0xffff, v34  }
0x3ee: {  	v40 =	vmul.f32 v31, v6;
	[tilespmem:v1+s8+$0xFFFFFF10 ss:$0x1] =	vst.idx.msk $0xffff, v38;
	v39 =	vld.idx.msk [tilespmem:v1+s8+$0xFFFFFFE0 ss:$0x1], $0xffff  }
0x3ef: {  	v5 =	vmul.f32 v33, v5;
	v43 =	vld.idx.msk [tilespmem:v1+s8+$0xFFFFFF20 ss:$0x1], $0xffff;
	[tilespmem:v1+s8+$0xFFFFFF90 ss:$0x1] =	vst.idx.msk $0xffff, v37  }
0x3f0: {  	[tilespmem:v1+s5+$0xFFFFFFA0 ss:$0x1] =	vst.idx.msk $0xffff, v40;
	v42 =	vmul.f32 v35, v4;
	v10 =	vld.idx.msk [tilespmem:v1+s8+$0xFFFFFFA0 ss:$0x1], $0xffff  }
0x3f1: {  	v44 =	vld.idx.msk [tilespmem:v1+s5+$0xFFFFFFF0 ss:$0x1], $0xffff;
	v3 =	vmul.f32 v36, v3;
	[tilespmem:v1+s7+$0xFFFFFF80 ss:$0x1] =	vst.idx.msk $0xffff, v5  }
0x3f2: {  	v48 =	vld.idx.msk [tilespmem:v1+s5+$0xFFFFFF30 ss:$0x1], $0xffff;
	[tilespmem:v1+s7+$0xFFFFFFC0 ss:$0x1] =	vst.idx.msk $0xffff, v42;
	v47 =	vmul.f32 v41, v17  }
0x3f3: {  	[tilespmem:v1+s7+$0xFFFFFF40 ss:$0x1] =	vst.idx.msk $0xffff, v3;
	v3 =	vld.idx.msk [tilespmem:v1+s5+$0xFFFFFFB0 ss:$0x1], $0xffff;
	v46 =	vmul.f32 v39, v8  }
0x3f4: {  	v45 =	vld.idx.msk [tilespmem:v1+s5+$0xFFFFFF70 ss:$0x1], $0xffff;
	v50 =	vmul.f32 v43, v11;
	[tilespmem:v1+s8+$0xFFFFFF60 ss:$0x1] =	vst.idx.msk $0xffff, v47  }
0x3f5: {  	v52 =	vld.idx.msk [tilespmem:v1+s8+$0xFFFFFF70 ss:$0x1], $0xffff;
	v49 =	vmul.f32 v10, v20;
	[tilespmem:v1+s8+$0xFFFFFFE0 ss:$0x1] =	vst.idx.msk $0xffff, v46  }
0x3f6: {  	v13 =	vmul.f32 v44, v9;
	[tilespmem:v1+s8+$0xFFFFFF20 ss:$0x1] =	vst.idx.msk $0xffff, v50;
	v51 =	vld.idx.msk [tilespmem:v1+s8+$0xFFFFFFF0 ss:$0x1], $0xffff  }
0x3f7: {  	v15 =	vmul.f32 v48, v2;
	v54 =	vld.idx.msk [tilespmem:v1+s8+$0xFFFFFF30 ss:$0x1], $0xffff;
	[tilespmem:v1+s8+$0xFFFFFFA0 ss:$0x1] =	vst.idx.msk $0xffff, v49  }
0x3f8: {  	[tilespmem:v1+s5+$0xFFFFFFF0 ss:$0x1] =	vst.idx.msk $0xffff, v13;
	v3 =	vmul.f32 v3, v6;
	v53 =	vld.idx.msk [tilespmem:v1+s8+$0xFFFFFFB0 ss:$0x1], $0xffff  }
0x3f9: {  	v4 =	vmul.f32 v45, v7;
	v55 =	vld.idx.msk [tilespmem:v1+s5+$0x0 ss:$0x1], $0xffff;
	[tilespmem:v1+s5+$0xFFFFFF30 ss:$0x1] =	vst.idx.msk $0xffff, v15  }
0x3fa: {  	v15 =	vld.idx.msk [tilespmem:v1+s5+$0xFFFFFF40 ss:$0x1], $0xffff;
	[tilespmem:v1+s5+$0xFFFFFFB0 ss:$0x1] =	vst.idx.msk $0xffff, v3;
	v5 =	vmul.f32 v52, v17  }
0x3fb: {  	[tilespmem:v1+s5+$0xFFFFFF70 ss:$0x1] =	vst.idx.msk $0xffff, v4;
	v56 =	vld.idx.msk [tilespmem:v1+s5+$0xFFFFFFC0 ss:$0x1], $0xffff;
	v3 =	vmul.f32 v51, v8  }
0x3fc: {  	v4 =	vld.idx.msk [tilespmem:v1+s5+$0xFFFFFF80 ss:$0x1], $0xffff;
	v13 =	vmul.f32 v54, v11;
	[tilespmem:v1+s8+$0xFFFFFF70 ss:$0x1] =	vst.idx.msk $0xffff, v5  }
0x3fd: {  	v59 =	vld.idx.msk [tilespmem:v1+s8+$0xFFFFFF80 ss:$0x1], $0xffff;
	[tilespmem:v1+s8+$0xFFFFFFF0 ss:$0x1] =	vst.idx.msk $0xffff, v3;
	v3 =	vmul.f32 v53, v20  }
0x3fe: {  	v58 =	vmul.f32 v55, v9;
	[tilespmem:v1+s8+$0xFFFFFF30 ss:$0x1] =	vst.idx.msk $0xffff, v13;
	v57 =	vld.idx.msk [tilespmem:v1+s8+$0x0 ss:$0x1], $0xffff  }
0x3ff: {  	v2 =	vmul.f32 v15, v2;
	v62 =	vld.idx.msk [tilespmem:v1+s8+$0xFFFFFF40 ss:$0x1], $0xffff;
	[tilespmem:v1+s8+$0xFFFFFFB0 ss:$0x1] =	vst.idx.msk $0xffff, v3  }
0x400: {  	[tilespmem:v1+s5+$0x0 ss:$0x1] =	vst.idx.msk $0xffff, v58;
	v61 =	vmul.f32 v56, v6;
	v60 =	vld.idx.msk [tilespmem:v1+s8+$0xFFFFFFC0 ss:$0x1], $0xffff  }
0x401: {  	[tilespmem:v1+s5+$0xFFFFFF40 ss:$0x1] =	vst.idx.msk $0xffff, v2;
	v3 =	vmul.f32 v4, v7  }
0x402: {  	s31 =	sadd.s32 $0x1, s31;
	[tilespmem:v1+s5+$0xFFFFFFC0 ss:$0x1] =	vst.idx.msk $0xffff, v61;
	v2 =	vmul.f32 v59, v17  }
0x403: {  	p1 =	sne.s32 s31, $0x28;
	[tilespmem:v1+s5+$0xFFFFFF80 ss:$0x1] =	vst.idx.msk $0xffff, v3;
	v3 =	vmul.f32 v57, v8  }
.Ltmp21:
0x404: {  	v63 =	vmul.f32 v62, v11;
	[tilespmem:v1+s8+$0xFFFFFF80 ss:$0x1] =	vst.idx.msk $0xffff, v2;
	(pc) =	sbr.rel @p1 .LBB2_42-.Ltmp21, $4  }
0x405: {  	[tilespmem:v1+s8+$0x0 ss:$0x1] =	vst.idx.msk $0xffff, v3;
	v3 =	vmul.f32 v60, v20  }
0x406: {  	s1 =	sand.u32 $0x3FFFFF80, s1;
	[tilespmem:v1+s8+$0xFFFFFF40 ss:$0x1] =	vst.idx.msk $0xffff, v63  }
0x407: {  	s20 =	sadd.s32 $0x2000, s20;
	s1 =	sadd.s32 $0x13B00, s1;
	[tilespmem:v1+s8+$0xFFFFFFC0 ss:$0x1] =	vst.idx.msk $0xffff, v3  }
0x408: {  	[spmem:s2] =	stream.indirect.scatter.add.f32 [tilespmem:s4], [sflag:$0x3], $0x40, s1, s19, $0xb8;
	[tilespmem:$0x1FE10] =	vst v63  }
0x409: {  	_ =	swait.ge [sflag:s29], $0x2000  }
0x40a: {  	[sflag:s29] =	ssyncset.done $0x0  }
0x40b: {  	[sflag:s29] =	ssyncadd.s32 $0xFFFFE000  }
0x40c: {  	[bflag:$0x0] =	sbarrier.arrive $0xFFFF  }
0x40d: {  	s20 =	stileid.u32;
	s5 =	sld [smem:$0x7F5]  }
0x40e: {  	s1 =	sshll.u32 @p0 s20, $0x6  }
0x40f: {  	s1 =	sor.u32 @p0 $0x1C04, s1;
	s4 =	rddreg [dreg:$0x13]  }
0x410: {  	[hbm:s4], [sflag:s1] =	dma.local @p0 [spmem:s5], $0x1400  }
0x411: {  	s1 =	simm.s32 @p0 $0x4  }
0x412: {  	_ =	swait.ge @p0 [sflag:s1], $0x1400  }
0x413: {  	s5 =	sld [smem:$0x7EF]  }
0x414: {  	p1 =	por !p3, !p0;
	[sflag:s1] =	ssyncset.done @p0 $0x0  }
0x415: {  	s4 =	rddreg [dreg:$0x12];
	[sflag:s1] =	ssyncadd.s32 @p0 $0xFFFFEC00;
	s1 =	simm.s32 @!p1 $0x0  }
0x416: {  	[hbm4b:s4+s1] =	stream.linear.scatter @!p1 [tilespmem:s5], [sflag:$0x4], $0x3E8, $0x38;
	[tilespmem:$0x1FE10] =	vst v63  }
0x417: {  	s1 =	simm.s32 @!p1 $0x4  }
0x418: {  	_ =	swait.ge @!p1 [sflag:s1], $0x3E8  }
0x419: {  	s5 =	sld [smem:$0x7F0]  }
0x41a: {  	[sflag:s1] =	ssyncset.done @!p1 $0x0  }
0x41b: {  	s4 =	simm.s32 @!p0 $0x1FC4;
	[sflag:s1] =	ssyncadd.s32 @!p1 $0xFFFFFC18;
	s1 =	sshrl.u32 @!p0 s28, $0x3  }
0x41c: {  	[hbm:s5], [sflag:s4] =	dma.local @!p0 [spmem:s1], $0xC80  }
0x41d: {  	s1 =	simm.s32 @!p0 $0x4  }
0x41e: {  	_ =	swait.ge @!p0 [sflag:s1], $0xC80  }
0x41f: {  	s10 =	sld [smem:$0x7F1];
	_ =	sdelay $0x1  }
0x420: {  	s30 =	sadd.s32 $0x1, s30  }
0x421: {  	p1 =	sne.s32 s30, s10  }
.Ltmp22:
0x422: {  	_ = 	snop;
	(pc) =	sbr.rel @p1 .LBB2_1-.Ltmp22, $3  }
0x423: {  	_ =	sdelay $0x1  }
0x424: {  	[sflag:s1] =	ssyncset.done @!p0 $0x0  }
0x425: {  	s31 =	smov.u32 s11;
	[sflag:s1] =	ssyncadd.s32 @!p0 $0xFFFFF380  }
0x426: {  	_ =	sfence.sel $0x180000  }
0x427: {  	[bflag:$0x0] =	sbarrier.arrive $0xFFFF  }
0x428: {  	_ =	strace $0x90000047  }
0x429: {  	[bflag:$0x2] =	sbarrier.arrive $0xFFFF  }
0x42a: {  	p0 =	sne.s32 s20, $0x0;
	s0 =	rddreg [dreg:$0x6]  }
0x42b: {  	s0 =	sadd.s32 @!p0 $0x100000, s0  }
0x42c: {  	[sflag:s0] =	ssyncadd.tile.s32 @!p0 $0x1;
	_ =	shalt  }
.Lfunc_end2:
_tile_overlayer_lowered:
.L_overlay_start_2:
0x42d: {  	(tag) =	ssettag $0x2  }
0x42e: {  	s0 =	rddreg [dreg:$0x0];
	s2 =	stileid.u32  }
0x42f: {  	s1 =	rddreg [dreg:$0x1];
	p0 =	sne.s32 s2, $0x0  }
0x430: {  	s3 =	rddreg [dreg:$0x2];
	[bflag:$0x3] =	sbarrier.arrive $0xFFFF;
	s2 =	simm.s32 @!p0 $0x1C04  }
0x431: {  	[timem:s3], [sflag:s2] =	dma.local @!p0 [hbm:s0], s1  }
0x432: {  	s0 =	simm.s32 @!p0 $0x4  }
0x433: {  	_ =	swait.ge @!p0 [sflag:s0], s1  }
0x434: {  	s1 =	ssub.s32 @!p0 $0x0, s1;
	[sflag:s0] =	ssyncset.done @!p0 $0x0  }
0x435: {  	[sflag:s0] =	ssyncadd.s32 @!p0 s1  }
0x436: {  	[bflag:$0x3] =	sbarrier.arrive $0xFFFF  }
0x437: {  	_ =	shalt  }

</sc_bundles>
